<compile_context>
chip_gen: v7x
topology: tpu7x:2x2x1
jax: 0.10.2.dev20260603
libtpu: 0.0.44.dev20260713+nightly
codegen_flags: <defaults>
</compile_context>

<pallas_src>
import functools

import jax
import jax.numpy as jnp
from jax import lax
from jax.experimental import pallas as pl
from jax.experimental.pallas import tpu as pltpu
from jax.experimental.pallas import tpu_sc as plsc

N = 10000
E = 320000
F = 128
H = 16
L = 64

NPAD = 10240
NW = 32
EPW = E // NW
CHUNK = 80
NCH = EPW // CHUNK
RPT = NPAD // 16
NBUF = 5
NRING = NCH // NBUF
ZR = 40
TAIL = N - 15 * RPT

_MESH = dict(core_axis_name="c", subcore_axis_name="s")


@functools.partial(
    pl.kernel,
    out_type=[
        jax.ShapeDtypeStruct((2, N), jnp.float32),
        jax.ShapeDtypeStruct((NW, NCH, CHUNK), jnp.int32),
    ],
    mesh=plsc.VectorSubcoreMesh(**_MESH),
    compiler_params=pltpu.CompilerParams(use_tc_tiling_on_sc=False),
    scratch_types=[
        pltpu.VMEM((EPW,), jnp.int32),
        pltpu.VMEM((EPW,), jnp.int32),
        pltpu.VMEM((NCH, CHUNK), jnp.int32),
        pltpu.VMEM((CHUNK,), jnp.float32),
        pltpu.VMEM((RPT,), jnp.float32),
        pltpu.VMEM_SHARED((NPAD,), jnp.float32),
        pltpu.SemaphoreType.DMA,
    ],
)
def _deg_adj(ei_hbm, deg_hbm, adj_hbm,
             frm_v, to_v, adj_v, ones_v, zero_v, acc_sh, dsem):
    cid = lax.axis_index("c")
    sid = lax.axis_index("s")
    wid = cid * 16 + sid
    z16 = jnp.zeros((16,), jnp.float32)
    o16 = jnp.ones((16,), jnp.float32)

    def fill_z(i, _):
        zero_v[pl.ds(i * 16, 16)] = z16
        return 0
    lax.fori_loop(0, RPT // 16, fill_z, 0)

    def fill_o(i, _):
        ones_v[pl.ds(i * 16, 16)] = o16
        return 0
    lax.fori_loop(0, CHUNK // 16, fill_o, 0)

    pltpu.sync_copy(zero_v, acc_sh.at[pl.ds(sid * RPT, RPT)])
    pltpu.sync_copy(ei_hbm.at[0, pl.ds(wid * EPW, EPW)], frm_v)
    pltpu.sync_copy(ei_hbm.at[1, pl.ds(wid * EPW, EPW)], to_v)
    plsc.subcore_barrier()

    def chunk(j, _):
        dump = N + ((wid * NCH + j) * 7) % (NPAD - N)

        def vec(k, _):
            f16 = frm_v[pl.ds(j * CHUNK + k * 16, 16)]
            t16 = to_v[pl.ds(j * CHUNK + k * 16, 16)]
            adj_v[j, pl.ds(k * 16, 16)] = jnp.where(f16 != t16, t16, dump)
            return 0
        lax.fori_loop(0, CHUNK // 16, vec, 0)
        pltpu.async_copy(ones_v, acc_sh.at[adj_v.at[j]], dsem, add=True)
        return 0
    lax.fori_loop(0, NCH, chunk, 0)

    pltpu.sync_copy(adj_v, adj_hbm.at[wid])

    def drain(j, _):
        pltpu.make_async_copy(ones_v, acc_sh.at[adj_v.at[j]], dsem).wait()
        return 0
    lax.fori_loop(0, NCH, drain, 0)
    plsc.subcore_barrier()

    @pl.when(sid < 15)
    def _():
        pltpu.sync_copy(acc_sh.at[pl.ds(sid * RPT, RPT)],
                        deg_hbm.at[cid, pl.ds(sid * RPT, RPT)])

    @pl.when(sid == 15)
    def _():
        pltpu.sync_copy(acc_sh.at[pl.ds(15 * RPT, TAIL)],
                        deg_hbm.at[cid, pl.ds(15 * RPT, TAIL)])


def _ring(src, idx, arow, bufs, gsems, ssems, nch):
    for b in range(NBUF):
        pltpu.async_copy(src.at[idx(b)], bufs.at[b], gsems[b])

    def ring(g, _):
        j0 = g * NBUF
        for b in range(NBUF):
            pltpu.make_async_copy(src.at[idx(j0 + b)], bufs.at[b],
                                  gsems[b]).wait()
            pltpu.async_copy(bufs.at[b], arow(j0 + b), ssems[b], add=True)
            if b > 0:
                pltpu.make_async_copy(bufs.at[b - 1], arow(j0 + b - 1),
                                      ssems[b - 1]).wait()
                pltpu.async_copy(src.at[idx(j0 + NBUF + b - 1)],
                                 bufs.at[b - 1], gsems[b - 1])
        pltpu.make_async_copy(bufs.at[NBUF - 1], arow(j0 + NBUF - 1),
                              ssems[NBUF - 1]).wait()
        pltpu.async_copy(src.at[idx(j0 + 2 * NBUF - 1)], bufs.at[NBUF - 1],
                         gsems[NBUF - 1])
        return 0
    lax.fori_loop(0, nch // NBUF - 1, ring, 0)

    j0 = nch - NBUF
    for b in range(NBUF):
        pltpu.make_async_copy(src.at[idx(j0 + b)], bufs.at[b],
                              gsems[b]).wait()
        pltpu.async_copy(bufs.at[b], arow(j0 + b), ssems[b], add=True)
    for b in range(NBUF):
        pltpu.make_async_copy(bufs.at[b], arow(j0 + b), ssems[b]).wait()


@functools.partial(
    pl.kernel,
    out_type=jax.ShapeDtypeStruct((2, N, H), jnp.float32),
    mesh=plsc.VectorSubcoreMesh(**_MESH),
    compiler_params=pltpu.CompilerParams(use_tc_tiling_on_sc=False),
    scratch_types=[
        pltpu.VMEM((EPW,), jnp.int32),
        pltpu.VMEM((NCH, CHUNK), jnp.int32),
        pltpu.VMEM((NBUF, CHUNK, H), jnp.float32),
        pltpu.VMEM((ZR, H), jnp.float32),
        pltpu.VMEM_SHARED((NPAD, H), jnp.float32),
    ] + [pltpu.SemaphoreType.DMA] * (2 * NBUF),
)
def _agg(y_hbm, ei_hbm, adj_hbm, out_hbm,
         frm_v, adj_v, bufs, zero_v, acc_sh, *sems):
    cid = lax.axis_index("c")
    sid = lax.axis_index("s")
    wid = cid * 16 + sid
    gsems, ssems = sems[:NBUF], sems[NBUF:]
    z16 = jnp.zeros((16,), jnp.float32)

    def zrow(i, _):
        zero_v[i, :] = z16
        return 0
    lax.fori_loop(0, ZR, zrow, 0)

    for t in range(RPT // ZR):
        pltpu.sync_copy(zero_v, acc_sh.at[pl.ds(sid * RPT + t * ZR, ZR)])
    pltpu.sync_copy(ei_hbm.at[0, pl.ds(wid * EPW, EPW)], frm_v)
    pltpu.sync_copy(adj_hbm.at[wid], adj_v)
    plsc.subcore_barrier()

    _ring(y_hbm,
          lambda j: frm_v.at[pl.ds(j * CHUNK, CHUNK)],
          lambda j: acc_sh.at[adj_v.at[j]],
          bufs, gsems, ssems, NCH)

    plsc.subcore_barrier()

    @pl.when(sid < 15)
    def _():
        pltpu.sync_copy(acc_sh.at[pl.ds(sid * RPT, RPT)],
                        out_hbm.at[cid, pl.ds(sid * RPT, RPT)])

    @pl.when(sid == 15)
    def _():
        pltpu.sync_copy(acc_sh.at[pl.ds(15 * RPT, TAIL)],
                        out_hbm.at[cid, pl.ds(15 * RPT, TAIL)])


@functools.partial(
    pl.kernel,
    out_type=jax.ShapeDtypeStruct((2, N, H), jnp.float32),
    mesh=plsc.VectorSubcoreMesh(**_MESH),
    compiler_params=pltpu.CompilerParams(use_tc_tiling_on_sc=False),
    scratch_types=[
        pltpu.VMEM((EPW,), jnp.int32),
        pltpu.VMEM((NCH, CHUNK), jnp.int32),
        pltpu.VMEM((NBUF, CHUNK, H), jnp.float32),
        pltpu.VMEM((RPT, H), jnp.float32),
        pltpu.VMEM((RPT, H), jnp.float32),
        pltpu.VMEM((RPT, H), jnp.float32),
        pltpu.VMEM((RPT, H), jnp.float32),
        pltpu.VMEM((RPT, H), jnp.float32),
        pltpu.VMEM((16,), jnp.float32),
        pltpu.VMEM((ZR, H), jnp.float32),
        pltpu.VMEM_SHARED((NPAD, H), jnp.float32),
        pltpu.VMEM_SHARED((NPAD, H), jnp.float32),
    ] + [pltpu.SemaphoreType.DMA] * (2 * NBUF),
)
def _agg2(p1_hbm, y1_hbm, disb_hbm, b1_hbm, ei_hbm, adj_hbm, out_hbm,
          frm_v, adj_v, bufs, pa_v, pb_v, y_v, z_v, db_v, b1_v, zero_v,
          zsp_sh, acc_sh, *sems):
    cid = lax.axis_index("c")
    sid = lax.axis_index("s")
    wid = cid * 16 + sid
    base = sid * RPT
    gsems, ssems = sems[:NBUF], sems[NBUF:]
    z16 = jnp.zeros((16,), jnp.float32)

    pltpu.sync_copy(b1_hbm, b1_v)
    b1vec = b1_v[:]

    def zrow(i, _):
        zero_v[i, :] = z16
        return 0
    lax.fori_loop(0, ZR, zrow, 0)

    def phase1(rn):
        pltpu.sync_copy(p1_hbm.at[0, pl.ds(base, rn)], pa_v.at[pl.ds(0, rn)])
        pltpu.sync_copy(p1_hbm.at[1, pl.ds(base, rn)], pb_v.at[pl.ds(0, rn)])
        pltpu.sync_copy(y1_hbm.at[pl.ds(base, rn)], y_v.at[pl.ds(0, rn)])
        pltpu.sync_copy(disb_hbm.at[pl.ds(base, rn)], db_v.at[pl.ds(0, rn)])

        def row(r, _):
            dbr = db_v[r, :]
            p16 = pa_v[r, :] + pb_v[r, :] + y_v[r, :]
            h = jnp.maximum(p16 * dbr + b1vec, 0.0)
            z_v[r, :] = h * dbr
            return 0
        lax.fori_loop(0, rn, row, 0)

        pltpu.sync_copy(z_v.at[pl.ds(0, rn)], zsp_sh.at[pl.ds(base, rn)])

        @pl.when(cid == 0)
        def _():
            pltpu.sync_copy(z_v.at[pl.ds(0, rn)], acc_sh.at[pl.ds(base, rn)])

        @pl.when(cid == 1)
        def _():
            for t in range(rn // ZR):
                pltpu.sync_copy(zero_v, acc_sh.at[pl.ds(base + t * ZR, ZR)])

    @pl.when(sid < 15)
    def _():
        phase1(RPT)

    @pl.when(sid == 15)
    def _():
        phase1(TAIL)

    pltpu.sync_copy(ei_hbm.at[0, pl.ds(wid * EPW, EPW)], frm_v)
    pltpu.sync_copy(adj_hbm.at[wid], adj_v)
    plsc.subcore_barrier()

    _ring(zsp_sh,
          lambda j: frm_v.at[pl.ds(j * CHUNK, CHUNK)],
          lambda j: acc_sh.at[adj_v.at[j]],
          bufs, gsems, ssems, NCH)

    plsc.subcore_barrier()

    @pl.when(sid < 15)
    def _():
        pltpu.sync_copy(acc_sh.at[pl.ds(sid * RPT, RPT)],
                        out_hbm.at[cid, pl.ds(sid * RPT, RPT)])

    @pl.when(sid == 15)
    def _():
        pltpu.sync_copy(acc_sh.at[pl.ds(15 * RPT, TAIL)],
                        out_hbm.at[cid, pl.ds(15 * RPT, TAIL)])


BLK = 1000


def _tc1_body(deg_ref, x_ref, w_ref, dis_ref, disb_ref, y_ref):
    deg = deg_ref[:, 0] + deg_ref[:, 1] + 1.0
    dis = lax.rsqrt(deg)
    y = jnp.dot(x_ref[...], w_ref[...], preferred_element_type=jnp.float32)
    dis_ref[...] = dis[:, None]
    disb_ref[...] = jnp.broadcast_to(dis[:, None], disb_ref.shape)
    y_ref[...] = y * dis[:, None]


def _tc3_body(dis_ref, q_ref, b2_ref, w2_ref, out_ref):
    agg = (q_ref[0] + q_ref[1]) * dis_ref[...]
    logits = jnp.dot(agg, w2_ref[...],
                     preferred_element_type=jnp.float32) + b2_ref[...]
    m = jnp.max(logits, axis=1, keepdims=True)
    s = jnp.log(jnp.sum(jnp.exp(logits - m), axis=1, keepdims=True))
    out_ref[...] = logits - m - s


def _tc1(deg2, x, w1t):
    return pl.pallas_call(
        _tc1_body,
        grid=(N // BLK,),
        in_specs=[
            pl.BlockSpec((BLK, 2), lambda i: (i, 0)),
            pl.BlockSpec((BLK, F), lambda i: (i, 0)),
            pl.BlockSpec((F, H), lambda i: (0, 0)),
        ],
        out_specs=[
            pl.BlockSpec((BLK, 1), lambda i: (i, 0)),
            pl.BlockSpec((BLK, H), lambda i: (i, 0)),
            pl.BlockSpec((BLK, H), lambda i: (i, 0)),
        ],
        out_shape=[
            jax.ShapeDtypeStruct((N, 1), jnp.float32),
            jax.ShapeDtypeStruct((N, H), jnp.float32),
            jax.ShapeDtypeStruct((N, H), jnp.float32),
        ],
    )(deg2, x, w1t)


def _tc3(dis, p2, b2, w2t):
    return pl.pallas_call(
        _tc3_body,
        grid=(N // BLK,),
        in_specs=[
            pl.BlockSpec((BLK, 1), lambda i: (i, 0)),
            pl.BlockSpec((2, BLK, H), lambda i: (0, i, 0)),
            pl.BlockSpec((1, L), lambda i: (0, 0)),
            pl.BlockSpec((H, L), lambda i: (0, 0)),
        ],
        out_specs=pl.BlockSpec((BLK, L), lambda i: (i, 0)),
        out_shape=jax.ShapeDtypeStruct((N, L), jnp.float32),
    )(dis, p2, b2, w2t)


def kernel(x, edge_index, W1, b1, W2, b2):
    ei = edge_index.astype(jnp.int32)

    deg_p, adj = _deg_adj(ei)
    dis, disb, y1 = _tc1(deg_p.T, x, W1.T)
    p1 = _agg(y1, ei, adj)
    q = _agg2(p1, y1, disb, b1, ei, adj)
    return _tc3(dis, q, b2.reshape(1, L), W2.T)

# --- scband reference (transcript-rebuilt; emitter-appended) ---
"""Pipeline reference for scband-gcn-49572512530583 (READ-ONLY COPY).

The authoritative reference and input builder live on the scoring server;
editing this copy changes nothing except your own understanding.
"""

import jax, jax.numpy as jnp
import numpy as np

NUM_NODES = 10000
NUM_EDGES = 320000
NUM_FEATURES = 128
HIDDEN = 16
NUM_LABELS = 64


def _xavier(key, shape):
    fan_out, fan_in = shape
    limit = np.sqrt(6.0 / (fan_in + fan_out))
    return jax.random.uniform(key, shape, dtype=jnp.float32, minval=-limit, maxval=limit)


def setup_inputs(seed: int = 0) -> dict:
    key = jax.random.key(seed)
    k1, k2, k3, k4 = jax.random.split(key, 4)
    x = jax.random.normal(k1, (NUM_NODES, NUM_FEATURES), dtype=jnp.float32)
    edge_index = jax.random.randint(k2, (2, NUM_EDGES), 0, NUM_NODES, dtype=jnp.int64)
    W1 = _xavier(k3, (HIDDEN, NUM_FEATURES))
    b1 = jnp.zeros((HIDDEN,), dtype=jnp.float32)
    W2 = _xavier(k4, (NUM_LABELS, HIDDEN))
    b2 = jnp.zeros((NUM_LABELS,), dtype=jnp.float32)
    return {"x": x, "edge_index": edge_index, "W1": W1, "b1": b1, "W2": W2, "b2": b2}


def _add_remaining_self_loops(edge_index, num_nodes, weight_dtype):
    frm, to = edge_index[0], edge_index[1]
    mask = (frm != to).astype(weight_dtype)
    loop = jnp.arange(num_nodes, dtype=edge_index.dtype)
    frm = jnp.concatenate([frm, loop])
    to = jnp.concatenate([to, loop])
    edge_weight = jnp.concatenate([mask, jnp.ones(num_nodes, dtype=weight_dtype)])
    return frm, to, edge_weight


def _gcn_layer(x, edge_index, W, b):
    num_nodes = x.shape[0]
    frm, to, edge_weight = _add_remaining_self_loops(edge_index, num_nodes, x.dtype)
    deg = jnp.zeros(num_nodes, dtype=x.dtype).at[to].add(edge_weight)
    deg_inv_sqrt = deg ** -0.5
    deg_inv_sqrt = jnp.where(jnp.isinf(deg_inv_sqrt), 0.0, deg_inv_sqrt)
    edge_weight = deg_inv_sqrt[frm] * edge_weight * deg_inv_sqrt[to]
    xw = x @ W.T
    msg = xw[frm] * edge_weight[:, None]
    out = jnp.zeros((num_nodes, W.shape[0]), dtype=x.dtype).at[to].add(msg)
    return out + b


def reference(x, edge_index, W1, b1, W2, b2):
    h = jax.nn.relu(_gcn_layer(x, edge_index, W1, b1))
    # F.dropout with training=False (eval mode) is identity
    logits = _gcn_layer(h, edge_index, W2, b2)
    return jax.nn.log_softmax(logits, axis=1)

if __name__ == "__main__":
    import jax
    _d = setup_inputs()
    print(jax.jit(kernel)(*tuple(_d.values())))

</pallas_src>

<mosaic_0001>
#map = affine_map<(d0, d1) -> (0, 0)>
#map1 = affine_map<(d0, d1) -> (0, 0, 0)>
module attributes {stable_mosaic.version = 14 : i64} {
  func.func @_agg(%arg0: i32, %arg1: i32, %arg2: memref<10000x16xf32, #tpu.memory_space<hbm>>, %arg3: memref<2x320000xi32, #tpu.memory_space<hbm>>, %arg4: memref<32x125x80xi32, #tpu.memory_space<hbm>>, %arg5: memref<2x10000x16xf32, #tpu.memory_space<hbm>>, %arg6: memref<10000xi32, #tpu.memory_space<vmem>>, %arg7: memref<125x80xi32, #tpu.memory_space<vmem>>, %arg8: memref<5x80x16xf32, #tpu.memory_space<vmem>>, %arg9: memref<40x16xf32, #tpu.memory_space<vmem>>, %arg10: memref<10240x16xf32, #tpu.memory_space<vmem_shared>>, %arg11: memref<!tpu.dma_semaphore, #tpu.memory_space<semaphore_mem>>, %arg12: memref<!tpu.dma_semaphore, #tpu.memory_space<semaphore_mem>>, %arg13: memref<!tpu.dma_semaphore, #tpu.memory_space<semaphore_mem>>, %arg14: memref<!tpu.dma_semaphore, #tpu.memory_space<semaphore_mem>>, %arg15: memref<!tpu.dma_semaphore, #tpu.memory_space<semaphore_mem>>, %arg16: memref<!tpu.dma_semaphore, #tpu.memory_space<semaphore_mem>>, %arg17: memref<!tpu.dma_semaphore, #tpu.memory_space<semaphore_mem>>, %arg18: memref<!tpu.dma_semaphore, #tpu.memory_space<semaphore_mem>>, %arg19: memref<!tpu.dma_semaphore, #tpu.memory_space<semaphore_mem>>, %arg20: memref<!tpu.dma_semaphore, #tpu.memory_space<semaphore_mem>>) attributes {dimension_semantics = [#tpu.dimension_semantics<core_parallel>, #tpu.dimension_semantics<subcore_parallel>], iteration_bounds = array<i64: 2, 16>, scalar_prefetch = 0 : i64, scratch_operands = 15 : i64, tpu.core_type = #tpu.core_type<sc_vector_subcore>, window_params = [{transform_indices = #map}, {transform_indices = #map}, {transform_indices = #map1}, {transform_indices = #map1}]} {
    %mul3A = arith.constant 16 : i32
    %mul3A_0 = arith.muli %arg0, %mul3A : i32
    %add3A = arith.addi %mul3A_0, %arg1 : i32
    %broadcast_in_dim3A = arith.constant 0.000000e+00 : f32
    %broadcast_in_dim3A_1 = vector.broadcast %broadcast_in_dim3A : f32 to vector<16xf32>
    %scan3A = arith.constant 0 : i32
    %scan3A_2 = arith.constant 0 : i32
    %scan3A_3 = arith.constant 40 : i32
    %scan3A_4 = arith.addi %scan3A_2, %scan3A_3 : i32
    %scan3A_5 = arith.constant 1 : i32
    %scan3A_6 = scf.for %scan3A_306 = %scan3A_2 to %scan3A_4 step %scan3A_5 iter_args(%scan3A_307 = %scan3A) -> (i32)  : i32 {
      %swap3A = arith.index_cast %scan3A_306 : i32 to index
      %swap3A_308 = arith.constant 0 : index
      %swap3A_309 = tpu.vector_load %arg9[%swap3A, %swap3A_308] {strides = array<i32>} : memref<40x16xf32, #tpu.memory_space<vmem>>, vector<1x16xf32>,
      %swap3A_310 = vector.shape_cast %swap3A_309 : vector<1x16xf32> to vector<16xf32>
      %swap3A_311 = vector.shape_cast %broadcast_in_dim3A_1 : vector<16xf32> to vector<1x16xf32>
      tpu.vector_store %arg9[%swap3A, %swap3A_308], %swap3A_311 {strides = array<i32>} : memref<40x16xf32, #tpu.memory_space<vmem>>, vector<1x16xf32>,
      %scan3A_312 = arith.constant 0 : i32
      scf.yield %scan3A_312 : i32
    }
    %scan3A_7 = arith.constant 40 : i32
    %mul3A_8 = arith.constant 640 : i32
    %mul3A_9 = arith.muli %arg1, %mul3A_8 : i32
    %add3A_10 = arith.constant 0 : i32
    %add3A_11 = arith.addi %mul3A_9, %add3A_10 : i32
    "tpu.region"() ({
      %run_scoped3A_306 = tpu.sem_alloc : memref<!tpu.dma_semaphore, #tpu.memory_space<semaphore_mem>>
      %dma_start3A_307 = arith.constant 0 : i32
      %dma_start3A_308 = tpu.memref_slice %arg10[%add3A_11, %dma_start3A_307] : memref<10240x16xf32, #tpu.memory_space<vmem_shared>> -> memref<40x16xf32, #tpu.memory_space<vmem_shared>>
      %dma_start3A_309 = arith.constant 0 : i32
      %dma_start3A_310 = tpu.memref_slice %arg10[%add3A_11, %dma_start3A_309] : memref<10240x16xf32, #tpu.memory_space<vmem_shared>> -> memref<40x16xf32, #tpu.memory_space<vmem_shared>>
      tpu.enqueue_dma source(%arg9 : memref<40x16xf32, #tpu.memory_space<vmem>>) target(%dma_start3A_310 : memref<40x16xf32, #tpu.memory_space<vmem_shared>>) target_semaphore(%run_scoped3A_306 : memref<!tpu.dma_semaphore, #tpu.memory_space<semaphore_mem>>)
      %dma_wait3A_311 = arith.constant 0 : i32
      %dma_wait3A_312 = tpu.memref_slice %arg10[%add3A_11, %dma_wait3A_311] : memref<10240x16xf32, #tpu.memory_space<vmem_shared>> -> memref<40x16xf32, #tpu.memory_space<vmem_shared>>
      %dma_wait3A_313 = arith.constant 0 : i32
      %dma_wait3A_314 = tpu.memref_slice %arg10[%add3A_11, %dma_wait3A_313] : memref<10240x16xf32, #tpu.memory_space<vmem_shared>> -> memref<40x16xf32, #tpu.memory_space<vmem_shared>>
      tpu.wait_dma2 semaphore(%run_scoped3A_306 : memref<!tpu.dma_semaphore, #tpu.memory_space<semaphore_mem>>) src(%arg9 : memref<40x16xf32, #tpu.memory_space<vmem>>) dst(%dma_wait3A_314 : memref<40x16xf32, #tpu.memory_space<vmem_shared>>)
      tpu.yield
    }) : () -> ()
    %mul3A_12 = arith.constant 640 : i32
    %mul3A_13 = arith.muli %arg1, %mul3A_12 : i32
    %add3A_14 = arith.constant 40 : i32
    %add3A_15 = arith.addi %mul3A_13, %add3A_14 : i32
    "tpu.region"() ({
      %run_scoped3A_306 = tpu.sem_alloc : memref<!tpu.dma_semaphore, #tpu.memory_space<semaphore_mem>>
      %dma_start3A_307 = arith.constant 0 : i32
      %dma_start3A_308 = tpu.memref_slice %arg10[%add3A_15, %dma_start3A_307] : memref<10240x16xf32, #tpu.memory_space<vmem_shared>> -> memref<40x16xf32, #tpu.memory_space<vmem_shared>>
      %dma_start3A_309 = arith.constant 0 : i32
      %dma_start3A_310 = tpu.memref_slice %arg10[%add3A_15, %dma_start3A_309] : memref<10240x16xf32, #tpu.memory_space<vmem_shared>> -> memref<40x16xf32, #tpu.memory_space<vmem_shared>>
      tpu.enqueue_dma source(%arg9 : memref<40x16xf32, #tpu.memory_space<vmem>>) target(%dma_start3A_310 : memref<40x16xf32, #tpu.memory_space<vmem_shared>>) target_semaphore(%run_scoped3A_306 : memref<!tpu.dma_semaphore, #tpu.memory_space<semaphore_mem>>)
      %dma_wait3A_311 = arith.constant 0 : i32
      %dma_wait3A_312 = tpu.memref_slice %arg10[%add3A_15, %dma_wait3A_311] : memref<10240x16xf32, #tpu.memory_space<vmem_shared>> -> memref<40x16xf32, #tpu.memory_space<vmem_shared>>
      %dma_wait3A_313 = arith.constant 0 : i32
      %dma_wait3A_314 = tpu.memref_slice %arg10[%add3A_15, %dma_wait3A_313] : memref<10240x16xf32, #tpu.memory_space<vmem_shared>> -> memref<40x16xf32, #tpu.memory_space<vmem_shared>>
      tpu.wait_dma2 semaphore(%run_scoped3A_306 : memref<!tpu.dma_semaphore, #tpu.memory_space<semaphore_mem>>) src(%arg9 : memref<40x16xf32, #tpu.memory_space<vmem>>) dst(%dma_wait3A_314 : memref<40x16xf32, #tpu.memory_space<vmem_shared>>)
      tpu.yield
    }) : () -> ()
    %mul3A_16 = arith.constant 640 : i32
    %mul3A_17 = arith.muli %arg1, %mul3A_16 : i32
    %add3A_18 = arith.constant 80 : i32
    %add3A_19 = arith.addi %mul3A_17, %add3A_18 : i32
    "tpu.region"() ({
      %run_scoped3A_306 = tpu.sem_alloc : memref<!tpu.dma_semaphore, #tpu.memory_space<semaphore_mem>>
      %dma_start3A_307 = arith.constant 0 : i32
      %dma_start3A_308 = tpu.memref_slice %arg10[%add3A_19, %dma_start3A_307] : memref<10240x16xf32, #tpu.memory_space<vmem_shared>> -> memref<40x16xf32, #tpu.memory_space<vmem_shared>>
      %dma_start3A_309 = arith.constant 0 : i32
      %dma_start3A_310 = tpu.memref_slice %arg10[%add3A_19, %dma_start3A_309] : memref<10240x16xf32, #tpu.memory_space<vmem_shared>> -> memref<40x16xf32, #tpu.memory_space<vmem_shared>>
      tpu.enqueue_dma source(%arg9 : memref<40x16xf32, #tpu.memory_space<vmem>>) target(%dma_start3A_310 : memref<40x16xf32, #tpu.memory_space<vmem_shared>>) target_semaphore(%run_scoped3A_306 : memref<!tpu.dma_semaphore, #tpu.memory_space<semaphore_mem>>)
      %dma_wait3A_311 = arith.constant 0 : i32
      %dma_wait3A_312 = tpu.memref_slice %arg10[%add3A_19, %dma_wait3A_311] : memref<10240x16xf32, #tpu.memory_space<vmem_shared>> -> memref<40x16xf32, #tpu.memory_space<vmem_shared>>
      %dma_wait3A_313 = arith.constant 0 : i32
      %dma_wait3A_314 = tpu.memref_slice %arg10[%add3A_19, %dma_wait3A_313] : memref<10240x16xf32, #tpu.memory_space<vmem_shared>> -> memref<40x16xf32, #tpu.memory_space<vmem_shared>>
      tpu.wait_dma2 semaphore(%run_scoped3A_306 : memref<!tpu.dma_semaphore, #tpu.memory_space<semaphore_mem>>) src(%arg9 : memref<40x16xf32, #tpu.memory_space<vmem>>) dst(%dma_wait3A_314 : memref<40x16xf32, #tpu.memory_space<vmem_shared>>)
      tpu.yield
    }) : () -> ()
    %mul3A_20 = arith.constant 640 : i32
    %mul3A_21 = arith.muli %arg1, %mul3A_20 : i32
    %add3A_22 = arith.constant 120 : i32
    %add3A_23 = arith.addi %mul3A_21, %add3A_22 : i32
    "tpu.region"() ({
      %run_scoped3A_306 = tpu.sem_alloc : memref<!tpu.dma_semaphore, #tpu.memory_space<semaphore_mem>>
      %dma_start3A_307 = arith.constant 0 : i32
      %dma_start3A_308 = tpu.memref_slice %arg10[%add3A_23, %dma_start3A_307] : memref<10240x16xf32, #tpu.memory_space<vmem_shared>> -> memref<40x16xf32, #tpu.memory_space<vmem_shared>>
      %dma_start3A_309 = arith.constant 0 : i32
      %dma_start3A_310 = tpu.memref_slice %arg10[%add3A_23, %dma_start3A_309] : memref<10240x16xf32, #tpu.memory_space<vmem_shared>> -> memref<40x16xf32, #tpu.memory_space<vmem_shared>>
      tpu.enqueue_dma source(%arg9 : memref<40x16xf32, #tpu.memory_space<vmem>>) target(%dma_start3A_310 : memref<40x16xf32, #tpu.memory_space<vmem_shared>>) target_semaphore(%run_scoped3A_306 : memref<!tpu.dma_semaphore, #tpu.memory_space<semaphore_mem>>)
      %dma_wait3A_311 = arith.constant 0 : i32
      %dma_wait3A_312 = tpu.memref_slice %arg10[%add3A_23, %dma_wait3A_311] : memref<10240x16xf32, #tpu.memory_space<vmem_shared>> -> memref<40x16xf32, #tpu.memory_space<vmem_shared>>
      %dma_wait3A_313 = arith.constant 0 : i32
      %dma_wait3A_314 = tpu.memref_slice %arg10[%add3A_23, %dma_wait3A_313] : memref<10240x16xf32, #tpu.memory_space<vmem_shared>> -> memref<40x16xf32, #tpu.memory_space<vmem_shared>>
      tpu.wait_dma2 semaphore(%run_scoped3A_306 : memref<!tpu.dma_semaphore, #tpu.memory_space<semaphore_mem>>) src(%arg9 : memref<40x16xf32, #tpu.memory_space<vmem>>) dst(%dma_wait3A_314 : memref<40x16xf32, #tpu.memory_space<vmem_shared>>)
      tpu.yield
    }) : () -> ()
    %mul3A_24 = arith.constant 640 : i32
    %mul3A_25 = arith.muli %arg1, %mul3A_24 : i32
    %add3A_26 = arith.constant 160 : i32
    %add3A_27 = arith.addi %mul3A_25, %add3A_26 : i32
    "tpu.region"() ({
      %run_scoped3A_306 = tpu.sem_alloc : memref<!tpu.dma_semaphore, #tpu.memory_space<semaphore_mem>>
      %dma_start3A_307 = arith.constant 0 : i32
      %dma_start3A_308 = tpu.memref_slice %arg10[%add3A_27, %dma_start3A_307] : memref<10240x16xf32, #tpu.memory_space<vmem_shared>> -> memref<40x16xf32, #tpu.memory_space<vmem_shared>>
      %dma_start3A_309 = arith.constant 0 : i32
      %dma_start3A_310 = tpu.memref_slice %arg10[%add3A_27, %dma_start3A_309] : memref<10240x16xf32, #tpu.memory_space<vmem_shared>> -> memref<40x16xf32, #tpu.memory_space<vmem_shared>>
      tpu.enqueue_dma source(%arg9 : memref<40x16xf32, #tpu.memory_space<vmem>>) target(%dma_start3A_310 : memref<40x16xf32, #tpu.memory_space<vmem_shared>>) target_semaphore(%run_scoped3A_306 : memref<!tpu.dma_semaphore, #tpu.memory_space<semaphore_mem>>)
      %dma_wait3A_311 = arith.constant 0 : i32
      %dma_wait3A_312 = tpu.memref_slice %arg10[%add3A_27, %dma_wait3A_311] : memref<10240x16xf32, #tpu.memory_space<vmem_shared>> -> memref<40x16xf32, #tpu.memory_space<vmem_shared>>
      %dma_wait3A_313 = arith.constant 0 : i32
      %dma_wait3A_314 = tpu.memref_slice %arg10[%add3A_27, %dma_wait3A_313] : memref<10240x16xf32, #tpu.memory_space<vmem_shared>> -> memref<40x16xf32, #tpu.memory_space<vmem_shared>>
      tpu.wait_dma2 semaphore(%run_scoped3A_306 : memref<!tpu.dma_semaphore, #tpu.memory_space<semaphore_mem>>) src(%arg9 : memref<40x16xf32, #tpu.memory_space<vmem>>) dst(%dma_wait3A_314 : memref<40x16xf32, #tpu.memory_space<vmem_shared>>)
      tpu.yield
    }) : () -> ()
    %mul3A_28 = arith.constant 640 : i32
    %mul3A_29 = arith.muli %arg1, %mul3A_28 : i32
    %add3A_30 = arith.constant 200 : i32
    %add3A_31 = arith.addi %mul3A_29, %add3A_30 : i32
    "tpu.region"() ({
      %run_scoped3A_306 = tpu.sem_alloc : memref<!tpu.dma_semaphore, #tpu.memory_space<semaphore_mem>>
      %dma_start3A_307 = arith.constant 0 : i32
      %dma_start3A_308 = tpu.memref_slice %arg10[%add3A_31, %dma_start3A_307] : memref<10240x16xf32, #tpu.memory_space<vmem_shared>> -> memref<40x16xf32, #tpu.memory_space<vmem_shared>>
      %dma_start3A_309 = arith.constant 0 : i32
      %dma_start3A_310 = tpu.memref_slice %arg10[%add3A_31, %dma_start3A_309] : memref<10240x16xf32, #tpu.memory_space<vmem_shared>> -> memref<40x16xf32, #tpu.memory_space<vmem_shared>>
      tpu.enqueue_dma source(%arg9 : memref<40x16xf32, #tpu.memory_space<vmem>>) target(%dma_start3A_310 : memref<40x16xf32, #tpu.memory_space<vmem_shared>>) target_semaphore(%run_scoped3A_306 : memref<!tpu.dma_semaphore, #tpu.memory_space<semaphore_mem>>)
      %dma_wait3A_311 = arith.constant 0 : i32
      %dma_wait3A_312 = tpu.memref_slice %arg10[%add3A_31, %dma_wait3A_311] : memref<10240x16xf32, #tpu.memory_space<vmem_shared>> -> memref<40x16xf32, #tpu.memory_space<vmem_shared>>
      %dma_wait3A_313 = arith.constant 0 : i32
      %dma_wait3A_314 = tpu.memref_slice %arg10[%add3A_31, %dma_wait3A_313] : memref<10240x16xf32, #tpu.memory_space<vmem_shared>> -> memref<40x16xf32, #tpu.memory_space<vmem_shared>>
      tpu.wait_dma2 semaphore(%run_scoped3A_306 : memref<!tpu.dma_semaphore, #tpu.memory_space<semaphore_mem>>) src(%arg9 : memref<40x16xf32, #tpu.memory_space<vmem>>) dst(%dma_wait3A_314 : memref<40x16xf32, #tpu.memory_space<vmem_shared>>)
      tpu.yield
    }) : () -> ()
    %mul3A_32 = arith.constant 640 : i32
    %mul3A_33 = arith.muli %arg1, %mul3A_32 : i32
    %add3A_34 = arith.constant 240 : i32
    %add3A_35 = arith.addi %mul3A_33, %add3A_34 : i32
    "tpu.region"() ({
      %run_scoped3A_306 = tpu.sem_alloc : memref<!tpu.dma_semaphore, #tpu.memory_space<semaphore_mem>>
      %dma_start3A_307 = arith.constant 0 : i32
      %dma_start3A_308 = tpu.memref_slice %arg10[%add3A_35, %dma_start3A_307] : memref<10240x16xf32, #tpu.memory_space<vmem_shared>> -> memref<40x16xf32, #tpu.memory_space<vmem_shared>>
      %dma_start3A_309 = arith.constant 0 : i32
      %dma_start3A_310 = tpu.memref_slice %arg10[%add3A_35, %dma_start3A_309] : memref<10240x16xf32, #tpu.memory_space<vmem_shared>> -> memref<40x16xf32, #tpu.memory_space<vmem_shared>>
      tpu.enqueue_dma source(%arg9 : memref<40x16xf32, #tpu.memory_space<vmem>>) target(%dma_start3A_310 : memref<40x16xf32, #tpu.memory_space<vmem_shared>>) target_semaphore(%run_scoped3A_306 : memref<!tpu.dma_semaphore, #tpu.memory_space<semaphore_mem>>)
      %dma_wait3A_311 = arith.constant 0 : i32
      %dma_wait3A_312 = tpu.memref_slice %arg10[%add3A_35, %dma_wait3A_311] : memref<10240x16xf32, #tpu.memory_space<vmem_shared>> -> memref<40x16xf32, #tpu.memory_space<vmem_shared>>
      %dma_wait3A_313 = arith.constant 0 : i32
      %dma_wait3A_314 = tpu.memref_slice %arg10[%add3A_35, %dma_wait3A_313] : memref<10240x16xf32, #tpu.memory_space<vmem_shared>> -> memref<40x16xf32, #tpu.memory_space<vmem_shared>>
      tpu.wait_dma2 semaphore(%run_scoped3A_306 : memref<!tpu.dma_semaphore, #tpu.memory_space<semaphore_mem>>) src(%arg9 : memref<40x16xf32, #tpu.memory_space<vmem>>) dst(%dma_wait3A_314 : memref<40x16xf32, #tpu.memory_space<vmem_shared>>)
      tpu.yield
    }) : () -> ()
    %mul3A_36 = arith.constant 640 : i32
    %mul3A_37 = arith.muli %arg1, %mul3A_36 : i32
    %add3A_38 = arith.constant 280 : i32
    %add3A_39 = arith.addi %mul3A_37, %add3A_38 : i32
    "tpu.region"() ({
      %run_scoped3A_306 = tpu.sem_alloc : memref<!tpu.dma_semaphore, #tpu.memory_space<semaphore_mem>>
      %dma_start3A_307 = arith.constant 0 : i32
      %dma_start3A_308 = tpu.memref_slice %arg10[%add3A_39, %dma_start3A_307] : memref<10240x16xf32, #tpu.memory_space<vmem_shared>> -> memref<40x16xf32, #tpu.memory_space<vmem_shared>>
      %dma_start3A_309 = arith.constant 0 : i32
      %dma_start3A_310 = tpu.memref_slice %arg10[%add3A_39, %dma_start3A_309] : memref<10240x16xf32, #tpu.memory_space<vmem_shared>> -> memref<40x16xf32, #tpu.memory_space<vmem_shared>>
      tpu.enqueue_dma source(%arg9 : memref<40x16xf32, #tpu.memory_space<vmem>>) target(%dma_start3A_310 : memref<40x16xf32, #tpu.memory_space<vmem_shared>>) target_semaphore(%run_scoped3A_306 : memref<!tpu.dma_semaphore, #tpu.memory_space<semaphore_mem>>)
      %dma_wait3A_311 = arith.constant 0 : i32
      %dma_wait3A_312 = tpu.memref_slice %arg10[%add3A_39, %dma_wait3A_311] : memref<10240x16xf32, #tpu.memory_space<vmem_shared>> -> memref<40x16xf32, #tpu.memory_space<vmem_shared>>
      %dma_wait3A_313 = arith.constant 0 : i32
      %dma_wait3A_314 = tpu.memref_slice %arg10[%add3A_39, %dma_wait3A_313] : memref<10240x16xf32, #tpu.memory_space<vmem_shared>> -> memref<40x16xf32, #tpu.memory_space<vmem_shared>>
      tpu.wait_dma2 semaphore(%run_scoped3A_306 : memref<!tpu.dma_semaphore, #tpu.memory_space<semaphore_mem>>) src(%arg9 : memref<40x16xf32, #tpu.memory_space<vmem>>) dst(%dma_wait3A_314 : memref<40x16xf32, #tpu.memory_space<vmem_shared>>)
      tpu.yield
    }) : () -> ()
    %mul3A_40 = arith.constant 640 : i32
    %mul3A_41 = arith.muli %arg1, %mul3A_40 : i32
    %add3A_42 = arith.constant 320 : i32
    %add3A_43 = arith.addi %mul3A_41, %add3A_42 : i32
    "tpu.region"() ({
      %run_scoped3A_306 = tpu.sem_alloc : memref<!tpu.dma_semaphore, #tpu.memory_space<semaphore_mem>>
      %dma_start3A_307 = arith.constant 0 : i32
      %dma_start3A_308 = tpu.memref_slice %arg10[%add3A_43, %dma_start3A_307] : memref<10240x16xf32, #tpu.memory_space<vmem_shared>> -> memref<40x16xf32, #tpu.memory_space<vmem_shared>>
      %dma_start3A_309 = arith.constant 0 : i32
      %dma_start3A_310 = tpu.memref_slice %arg10[%add3A_43, %dma_start3A_309] : memref<10240x16xf32, #tpu.memory_space<vmem_shared>> -> memref<40x16xf32, #tpu.memory_space<vmem_shared>>
      tpu.enqueue_dma source(%arg9 : memref<40x16xf32, #tpu.memory_space<vmem>>) target(%dma_start3A_310 : memref<40x16xf32, #tpu.memory_space<vmem_shared>>) target_semaphore(%run_scoped3A_306 : memref<!tpu.dma_semaphore, #tpu.memory_space<semaphore_mem>>)
      %dma_wait3A_311 = arith.constant 0 : i32
      %dma_wait3A_312 = tpu.memref_slice %arg10[%add3A_43, %dma_wait3A_311] : memref<10240x16xf32, #tpu.memory_space<vmem_shared>> -> memref<40x16xf32, #tpu.memory_space<vmem_shared>>
      %dma_wait3A_313 = arith.constant 0 : i32
      %dma_wait3A_314 = tpu.memref_slice %arg10[%add3A_43, %dma_wait3A_313] : memref<10240x16xf32, #tpu.memory_space<vmem_shared>> -> memref<40x16xf32, #tpu.memory_space<vmem_shared>>
      tpu.wait_dma2 semaphore(%run_scoped3A_306 : memref<!tpu.dma_semaphore, #tpu.memory_space<semaphore_mem>>) src(%arg9 : memref<40x16xf32, #tpu.memory_space<vmem>>) dst(%dma_wait3A_314 : memref<40x16xf32, #tpu.memory_space<vmem_shared>>)
      tpu.yield
    }) : () -> ()
    %mul3A_44 = arith.constant 640 : i32
    %mul3A_45 = arith.muli %arg1, %mul3A_44 : i32
    %add3A_46 = arith.constant 360 : i32
    %add3A_47 = arith.addi %mul3A_45, %add3A_46 : i32
    "tpu.region"() ({
      %run_scoped3A_306 = tpu.sem_alloc : memref<!tpu.dma_semaphore, #tpu.memory_space<semaphore_mem>>
      %dma_start3A_307 = arith.constant 0 : i32
      %dma_start3A_308 = tpu.memref_slice %arg10[%add3A_47, %dma_start3A_307] : memref<10240x16xf32, #tpu.memory_space<vmem_shared>> -> memref<40x16xf32, #tpu.memory_space<vmem_shared>>
      %dma_start3A_309 = arith.constant 0 : i32
      %dma_start3A_310 = tpu.memref_slice %arg10[%add3A_47, %dma_start3A_309] : memref<10240x16xf32, #tpu.memory_space<vmem_shared>> -> memref<40x16xf32, #tpu.memory_space<vmem_shared>>
      tpu.enqueue_dma source(%arg9 : memref<40x16xf32, #tpu.memory_space<vmem>>) target(%dma_start3A_310 : memref<40x16xf32, #tpu.memory_space<vmem_shared>>) target_semaphore(%run_scoped3A_306 : memref<!tpu.dma_semaphore, #tpu.memory_space<semaphore_mem>>)
      %dma_wait3A_311 = arith.constant 0 : i32
      %dma_wait3A_312 = tpu.memref_slice %arg10[%add3A_47, %dma_wait3A_311] : memref<10240x16xf32, #tpu.memory_space<vmem_shared>> -> memref<40x16xf32, #tpu.memory_space<vmem_shared>>
      %dma_wait3A_313 = arith.constant 0 : i32
      %dma_wait3A_314 = tpu.memref_slice %arg10[%add3A_47, %dma_wait3A_313] : memref<10240x16xf32, #tpu.memory_space<vmem_shared>> -> memref<40x16xf32, #tpu.memory_space<vmem_shared>>
      tpu.wait_dma2 semaphore(%run_scoped3A_306 : memref<!tpu.dma_semaphore, #tpu.memory_space<semaphore_mem>>) src(%arg9 : memref<40x16xf32, #tpu.memory_space<vmem>>) dst(%dma_wait3A_314 : memref<40x16xf32, #tpu.memory_space<vmem_shared>>)
      tpu.yield
    }) : () -> ()
    %mul3A_48 = arith.constant 640 : i32
    %mul3A_49 = arith.muli %arg1, %mul3A_48 : i32
    %add3A_50 = arith.constant 400 : i32
    %add3A_51 = arith.addi %mul3A_49, %add3A_50 : i32
    "tpu.region"() ({
      %run_scoped3A_306 = tpu.sem_alloc : memref<!tpu.dma_semaphore, #tpu.memory_space<semaphore_mem>>
      %dma_start3A_307 = arith.constant 0 : i32
      %dma_start3A_308 = tpu.memref_slice %arg10[%add3A_51, %dma_start3A_307] : memref<10240x16xf32, #tpu.memory_space<vmem_shared>> -> memref<40x16xf32, #tpu.memory_space<vmem_shared>>
      %dma_start3A_309 = arith.constant 0 : i32
      %dma_start3A_310 = tpu.memref_slice %arg10[%add3A_51, %dma_start3A_309] : memref<10240x16xf32, #tpu.memory_space<vmem_shared>> -> memref<40x16xf32, #tpu.memory_space<vmem_shared>>
      tpu.enqueue_dma source(%arg9 : memref<40x16xf32, #tpu.memory_space<vmem>>) target(%dma_start3A_310 : memref<40x16xf32, #tpu.memory_space<vmem_shared>>) target_semaphore(%run_scoped3A_306 : memref<!tpu.dma_semaphore, #tpu.memory_space<semaphore_mem>>)
      %dma_wait3A_311 = arith.constant 0 : i32
      %dma_wait3A_312 = tpu.memref_slice %arg10[%add3A_51, %dma_wait3A_311] : memref<10240x16xf32, #tpu.memory_space<vmem_shared>> -> memref<40x16xf32, #tpu.memory_space<vmem_shared>>
      %dma_wait3A_313 = arith.constant 0 : i32
      %dma_wait3A_314 = tpu.memref_slice %arg10[%add3A_51, %dma_wait3A_313] : memref<10240x16xf32, #tpu.memory_space<vmem_shared>> -> memref<40x16xf32, #tpu.memory_space<vmem_shared>>
      tpu.wait_dma2 semaphore(%run_scoped3A_306 : memref<!tpu.dma_semaphore, #tpu.memory_space<semaphore_mem>>) src(%arg9 : memref<40x16xf32, #tpu.memory_space<vmem>>) dst(%dma_wait3A_314 : memref<40x16xf32, #tpu.memory_space<vmem_shared>>)
      tpu.yield
    }) : () -> ()
    %mul3A_52 = arith.constant 640 : i32
    %mul3A_53 = arith.muli %arg1, %mul3A_52 : i32
    %add3A_54 = arith.constant 440 : i32
    %add3A_55 = arith.addi %mul3A_53, %add3A_54 : i32
    "tpu.region"() ({
      %run_scoped3A_306 = tpu.sem_alloc : memref<!tpu.dma_semaphore, #tpu.memory_space<semaphore_mem>>
      %dma_start3A_307 = arith.constant 0 : i32
      %dma_start3A_308 = tpu.memref_slice %arg10[%add3A_55, %dma_start3A_307] : memref<10240x16xf32, #tpu.memory_space<vmem_shared>> -> memref<40x16xf32, #tpu.memory_space<vmem_shared>>
      %dma_start3A_309 = arith.constant 0 : i32
      %dma_start3A_310 = tpu.memref_slice %arg10[%add3A_55, %dma_start3A_309] : memref<10240x16xf32, #tpu.memory_space<vmem_shared>> -> memref<40x16xf32, #tpu.memory_space<vmem_shared>>
      tpu.enqueue_dma source(%arg9 : memref<40x16xf32, #tpu.memory_space<vmem>>) target(%dma_start3A_310 : memref<40x16xf32, #tpu.memory_space<vmem_shared>>) target_semaphore(%run_scoped3A_306 : memref<!tpu.dma_semaphore, #tpu.memory_space<semaphore_mem>>)
      %dma_wait3A_311 = arith.constant 0 : i32
      %dma_wait3A_312 = tpu.memref_slice %arg10[%add3A_55, %dma_wait3A_311] : memref<10240x16xf32, #tpu.memory_space<vmem_shared>> -> memref<40x16xf32, #tpu.memory_space<vmem_shared>>
      %dma_wait3A_313 = arith.constant 0 : i32
      %dma_wait3A_314 = tpu.memref_slice %arg10[%add3A_55, %dma_wait3A_313] : memref<10240x16xf32, #tpu.memory_space<vmem_shared>> -> memref<40x16xf32, #tpu.memory_space<vmem_shared>>
      tpu.wait_dma2 semaphore(%run_scoped3A_306 : memref<!tpu.dma_semaphore, #tpu.memory_space<semaphore_mem>>) src(%arg9 : memref<40x16xf32, #tpu.memory_space<vmem>>) dst(%dma_wait3A_314 : memref<40x16xf32, #tpu.memory_space<vmem_shared>>)
      tpu.yield
    }) : () -> ()
    %mul3A_56 = arith.constant 640 : i32
    %mul3A_57 = arith.muli %arg1, %mul3A_56 : i32
    %add3A_58 = arith.constant 480 : i32
    %add3A_59 = arith.addi %mul3A_57, %add3A_58 : i32
    "tpu.region"() ({
      %run_scoped3A_306 = tpu.sem_alloc : memref<!tpu.dma_semaphore, #tpu.memory_space<semaphore_mem>>
      %dma_start3A_307 = arith.constant 0 : i32
      %dma_start3A_308 = tpu.memref_slice %arg10[%add3A_59, %dma_start3A_307] : memref<10240x16xf32, #tpu.memory_space<vmem_shared>> -> memref<40x16xf32, #tpu.memory_space<vmem_shared>>
      %dma_start3A_309 = arith.constant 0 : i32
      %dma_start3A_310 = tpu.memref_slice %arg10[%add3A_59, %dma_start3A_309] : memref<10240x16xf32, #tpu.memory_space<vmem_shared>> -> memref<40x16xf32, #tpu.memory_space<vmem_shared>>
      tpu.enqueue_dma source(%arg9 : memref<40x16xf32, #tpu.memory_space<vmem>>) target(%dma_start3A_310 : memref<40x16xf32, #tpu.memory_space<vmem_shared>>) target_semaphore(%run_scoped3A_306 : memref<!tpu.dma_semaphore, #tpu.memory_space<semaphore_mem>>)
      %dma_wait3A_311 = arith.constant 0 : i32
      %dma_wait3A_312 = tpu.memref_slice %arg10[%add3A_59, %dma_wait3A_311] : memref<10240x16xf32, #tpu.memory_space<vmem_shared>> -> memref<40x16xf32, #tpu.memory_space<vmem_shared>>
      %dma_wait3A_313 = arith.constant 0 : i32
      %dma_wait3A_314 = tpu.memref_slice %arg10[%add3A_59, %dma_wait3A_313] : memref<10240x16xf32, #tpu.memory_space<vmem_shared>> -> memref<40x16xf32, #tpu.memory_space<vmem_shared>>
      tpu.wait_dma2 semaphore(%run_scoped3A_306 : memref<!tpu.dma_semaphore, #tpu.memory_space<semaphore_mem>>) src(%arg9 : memref<40x16xf32, #tpu.memory_space<vmem>>) dst(%dma_wait3A_314 : memref<40x16xf32, #tpu.memory_space<vmem_shared>>)
      tpu.yield
    }) : () -> ()
    %mul3A_60 = arith.constant 640 : i32
    %mul3A_61 = arith.muli %arg1, %mul3A_60 : i32
    %add3A_62 = arith.constant 520 : i32
    %add3A_63 = arith.addi %mul3A_61, %add3A_62 : i32
    "tpu.region"() ({
      %run_scoped3A_306 = tpu.sem_alloc : memref<!tpu.dma_semaphore, #tpu.memory_space<semaphore_mem>>
      %dma_start3A_307 = arith.constant 0 : i32
      %dma_start3A_308 = tpu.memref_slice %arg10[%add3A_63, %dma_start3A_307] : memref<10240x16xf32, #tpu.memory_space<vmem_shared>> -> memref<40x16xf32, #tpu.memory_space<vmem_shared>>
      %dma_start3A_309 = arith.constant 0 : i32
      %dma_start3A_310 = tpu.memref_slice %arg10[%add3A_63, %dma_start3A_309] : memref<10240x16xf32, #tpu.memory_space<vmem_shared>> -> memref<40x16xf32, #tpu.memory_space<vmem_shared>>
      tpu.enqueue_dma source(%arg9 : memref<40x16xf32, #tpu.memory_space<vmem>>) target(%dma_start3A_310 : memref<40x16xf32, #tpu.memory_space<vmem_shared>>) target_semaphore(%run_scoped3A_306 : memref<!tpu.dma_semaphore, #tpu.memory_space<semaphore_mem>>)
      %dma_wait3A_311 = arith.constant 0 : i32
      %dma_wait3A_312 = tpu.memref_slice %arg10[%add3A_63, %dma_wait3A_311] : memref<10240x16xf32, #tpu.memory_space<vmem_shared>> -> memref<40x16xf32, #tpu.memory_space<vmem_shared>>
      %dma_wait3A_313 = arith.constant 0 : i32
      %dma_wait3A_314 = tpu.memref_slice %arg10[%add3A_63, %dma_wait3A_313] : memref<10240x16xf32, #tpu.memory_space<vmem_shared>> -> memref<40x16xf32, #tpu.memory_space<vmem_shared>>
      tpu.wait_dma2 semaphore(%run_scoped3A_306 : memref<!tpu.dma_semaphore, #tpu.memory_space<semaphore_mem>>) src(%arg9 : memref<40x16xf32, #tpu.memory_space<vmem>>) dst(%dma_wait3A_314 : memref<40x16xf32, #tpu.memory_space<vmem_shared>>)
      tpu.yield
    }) : () -> ()
    %mul3A_64 = arith.constant 640 : i32
    %mul3A_65 = arith.muli %arg1, %mul3A_64 : i32
    %add3A_66 = arith.constant 560 : i32
    %add3A_67 = arith.addi %mul3A_65, %add3A_66 : i32
    "tpu.region"() ({
      %run_scoped3A_306 = tpu.sem_alloc : memref<!tpu.dma_semaphore, #tpu.memory_space<semaphore_mem>>
      %dma_start3A_307 = arith.constant 0 : i32
      %dma_start3A_308 = tpu.memref_slice %arg10[%add3A_67, %dma_start3A_307] : memref<10240x16xf32, #tpu.memory_space<vmem_shared>> -> memref<40x16xf32, #tpu.memory_space<vmem_shared>>
      %dma_start3A_309 = arith.constant 0 : i32
      %dma_start3A_310 = tpu.memref_slice %arg10[%add3A_67, %dma_start3A_309] : memref<10240x16xf32, #tpu.memory_space<vmem_shared>> -> memref<40x16xf32, #tpu.memory_space<vmem_shared>>
      tpu.enqueue_dma source(%arg9 : memref<40x16xf32, #tpu.memory_space<vmem>>) target(%dma_start3A_310 : memref<40x16xf32, #tpu.memory_space<vmem_shared>>) target_semaphore(%run_scoped3A_306 : memref<!tpu.dma_semaphore, #tpu.memory_space<semaphore_mem>>)
      %dma_wait3A_311 = arith.constant 0 : i32
      %dma_wait3A_312 = tpu.memref_slice %arg10[%add3A_67, %dma_wait3A_311] : memref<10240x16xf32, #tpu.memory_space<vmem_shared>> -> memref<40x16xf32, #tpu.memory_space<vmem_shared>>
      %dma_wait3A_313 = arith.constant 0 : i32
      %dma_wait3A_314 = tpu.memref_slice %arg10[%add3A_67, %dma_wait3A_313] : memref<10240x16xf32, #tpu.memory_space<vmem_shared>> -> memref<40x16xf32, #tpu.memory_space<vmem_shared>>
      tpu.wait_dma2 semaphore(%run_scoped3A_306 : memref<!tpu.dma_semaphore, #tpu.memory_space<semaphore_mem>>) src(%arg9 : memref<40x16xf32, #tpu.memory_space<vmem>>) dst(%dma_wait3A_314 : memref<40x16xf32, #tpu.memory_space<vmem_shared>>)
      tpu.yield
    }) : () -> ()
    %mul3A_68 = arith.constant 640 : i32
    %mul3A_69 = arith.muli %arg1, %mul3A_68 : i32
    %add3A_70 = arith.constant 600 : i32
    %add3A_71 = arith.addi %mul3A_69, %add3A_70 : i32
    "tpu.region"() ({
      %run_scoped3A_306 = tpu.sem_alloc : memref<!tpu.dma_semaphore, #tpu.memory_space<semaphore_mem>>
      %dma_start3A_307 = arith.constant 0 : i32
      %dma_start3A_308 = tpu.memref_slice %arg10[%add3A_71, %dma_start3A_307] : memref<10240x16xf32, #tpu.memory_space<vmem_shared>> -> memref<40x16xf32, #tpu.memory_space<vmem_shared>>
      %dma_start3A_309 = arith.constant 0 : i32
      %dma_start3A_310 = tpu.memref_slice %arg10[%add3A_71, %dma_start3A_309] : memref<10240x16xf32, #tpu.memory_space<vmem_shared>> -> memref<40x16xf32, #tpu.memory_space<vmem_shared>>
      tpu.enqueue_dma source(%arg9 : memref<40x16xf32, #tpu.memory_space<vmem>>) target(%dma_start3A_310 : memref<40x16xf32, #tpu.memory_space<vmem_shared>>) target_semaphore(%run_scoped3A_306 : memref<!tpu.dma_semaphore, #tpu.memory_space<semaphore_mem>>)
      %dma_wait3A_311 = arith.constant 0 : i32
      %dma_wait3A_312 = tpu.memref_slice %arg10[%add3A_71, %dma_wait3A_311] : memref<10240x16xf32, #tpu.memory_space<vmem_shared>> -> memref<40x16xf32, #tpu.memory_space<vmem_shared>>
      %dma_wait3A_313 = arith.constant 0 : i32
      %dma_wait3A_314 = tpu.memref_slice %arg10[%add3A_71, %dma_wait3A_313] : memref<10240x16xf32, #tpu.memory_space<vmem_shared>> -> memref<40x16xf32, #tpu.memory_space<vmem_shared>>
      tpu.wait_dma2 semaphore(%run_scoped3A_306 : memref<!tpu.dma_semaphore, #tpu.memory_space<semaphore_mem>>) src(%arg9 : memref<40x16xf32, #tpu.memory_space<vmem>>) dst(%dma_wait3A_314 : memref<40x16xf32, #tpu.memory_space<vmem_shared>>)
      tpu.yield
    }) : () -> ()
    %mul3A_72 = arith.constant 10000 : i32
    %mul3A_73 = arith.muli %add3A, %mul3A_72 : i32
    %run_scoped3A = arith.constant 0 : i32
    "tpu.region"() ({
      %run_scoped3A_306 = tpu.sem_alloc : memref<!tpu.dma_semaphore, #tpu.memory_space<semaphore_mem>>
      %dma_start3A_307 = tpu.memref_slice %arg3[%run_scoped3A, %mul3A_73] : memref<2x320000xi32, #tpu.memory_space<hbm>> -> memref<1x10000xi32, #tpu.memory_space<hbm>>
      %dma_start3A_308 = tpu.memref_squeeze %dma_start3A_307 : memref<1x10000xi32, #tpu.memory_space<hbm>> -> memref<10000xi32, #tpu.memory_space<hbm>>
      %dma_start3A_309 = tpu.memref_slice %arg3[%run_scoped3A, %mul3A_73] : memref<2x320000xi32, #tpu.memory_space<hbm>> -> memref<1x10000xi32, #tpu.memory_space<hbm>>
      %dma_start3A_310 = tpu.memref_squeeze %dma_start3A_309 : memref<1x10000xi32, #tpu.memory_space<hbm>> -> memref<10000xi32, #tpu.memory_space<hbm>>
      tpu.enqueue_dma source(%dma_start3A_310 : memref<10000xi32, #tpu.memory_space<hbm>>) target(%arg6 : memref<10000xi32, #tpu.memory_space<vmem>>) target_semaphore(%run_scoped3A_306 : memref<!tpu.dma_semaphore, #tpu.memory_space<semaphore_mem>>)
      %dma_wait3A_311 = tpu.memref_slice %arg3[%run_scoped3A, %mul3A_73] : memref<2x320000xi32, #tpu.memory_space<hbm>> -> memref<1x10000xi32, #tpu.memory_space<hbm>>
      %dma_wait3A_312 = tpu.memref_squeeze %dma_wait3A_311 : memref<1x10000xi32, #tpu.memory_space<hbm>> -> memref<10000xi32, #tpu.memory_space<hbm>>
      %dma_wait3A_313 = tpu.memref_slice %arg3[%run_scoped3A, %mul3A_73] : memref<2x320000xi32, #tpu.memory_space<hbm>> -> memref<1x10000xi32, #tpu.memory_space<hbm>>
      %dma_wait3A_314 = tpu.memref_squeeze %dma_wait3A_313 : memref<1x10000xi32, #tpu.memory_space<hbm>> -> memref<10000xi32, #tpu.memory_space<hbm>>
      tpu.wait_dma2 semaphore(%run_scoped3A_306 : memref<!tpu.dma_semaphore, #tpu.memory_space<semaphore_mem>>) src(%dma_wait3A_314 : memref<10000xi32, #tpu.memory_space<hbm>>) dst(%arg6 : memref<10000xi32, #tpu.memory_space<vmem>>)
      tpu.yield
    }) : () -> ()
    "tpu.region"() ({
      %run_scoped3A_306 = tpu.sem_alloc : memref<!tpu.dma_semaphore, #tpu.memory_space<semaphore_mem>>
      %dma_start3A_307 = arith.constant 0 : i32
      %dma_start3A_308 = arith.constant 0 : i32
      %dma_start3A_309 = tpu.memref_slice %arg4[%add3A, %dma_start3A_307, %dma_start3A_308] : memref<32x125x80xi32, #tpu.memory_space<hbm>> -> memref<1x125x80xi32, #tpu.memory_space<hbm>>
      %dma_start3A_310 = tpu.memref_squeeze %dma_start3A_309 : memref<1x125x80xi32, #tpu.memory_space<hbm>> -> memref<125x80xi32, #tpu.memory_space<hbm>>
      %dma_start3A_311 = arith.constant 0 : i32
      %dma_start3A_312 = arith.constant 0 : i32
      %dma_start3A_313 = tpu.memref_slice %arg4[%add3A, %dma_start3A_311, %dma_start3A_312] : memref<32x125x80xi32, #tpu.memory_space<hbm>> -> memref<1x125x80xi32, #tpu.memory_space<hbm>>
      %dma_start3A_314 = tpu.memref_squeeze %dma_start3A_313 : memref<1x125x80xi32, #tpu.memory_space<hbm>> -> memref<125x80xi32, #tpu.memory_space<hbm>>
      tpu.enqueue_dma source(%dma_start3A_314 : memref<125x80xi32, #tpu.memory_space<hbm>>) target(%arg7 : memref<125x80xi32, #tpu.memory_space<vmem>>) target_semaphore(%run_scoped3A_306 : memref<!tpu.dma_semaphore, #tpu.memory_space<semaphore_mem>>)
      %dma_wait3A_315 = arith.constant 0 : i32
      %dma_wait3A_316 = arith.constant 0 : i32
      %dma_wait3A_317 = tpu.memref_slice %arg4[%add3A, %dma_wait3A_315, %dma_wait3A_316] : memref<32x125x80xi32, #tpu.memory_space<hbm>> -> memref<1x125x80xi32, #tpu.memory_space<hbm>>
      %dma_wait3A_318 = tpu.memref_squeeze %dma_wait3A_317 : memref<1x125x80xi32, #tpu.memory_space<hbm>> -> memref<125x80xi32, #tpu.memory_space<hbm>>
      %dma_wait3A_319 = arith.constant 0 : i32
      %dma_wait3A_320 = arith.constant 0 : i32
      %dma_wait3A_321 = tpu.memref_slice %arg4[%add3A, %dma_wait3A_319, %dma_wait3A_320] : memref<32x125x80xi32, #tpu.memory_space<hbm>> -> memref<1x125x80xi32, #tpu.memory_space<hbm>>
      %dma_wait3A_322 = tpu.memref_squeeze %dma_wait3A_321 : memref<1x125x80xi32, #tpu.memory_space<hbm>> -> memref<125x80xi32, #tpu.memory_space<hbm>>
      tpu.wait_dma2 semaphore(%run_scoped3A_306 : memref<!tpu.dma_semaphore, #tpu.memory_space<semaphore_mem>>) src(%dma_wait3A_322 : memref<125x80xi32, #tpu.memory_space<hbm>>) dst(%arg7 : memref<125x80xi32, #tpu.memory_space<vmem>>)
      tpu.yield
    }) : () -> ()
    %barrier3A = arith.constant 0 : index
    tpu.barrier barrier_id(%barrier3A)
    %dma_start3A = arith.constant 0 : i32
    %dma_start3A_74 = arith.constant 0 : i32
    %dma_start3A_75 = arith.constant 0 : i32
    %dma_start3A_76 = tpu.memref_slice %arg8[%dma_start3A, %dma_start3A_74, %dma_start3A_75] : memref<5x80x16xf32, #tpu.memory_space<vmem>> -> memref<1x80x16xf32, #tpu.memory_space<vmem>>
    %dma_start3A_77 = tpu.memref_squeeze %dma_start3A_76 : memref<1x80x16xf32, #tpu.memory_space<vmem>> -> memref<80x16xf32, #tpu.memory_space<vmem>>
    %dma_start3A_78 = arith.constant 0 : i32
    %dma_start3A_79 = tpu.memref_slice %arg6[%dma_start3A_78] : memref<10000xi32, #tpu.memory_space<vmem>> -> memref<80xi32, #tpu.memory_space<vmem>>
    %dma_start3A_80 = arith.constant 0 : i32
    %dma_start3A_81 = arith.constant 0 : i32
    %dma_start3A_82 = tpu.memref_slice %arg2[%dma_start3A_80, %dma_start3A_81] : memref<10000x16xf32, #tpu.memory_space<hbm>> -> memref<10000x16xf32, #tpu.memory_space<hbm>>
    tpu.enqueue_indirect_dma source(%dma_start3A_82 : memref<10000x16xf32, #tpu.memory_space<hbm>>) target(%dma_start3A_77 : memref<80x16xf32, #tpu.memory_space<vmem>>) offsets(%dma_start3A_79 : memref<80xi32, #tpu.memory_space<vmem>>) semaphore(%arg11 : memref<!tpu.dma_semaphore, #tpu.memory_space<semaphore_mem>>)
    %dma_start3A_83 = arith.constant 1 : i32
    %dma_start3A_84 = arith.constant 0 : i32
    %dma_start3A_85 = arith.constant 0 : i32
    %dma_start3A_86 = tpu.memref_slice %arg8[%dma_start3A_83, %dma_start3A_84, %dma_start3A_85] : memref<5x80x16xf32, #tpu.memory_space<vmem>> -> memref<1x80x16xf32, #tpu.memory_space<vmem>>
    %dma_start3A_87 = tpu.memref_squeeze %dma_start3A_86 : memref<1x80x16xf32, #tpu.memory_space<vmem>> -> memref<80x16xf32, #tpu.memory_space<vmem>>
    %dma_start3A_88 = arith.constant 80 : i32
    %dma_start3A_89 = tpu.memref_slice %arg6[%dma_start3A_88] : memref<10000xi32, #tpu.memory_space<vmem>> -> memref<80xi32, #tpu.memory_space<vmem>>
    %dma_start3A_90 = arith.constant 0 : i32
    %dma_start3A_91 = arith.constant 0 : i32
    %dma_start3A_92 = tpu.memref_slice %arg2[%dma_start3A_90, %dma_start3A_91] : memref<10000x16xf32, #tpu.memory_space<hbm>> -> memref<10000x16xf32, #tpu.memory_space<hbm>>
    tpu.enqueue_indirect_dma source(%dma_start3A_92 : memref<10000x16xf32, #tpu.memory_space<hbm>>) target(%dma_start3A_87 : memref<80x16xf32, #tpu.memory_space<vmem>>) offsets(%dma_start3A_89 : memref<80xi32, #tpu.memory_space<vmem>>) semaphore(%arg12 : memref<!tpu.dma_semaphore, #tpu.memory_space<semaphore_mem>>)
    %dma_start3A_93 = arith.constant 2 : i32
    %dma_start3A_94 = arith.constant 0 : i32
    %dma_start3A_95 = arith.constant 0 : i32
    %dma_start3A_96 = tpu.memref_slice %arg8[%dma_start3A_93, %dma_start3A_94, %dma_start3A_95] : memref<5x80x16xf32, #tpu.memory_space<vmem>> -> memref<1x80x16xf32, #tpu.memory_space<vmem>>
    %dma_start3A_97 = tpu.memref_squeeze %dma_start3A_96 : memref<1x80x16xf32, #tpu.memory_space<vmem>> -> memref<80x16xf32, #tpu.memory_space<vmem>>
    %dma_start3A_98 = arith.constant 160 : i32
    %dma_start3A_99 = tpu.memref_slice %arg6[%dma_start3A_98] : memref<10000xi32, #tpu.memory_space<vmem>> -> memref<80xi32, #tpu.memory_space<vmem>>
    %dma_start3A_100 = arith.constant 0 : i32
    %dma_start3A_101 = arith.constant 0 : i32
    %dma_start3A_102 = tpu.memref_slice %arg2[%dma_start3A_100, %dma_start3A_101] : memref<10000x16xf32, #tpu.memory_space<hbm>> -> memref<10000x16xf32, #tpu.memory_space<hbm>>
    tpu.enqueue_indirect_dma source(%dma_start3A_102 : memref<10000x16xf32, #tpu.memory_space<hbm>>) target(%dma_start3A_97 : memref<80x16xf32, #tpu.memory_space<vmem>>) offsets(%dma_start3A_99 : memref<80xi32, #tpu.memory_space<vmem>>) semaphore(%arg13 : memref<!tpu.dma_semaphore, #tpu.memory_space<semaphore_mem>>)
    %dma_start3A_103 = arith.constant 3 : i32
    %dma_start3A_104 = arith.constant 0 : i32
    %dma_start3A_105 = arith.constant 0 : i32
    %dma_start3A_106 = tpu.memref_slice %arg8[%dma_start3A_103, %dma_start3A_104, %dma_start3A_105] : memref<5x80x16xf32, #tpu.memory_space<vmem>> -> memref<1x80x16xf32, #tpu.memory_space<vmem>>
    %dma_start3A_107 = tpu.memref_squeeze %dma_start3A_106 : memref<1x80x16xf32, #tpu.memory_space<vmem>> -> memref<80x16xf32, #tpu.memory_space<vmem>>
    %dma_start3A_108 = arith.constant 240 : i32
    %dma_start3A_109 = tpu.memref_slice %arg6[%dma_start3A_108] : memref<10000xi32, #tpu.memory_space<vmem>> -> memref<80xi32, #tpu.memory_space<vmem>>
    %dma_start3A_110 = arith.constant 0 : i32
    %dma_start3A_111 = arith.constant 0 : i32
    %dma_start3A_112 = tpu.memref_slice %arg2[%dma_start3A_110, %dma_start3A_111] : memref<10000x16xf32, #tpu.memory_space<hbm>> -> memref<10000x16xf32, #tpu.memory_space<hbm>>
    tpu.enqueue_indirect_dma source(%dma_start3A_112 : memref<10000x16xf32, #tpu.memory_space<hbm>>) target(%dma_start3A_107 : memref<80x16xf32, #tpu.memory_space<vmem>>) offsets(%dma_start3A_109 : memref<80xi32, #tpu.memory_space<vmem>>) semaphore(%arg14 : memref<!tpu.dma_semaphore, #tpu.memory_space<semaphore_mem>>)
    %dma_start3A_113 = arith.constant 4 : i32
    %dma_start3A_114 = arith.constant 0 : i32
    %dma_start3A_115 = arith.constant 0 : i32
    %dma_start3A_116 = tpu.memref_slice %arg8[%dma_start3A_113, %dma_start3A_114, %dma_start3A_115] : memref<5x80x16xf32, #tpu.memory_space<vmem>> -> memref<1x80x16xf32, #tpu.memory_space<vmem>>
    %dma_start3A_117 = tpu.memref_squeeze %dma_start3A_116 : memref<1x80x16xf32, #tpu.memory_space<vmem>> -> memref<80x16xf32, #tpu.memory_space<vmem>>
    %dma_start3A_118 = arith.constant 320 : i32
    %dma_start3A_119 = tpu.memref_slice %arg6[%dma_start3A_118] : memref<10000xi32, #tpu.memory_space<vmem>> -> memref<80xi32, #tpu.memory_space<vmem>>
    %dma_start3A_120 = arith.constant 0 : i32
    %dma_start3A_121 = arith.constant 0 : i32
    %dma_start3A_122 = tpu.memref_slice %arg2[%dma_start3A_120, %dma_start3A_121] : memref<10000x16xf32, #tpu.memory_space<hbm>> -> memref<10000x16xf32, #tpu.memory_space<hbm>>
    tpu.enqueue_indirect_dma source(%dma_start3A_122 : memref<10000x16xf32, #tpu.memory_space<hbm>>) target(%dma_start3A_117 : memref<80x16xf32, #tpu.memory_space<vmem>>) offsets(%dma_start3A_119 : memref<80xi32, #tpu.memory_space<vmem>>) semaphore(%arg15 : memref<!tpu.dma_semaphore, #tpu.memory_space<semaphore_mem>>)
    %scan3A_123 = arith.constant 0 : i32
    %scan3A_124 = arith.constant 0 : i32
    %scan3A_125 = arith.constant 24 : i32
    %scan3A_126 = arith.addi %scan3A_124, %scan3A_125 : i32
    %scan3A_127 = arith.constant 1 : i32
    %scan3A_128 = scf.for %scan3A_306 = %scan3A_124 to %scan3A_126 step %scan3A_127 iter_args(%scan3A_307 = %scan3A_123) -> (i32)  : i32 {
      %mul3A_308 = arith.constant 5 : i32
      %mul3A_309 = arith.muli %scan3A_306, %mul3A_308 : i32
      %add3A_310 = arith.constant 0 : i32
      %add3A_311 = arith.addi %mul3A_309, %add3A_310 : i32
      %mul3A_312 = arith.constant 80 : i32
      %mul3A_313 = arith.muli %add3A_311, %mul3A_312 : i32
      %dma_wait3A_314 = arith.constant 0 : i32
      %dma_wait3A_315 = arith.constant 0 : i32
      %dma_wait3A_316 = arith.constant 0 : i32
      %dma_wait3A_317 = tpu.memref_slice %arg8[%dma_wait3A_314, %dma_wait3A_315, %dma_wait3A_316] : memref<5x80x16xf32, #tpu.memory_space<vmem>> -> memref<1x80x16xf32, #tpu.memory_space<vmem>>
      %dma_wait3A_318 = tpu.memref_squeeze %dma_wait3A_317 : memref<1x80x16xf32, #tpu.memory_space<vmem>> -> memref<80x16xf32, #tpu.memory_space<vmem>>
      %dma_wait3A_319 = tpu.memref_slice %arg6[%mul3A_313] : memref<10000xi32, #tpu.memory_space<vmem>> -> memref<80xi32, #tpu.memory_space<vmem>>
      %dma_wait3A_320 = arith.constant 0 : i32
      %dma_wait3A_321 = arith.constant 0 : i32
      %dma_wait3A_322 = tpu.memref_slice %arg2[%dma_wait3A_320, %dma_wait3A_321] : memref<10000x16xf32, #tpu.memory_space<hbm>> -> memref<10000x16xf32, #tpu.memory_space<hbm>>
      tpu.wait_indirect_dma semaphore(%arg11 : memref<!tpu.dma_semaphore, #tpu.memory_space<semaphore_mem>>) src(%dma_wait3A_322 : memref<10000x16xf32, #tpu.memory_space<hbm>>) dst(%dma_wait3A_318 : memref<80x16xf32, #tpu.memory_space<vmem>>)
      %add3A_323 = arith.constant 0 : i32
      %add3A_324 = arith.addi %mul3A_309, %add3A_323 : i32
      %dma_start3A_325 = arith.constant 0 : i32
      %dma_start3A_326 = arith.constant 0 : i32
      %dma_start3A_327 = arith.constant 0 : i32
      %dma_start3A_328 = tpu.memref_slice %arg8[%dma_start3A_325, %dma_start3A_326, %dma_start3A_327] : memref<5x80x16xf32, #tpu.memory_space<vmem>> -> memref<1x80x16xf32, #tpu.memory_space<vmem>>
      %dma_start3A_329 = tpu.memref_squeeze %dma_start3A_328 : memref<1x80x16xf32, #tpu.memory_space<vmem>> -> memref<80x16xf32, #tpu.memory_space<vmem>>
      %dma_start3A_330 = arith.constant 0 : i32
      %dma_start3A_331 = tpu.memref_slice %arg7[%add3A_324, %dma_start3A_330] : memref<125x80xi32, #tpu.memory_space<vmem>> -> memref<1x80xi32, #tpu.memory_space<vmem>>
      %dma_start3A_332 = tpu.memref_squeeze %dma_start3A_331 : memref<1x80xi32, #tpu.memory_space<vmem>> -> memref<80xi32, #tpu.memory_space<vmem>>
      %dma_start3A_333 = arith.constant 0 : i32
      %dma_start3A_334 = arith.constant 0 : i32
      %dma_start3A_335 = tpu.memref_slice %arg10[%dma_start3A_333, %dma_start3A_334] : memref<10240x16xf32, #tpu.memory_space<vmem_shared>> -> memref<10240x16xf32, #tpu.memory_space<vmem_shared>>
      tpu.enqueue_indirect_dma source(%dma_start3A_329 : memref<80x16xf32, #tpu.memory_space<vmem>>) target(%dma_start3A_335 : memref<10240x16xf32, #tpu.memory_space<vmem_shared>>) offsets(%dma_start3A_332 : memref<80xi32, #tpu.memory_space<vmem>>) semaphore(%arg16 : memref<!tpu.dma_semaphore, #tpu.memory_space<semaphore_mem>>) {add = true}
      %add3A_336 = arith.constant 1 : i32
      %add3A_337 = arith.addi %mul3A_309, %add3A_336 : i32
      %mul3A_338 = arith.constant 80 : i32
      %mul3A_339 = arith.muli %add3A_337, %mul3A_338 : i32
      %dma_wait3A_340 = arith.constant 1 : i32
      %dma_wait3A_341 = arith.constant 0 : i32
      %dma_wait3A_342 = arith.constant 0 : i32
      %dma_wait3A_343 = tpu.memref_slice %arg8[%dma_wait3A_340, %dma_wait3A_341, %dma_wait3A_342] : memref<5x80x16xf32, #tpu.memory_space<vmem>> -> memref<1x80x16xf32, #tpu.memory_space<vmem>>
      %dma_wait3A_344 = tpu.memref_squeeze %dma_wait3A_343 : memref<1x80x16xf32, #tpu.memory_space<vmem>> -> memref<80x16xf32, #tpu.memory_space<vmem>>
      %dma_wait3A_345 = tpu.memref_slice %arg6[%mul3A_339] : memref<10000xi32, #tpu.memory_space<vmem>> -> memref<80xi32, #tpu.memory_space<vmem>>
      %dma_wait3A_346 = arith.constant 0 : i32
      %dma_wait3A_347 = arith.constant 0 : i32
      %dma_wait3A_348 = tpu.memref_slice %arg2[%dma_wait3A_346, %dma_wait3A_347] : memref<10000x16xf32, #tpu.memory_space<hbm>> -> memref<10000x16xf32, #tpu.memory_space<hbm>>
      tpu.wait_indirect_dma semaphore(%arg12 : memref<!tpu.dma_semaphore, #tpu.memory_space<semaphore_mem>>) src(%dma_wait3A_348 : memref<10000x16xf32, #tpu.memory_space<hbm>>) dst(%dma_wait3A_344 : memref<80x16xf32, #tpu.memory_space<vmem>>)
      %add3A_349 = arith.constant 1 : i32
      %add3A_350 = arith.addi %mul3A_309, %add3A_349 : i32
      %dma_start3A_351 = arith.constant 1 : i32
      %dma_start3A_352 = arith.constant 0 : i32
      %dma_start3A_353 = arith.constant 0 : i32
      %dma_start3A_354 = tpu.memref_slice %arg8[%dma_start3A_351, %dma_start3A_352, %dma_start3A_353] : memref<5x80x16xf32, #tpu.memory_space<vmem>> -> memref<1x80x16xf32, #tpu.memory_space<vmem>>
      %dma_start3A_355 = tpu.memref_squeeze %dma_start3A_354 : memref<1x80x16xf32, #tpu.memory_space<vmem>> -> memref<80x16xf32, #tpu.memory_space<vmem>>
      %dma_start3A_356 = arith.constant 0 : i32
      %dma_start3A_357 = tpu.memref_slice %arg7[%add3A_350, %dma_start3A_356] : memref<125x80xi32, #tpu.memory_space<vmem>> -> memref<1x80xi32, #tpu.memory_space<vmem>>
      %dma_start3A_358 = tpu.memref_squeeze %dma_start3A_357 : memref<1x80xi32, #tpu.memory_space<vmem>> -> memref<80xi32, #tpu.memory_space<vmem>>
      %dma_start3A_359 = arith.constant 0 : i32
      %dma_start3A_360 = arith.constant 0 : i32
      %dma_start3A_361 = tpu.memref_slice %arg10[%dma_start3A_359, %dma_start3A_360] : memref<10240x16xf32, #tpu.memory_space<vmem_shared>> -> memref<10240x16xf32, #tpu.memory_space<vmem_shared>>
      tpu.enqueue_indirect_dma source(%dma_start3A_355 : memref<80x16xf32, #tpu.memory_space<vmem>>) target(%dma_start3A_361 : memref<10240x16xf32, #tpu.memory_space<vmem_shared>>) offsets(%dma_start3A_358 : memref<80xi32, #tpu.memory_space<vmem>>) semaphore(%arg17 : memref<!tpu.dma_semaphore, #tpu.memory_space<semaphore_mem>>) {add = true}
      %add3A_362 = arith.constant 1 : i32
      %add3A_363 = arith.addi %mul3A_309, %add3A_362 : i32
      %sub3A = arith.constant 1 : i32
      %sub3A_364 = arith.subi %add3A_363, %sub3A : i32
      %dma_wait3A_365 = arith.constant 0 : i32
      %dma_wait3A_366 = arith.constant 0 : i32
      %dma_wait3A_367 = arith.constant 0 : i32
      %dma_wait3A_368 = tpu.memref_slice %arg8[%dma_wait3A_365, %dma_wait3A_366, %dma_wait3A_367] : memref<5x80x16xf32, #tpu.memory_space<vmem>> -> memref<1x80x16xf32, #tpu.memory_space<vmem>>
      %dma_wait3A_369 = tpu.memref_squeeze %dma_wait3A_368 : memref<1x80x16xf32, #tpu.memory_space<vmem>> -> memref<80x16xf32, #tpu.memory_space<vmem>>
      %dma_wait3A_370 = arith.constant 0 : i32
      %dma_wait3A_371 = tpu.memref_slice %arg7[%sub3A_364, %dma_wait3A_370] : memref<125x80xi32, #tpu.memory_space<vmem>> -> memref<1x80xi32, #tpu.memory_space<vmem>>
      %dma_wait3A_372 = tpu.memref_squeeze %dma_wait3A_371 : memref<1x80xi32, #tpu.memory_space<vmem>> -> memref<80xi32, #tpu.memory_space<vmem>>
      %dma_wait3A_373 = arith.constant 0 : i32
      %dma_wait3A_374 = arith.constant 0 : i32
      %dma_wait3A_375 = tpu.memref_slice %arg10[%dma_wait3A_373, %dma_wait3A_374] : memref<10240x16xf32, #tpu.memory_space<vmem_shared>> -> memref<10240x16xf32, #tpu.memory_space<vmem_shared>>
      tpu.wait_indirect_dma semaphore(%arg16 : memref<!tpu.dma_semaphore, #tpu.memory_space<semaphore_mem>>) src(%dma_wait3A_369 : memref<80x16xf32, #tpu.memory_space<vmem>>) dst(%dma_wait3A_375 : memref<10240x16xf32, #tpu.memory_space<vmem_shared>>)
      %add3A_376 = arith.constant 5 : i32
      %add3A_377 = arith.addi %mul3A_309, %add3A_376 : i32
      %add3A_378 = arith.constant 1 : i32
      %add3A_379 = arith.addi %add3A_377, %add3A_378 : i32
      %sub3A_380 = arith.constant 1 : i32
      %sub3A_381 = arith.subi %add3A_379, %sub3A_380 : i32
      %mul3A_382 = arith.constant 80 : i32
      %mul3A_383 = arith.muli %sub3A_381, %mul3A_382 : i32
      %dma_start3A_384 = arith.constant 0 : i32
      %dma_start3A_385 = arith.constant 0 : i32
      %dma_start3A_386 = arith.constant 0 : i32
      %dma_start3A_387 = tpu.memref_slice %arg8[%dma_start3A_384, %dma_start3A_385, %dma_start3A_386] : memref<5x80x16xf32, #tpu.memory_space<vmem>> -> memref<1x80x16xf32, #tpu.memory_space<vmem>>
      %dma_start3A_388 = tpu.memref_squeeze %dma_start3A_387 : memref<1x80x16xf32, #tpu.memory_space<vmem>> -> memref<80x16xf32, #tpu.memory_space<vmem>>
      %dma_start3A_389 = tpu.memref_slice %arg6[%mul3A_383] : memref<10000xi32, #tpu.memory_space<vmem>> -> memref<80xi32, #tpu.memory_space<vmem>>
      %dma_start3A_390 = arith.constant 0 : i32
      %dma_start3A_391 = arith.constant 0 : i32
      %dma_start3A_392 = tpu.memref_slice %arg2[%dma_start3A_390, %dma_start3A_391] : memref<10000x16xf32, #tpu.memory_space<hbm>> -> memref<10000x16xf32, #tpu.memory_space<hbm>>
      tpu.enqueue_indirect_dma source(%dma_start3A_392 : memref<10000x16xf32, #tpu.memory_space<hbm>>) target(%dma_start3A_388 : memref<80x16xf32, #tpu.memory_space<vmem>>) offsets(%dma_start3A_389 : memref<80xi32, #tpu.memory_space<vmem>>) semaphore(%arg11 : memref<!tpu.dma_semaphore, #tpu.memory_space<semaphore_mem>>)
      %add3A_393 = arith.constant 2 : i32
      %add3A_394 = arith.addi %mul3A_309, %add3A_393 : i32
      %mul3A_395 = arith.constant 80 : i32
      %mul3A_396 = arith.muli %add3A_394, %mul3A_395 : i32
      %dma_wait3A_397 = arith.constant 2 : i32
      %dma_wait3A_398 = arith.constant 0 : i32
      %dma_wait3A_399 = arith.constant 0 : i32
      %dma_wait3A_400 = tpu.memref_slice %arg8[%dma_wait3A_397, %dma_wait3A_398, %dma_wait3A_399] : memref<5x80x16xf32, #tpu.memory_space<vmem>> -> memref<1x80x16xf32, #tpu.memory_space<vmem>>
      %dma_wait3A_401 = tpu.memref_squeeze %dma_wait3A_400 : memref<1x80x16xf32, #tpu.memory_space<vmem>> -> memref<80x16xf32, #tpu.memory_space<vmem>>
      %dma_wait3A_402 = tpu.memref_slice %arg6[%mul3A_396] : memref<10000xi32, #tpu.memory_space<vmem>> -> memref<80xi32, #tpu.memory_space<vmem>>
      %dma_wait3A_403 = arith.constant 0 : i32
      %dma_wait3A_404 = arith.constant 0 : i32
      %dma_wait3A_405 = tpu.memref_slice %arg2[%dma_wait3A_403, %dma_wait3A_404] : memref<10000x16xf32, #tpu.memory_space<hbm>> -> memref<10000x16xf32, #tpu.memory_space<hbm>>
      tpu.wait_indirect_dma semaphore(%arg13 : memref<!tpu.dma_semaphore, #tpu.memory_space<semaphore_mem>>) src(%dma_wait3A_405 : memref<10000x16xf32, #tpu.memory_space<hbm>>) dst(%dma_wait3A_401 : memref<80x16xf32, #tpu.memory_space<vmem>>)
      %add3A_406 = arith.constant 2 : i32
      %add3A_407 = arith.addi %mul3A_309, %add3A_406 : i32
      %dma_start3A_408 = arith.constant 2 : i32
      %dma_start3A_409 = arith.constant 0 : i32
      %dma_start3A_410 = arith.constant 0 : i32
      %dma_start3A_411 = tpu.memref_slice %arg8[%dma_start3A_408, %dma_start3A_409, %dma_start3A_410] : memref<5x80x16xf32, #tpu.memory_space<vmem>> -> memref<1x80x16xf32, #tpu.memory_space<vmem>>
      %dma_start3A_412 = tpu.memref_squeeze %dma_start3A_411 : memref<1x80x16xf32, #tpu.memory_space<vmem>> -> memref<80x16xf32, #tpu.memory_space<vmem>>
      %dma_start3A_413 = arith.constant 0 : i32
      %dma_start3A_414 = tpu.memref_slice %arg7[%add3A_407, %dma_start3A_413] : memref<125x80xi32, #tpu.memory_space<vmem>> -> memref<1x80xi32, #tpu.memory_space<vmem>>
      %dma_start3A_415 = tpu.memref_squeeze %dma_start3A_414 : memref<1x80xi32, #tpu.memory_space<vmem>> -> memref<80xi32, #tpu.memory_space<vmem>>
      %dma_start3A_416 = arith.constant 0 : i32
      %dma_start3A_417 = arith.constant 0 : i32
      %dma_start3A_418 = tpu.memref_slice %arg10[%dma_start3A_416, %dma_start3A_417] : memref<10240x16xf32, #tpu.memory_space<vmem_shared>> -> memref<10240x16xf32, #tpu.memory_space<vmem_shared>>
      tpu.enqueue_indirect_dma source(%dma_start3A_412 : memref<80x16xf32, #tpu.memory_space<vmem>>) target(%dma_start3A_418 : memref<10240x16xf32, #tpu.memory_space<vmem_shared>>) offsets(%dma_start3A_415 : memref<80xi32, #tpu.memory_space<vmem>>) semaphore(%arg18 : memref<!tpu.dma_semaphore, #tpu.memory_space<semaphore_mem>>) {add = true}
      %add3A_419 = arith.constant 2 : i32
      %add3A_420 = arith.addi %mul3A_309, %add3A_419 : i32
      %sub3A_421 = arith.constant 1 : i32
      %sub3A_422 = arith.subi %add3A_420, %sub3A_421 : i32
      %dma_wait3A_423 = arith.constant 1 : i32
      %dma_wait3A_424 = arith.constant 0 : i32
      %dma_wait3A_425 = arith.constant 0 : i32
      %dma_wait3A_426 = tpu.memref_slice %arg8[%dma_wait3A_423, %dma_wait3A_424, %dma_wait3A_425] : memref<5x80x16xf32, #tpu.memory_space<vmem>> -> memref<1x80x16xf32, #tpu.memory_space<vmem>>
      %dma_wait3A_427 = tpu.memref_squeeze %dma_wait3A_426 : memref<1x80x16xf32, #tpu.memory_space<vmem>> -> memref<80x16xf32, #tpu.memory_space<vmem>>
      %dma_wait3A_428 = arith.constant 0 : i32
      %dma_wait3A_429 = tpu.memref_slice %arg7[%sub3A_422, %dma_wait3A_428] : memref<125x80xi32, #tpu.memory_space<vmem>> -> memref<1x80xi32, #tpu.memory_space<vmem>>
      %dma_wait3A_430 = tpu.memref_squeeze %dma_wait3A_429 : memref<1x80xi32, #tpu.memory_space<vmem>> -> memref<80xi32, #tpu.memory_space<vmem>>
      %dma_wait3A_431 = arith.constant 0 : i32
      %dma_wait3A_432 = arith.constant 0 : i32
      %dma_wait3A_433 = tpu.memref_slice %arg10[%dma_wait3A_431, %dma_wait3A_432] : memref<10240x16xf32, #tpu.memory_space<vmem_shared>> -> memref<10240x16xf32, #tpu.memory_space<vmem_shared>>
      tpu.wait_indirect_dma semaphore(%arg17 : memref<!tpu.dma_semaphore, #tpu.memory_space<semaphore_mem>>) src(%dma_wait3A_427 : memref<80x16xf32, #tpu.memory_space<vmem>>) dst(%dma_wait3A_433 : memref<10240x16xf32, #tpu.memory_space<vmem_shared>>)
      %add3A_434 = arith.constant 5 : i32
      %add3A_435 = arith.addi %mul3A_309, %add3A_434 : i32
      %add3A_436 = arith.constant 2 : i32
      %add3A_437 = arith.addi %add3A_435, %add3A_436 : i32
      %sub3A_438 = arith.constant 1 : i32
      %sub3A_439 = arith.subi %add3A_437, %sub3A_438 : i32
      %mul3A_440 = arith.constant 80 : i32
      %mul3A_441 = arith.muli %sub3A_439, %mul3A_440 : i32
      %dma_start3A_442 = arith.constant 1 : i32
      %dma_start3A_443 = arith.constant 0 : i32
      %dma_start3A_444 = arith.constant 0 : i32
      %dma_start3A_445 = tpu.memref_slice %arg8[%dma_start3A_442, %dma_start3A_443, %dma_start3A_444] : memref<5x80x16xf32, #tpu.memory_space<vmem>> -> memref<1x80x16xf32, #tpu.memory_space<vmem>>
      %dma_start3A_446 = tpu.memref_squeeze %dma_start3A_445 : memref<1x80x16xf32, #tpu.memory_space<vmem>> -> memref<80x16xf32, #tpu.memory_space<vmem>>
      %dma_start3A_447 = tpu.memref_slice %arg6[%mul3A_441] : memref<10000xi32, #tpu.memory_space<vmem>> -> memref<80xi32, #tpu.memory_space<vmem>>
      %dma_start3A_448 = arith.constant 0 : i32
      %dma_start3A_449 = arith.constant 0 : i32
      %dma_start3A_450 = tpu.memref_slice %arg2[%dma_start3A_448, %dma_start3A_449] : memref<10000x16xf32, #tpu.memory_space<hbm>> -> memref<10000x16xf32, #tpu.memory_space<hbm>>
      tpu.enqueue_indirect_dma source(%dma_start3A_450 : memref<10000x16xf32, #tpu.memory_space<hbm>>) target(%dma_start3A_446 : memref<80x16xf32, #tpu.memory_space<vmem>>) offsets(%dma_start3A_447 : memref<80xi32, #tpu.memory_space<vmem>>) semaphore(%arg12 : memref<!tpu.dma_semaphore, #tpu.memory_space<semaphore_mem>>)
      %add3A_451 = arith.constant 3 : i32
      %add3A_452 = arith.addi %mul3A_309, %add3A_451 : i32
      %mul3A_453 = arith.constant 80 : i32
      %mul3A_454 = arith.muli %add3A_452, %mul3A_453 : i32
      %dma_wait3A_455 = arith.constant 3 : i32
      %dma_wait3A_456 = arith.constant 0 : i32
      %dma_wait3A_457 = arith.constant 0 : i32
      %dma_wait3A_458 = tpu.memref_slice %arg8[%dma_wait3A_455, %dma_wait3A_456, %dma_wait3A_457] : memref<5x80x16xf32, #tpu.memory_space<vmem>> -> memref<1x80x16xf32, #tpu.memory_space<vmem>>
      %dma_wait3A_459 = tpu.memref_squeeze %dma_wait3A_458 : memref<1x80x16xf32, #tpu.memory_space<vmem>> -> memref<80x16xf32, #tpu.memory_space<vmem>>
      %dma_wait3A_460 = tpu.memref_slice %arg6[%mul3A_454] : memref<10000xi32, #tpu.memory_space<vmem>> -> memref<80xi32, #tpu.memory_space<vmem>>
      %dma_wait3A_461 = arith.constant 0 : i32
      %dma_wait3A_462 = arith.constant 0 : i32
      %dma_wait3A_463 = tpu.memref_slice %arg2[%dma_wait3A_461, %dma_wait3A_462] : memref<10000x16xf32, #tpu.memory_space<hbm>> -> memref<10000x16xf32, #tpu.memory_space<hbm>>
      tpu.wait_indirect_dma semaphore(%arg14 : memref<!tpu.dma_semaphore, #tpu.memory_space<semaphore_mem>>) src(%dma_wait3A_463 : memref<10000x16xf32, #tpu.memory_space<hbm>>) dst(%dma_wait3A_459 : memref<80x16xf32, #tpu.memory_space<vmem>>)
      %add3A_464 = arith.constant 3 : i32
      %add3A_465 = arith.addi %mul3A_309, %add3A_464 : i32
      %dma_start3A_466 = arith.constant 3 : i32
      %dma_start3A_467 = arith.constant 0 : i32
      %dma_start3A_468 = arith.constant 0 : i32
      %dma_start3A_469 = tpu.memref_slice %arg8[%dma_start3A_466, %dma_start3A_467, %dma_start3A_468] : memref<5x80x16xf32, #tpu.memory_space<vmem>> -> memref<1x80x16xf32, #tpu.memory_space<vmem>>
      %dma_start3A_470 = tpu.memref_squeeze %dma_start3A_469 : memref<1x80x16xf32, #tpu.memory_space<vmem>> -> memref<80x16xf32, #tpu.memory_space<vmem>>
      %dma_start3A_471 = arith.constant 0 : i32
      %dma_start3A_472 = tpu.memref_slice %arg7[%add3A_465, %dma_start3A_471] : memref<125x80xi32, #tpu.memory_space<vmem>> -> memref<1x80xi32, #tpu.memory_space<vmem>>
      %dma_start3A_473 = tpu.memref_squeeze %dma_start3A_472 : memref<1x80xi32, #tpu.memory_space<vmem>> -> memref<80xi32, #tpu.memory_space<vmem>>
      %dma_start3A_474 = arith.constant 0 : i32
      %dma_start3A_475 = arith.constant 0 : i32
      %dma_start3A_476 = tpu.memref_slice %arg10[%dma_start3A_474, %dma_start3A_475] : memref<10240x16xf32, #tpu.memory_space<vmem_shared>> -> memref<10240x16xf32, #tpu.memory_space<vmem_shared>>
      tpu.enqueue_indirect_dma source(%dma_start3A_470 : memref<80x16xf32, #tpu.memory_space<vmem>>) target(%dma_start3A_476 : memref<10240x16xf32, #tpu.memory_space<vmem_shared>>) offsets(%dma_start3A_473 : memref<80xi32, #tpu.memory_space<vmem>>) semaphore(%arg19 : memref<!tpu.dma_semaphore, #tpu.memory_space<semaphore_mem>>) {add = true}
      %add3A_477 = arith.constant 3 : i32
      %add3A_478 = arith.addi %mul3A_309, %add3A_477 : i32
      %sub3A_479 = arith.constant 1 : i32
      %sub3A_480 = arith.subi %add3A_478, %sub3A_479 : i32
      %dma_wait3A_481 = arith.constant 2 : i32
      %dma_wait3A_482 = arith.constant 0 : i32
      %dma_wait3A_483 = arith.constant 0 : i32
      %dma_wait3A_484 = tpu.memref_slice %arg8[%dma_wait3A_481, %dma_wait3A_482, %dma_wait3A_483] : memref<5x80x16xf32, #tpu.memory_space<vmem>> -> memref<1x80x16xf32, #tpu.memory_space<vmem>>
      %dma_wait3A_485 = tpu.memref_squeeze %dma_wait3A_484 : memref<1x80x16xf32, #tpu.memory_space<vmem>> -> memref<80x16xf32, #tpu.memory_space<vmem>>
      %dma_wait3A_486 = arith.constant 0 : i32
      %dma_wait3A_487 = tpu.memref_slice %arg7[%sub3A_480, %dma_wait3A_486] : memref<125x80xi32, #tpu.memory_space<vmem>> -> memref<1x80xi32, #tpu.memory_space<vmem>>
      %dma_wait3A_488 = tpu.memref_squeeze %dma_wait3A_487 : memref<1x80xi32, #tpu.memory_space<vmem>> -> memref<80xi32, #tpu.memory_space<vmem>>
      %dma_wait3A_489 = arith.constant 0 : i32
      %dma_wait3A_490 = arith.constant 0 : i32
      %dma_wait3A_491 = tpu.memref_slice %arg10[%dma_wait3A_489, %dma_wait3A_490] : memref<10240x16xf32, #tpu.memory_space<vmem_shared>> -> memref<10240x16xf32, #tpu.memory_space<vmem_shared>>
      tpu.wait_indirect_dma semaphore(%arg18 : memref<!tpu.dma_semaphore, #tpu.memory_space<semaphore_mem>>) src(%dma_wait3A_485 : memref<80x16xf32, #tpu.memory_space<vmem>>) dst(%dma_wait3A_491 : memref<10240x16xf32, #tpu.memory_space<vmem_shared>>)
      %add3A_492 = arith.constant 5 : i32
      %add3A_493 = arith.addi %mul3A_309, %add3A_492 : i32
      %add3A_494 = arith.constant 3 : i32
      %add3A_495 = arith.addi %add3A_493, %add3A_494 : i32
      %sub3A_496 = arith.constant 1 : i32
      %sub3A_497 = arith.subi %add3A_495, %sub3A_496 : i32
      %mul3A_498 = arith.constant 80 : i32
      %mul3A_499 = arith.muli %sub3A_497, %mul3A_498 : i32
      %dma_start3A_500 = arith.constant 2 : i32
      %dma_start3A_501 = arith.constant 0 : i32
      %dma_start3A_502 = arith.constant 0 : i32
      %dma_start3A_503 = tpu.memref_slice %arg8[%dma_start3A_500, %dma_start3A_501, %dma_start3A_502] : memref<5x80x16xf32, #tpu.memory_space<vmem>> -> memref<1x80x16xf32, #tpu.memory_space<vmem>>
      %dma_start3A_504 = tpu.memref_squeeze %dma_start3A_503 : memref<1x80x16xf32, #tpu.memory_space<vmem>> -> memref<80x16xf32, #tpu.memory_space<vmem>>
      %dma_start3A_505 = tpu.memref_slice %arg6[%mul3A_499] : memref<10000xi32, #tpu.memory_space<vmem>> -> memref<80xi32, #tpu.memory_space<vmem>>
      %dma_start3A_506 = arith.constant 0 : i32
      %dma_start3A_507 = arith.constant 0 : i32
      %dma_start3A_508 = tpu.memref_slice %arg2[%dma_start3A_506, %dma_start3A_507] : memref<10000x16xf32, #tpu.memory_space<hbm>> -> memref<10000x16xf32, #tpu.memory_space<hbm>>
      tpu.enqueue_indirect_dma source(%dma_start3A_508 : memref<10000x16xf32, #tpu.memory_space<hbm>>) target(%dma_start3A_504 : memref<80x16xf32, #tpu.memory_space<vmem>>) offsets(%dma_start3A_505 : memref<80xi32, #tpu.memory_space<vmem>>) semaphore(%arg13 : memref<!tpu.dma_semaphore, #tpu.memory_space<semaphore_mem>>)
      %add3A_509 = arith.constant 4 : i32
      %add3A_510 = arith.addi %mul3A_309, %add3A_509 : i32
      %mul3A_511 = arith.constant 80 : i32
      %mul3A_512 = arith.muli %add3A_510, %mul3A_511 : i32
      %dma_wait3A_513 = arith.constant 4 : i32
      %dma_wait3A_514 = arith.constant 0 : i32
      %dma_wait3A_515 = arith.constant 0 : i32
      %dma_wait3A_516 = tpu.memref_slice %arg8[%dma_wait3A_513, %dma_wait3A_514, %dma_wait3A_515] : memref<5x80x16xf32, #tpu.memory_space<vmem>> -> memref<1x80x16xf32, #tpu.memory_space<vmem>>
      %dma_wait3A_517 = tpu.memref_squeeze %dma_wait3A_516 : memref<1x80x16xf32, #tpu.memory_space<vmem>> -> memref<80x16xf32, #tpu.memory_space<vmem>>
      %dma_wait3A_518 = tpu.memref_slice %arg6[%mul3A_512] : memref<10000xi32, #tpu.memory_space<vmem>> -> memref<80xi32, #tpu.memory_space<vmem>>
      %dma_wait3A_519 = arith.constant 0 : i32
      %dma_wait3A_520 = arith.constant 0 : i32
      %dma_wait3A_521 = tpu.memref_slice %arg2[%dma_wait3A_519, %dma_wait3A_520] : memref<10000x16xf32, #tpu.memory_space<hbm>> -> memref<10000x16xf32, #tpu.memory_space<hbm>>
      tpu.wait_indirect_dma semaphore(%arg15 : memref<!tpu.dma_semaphore, #tpu.memory_space<semaphore_mem>>) src(%dma_wait3A_521 : memref<10000x16xf32, #tpu.memory_space<hbm>>) dst(%dma_wait3A_517 : memref<80x16xf32, #tpu.memory_space<vmem>>)
      %add3A_522 = arith.constant 4 : i32
      %add3A_523 = arith.addi %mul3A_309, %add3A_522 : i32
      %dma_start3A_524 = arith.constant 4 : i32
      %dma_start3A_525 = arith.constant 0 : i32
      %dma_start3A_526 = arith.constant 0 : i32
      %dma_start3A_527 = tpu.memref_slice %arg8[%dma_start3A_524, %dma_start3A_525, %dma_start3A_526] : memref<5x80x16xf32, #tpu.memory_space<vmem>> -> memref<1x80x16xf32, #tpu.memory_space<vmem>>
      %dma_start3A_528 = tpu.memref_squeeze %dma_start3A_527 : memref<1x80x16xf32, #tpu.memory_space<vmem>> -> memref<80x16xf32, #tpu.memory_space<vmem>>
      %dma_start3A_529 = arith.constant 0 : i32
      %dma_start3A_530 = tpu.memref_slice %arg7[%add3A_523, %dma_start3A_529] : memref<125x80xi32, #tpu.memory_space<vmem>> -> memref<1x80xi32, #tpu.memory_space<vmem>>
      %dma_start3A_531 = tpu.memref_squeeze %dma_start3A_530 : memref<1x80xi32, #tpu.memory_space<vmem>> -> memref<80xi32, #tpu.memory_space<vmem>>
      %dma_start3A_532 = arith.constant 0 : i32
      %dma_start3A_533 = arith.constant 0 : i32
      %dma_start3A_534 = tpu.memref_slice %arg10[%dma_start3A_532, %dma_start3A_533] : memref<10240x16xf32, #tpu.memory_space<vmem_shared>> -> memref<10240x16xf32, #tpu.memory_space<vmem_shared>>
      tpu.enqueue_indirect_dma source(%dma_start3A_528 : memref<80x16xf32, #tpu.memory_space<vmem>>) target(%dma_start3A_534 : memref<10240x16xf32, #tpu.memory_space<vmem_shared>>) offsets(%dma_start3A_531 : memref<80xi32, #tpu.memory_space<vmem>>) semaphore(%arg20 : memref<!tpu.dma_semaphore, #tpu.memory_space<semaphore_mem>>) {add = true}
      %add3A_535 = arith.constant 4 : i32
      %add3A_536 = arith.addi %mul3A_309, %add3A_535 : i32
      %sub3A_537 = arith.constant 1 : i32
      %sub3A_538 = arith.subi %add3A_536, %sub3A_537 : i32
      %dma_wait3A_539 = arith.constant 3 : i32
      %dma_wait3A_540 = arith.constant 0 : i32
      %dma_wait3A_541 = arith.constant 0 : i32
      %dma_wait3A_542 = tpu.memref_slice %arg8[%dma_wait3A_539, %dma_wait3A_540, %dma_wait3A_541] : memref<5x80x16xf32, #tpu.memory_space<vmem>> -> memref<1x80x16xf32, #tpu.memory_space<vmem>>
      %dma_wait3A_543 = tpu.memref_squeeze %dma_wait3A_542 : memref<1x80x16xf32, #tpu.memory_space<vmem>> -> memref<80x16xf32, #tpu.memory_space<vmem>>
      %dma_wait3A_544 = arith.constant 0 : i32
      %dma_wait3A_545 = tpu.memref_slice %arg7[%sub3A_538, %dma_wait3A_544] : memref<125x80xi32, #tpu.memory_space<vmem>> -> memref<1x80xi32, #tpu.memory_space<vmem>>
      %dma_wait3A_546 = tpu.memref_squeeze %dma_wait3A_545 : memref<1x80xi32, #tpu.memory_space<vmem>> -> memref<80xi32, #tpu.memory_space<vmem>>
      %dma_wait3A_547 = arith.constant 0 : i32
      %dma_wait3A_548 = arith.constant 0 : i32
      %dma_wait3A_549 = tpu.memref_slice %arg10[%dma_wait3A_547, %dma_wait3A_548] : memref<10240x16xf32, #tpu.memory_space<vmem_shared>> -> memref<10240x16xf32, #tpu.memory_space<vmem_shared>>
      tpu.wait_indirect_dma semaphore(%arg19 : memref<!tpu.dma_semaphore, #tpu.memory_space<semaphore_mem>>) src(%dma_wait3A_543 : memref<80x16xf32, #tpu.memory_space<vmem>>) dst(%dma_wait3A_549 : memref<10240x16xf32, #tpu.memory_space<vmem_shared>>)
      %add3A_550 = arith.constant 5 : i32
      %add3A_551 = arith.addi %mul3A_309, %add3A_550 : i32
      %add3A_552 = arith.constant 4 : i32
      %add3A_553 = arith.addi %add3A_551, %add3A_552 : i32
      %sub3A_554 = arith.constant 1 : i32
      %sub3A_555 = arith.subi %add3A_553, %sub3A_554 : i32
      %mul3A_556 = arith.constant 80 : i32
      %mul3A_557 = arith.muli %sub3A_555, %mul3A_556 : i32
      %dma_start3A_558 = arith.constant 3 : i32
      %dma_start3A_559 = arith.constant 0 : i32
      %dma_start3A_560 = arith.constant 0 : i32
      %dma_start3A_561 = tpu.memref_slice %arg8[%dma_start3A_558, %dma_start3A_559, %dma_start3A_560] : memref<5x80x16xf32, #tpu.memory_space<vmem>> -> memref<1x80x16xf32, #tpu.memory_space<vmem>>
      %dma_start3A_562 = tpu.memref_squeeze %dma_start3A_561 : memref<1x80x16xf32, #tpu.memory_space<vmem>> -> memref<80x16xf32, #tpu.memory_space<vmem>>
      %dma_start3A_563 = tpu.memref_slice %arg6[%mul3A_557] : memref<10000xi32, #tpu.memory_space<vmem>> -> memref<80xi32, #tpu.memory_space<vmem>>
      %dma_start3A_564 = arith.constant 0 : i32
      %dma_start3A_565 = arith.constant 0 : i32
      %dma_start3A_566 = tpu.memref_slice %arg2[%dma_start3A_564, %dma_start3A_565] : memref<10000x16xf32, #tpu.memory_space<hbm>> -> memref<10000x16xf32, #tpu.memory_space<hbm>>
      tpu.enqueue_indirect_dma source(%dma_start3A_566 : memref<10000x16xf32, #tpu.memory_space<hbm>>) target(%dma_start3A_562 : memref<80x16xf32, #tpu.memory_space<vmem>>) offsets(%dma_start3A_563 : memref<80xi32, #tpu.memory_space<vmem>>) semaphore(%arg14 : memref<!tpu.dma_semaphore, #tpu.memory_space<semaphore_mem>>)
      %add3A_567 = arith.constant 5 : i32
      %add3A_568 = arith.addi %mul3A_309, %add3A_567 : i32
      %sub3A_569 = arith.constant 1 : i32
      %sub3A_570 = arith.subi %add3A_568, %sub3A_569 : i32
      %dma_wait3A_571 = arith.constant 4 : i32
      %dma_wait3A_572 = arith.constant 0 : i32
      %dma_wait3A_573 = arith.constant 0 : i32
      %dma_wait3A_574 = tpu.memref_slice %arg8[%dma_wait3A_571, %dma_wait3A_572, %dma_wait3A_573] : memref<5x80x16xf32, #tpu.memory_space<vmem>> -> memref<1x80x16xf32, #tpu.memory_space<vmem>>
      %dma_wait3A_575 = tpu.memref_squeeze %dma_wait3A_574 : memref<1x80x16xf32, #tpu.memory_space<vmem>> -> memref<80x16xf32, #tpu.memory_space<vmem>>
      %dma_wait3A_576 = arith.constant 0 : i32
      %dma_wait3A_577 = tpu.memref_slice %arg7[%sub3A_570, %dma_wait3A_576] : memref<125x80xi32, #tpu.memory_space<vmem>> -> memref<1x80xi32, #tpu.memory_space<vmem>>
      %dma_wait3A_578 = tpu.memref_squeeze %dma_wait3A_577 : memref<1x80xi32, #tpu.memory_space<vmem>> -> memref<80xi32, #tpu.memory_space<vmem>>
      %dma_wait3A_579 = arith.constant 0 : i32
      %dma_wait3A_580 = arith.constant 0 : i32
      %dma_wait3A_581 = tpu.memref_slice %arg10[%dma_wait3A_579, %dma_wait3A_580] : memref<10240x16xf32, #tpu.memory_space<vmem_shared>> -> memref<10240x16xf32, #tpu.memory_space<vmem_shared>>
      tpu.wait_indirect_dma semaphore(%arg20 : memref<!tpu.dma_semaphore, #tpu.memory_space<semaphore_mem>>) src(%dma_wait3A_575 : memref<80x16xf32, #tpu.memory_space<vmem>>) dst(%dma_wait3A_581 : memref<10240x16xf32, #tpu.memory_space<vmem_shared>>)
      %add3A_582 = arith.constant 10 : i32
      %add3A_583 = arith.addi %mul3A_309, %add3A_582 : i32
      %sub3A_584 = arith.constant 1 : i32
      %sub3A_585 = arith.subi %add3A_583, %sub3A_584 : i32
      %mul3A_586 = arith.constant 80 : i32
      %mul3A_587 = arith.muli %sub3A_585, %mul3A_586 : i32
      %dma_start3A_588 = arith.constant 4 : i32
      %dma_start3A_589 = arith.constant 0 : i32
      %dma_start3A_590 = arith.constant 0 : i32
      %dma_start3A_591 = tpu.memref_slice %arg8[%dma_start3A_588, %dma_start3A_589, %dma_start3A_590] : memref<5x80x16xf32, #tpu.memory_space<vmem>> -> memref<1x80x16xf32, #tpu.memory_space<vmem>>
      %dma_start3A_592 = tpu.memref_squeeze %dma_start3A_591 : memref<1x80x16xf32, #tpu.memory_space<vmem>> -> memref<80x16xf32, #tpu.memory_space<vmem>>
      %dma_start3A_593 = tpu.memref_slice %arg6[%mul3A_587] : memref<10000xi32, #tpu.memory_space<vmem>> -> memref<80xi32, #tpu.memory_space<vmem>>
      %dma_start3A_594 = arith.constant 0 : i32
      %dma_start3A_595 = arith.constant 0 : i32
      %dma_start3A_596 = tpu.memref_slice %arg2[%dma_start3A_594, %dma_start3A_595] : memref<10000x16xf32, #tpu.memory_space<hbm>> -> memref<10000x16xf32, #tpu.memory_space<hbm>>
      tpu.enqueue_indirect_dma source(%dma_start3A_596 : memref<10000x16xf32, #tpu.memory_space<hbm>>) target(%dma_start3A_592 : memref<80x16xf32, #tpu.memory_space<vmem>>) offsets(%dma_start3A_593 : memref<80xi32, #tpu.memory_space<vmem>>) semaphore(%arg15 : memref<!tpu.dma_semaphore, #tpu.memory_space<semaphore_mem>>)
      %scan3A_597 = arith.constant 0 : i32
      scf.yield %scan3A_597 : i32
    }
    %scan3A_129 = arith.constant 24 : i32
    %dma_wait3A = arith.constant 0 : i32
    %dma_wait3A_130 = arith.constant 0 : i32
    %dma_wait3A_131 = arith.constant 0 : i32
    %dma_wait3A_132 = tpu.memref_slice %arg8[%dma_wait3A, %dma_wait3A_130, %dma_wait3A_131] : memref<5x80x16xf32, #tpu.memory_space<vmem>> -> memref<1x80x16xf32, #tpu.memory_space<vmem>>
    %dma_wait3A_133 = tpu.memref_squeeze %dma_wait3A_132 : memref<1x80x16xf32, #tpu.memory_space<vmem>> -> memref<80x16xf32, #tpu.memory_space<vmem>>
    %dma_wait3A_134 = arith.constant 9600 : i32
    %dma_wait3A_135 = tpu.memref_slice %arg6[%dma_wait3A_134] : memref<10000xi32, #tpu.memory_space<vmem>> -> memref<80xi32, #tpu.memory_space<vmem>>
    %dma_wait3A_136 = arith.constant 0 : i32
    %dma_wait3A_137 = arith.constant 0 : i32
    %dma_wait3A_138 = tpu.memref_slice %arg2[%dma_wait3A_136, %dma_wait3A_137] : memref<10000x16xf32, #tpu.memory_space<hbm>> -> memref<10000x16xf32, #tpu.memory_space<hbm>>
    tpu.wait_indirect_dma semaphore(%arg11 : memref<!tpu.dma_semaphore, #tpu.memory_space<semaphore_mem>>) src(%dma_wait3A_138 : memref<10000x16xf32, #tpu.memory_space<hbm>>) dst(%dma_wait3A_133 : memref<80x16xf32, #tpu.memory_space<vmem>>)
    %dma_start3A_139 = arith.constant 0 : i32
    %dma_start3A_140 = arith.constant 120 : i32
    %dma_start3A_141 = arith.constant 0 : i32
    %dma_start3A_142 = arith.constant 0 : i32
    %dma_start3A_143 = tpu.memref_slice %arg8[%dma_start3A_139, %dma_start3A_141, %dma_start3A_142] : memref<5x80x16xf32, #tpu.memory_space<vmem>> -> memref<1x80x16xf32, #tpu.memory_space<vmem>>
    %dma_start3A_144 = tpu.memref_squeeze %dma_start3A_143 : memref<1x80x16xf32, #tpu.memory_space<vmem>> -> memref<80x16xf32, #tpu.memory_space<vmem>>
    %dma_start3A_145 = arith.constant 0 : i32
    %dma_start3A_146 = tpu.memref_slice %arg7[%dma_start3A_140, %dma_start3A_145] : memref<125x80xi32, #tpu.memory_space<vmem>> -> memref<1x80xi32, #tpu.memory_space<vmem>>
    %dma_start3A_147 = tpu.memref_squeeze %dma_start3A_146 : memref<1x80xi32, #tpu.memory_space<vmem>> -> memref<80xi32, #tpu.memory_space<vmem>>
    %dma_start3A_148 = arith.constant 0 : i32
    %dma_start3A_149 = arith.constant 0 : i32
    %dma_start3A_150 = tpu.memref_slice %arg10[%dma_start3A_148, %dma_start3A_149] : memref<10240x16xf32, #tpu.memory_space<vmem_shared>> -> memref<10240x16xf32, #tpu.memory_space<vmem_shared>>
    tpu.enqueue_indirect_dma source(%dma_start3A_144 : memref<80x16xf32, #tpu.memory_space<vmem>>) target(%dma_start3A_150 : memref<10240x16xf32, #tpu.memory_space<vmem_shared>>) offsets(%dma_start3A_147 : memref<80xi32, #tpu.memory_space<vmem>>) semaphore(%arg16 : memref<!tpu.dma_semaphore, #tpu.memory_space<semaphore_mem>>) {add = true}
    %dma_wait3A_151 = arith.constant 1 : i32
    %dma_wait3A_152 = arith.constant 0 : i32
    %dma_wait3A_153 = arith.constant 0 : i32
    %dma_wait3A_154 = tpu.memref_slice %arg8[%dma_wait3A_151, %dma_wait3A_152, %dma_wait3A_153] : memref<5x80x16xf32, #tpu.memory_space<vmem>> -> memref<1x80x16xf32, #tpu.memory_space<vmem>>
    %dma_wait3A_155 = tpu.memref_squeeze %dma_wait3A_154 : memref<1x80x16xf32, #tpu.memory_space<vmem>> -> memref<80x16xf32, #tpu.memory_space<vmem>>
    %dma_wait3A_156 = arith.constant 9680 : i32
    %dma_wait3A_157 = tpu.memref_slice %arg6[%dma_wait3A_156] : memref<10000xi32, #tpu.memory_space<vmem>> -> memref<80xi32, #tpu.memory_space<vmem>>
    %dma_wait3A_158 = arith.constant 0 : i32
    %dma_wait3A_159 = arith.constant 0 : i32
    %dma_wait3A_160 = tpu.memref_slice %arg2[%dma_wait3A_158, %dma_wait3A_159] : memref<10000x16xf32, #tpu.memory_space<hbm>> -> memref<10000x16xf32, #tpu.memory_space<hbm>>
    tpu.wait_indirect_dma semaphore(%arg12 : memref<!tpu.dma_semaphore, #tpu.memory_space<semaphore_mem>>) src(%dma_wait3A_160 : memref<10000x16xf32, #tpu.memory_space<hbm>>) dst(%dma_wait3A_155 : memref<80x16xf32, #tpu.memory_space<vmem>>)
    %dma_start3A_161 = arith.constant 1 : i32
    %dma_start3A_162 = arith.constant 121 : i32
    %dma_start3A_163 = arith.constant 0 : i32
    %dma_start3A_164 = arith.constant 0 : i32
    %dma_start3A_165 = tpu.memref_slice %arg8[%dma_start3A_161, %dma_start3A_163, %dma_start3A_164] : memref<5x80x16xf32, #tpu.memory_space<vmem>> -> memref<1x80x16xf32, #tpu.memory_space<vmem>>
    %dma_start3A_166 = tpu.memref_squeeze %dma_start3A_165 : memref<1x80x16xf32, #tpu.memory_space<vmem>> -> memref<80x16xf32, #tpu.memory_space<vmem>>
    %dma_start3A_167 = arith.constant 0 : i32
    %dma_start3A_168 = tpu.memref_slice %arg7[%dma_start3A_162, %dma_start3A_167] : memref<125x80xi32, #tpu.memory_space<vmem>> -> memref<1x80xi32, #tpu.memory_space<vmem>>
    %dma_start3A_169 = tpu.memref_squeeze %dma_start3A_168 : memref<1x80xi32, #tpu.memory_space<vmem>> -> memref<80xi32, #tpu.memory_space<vmem>>
    %dma_start3A_170 = arith.constant 0 : i32
    %dma_start3A_171 = arith.constant 0 : i32
    %dma_start3A_172 = tpu.memref_slice %arg10[%dma_start3A_170, %dma_start3A_171] : memref<10240x16xf32, #tpu.memory_space<vmem_shared>> -> memref<10240x16xf32, #tpu.memory_space<vmem_shared>>
    tpu.enqueue_indirect_dma source(%dma_start3A_166 : memref<80x16xf32, #tpu.memory_space<vmem>>) target(%dma_start3A_172 : memref<10240x16xf32, #tpu.memory_space<vmem_shared>>) offsets(%dma_start3A_169 : memref<80xi32, #tpu.memory_space<vmem>>) semaphore(%arg17 : memref<!tpu.dma_semaphore, #tpu.memory_space<semaphore_mem>>) {add = true}
    %dma_wait3A_173 = arith.constant 2 : i32
    %dma_wait3A_174 = arith.constant 0 : i32
    %dma_wait3A_175 = arith.constant 0 : i32
    %dma_wait3A_176 = tpu.memref_slice %arg8[%dma_wait3A_173, %dma_wait3A_174, %dma_wait3A_175] : memref<5x80x16xf32, #tpu.memory_space<vmem>> -> memref<1x80x16xf32, #tpu.memory_space<vmem>>
    %dma_wait3A_177 = tpu.memref_squeeze %dma_wait3A_176 : memref<1x80x16xf32, #tpu.memory_space<vmem>> -> memref<80x16xf32, #tpu.memory_space<vmem>>
    %dma_wait3A_178 = arith.constant 9760 : i32
    %dma_wait3A_179 = tpu.memref_slice %arg6[%dma_wait3A_178] : memref<10000xi32, #tpu.memory_space<vmem>> -> memref<80xi32, #tpu.memory_space<vmem>>
    %dma_wait3A_180 = arith.constant 0 : i32
    %dma_wait3A_181 = arith.constant 0 : i32
    %dma_wait3A_182 = tpu.memref_slice %arg2[%dma_wait3A_180, %dma_wait3A_181] : memref<10000x16xf32, #tpu.memory_space<hbm>> -> memref<10000x16xf32, #tpu.memory_space<hbm>>
    tpu.wait_indirect_dma semaphore(%arg13 : memref<!tpu.dma_semaphore, #tpu.memory_space<semaphore_mem>>) src(%dma_wait3A_182 : memref<10000x16xf32, #tpu.memory_space<hbm>>) dst(%dma_wait3A_177 : memref<80x16xf32, #tpu.memory_space<vmem>>)
    %dma_start3A_183 = arith.constant 2 : i32
    %dma_start3A_184 = arith.constant 122 : i32
    %dma_start3A_185 = arith.constant 0 : i32
    %dma_start3A_186 = arith.constant 0 : i32
    %dma_start3A_187 = tpu.memref_slice %arg8[%dma_start3A_183, %dma_start3A_185, %dma_start3A_186] : memref<5x80x16xf32, #tpu.memory_space<vmem>> -> memref<1x80x16xf32, #tpu.memory_space<vmem>>
    %dma_start3A_188 = tpu.memref_squeeze %dma_start3A_187 : memref<1x80x16xf32, #tpu.memory_space<vmem>> -> memref<80x16xf32, #tpu.memory_space<vmem>>
    %dma_start3A_189 = arith.constant 0 : i32
    %dma_start3A_190 = tpu.memref_slice %arg7[%dma_start3A_184, %dma_start3A_189] : memref<125x80xi32, #tpu.memory_space<vmem>> -> memref<1x80xi32, #tpu.memory_space<vmem>>
    %dma_start3A_191 = tpu.memref_squeeze %dma_start3A_190 : memref<1x80xi32, #tpu.memory_space<vmem>> -> memref<80xi32, #tpu.memory_space<vmem>>
    %dma_start3A_192 = arith.constant 0 : i32
    %dma_start3A_193 = arith.constant 0 : i32
    %dma_start3A_194 = tpu.memref_slice %arg10[%dma_start3A_192, %dma_start3A_193] : memref<10240x16xf32, #tpu.memory_space<vmem_shared>> -> memref<10240x16xf32, #tpu.memory_space<vmem_shared>>
    tpu.enqueue_indirect_dma source(%dma_start3A_188 : memref<80x16xf32, #tpu.memory_space<vmem>>) target(%dma_start3A_194 : memref<10240x16xf32, #tpu.memory_space<vmem_shared>>) offsets(%dma_start3A_191 : memref<80xi32, #tpu.memory_space<vmem>>) semaphore(%arg18 : memref<!tpu.dma_semaphore, #tpu.memory_space<semaphore_mem>>) {add = true}
    %dma_wait3A_195 = arith.constant 3 : i32
    %dma_wait3A_196 = arith.constant 0 : i32
    %dma_wait3A_197 = arith.constant 0 : i32
    %dma_wait3A_198 = tpu.memref_slice %arg8[%dma_wait3A_195, %dma_wait3A_196, %dma_wait3A_197] : memref<5x80x16xf32, #tpu.memory_space<vmem>> -> memref<1x80x16xf32, #tpu.memory_space<vmem>>
    %dma_wait3A_199 = tpu.memref_squeeze %dma_wait3A_198 : memref<1x80x16xf32, #tpu.memory_space<vmem>> -> memref<80x16xf32, #tpu.memory_space<vmem>>
    %dma_wait3A_200 = arith.constant 9840 : i32
    %dma_wait3A_201 = tpu.memref_slice %arg6[%dma_wait3A_200] : memref<10000xi32, #tpu.memory_space<vmem>> -> memref<80xi32, #tpu.memory_space<vmem>>
    %dma_wait3A_202 = arith.constant 0 : i32
    %dma_wait3A_203 = arith.constant 0 : i32
    %dma_wait3A_204 = tpu.memref_slice %arg2[%dma_wait3A_202, %dma_wait3A_203] : memref<10000x16xf32, #tpu.memory_space<hbm>> -> memref<10000x16xf32, #tpu.memory_space<hbm>>
    tpu.wait_indirect_dma semaphore(%arg14 : memref<!tpu.dma_semaphore, #tpu.memory_space<semaphore_mem>>) src(%dma_wait3A_204 : memref<10000x16xf32, #tpu.memory_space<hbm>>) dst(%dma_wait3A_199 : memref<80x16xf32, #tpu.memory_space<vmem>>)
    %dma_start3A_205 = arith.constant 3 : i32
    %dma_start3A_206 = arith.constant 123 : i32
    %dma_start3A_207 = arith.constant 0 : i32
    %dma_start3A_208 = arith.constant 0 : i32
    %dma_start3A_209 = tpu.memref_slice %arg8[%dma_start3A_205, %dma_start3A_207, %dma_start3A_208] : memref<5x80x16xf32, #tpu.memory_space<vmem>> -> memref<1x80x16xf32, #tpu.memory_space<vmem>>
    %dma_start3A_210 = tpu.memref_squeeze %dma_start3A_209 : memref<1x80x16xf32, #tpu.memory_space<vmem>> -> memref<80x16xf32, #tpu.memory_space<vmem>>
    %dma_start3A_211 = arith.constant 0 : i32
    %dma_start3A_212 = tpu.memref_slice %arg7[%dma_start3A_206, %dma_start3A_211] : memref<125x80xi32, #tpu.memory_space<vmem>> -> memref<1x80xi32, #tpu.memory_space<vmem>>
    %dma_start3A_213 = tpu.memref_squeeze %dma_start3A_212 : memref<1x80xi32, #tpu.memory_space<vmem>> -> memref<80xi32, #tpu.memory_space<vmem>>
    %dma_start3A_214 = arith.constant 0 : i32
    %dma_start3A_215 = arith.constant 0 : i32
    %dma_start3A_216 = tpu.memref_slice %arg10[%dma_start3A_214, %dma_start3A_215] : memref<10240x16xf32, #tpu.memory_space<vmem_shared>> -> memref<10240x16xf32, #tpu.memory_space<vmem_shared>>
    tpu.enqueue_indirect_dma source(%dma_start3A_210 : memref<80x16xf32, #tpu.memory_space<vmem>>) target(%dma_start3A_216 : memref<10240x16xf32, #tpu.memory_space<vmem_shared>>) offsets(%dma_start3A_213 : memref<80xi32, #tpu.memory_space<vmem>>) semaphore(%arg19 : memref<!tpu.dma_semaphore, #tpu.memory_space<semaphore_mem>>) {add = true}
    %dma_wait3A_217 = arith.constant 4 : i32
    %dma_wait3A_218 = arith.constant 0 : i32
    %dma_wait3A_219 = arith.constant 0 : i32
    %dma_wait3A_220 = tpu.memref_slice %arg8[%dma_wait3A_217, %dma_wait3A_218, %dma_wait3A_219] : memref<5x80x16xf32, #tpu.memory_space<vmem>> -> memref<1x80x16xf32, #tpu.memory_space<vmem>>
    %dma_wait3A_221 = tpu.memref_squeeze %dma_wait3A_220 : memref<1x80x16xf32, #tpu.memory_space<vmem>> -> memref<80x16xf32, #tpu.memory_space<vmem>>
    %dma_wait3A_222 = arith.constant 9920 : i32
    %dma_wait3A_223 = tpu.memref_slice %arg6[%dma_wait3A_222] : memref<10000xi32, #tpu.memory_space<vmem>> -> memref<80xi32, #tpu.memory_space<vmem>>
    %dma_wait3A_224 = arith.constant 0 : i32
    %dma_wait3A_225 = arith.constant 0 : i32
    %dma_wait3A_226 = tpu.memref_slice %arg2[%dma_wait3A_224, %dma_wait3A_225] : memref<10000x16xf32, #tpu.memory_space<hbm>> -> memref<10000x16xf32, #tpu.memory_space<hbm>>
    tpu.wait_indirect_dma semaphore(%arg15 : memref<!tpu.dma_semaphore, #tpu.memory_space<semaphore_mem>>) src(%dma_wait3A_226 : memref<10000x16xf32, #tpu.memory_space<hbm>>) dst(%dma_wait3A_221 : memref<80x16xf32, #tpu.memory_space<vmem>>)
    %dma_start3A_227 = arith.constant 4 : i32
    %dma_start3A_228 = arith.constant 124 : i32
    %dma_start3A_229 = arith.constant 0 : i32
    %dma_start3A_230 = arith.constant 0 : i32
    %dma_start3A_231 = tpu.memref_slice %arg8[%dma_start3A_227, %dma_start3A_229, %dma_start3A_230] : memref<5x80x16xf32, #tpu.memory_space<vmem>> -> memref<1x80x16xf32, #tpu.memory_space<vmem>>
    %dma_start3A_232 = tpu.memref_squeeze %dma_start3A_231 : memref<1x80x16xf32, #tpu.memory_space<vmem>> -> memref<80x16xf32, #tpu.memory_space<vmem>>
    %dma_start3A_233 = arith.constant 0 : i32
    %dma_start3A_234 = tpu.memref_slice %arg7[%dma_start3A_228, %dma_start3A_233] : memref<125x80xi32, #tpu.memory_space<vmem>> -> memref<1x80xi32, #tpu.memory_space<vmem>>
    %dma_start3A_235 = tpu.memref_squeeze %dma_start3A_234 : memref<1x80xi32, #tpu.memory_space<vmem>> -> memref<80xi32, #tpu.memory_space<vmem>>
    %dma_start3A_236 = arith.constant 0 : i32
    %dma_start3A_237 = arith.constant 0 : i32
    %dma_start3A_238 = tpu.memref_slice %arg10[%dma_start3A_236, %dma_start3A_237] : memref<10240x16xf32, #tpu.memory_space<vmem_shared>> -> memref<10240x16xf32, #tpu.memory_space<vmem_shared>>
    tpu.enqueue_indirect_dma source(%dma_start3A_232 : memref<80x16xf32, #tpu.memory_space<vmem>>) target(%dma_start3A_238 : memref<10240x16xf32, #tpu.memory_space<vmem_shared>>) offsets(%dma_start3A_235 : memref<80xi32, #tpu.memory_space<vmem>>) semaphore(%arg20 : memref<!tpu.dma_semaphore, #tpu.memory_space<semaphore_mem>>) {add = true}
    %dma_wait3A_239 = arith.constant 0 : i32
    %dma_wait3A_240 = arith.constant 120 : i32
    %dma_wait3A_241 = arith.constant 0 : i32
    %dma_wait3A_242 = arith.constant 0 : i32
    %dma_wait3A_243 = tpu.memref_slice %arg8[%dma_wait3A_239, %dma_wait3A_241, %dma_wait3A_242] : memref<5x80x16xf32, #tpu.memory_space<vmem>> -> memref<1x80x16xf32, #tpu.memory_space<vmem>>
    %dma_wait3A_244 = tpu.memref_squeeze %dma_wait3A_243 : memref<1x80x16xf32, #tpu.memory_space<vmem>> -> memref<80x16xf32, #tpu.memory_space<vmem>>
    %dma_wait3A_245 = arith.constant 0 : i32
    %dma_wait3A_246 = tpu.memref_slice %arg7[%dma_wait3A_240, %dma_wait3A_245] : memref<125x80xi32, #tpu.memory_space<vmem>> -> memref<1x80xi32, #tpu.memory_space<vmem>>
    %dma_wait3A_247 = tpu.memref_squeeze %dma_wait3A_246 : memref<1x80xi32, #tpu.memory_space<vmem>> -> memref<80xi32, #tpu.memory_space<vmem>>
    %dma_wait3A_248 = arith.constant 0 : i32
    %dma_wait3A_249 = arith.constant 0 : i32
    %dma_wait3A_250 = tpu.memref_slice %arg10[%dma_wait3A_248, %dma_wait3A_249] : memref<10240x16xf32, #tpu.memory_space<vmem_shared>> -> memref<10240x16xf32, #tpu.memory_space<vmem_shared>>
    tpu.wait_indirect_dma semaphore(%arg16 : memref<!tpu.dma_semaphore, #tpu.memory_space<semaphore_mem>>) src(%dma_wait3A_244 : memref<80x16xf32, #tpu.memory_space<vmem>>) dst(%dma_wait3A_250 : memref<10240x16xf32, #tpu.memory_space<vmem_shared>>)
    %dma_wait3A_251 = arith.constant 1 : i32
    %dma_wait3A_252 = arith.constant 121 : i32
    %dma_wait3A_253 = arith.constant 0 : i32
    %dma_wait3A_254 = arith.constant 0 : i32
    %dma_wait3A_255 = tpu.memref_slice %arg8[%dma_wait3A_251, %dma_wait3A_253, %dma_wait3A_254] : memref<5x80x16xf32, #tpu.memory_space<vmem>> -> memref<1x80x16xf32, #tpu.memory_space<vmem>>
    %dma_wait3A_256 = tpu.memref_squeeze %dma_wait3A_255 : memref<1x80x16xf32, #tpu.memory_space<vmem>> -> memref<80x16xf32, #tpu.memory_space<vmem>>
    %dma_wait3A_257 = arith.constant 0 : i32
    %dma_wait3A_258 = tpu.memref_slice %arg7[%dma_wait3A_252, %dma_wait3A_257] : memref<125x80xi32, #tpu.memory_space<vmem>> -> memref<1x80xi32, #tpu.memory_space<vmem>>
    %dma_wait3A_259 = tpu.memref_squeeze %dma_wait3A_258 : memref<1x80xi32, #tpu.memory_space<vmem>> -> memref<80xi32, #tpu.memory_space<vmem>>
    %dma_wait3A_260 = arith.constant 0 : i32
    %dma_wait3A_261 = arith.constant 0 : i32
    %dma_wait3A_262 = tpu.memref_slice %arg10[%dma_wait3A_260, %dma_wait3A_261] : memref<10240x16xf32, #tpu.memory_space<vmem_shared>> -> memref<10240x16xf32, #tpu.memory_space<vmem_shared>>
    tpu.wait_indirect_dma semaphore(%arg17 : memref<!tpu.dma_semaphore, #tpu.memory_space<semaphore_mem>>) src(%dma_wait3A_256 : memref<80x16xf32, #tpu.memory_space<vmem>>) dst(%dma_wait3A_262 : memref<10240x16xf32, #tpu.memory_space<vmem_shared>>)
    %dma_wait3A_263 = arith.constant 2 : i32
    %dma_wait3A_264 = arith.constant 122 : i32
    %dma_wait3A_265 = arith.constant 0 : i32
    %dma_wait3A_266 = arith.constant 0 : i32
    %dma_wait3A_267 = tpu.memref_slice %arg8[%dma_wait3A_263, %dma_wait3A_265, %dma_wait3A_266] : memref<5x80x16xf32, #tpu.memory_space<vmem>> -> memref<1x80x16xf32, #tpu.memory_space<vmem>>
    %dma_wait3A_268 = tpu.memref_squeeze %dma_wait3A_267 : memref<1x80x16xf32, #tpu.memory_space<vmem>> -> memref<80x16xf32, #tpu.memory_space<vmem>>
    %dma_wait3A_269 = arith.constant 0 : i32
    %dma_wait3A_270 = tpu.memref_slice %arg7[%dma_wait3A_264, %dma_wait3A_269] : memref<125x80xi32, #tpu.memory_space<vmem>> -> memref<1x80xi32, #tpu.memory_space<vmem>>
    %dma_wait3A_271 = tpu.memref_squeeze %dma_wait3A_270 : memref<1x80xi32, #tpu.memory_space<vmem>> -> memref<80xi32, #tpu.memory_space<vmem>>
    %dma_wait3A_272 = arith.constant 0 : i32
    %dma_wait3A_273 = arith.constant 0 : i32
    %dma_wait3A_274 = tpu.memref_slice %arg10[%dma_wait3A_272, %dma_wait3A_273] : memref<10240x16xf32, #tpu.memory_space<vmem_shared>> -> memref<10240x16xf32, #tpu.memory_space<vmem_shared>>
    tpu.wait_indirect_dma semaphore(%arg18 : memref<!tpu.dma_semaphore, #tpu.memory_space<semaphore_mem>>) src(%dma_wait3A_268 : memref<80x16xf32, #tpu.memory_space<vmem>>) dst(%dma_wait3A_274 : memref<10240x16xf32, #tpu.memory_space<vmem_shared>>)
    %dma_wait3A_275 = arith.constant 3 : i32
    %dma_wait3A_276 = arith.constant 123 : i32
    %dma_wait3A_277 = arith.constant 0 : i32
    %dma_wait3A_278 = arith.constant 0 : i32
    %dma_wait3A_279 = tpu.memref_slice %arg8[%dma_wait3A_275, %dma_wait3A_277, %dma_wait3A_278] : memref<5x80x16xf32, #tpu.memory_space<vmem>> -> memref<1x80x16xf32, #tpu.memory_space<vmem>>
    %dma_wait3A_280 = tpu.memref_squeeze %dma_wait3A_279 : memref<1x80x16xf32, #tpu.memory_space<vmem>> -> memref<80x16xf32, #tpu.memory_space<vmem>>
    %dma_wait3A_281 = arith.constant 0 : i32
    %dma_wait3A_282 = tpu.memref_slice %arg7[%dma_wait3A_276, %dma_wait3A_281] : memref<125x80xi32, #tpu.memory_space<vmem>> -> memref<1x80xi32, #tpu.memory_space<vmem>>
    %dma_wait3A_283 = tpu.memref_squeeze %dma_wait3A_282 : memref<1x80xi32, #tpu.memory_space<vmem>> -> memref<80xi32, #tpu.memory_space<vmem>>
    %dma_wait3A_284 = arith.constant 0 : i32
    %dma_wait3A_285 = arith.constant 0 : i32
    %dma_wait3A_286 = tpu.memref_slice %arg10[%dma_wait3A_284, %dma_wait3A_285] : memref<10240x16xf32, #tpu.memory_space<vmem_shared>> -> memref<10240x16xf32, #tpu.memory_space<vmem_shared>>
    tpu.wait_indirect_dma semaphore(%arg19 : memref<!tpu.dma_semaphore, #tpu.memory_space<semaphore_mem>>) src(%dma_wait3A_280 : memref<80x16xf32, #tpu.memory_space<vmem>>) dst(%dma_wait3A_286 : memref<10240x16xf32, #tpu.memory_space<vmem_shared>>)
    %dma_wait3A_287 = arith.constant 4 : i32
    %dma_wait3A_288 = arith.constant 124 : i32
    %dma_wait3A_289 = arith.constant 0 : i32
    %dma_wait3A_290 = arith.constant 0 : i32
    %dma_wait3A_291 = tpu.memref_slice %arg8[%dma_wait3A_287, %dma_wait3A_289, %dma_wait3A_290] : memref<5x80x16xf32, #tpu.memory_space<vmem>> -> memref<1x80x16xf32, #tpu.memory_space<vmem>>
    %dma_wait3A_292 = tpu.memref_squeeze %dma_wait3A_291 : memref<1x80x16xf32, #tpu.memory_space<vmem>> -> memref<80x16xf32, #tpu.memory_space<vmem>>
    %dma_wait3A_293 = arith.constant 0 : i32
    %dma_wait3A_294 = tpu.memref_slice %arg7[%dma_wait3A_288, %dma_wait3A_293] : memref<125x80xi32, #tpu.memory_space<vmem>> -> memref<1x80xi32, #tpu.memory_space<vmem>>
    %dma_wait3A_295 = tpu.memref_squeeze %dma_wait3A_294 : memref<1x80xi32, #tpu.memory_space<vmem>> -> memref<80xi32, #tpu.memory_space<vmem>>
    %dma_wait3A_296 = arith.constant 0 : i32
    %dma_wait3A_297 = arith.constant 0 : i32
    %dma_wait3A_298 = tpu.memref_slice %arg10[%dma_wait3A_296, %dma_wait3A_297] : memref<10240x16xf32, #tpu.memory_space<vmem_shared>> -> memref<10240x16xf32, #tpu.memory_space<vmem_shared>>
    tpu.wait_indirect_dma semaphore(%arg20 : memref<!tpu.dma_semaphore, #tpu.memory_space<semaphore_mem>>) src(%dma_wait3A_292 : memref<80x16xf32, #tpu.memory_space<vmem>>) dst(%dma_wait3A_298 : memref<10240x16xf32, #tpu.memory_space<vmem_shared>>)
    %barrier3A_299 = arith.constant 0 : index
    tpu.barrier barrier_id(%barrier3A_299)
    %lt3A = arith.constant 15 : i32
    %lt3A_300 = arith.cmpi slt, %arg1, %lt3A : i32
    %convert_element_type3A = arith.extui %lt3A_300 : i1 to i32
    %cond3A = arith.constant 0 : i32
    %cond3A_301 = arith.cmpi ne, %convert_element_type3A, %cond3A : i32
    scf.if %cond3A_301 {
      %mul3A_306 = arith.constant 640 : i32
      %mul3A_307 = arith.muli %arg1, %mul3A_306 : i32
      %mul3A_308 = arith.constant 640 : i32
      %mul3A_309 = arith.muli %arg1, %mul3A_308 : i32
      "tpu.region"() ({
        %run_scoped3A_310 = tpu.sem_alloc : memref<!tpu.dma_semaphore, #tpu.memory_space<semaphore_mem>>
        %dma_start3A_311 = arith.constant 0 : i32
        %dma_start3A_312 = tpu.memref_slice %arg5[%arg0, %mul3A_309, %dma_start3A_311] : memref<2x10000x16xf32, #tpu.memory_space<hbm>> -> memref<1x640x16xf32, #tpu.memory_space<hbm>>
        %dma_start3A_313 = tpu.memref_squeeze %dma_start3A_312 : memref<1x640x16xf32, #tpu.memory_space<hbm>> -> memref<640x16xf32, #tpu.memory_space<hbm>>
        %dma_start3A_314 = arith.constant 0 : i32
        %dma_start3A_315 = tpu.memref_slice %arg10[%mul3A_307, %dma_start3A_314] : memref<10240x16xf32, #tpu.memory_space<vmem_shared>> -> memref<640x16xf32, #tpu.memory_space<vmem_shared>>
        tpu.enqueue_dma source(%dma_start3A_315 : memref<640x16xf32, #tpu.memory_space<vmem_shared>>) target(%dma_start3A_313 : memref<640x16xf32, #tpu.memory_space<hbm>>) target_semaphore(%run_scoped3A_310 : memref<!tpu.dma_semaphore, #tpu.memory_space<semaphore_mem>>)
        %dma_wait3A_316 = arith.constant 0 : i32
        %dma_wait3A_317 = tpu.memref_slice %arg5[%arg0, %mul3A_309, %dma_wait3A_316] : memref<2x10000x16xf32, #tpu.memory_space<hbm>> -> memref<1x640x16xf32, #tpu.memory_space<hbm>>
        %dma_wait3A_318 = tpu.memref_squeeze %dma_wait3A_317 : memref<1x640x16xf32, #tpu.memory_space<hbm>> -> memref<640x16xf32, #tpu.memory_space<hbm>>
        %dma_wait3A_319 = arith.constant 0 : i32
        %dma_wait3A_320 = tpu.memref_slice %arg10[%mul3A_307, %dma_wait3A_319] : memref<10240x16xf32, #tpu.memory_space<vmem_shared>> -> memref<640x16xf32, #tpu.memory_space<vmem_shared>>
        tpu.wait_dma2 semaphore(%run_scoped3A_310 : memref<!tpu.dma_semaphore, #tpu.memory_space<semaphore_mem>>) src(%dma_wait3A_320 : memref<640x16xf32, #tpu.memory_space<vmem_shared>>) dst(%dma_wait3A_318 : memref<640x16xf32, #tpu.memory_space<hbm>>)
        tpu.yield
      }) : () -> ()
    } else {
    }
    %eq3A = arith.constant 15 : i32
    %eq3A_302 = arith.cmpi eq, %arg1, %eq3A : i32
    %convert_element_type3A_303 = arith.extui %eq3A_302 : i1 to i32
    %cond3A_304 = arith.constant 0 : i32
    %cond3A_305 = arith.cmpi ne, %convert_element_type3A_303, %cond3A_304 : i32
    scf.if %cond3A_305 {
      "tpu.region"() ({
        %run_scoped3A_306 = tpu.sem_alloc : memref<!tpu.dma_semaphore, #tpu.memory_space<semaphore_mem>>
        %dma_start3A_307 = arith.constant 9600 : i32
        %dma_start3A_308 = arith.constant 0 : i32
        %dma_start3A_309 = tpu.memref_slice %arg5[%arg0, %dma_start3A_307, %dma_start3A_308] : memref<2x10000x16xf32, #tpu.memory_space<hbm>> -> memref<1x400x16xf32, #tpu.memory_space<hbm>>
        %dma_start3A_310 = tpu.memref_squeeze %dma_start3A_309 : memref<1x400x16xf32, #tpu.memory_space<hbm>> -> memref<400x16xf32, #tpu.memory_space<hbm>>
        %dma_start3A_311 = arith.constant 9600 : i32
        %dma_start3A_312 = arith.constant 0 : i32
        %dma_start3A_313 = tpu.memref_slice %arg10[%dma_start3A_311, %dma_start3A_312] : memref<10240x16xf32, #tpu.memory_space<vmem_shared>> -> memref<400x16xf32, #tpu.memory_space<vmem_shared>>
        tpu.enqueue_dma source(%dma_start3A_313 : memref<400x16xf32, #tpu.memory_space<vmem_shared>>) target(%dma_start3A_310 : memref<400x16xf32, #tpu.memory_space<hbm>>) target_semaphore(%run_scoped3A_306 : memref<!tpu.dma_semaphore, #tpu.memory_space<semaphore_mem>>)
        %dma_wait3A_314 = arith.constant 9600 : i32
        %dma_wait3A_315 = arith.constant 0 : i32
        %dma_wait3A_316 = tpu.memref_slice %arg5[%arg0, %dma_wait3A_314, %dma_wait3A_315] : memref<2x10000x16xf32, #tpu.memory_space<hbm>> -> memref<1x400x16xf32, #tpu.memory_space<hbm>>
        %dma_wait3A_317 = tpu.memref_squeeze %dma_wait3A_316 : memref<1x400x16xf32, #tpu.memory_space<hbm>> -> memref<400x16xf32, #tpu.memory_space<hbm>>
        %dma_wait3A_318 = arith.constant 9600 : i32
        %dma_wait3A_319 = arith.constant 0 : i32
        %dma_wait3A_320 = tpu.memref_slice %arg10[%dma_wait3A_318, %dma_wait3A_319] : memref<10240x16xf32, #tpu.memory_space<vmem_shared>> -> memref<400x16xf32, #tpu.memory_space<vmem_shared>>
        tpu.wait_dma2 semaphore(%run_scoped3A_306 : memref<!tpu.dma_semaphore, #tpu.memory_space<semaphore_mem>>) src(%dma_wait3A_320 : memref<400x16xf32, #tpu.memory_space<vmem_shared>>) dst(%dma_wait3A_317 : memref<400x16xf32, #tpu.memory_space<hbm>>)
        tpu.yield
      }) : () -> ()
    } else {
    }
    return
  }
}

#map = affine_map<(d0, d1) -> (0, 0)>
#map1 = affine_map<(d0, d1) -> (0, 0, 0)>
module attributes {stable_mosaic.version = 14 : i64} {
  func.func @_deg_adj(%arg0: i32, %arg1: i32, %arg2: memref<2x320000xi32, #tpu.memory_space<hbm>>, %arg3: memref<2x10000xf32, #tpu.memory_space<hbm>>, %arg4: memref<32x125x80xi32, #tpu.memory_space<hbm>>, %arg5: memref<10000xi32, #tpu.memory_space<vmem>>, %arg6: memref<10000xi32, #tpu.memory_space<vmem>>, %arg7: memref<125x80xi32, #tpu.memory_space<vmem>>, %arg8: memref<80xf32, #tpu.memory_space<vmem>>, %arg9: memref<640xf32, #tpu.memory_space<vmem>>, %arg10: memref<10240xf32, #tpu.memory_space<vmem_shared>>, %arg11: memref<!tpu.dma_semaphore, #tpu.memory_space<semaphore_mem>>) attributes {dimension_semantics = [#tpu.dimension_semantics<core_parallel>, #tpu.dimension_semantics<subcore_parallel>], iteration_bounds = array<i64: 2, 16>, scalar_prefetch = 0 : i64, scratch_operands = 7 : i64, tpu.core_type = #tpu.core_type<sc_vector_subcore>, window_params = [{transform_indices = #map}, {transform_indices = #map}, {transform_indices = #map1}]} {
    %mul3A = arith.constant 16 : i32
    %mul3A_0 = arith.muli %arg0, %mul3A : i32
    %add3A = arith.addi %mul3A_0, %arg1 : i32
    %broadcast_in_dim3A = arith.constant 0.000000e+00 : f32
    %broadcast_in_dim3A_1 = vector.broadcast %broadcast_in_dim3A : f32 to vector<16xf32>
    %broadcast_in_dim3A_2 = arith.constant 1.000000e+00 : f32
    %broadcast_in_dim3A_3 = vector.broadcast %broadcast_in_dim3A_2 : f32 to vector<16xf32>
    %scan3A = arith.constant 0 : i32
    %scan3A_4 = arith.constant 0 : i32
    %scan3A_5 = arith.constant 40 : i32
    %scan3A_6 = arith.addi %scan3A_4, %scan3A_5 : i32
    %scan3A_7 = arith.constant 1 : i32
    %scan3A_8 = scf.for %scan3A_45 = %scan3A_4 to %scan3A_6 step %scan3A_7 iter_args(%scan3A_46 = %scan3A) -> (i32)  : i32 {
      %mul3A_47 = arith.constant 16 : i32
      %mul3A_48 = arith.muli %scan3A_45, %mul3A_47 : i32
      %swap3A = arith.index_cast %mul3A_48 : i32 to index
      %swap3A_49 = tpu.vector_load %arg9[%swap3A] {strides = array<i32>} : memref<640xf32, #tpu.memory_space<vmem>>, vector<16xf32>,
      %swap3A_50 = vector.shape_cast %swap3A_49 : vector<16xf32> to vector<16xf32>
      %swap3A_51 = vector.shape_cast %broadcast_in_dim3A_1 : vector<16xf32> to vector<16xf32>
      tpu.vector_store %arg9[%swap3A], %swap3A_51 {strides = array<i32>} : memref<640xf32, #tpu.memory_space<vmem>>, vector<16xf32>,
      %scan3A_52 = arith.constant 0 : i32
      scf.yield %scan3A_52 : i32
    }
    %scan3A_9 = arith.constant 40 : i32
    %scan3A_10 = arith.constant 0 : i32
    %scan3A_11 = arith.constant 0 : i32
    %scan3A_12 = arith.constant 5 : i32
    %scan3A_13 = arith.addi %scan3A_11, %scan3A_12 : i32
    %scan3A_14 = arith.constant 1 : i32
    %scan3A_15 = scf.for %scan3A_45 = %scan3A_11 to %scan3A_13 step %scan3A_14 iter_args(%scan3A_46 = %scan3A_10) -> (i32)  : i32 {
      %mul3A_47 = arith.constant 16 : i32
      %mul3A_48 = arith.muli %scan3A_45, %mul3A_47 : i32
      %swap3A = arith.index_cast %mul3A_48 : i32 to index
      %swap3A_49 = tpu.vector_load %arg8[%swap3A] {strides = array<i32>} : memref<80xf32, #tpu.memory_space<vmem>>, vector<16xf32>,
      %swap3A_50 = vector.shape_cast %swap3A_49 : vector<16xf32> to vector<16xf32>
      %swap3A_51 = vector.shape_cast %broadcast_in_dim3A_3 : vector<16xf32> to vector<16xf32>
      tpu.vector_store %arg8[%swap3A], %swap3A_51 {strides = array<i32>} : memref<80xf32, #tpu.memory_space<vmem>>, vector<16xf32>,
      %scan3A_52 = arith.constant 0 : i32
      scf.yield %scan3A_52 : i32
    }
    %scan3A_16 = arith.constant 5 : i32
    %mul3A_17 = arith.constant 640 : i32
    %mul3A_18 = arith.muli %arg1, %mul3A_17 : i32
    "tpu.region"() ({
      %run_scoped3A_45 = tpu.sem_alloc : memref<!tpu.dma_semaphore, #tpu.memory_space<semaphore_mem>>
      %dma_start3A = tpu.memref_slice %arg10[%mul3A_18] : memref<10240xf32, #tpu.memory_space<vmem_shared>> -> memref<640xf32, #tpu.memory_space<vmem_shared>>
      %dma_start3A_46 = tpu.memref_slice %arg10[%mul3A_18] : memref<10240xf32, #tpu.memory_space<vmem_shared>> -> memref<640xf32, #tpu.memory_space<vmem_shared>>
      tpu.enqueue_dma source(%arg9 : memref<640xf32, #tpu.memory_space<vmem>>) target(%dma_start3A_46 : memref<640xf32, #tpu.memory_space<vmem_shared>>) target_semaphore(%run_scoped3A_45 : memref<!tpu.dma_semaphore, #tpu.memory_space<semaphore_mem>>)
      %dma_wait3A = tpu.memref_slice %arg10[%mul3A_18] : memref<10240xf32, #tpu.memory_space<vmem_shared>> -> memref<640xf32, #tpu.memory_space<vmem_shared>>
      %dma_wait3A_47 = tpu.memref_slice %arg10[%mul3A_18] : memref<10240xf32, #tpu.memory_space<vmem_shared>> -> memref<640xf32, #tpu.memory_space<vmem_shared>>
      tpu.wait_dma2 semaphore(%run_scoped3A_45 : memref<!tpu.dma_semaphore, #tpu.memory_space<semaphore_mem>>) src(%arg9 : memref<640xf32, #tpu.memory_space<vmem>>) dst(%dma_wait3A_47 : memref<640xf32, #tpu.memory_space<vmem_shared>>)
      tpu.yield
    }) : () -> ()
    %mul3A_19 = arith.constant 10000 : i32
    %mul3A_20 = arith.muli %add3A, %mul3A_19 : i32
    %run_scoped3A = arith.constant 0 : i32
    "tpu.region"() ({
      %run_scoped3A_45 = tpu.sem_alloc : memref<!tpu.dma_semaphore, #tpu.memory_space<semaphore_mem>>
      %dma_start3A = tpu.memref_slice %arg2[%run_scoped3A, %mul3A_20] : memref<2x320000xi32, #tpu.memory_space<hbm>> -> memref<1x10000xi32, #tpu.memory_space<hbm>>
      %dma_start3A_46 = tpu.memref_squeeze %dma_start3A : memref<1x10000xi32, #tpu.memory_space<hbm>> -> memref<10000xi32, #tpu.memory_space<hbm>>
      %dma_start3A_47 = tpu.memref_slice %arg2[%run_scoped3A, %mul3A_20] : memref<2x320000xi32, #tpu.memory_space<hbm>> -> memref<1x10000xi32, #tpu.memory_space<hbm>>
      %dma_start3A_48 = tpu.memref_squeeze %dma_start3A_47 : memref<1x10000xi32, #tpu.memory_space<hbm>> -> memref<10000xi32, #tpu.memory_space<hbm>>
      tpu.enqueue_dma source(%dma_start3A_48 : memref<10000xi32, #tpu.memory_space<hbm>>) target(%arg5 : memref<10000xi32, #tpu.memory_space<vmem>>) target_semaphore(%run_scoped3A_45 : memref<!tpu.dma_semaphore, #tpu.memory_space<semaphore_mem>>)
      %dma_wait3A = tpu.memref_slice %arg2[%run_scoped3A, %mul3A_20] : memref<2x320000xi32, #tpu.memory_space<hbm>> -> memref<1x10000xi32, #tpu.memory_space<hbm>>
      %dma_wait3A_49 = tpu.memref_squeeze %dma_wait3A : memref<1x10000xi32, #tpu.memory_space<hbm>> -> memref<10000xi32, #tpu.memory_space<hbm>>
      %dma_wait3A_50 = tpu.memref_slice %arg2[%run_scoped3A, %mul3A_20] : memref<2x320000xi32, #tpu.memory_space<hbm>> -> memref<1x10000xi32, #tpu.memory_space<hbm>>
      %dma_wait3A_51 = tpu.memref_squeeze %dma_wait3A_50 : memref<1x10000xi32, #tpu.memory_space<hbm>> -> memref<10000xi32, #tpu.memory_space<hbm>>
      tpu.wait_dma2 semaphore(%run_scoped3A_45 : memref<!tpu.dma_semaphore, #tpu.memory_space<semaphore_mem>>) src(%dma_wait3A_51 : memref<10000xi32, #tpu.memory_space<hbm>>) dst(%arg5 : memref<10000xi32, #tpu.memory_space<vmem>>)
      tpu.yield
    }) : () -> ()
    %mul3A_21 = arith.constant 10000 : i32
    %mul3A_22 = arith.muli %add3A, %mul3A_21 : i32
    %run_scoped3A_23 = arith.constant 1 : i32
    "tpu.region"() ({
      %run_scoped3A_45 = tpu.sem_alloc : memref<!tpu.dma_semaphore, #tpu.memory_space<semaphore_mem>>
      %dma_start3A = tpu.memref_slice %arg2[%run_scoped3A_23, %mul3A_22] : memref<2x320000xi32, #tpu.memory_space<hbm>> -> memref<1x10000xi32, #tpu.memory_space<hbm>>
      %dma_start3A_46 = tpu.memref_squeeze %dma_start3A : memref<1x10000xi32, #tpu.memory_space<hbm>> -> memref<10000xi32, #tpu.memory_space<hbm>>
      %dma_start3A_47 = tpu.memref_slice %arg2[%run_scoped3A_23, %mul3A_22] : memref<2x320000xi32, #tpu.memory_space<hbm>> -> memref<1x10000xi32, #tpu.memory_space<hbm>>
      %dma_start3A_48 = tpu.memref_squeeze %dma_start3A_47 : memref<1x10000xi32, #tpu.memory_space<hbm>> -> memref<10000xi32, #tpu.memory_space<hbm>>
      tpu.enqueue_dma source(%dma_start3A_48 : memref<10000xi32, #tpu.memory_space<hbm>>) target(%arg6 : memref<10000xi32, #tpu.memory_space<vmem>>) target_semaphore(%run_scoped3A_45 : memref<!tpu.dma_semaphore, #tpu.memory_space<semaphore_mem>>)
      %dma_wait3A = tpu.memref_slice %arg2[%run_scoped3A_23, %mul3A_22] : memref<2x320000xi32, #tpu.memory_space<hbm>> -> memref<1x10000xi32, #tpu.memory_space<hbm>>
      %dma_wait3A_49 = tpu.memref_squeeze %dma_wait3A : memref<1x10000xi32, #tpu.memory_space<hbm>> -> memref<10000xi32, #tpu.memory_space<hbm>>
      %dma_wait3A_50 = tpu.memref_slice %arg2[%run_scoped3A_23, %mul3A_22] : memref<2x320000xi32, #tpu.memory_space<hbm>> -> memref<1x10000xi32, #tpu.memory_space<hbm>>
      %dma_wait3A_51 = tpu.memref_squeeze %dma_wait3A_50 : memref<1x10000xi32, #tpu.memory_space<hbm>> -> memref<10000xi32, #tpu.memory_space<hbm>>
      tpu.wait_dma2 semaphore(%run_scoped3A_45 : memref<!tpu.dma_semaphore, #tpu.memory_space<semaphore_mem>>) src(%dma_wait3A_51 : memref<10000xi32, #tpu.memory_space<hbm>>) dst(%arg6 : memref<10000xi32, #tpu.memory_space<vmem>>)
      tpu.yield
    }) : () -> ()
    %barrier3A = arith.constant 0 : index
    tpu.barrier barrier_id(%barrier3A)
    %scan3A_24 = arith.constant 0 : i32
    %scan3A_25 = arith.constant 0 : i32
    %scan3A_26 = arith.constant 125 : i32
    %scan3A_27 = arith.addi %scan3A_25, %scan3A_26 : i32
    %scan3A_28 = arith.constant 1 : i32
    %scan3A_29 = scf.for %scan3A_45 = %scan3A_25 to %scan3A_27 step %scan3A_28 iter_args(%scan3A_46 = %scan3A_24) -> (i32)  : i32 {
      %mul3A_47 = arith.constant 125 : i32
      %mul3A_48 = arith.muli %add3A, %mul3A_47 : i32
      %add3A_49 = arith.addi %mul3A_48, %scan3A_45 : i32
      %mul3A_50 = arith.constant 7 : i32
      %mul3A_51 = arith.muli %add3A_49, %mul3A_50 : i32
      %jit3A = arith.constant 240 : i32
      %eq3A_52 = arith.constant 0 : i32
      %eq3A_53 = arith.cmpi eq, %jit3A, %eq3A_52 : i32
      %jit3A_54 = arith.constant 1 : i32
      %select_n3A = arith.select %eq3A_53, %jit3A_54, %jit3A : i32
      %rem3A = arith.remsi %mul3A_51, %select_n3A : i32
      %ne3A = arith.constant 0 : i32
      %ne3A_55 = arith.cmpi ne, %rem3A, %ne3A : i32
      %lt3A_56 = arith.constant 0 : i32
      %lt3A_57 = arith.cmpi slt, %rem3A, %lt3A_56 : i32
      %lt3A_58 = arith.constant 0 : i32
      %lt3A_59 = arith.cmpi slt, %select_n3A, %lt3A_58 : i32
      %ne3A_60 = arith.xori %lt3A_57, %lt3A_59 : i1
      %and3A = arith.andi %ne3A_60, %ne3A_55 : i1
      %add3A_61 = arith.addi %rem3A, %select_n3A : i32
      %select_n3A_62 = arith.select %and3A, %add3A_61, %rem3A : i32
      %add3A_63 = arith.constant 10000 : i32
      %add3A_64 = arith.addi %add3A_63, %select_n3A_62 : i32
      %scan3A_65 = arith.constant 0 : i32
      %scan3A_66 = arith.constant 0 : i32
      %scan3A_67 = arith.constant 5 : i32
      %scan3A_68 = arith.addi %scan3A_66, %scan3A_67 : i32
      %scan3A_69 = arith.constant 1 : i32
      %scan3A_70 = scf.for %scan3A_77 = %scan3A_66 to %scan3A_68 step %scan3A_69 iter_args(%scan3A_78 = %scan3A_65) -> (i32)  : i32 {
        %mul3A_79 = arith.constant 80 : i32
        %mul3A_80 = arith.muli %scan3A_45, %mul3A_79 : i32
        %mul3A_81 = arith.constant 16 : i32
        %mul3A_82 = arith.muli %scan3A_77, %mul3A_81 : i32
        %add3A_83 = arith.addi %mul3A_80, %mul3A_82 : i32
        %get3A = arith.index_cast %add3A_83 : i32 to index
        %get3A_84 = tpu.vector_load %arg5[%get3A] {strides = array<i32>} : memref<10000xi32, #tpu.memory_space<vmem>>, vector<16xi32>,
        %get3A_85 = vector.shape_cast %get3A_84 : vector<16xi32> to vector<16xi32>
        %mul3A_86 = arith.constant 80 : i32
        %mul3A_87 = arith.muli %scan3A_45, %mul3A_86 : i32
        %mul3A_88 = arith.constant 16 : i32
        %mul3A_89 = arith.muli %scan3A_77, %mul3A_88 : i32
        %add3A_90 = arith.addi %mul3A_87, %mul3A_89 : i32
        %get3A_91 = arith.index_cast %add3A_90 : i32 to index
        %get3A_92 = tpu.vector_load %arg6[%get3A_91] {strides = array<i32>} : memref<10000xi32, #tpu.memory_space<vmem>>, vector<16xi32>,
        %get3A_93 = vector.shape_cast %get3A_92 : vector<16xi32> to vector<16xi32>
        %ne3A_94 = arith.cmpi ne, %get3A_85, %get3A_93 : vector<16xi32>
        %broadcast_in_dim3A_95 = vector.broadcast %add3A_64 : i32 to vector<16xi32>
        %select_n3A_96 = arith.select %ne3A_94, %get3A_93, %broadcast_in_dim3A_95 : vector<16xi1>, vector<16xi32>
        %mul3A_97 = arith.constant 16 : i32
        %mul3A_98 = arith.muli %scan3A_77, %mul3A_97 : i32
        %swap3A = arith.index_cast %scan3A_45 : i32 to index
        %swap3A_99 = arith.index_cast %mul3A_98 : i32 to index
        %swap3A_100 = tpu.vector_load %arg7[%swap3A, %swap3A_99] {strides = array<i32>} : memref<125x80xi32, #tpu.memory_space<vmem>>, vector<1x16xi32>,
        %swap3A_101 = vector.shape_cast %swap3A_100 : vector<1x16xi32> to vector<16xi32>
        %swap3A_102 = vector.shape_cast %select_n3A_96 : vector<16xi32> to vector<1x16xi32>
        tpu.vector_store %arg7[%swap3A, %swap3A_99], %swap3A_102 {strides = array<i32>} : memref<125x80xi32, #tpu.memory_space<vmem>>, vector<1x16xi32>,
        %scan3A_103 = arith.constant 0 : i32
        scf.yield %scan3A_103 : i32
      }
      %scan3A_71 = arith.constant 5 : i32
      %dma_start3A = arith.constant 0 : i32
      %dma_start3A_72 = tpu.memref_slice %arg7[%scan3A_45, %dma_start3A] : memref<125x80xi32, #tpu.memory_space<vmem>> -> memref<1x80xi32, #tpu.memory_space<vmem>>
      %dma_start3A_73 = tpu.memref_squeeze %dma_start3A_72 : memref<1x80xi32, #tpu.memory_space<vmem>> -> memref<80xi32, #tpu.memory_space<vmem>>
      %dma_start3A_74 = arith.constant 0 : i32
      %dma_start3A_75 = tpu.memref_slice %arg10[%dma_start3A_74] : memref<10240xf32, #tpu.memory_space<vmem_shared>> -> memref<10240xf32, #tpu.memory_space<vmem_shared>>
      tpu.enqueue_indirect_dma source(%arg8 : memref<80xf32, #tpu.memory_space<vmem>>) target(%dma_start3A_75 : memref<10240xf32, #tpu.memory_space<vmem_shared>>) offsets(%dma_start3A_73 : memref<80xi32, #tpu.memory_space<vmem>>) semaphore(%arg11 : memref<!tpu.dma_semaphore, #tpu.memory_space<semaphore_mem>>) {add = true}
      %scan3A_76 = arith.constant 0 : i32
      scf.yield %scan3A_76 : i32
    }
    %scan3A_30 = arith.constant 125 : i32
    "tpu.region"() ({
      %run_scoped3A_45 = tpu.sem_alloc : memref<!tpu.dma_semaphore, #tpu.memory_space<semaphore_mem>>
      %dma_start3A = arith.constant 0 : i32
      %dma_start3A_46 = arith.constant 0 : i32
      %dma_start3A_47 = tpu.memref_slice %arg4[%add3A, %dma_start3A, %dma_start3A_46] : memref<32x125x80xi32, #tpu.memory_space<hbm>> -> memref<1x125x80xi32, #tpu.memory_space<hbm>>
      %dma_start3A_48 = tpu.memref_squeeze %dma_start3A_47 : memref<1x125x80xi32, #tpu.memory_space<hbm>> -> memref<125x80xi32, #tpu.memory_space<hbm>>
      %dma_start3A_49 = arith.constant 0 : i32
      %dma_start3A_50 = arith.constant 0 : i32
      %dma_start3A_51 = tpu.memref_slice %arg4[%add3A, %dma_start3A_49, %dma_start3A_50] : memref<32x125x80xi32, #tpu.memory_space<hbm>> -> memref<1x125x80xi32, #tpu.memory_space<hbm>>
      %dma_start3A_52 = tpu.memref_squeeze %dma_start3A_51 : memref<1x125x80xi32, #tpu.memory_space<hbm>> -> memref<125x80xi32, #tpu.memory_space<hbm>>
      tpu.enqueue_dma source(%arg7 : memref<125x80xi32, #tpu.memory_space<vmem>>) target(%dma_start3A_52 : memref<125x80xi32, #tpu.memory_space<hbm>>) target_semaphore(%run_scoped3A_45 : memref<!tpu.dma_semaphore, #tpu.memory_space<semaphore_mem>>)
      %dma_wait3A = arith.constant 0 : i32
      %dma_wait3A_53 = arith.constant 0 : i32
      %dma_wait3A_54 = tpu.memref_slice %arg4[%add3A, %dma_wait3A, %dma_wait3A_53] : memref<32x125x80xi32, #tpu.memory_space<hbm>> -> memref<1x125x80xi32, #tpu.memory_space<hbm>>
      %dma_wait3A_55 = tpu.memref_squeeze %dma_wait3A_54 : memref<1x125x80xi32, #tpu.memory_space<hbm>> -> memref<125x80xi32, #tpu.memory_space<hbm>>
      %dma_wait3A_56 = arith.constant 0 : i32
      %dma_wait3A_57 = arith.constant 0 : i32
      %dma_wait3A_58 = tpu.memref_slice %arg4[%add3A, %dma_wait3A_56, %dma_wait3A_57] : memref<32x125x80xi32, #tpu.memory_space<hbm>> -> memref<1x125x80xi32, #tpu.memory_space<hbm>>
      %dma_wait3A_59 = tpu.memref_squeeze %dma_wait3A_58 : memref<1x125x80xi32, #tpu.memory_space<hbm>> -> memref<125x80xi32, #tpu.memory_space<hbm>>
      tpu.wait_dma2 semaphore(%run_scoped3A_45 : memref<!tpu.dma_semaphore, #tpu.memory_space<semaphore_mem>>) src(%arg7 : memref<125x80xi32, #tpu.memory_space<vmem>>) dst(%dma_wait3A_59 : memref<125x80xi32, #tpu.memory_space<hbm>>)
      tpu.yield
    }) : () -> ()
    %scan3A_31 = arith.constant 0 : i32
    %scan3A_32 = arith.constant 0 : i32
    %scan3A_33 = arith.constant 125 : i32
    %scan3A_34 = arith.addi %scan3A_32, %scan3A_33 : i32
    %scan3A_35 = arith.constant 1 : i32
    %scan3A_36 = scf.for %scan3A_45 = %scan3A_32 to %scan3A_34 step %scan3A_35 iter_args(%scan3A_46 = %scan3A_31) -> (i32)  : i32 {
      %dma_wait3A = arith.constant 0 : i32
      %dma_wait3A_47 = tpu.memref_slice %arg7[%scan3A_45, %dma_wait3A] : memref<125x80xi32, #tpu.memory_space<vmem>> -> memref<1x80xi32, #tpu.memory_space<vmem>>
      %dma_wait3A_48 = tpu.memref_squeeze %dma_wait3A_47 : memref<1x80xi32, #tpu.memory_space<vmem>> -> memref<80xi32, #tpu.memory_space<vmem>>
      %dma_wait3A_49 = arith.constant 0 : i32
      %dma_wait3A_50 = tpu.memref_slice %arg10[%dma_wait3A_49] : memref<10240xf32, #tpu.memory_space<vmem_shared>> -> memref<10240xf32, #tpu.memory_space<vmem_shared>>
      tpu.wait_indirect_dma semaphore(%arg11 : memref<!tpu.dma_semaphore, #tpu.memory_space<semaphore_mem>>) src(%arg8 : memref<80xf32, #tpu.memory_space<vmem>>) dst(%dma_wait3A_50 : memref<10240xf32, #tpu.memory_space<vmem_shared>>)
      %scan3A_51 = arith.constant 0 : i32
      scf.yield %scan3A_51 : i32
    }
    %scan3A_37 = arith.constant 125 : i32
    %barrier3A_38 = arith.constant 0 : index
    tpu.barrier barrier_id(%barrier3A_38)
    %lt3A = arith.constant 15 : i32
    %lt3A_39 = arith.cmpi slt, %arg1, %lt3A : i32
    %convert_element_type3A = arith.extui %lt3A_39 : i1 to i32
    %cond3A = arith.constant 0 : i32
    %cond3A_40 = arith.cmpi ne, %convert_element_type3A, %cond3A : i32
    scf.if %cond3A_40 {
      %mul3A_45 = arith.constant 640 : i32
      %mul3A_46 = arith.muli %arg1, %mul3A_45 : i32
      %mul3A_47 = arith.constant 640 : i32
      %mul3A_48 = arith.muli %arg1, %mul3A_47 : i32
      "tpu.region"() ({
        %run_scoped3A_49 = tpu.sem_alloc : memref<!tpu.dma_semaphore, #tpu.memory_space<semaphore_mem>>
        %dma_start3A = tpu.memref_slice %arg3[%arg0, %mul3A_48] : memref<2x10000xf32, #tpu.memory_space<hbm>> -> memref<1x640xf32, #tpu.memory_space<hbm>>
        %dma_start3A_50 = tpu.memref_squeeze %dma_start3A : memref<1x640xf32, #tpu.memory_space<hbm>> -> memref<640xf32, #tpu.memory_space<hbm>>
        %dma_start3A_51 = tpu.memref_slice %arg10[%mul3A_46] : memref<10240xf32, #tpu.memory_space<vmem_shared>> -> memref<640xf32, #tpu.memory_space<vmem_shared>>
        tpu.enqueue_dma source(%dma_start3A_51 : memref<640xf32, #tpu.memory_space<vmem_shared>>) target(%dma_start3A_50 : memref<640xf32, #tpu.memory_space<hbm>>) target_semaphore(%run_scoped3A_49 : memref<!tpu.dma_semaphore, #tpu.memory_space<semaphore_mem>>)
        %dma_wait3A = tpu.memref_slice %arg3[%arg0, %mul3A_48] : memref<2x10000xf32, #tpu.memory_space<hbm>> -> memref<1x640xf32, #tpu.memory_space<hbm>>
        %dma_wait3A_52 = tpu.memref_squeeze %dma_wait3A : memref<1x640xf32, #tpu.memory_space<hbm>> -> memref<640xf32, #tpu.memory_space<hbm>>
        %dma_wait3A_53 = tpu.memref_slice %arg10[%mul3A_46] : memref<10240xf32, #tpu.memory_space<vmem_shared>> -> memref<640xf32, #tpu.memory_space<vmem_shared>>
        tpu.wait_dma2 semaphore(%run_scoped3A_49 : memref<!tpu.dma_semaphore, #tpu.memory_space<semaphore_mem>>) src(%dma_wait3A_53 : memref<640xf32, #tpu.memory_space<vmem_shared>>) dst(%dma_wait3A_52 : memref<640xf32, #tpu.memory_space<hbm>>)
        tpu.yield
      }) : () -> ()
    } else {
    }
    %eq3A = arith.constant 15 : i32
    %eq3A_41 = arith.cmpi eq, %arg1, %eq3A : i32
    %convert_element_type3A_42 = arith.extui %eq3A_41 : i1 to i32
    %cond3A_43 = arith.constant 0 : i32
    %cond3A_44 = arith.cmpi ne, %convert_element_type3A_42, %cond3A_43 : i32
    scf.if %cond3A_44 {
      "tpu.region"() ({
        %run_scoped3A_45 = tpu.sem_alloc : memref<!tpu.dma_semaphore, #tpu.memory_space<semaphore_mem>>
        %dma_start3A = arith.constant 9600 : i32
        %dma_start3A_46 = tpu.memref_slice %arg3[%arg0, %dma_start3A] : memref<2x10000xf32, #tpu.memory_space<hbm>> -> memref<1x400xf32, #tpu.memory_space<hbm>>
        %dma_start3A_47 = tpu.memref_squeeze %dma_start3A_46 : memref<1x400xf32, #tpu.memory_space<hbm>> -> memref<400xf32, #tpu.memory_space<hbm>>
        %dma_start3A_48 = arith.constant 9600 : i32
        %dma_start3A_49 = tpu.memref_slice %arg10[%dma_start3A_48] : memref<10240xf32, #tpu.memory_space<vmem_shared>> -> memref<400xf32, #tpu.memory_space<vmem_shared>>
        tpu.enqueue_dma source(%dma_start3A_49 : memref<400xf32, #tpu.memory_space<vmem_shared>>) target(%dma_start3A_47 : memref<400xf32, #tpu.memory_space<hbm>>) target_semaphore(%run_scoped3A_45 : memref<!tpu.dma_semaphore, #tpu.memory_space<semaphore_mem>>)
        %dma_wait3A = arith.constant 9600 : i32
        %dma_wait3A_50 = tpu.memref_slice %arg3[%arg0, %dma_wait3A] : memref<2x10000xf32, #tpu.memory_space<hbm>> -> memref<1x400xf32, #tpu.memory_space<hbm>>
        %dma_wait3A_51 = tpu.memref_squeeze %dma_wait3A_50 : memref<1x400xf32, #tpu.memory_space<hbm>> -> memref<400xf32, #tpu.memory_space<hbm>>
        %dma_wait3A_52 = arith.constant 9600 : i32
        %dma_wait3A_53 = tpu.memref_slice %arg10[%dma_wait3A_52] : memref<10240xf32, #tpu.memory_space<vmem_shared>> -> memref<400xf32, #tpu.memory_space<vmem_shared>>
        tpu.wait_dma2 semaphore(%run_scoped3A_45 : memref<!tpu.dma_semaphore, #tpu.memory_space<semaphore_mem>>) src(%dma_wait3A_53 : memref<400xf32, #tpu.memory_space<vmem_shared>>) dst(%dma_wait3A_51 : memref<400xf32, #tpu.memory_space<hbm>>)
        tpu.yield
      }) : () -> ()
    } else {
    }
    return
  }
}

#map = affine_map<(d0, d1) -> (0, 0, 0)>
#map1 = affine_map<(d0, d1) -> (0, 0)>
#map2 = affine_map<(d0, d1) -> (0)>
module attributes {stable_mosaic.version = 14 : i64} {
  func.func @_agg2(%arg0: i32, %arg1: i32, %arg2: memref<2x10000x16xf32, #tpu.memory_space<hbm>>, %arg3: memref<10000x16xf32, #tpu.memory_space<hbm>>, %arg4: memref<10000x16xf32, #tpu.memory_space<hbm>>, %arg5: memref<16xf32, #tpu.memory_space<hbm>>, %arg6: memref<2x320000xi32, #tpu.memory_space<hbm>>, %arg7: memref<32x125x80xi32, #tpu.memory_space<hbm>>, %arg8: memref<2x10000x16xf32, #tpu.memory_space<hbm>>, %arg9: memref<10000xi32, #tpu.memory_space<vmem>>, %arg10: memref<125x80xi32, #tpu.memory_space<vmem>>, %arg11: memref<5x80x16xf32, #tpu.memory_space<vmem>>, %arg12: memref<640x16xf32, #tpu.memory_space<vmem>>, %arg13: memref<640x16xf32, #tpu.memory_space<vmem>>, %arg14: memref<640x16xf32, #tpu.memory_space<vmem>>, %arg15: memref<640x16xf32, #tpu.memory_space<vmem>>, %arg16: memref<640x16xf32, #tpu.memory_space<vmem>>, %arg17: memref<16xf32, #tpu.memory_space<vmem>>, %arg18: memref<40x16xf32, #tpu.memory_space<vmem>>, %arg19: memref<10240x16xf32, #tpu.memory_space<vmem_shared>>, %arg20: memref<10240x16xf32, #tpu.memory_space<vmem_shared>>, %arg21: memref<!tpu.dma_semaphore, #tpu.memory_space<semaphore_mem>>, %arg22: memref<!tpu.dma_semaphore, #tpu.memory_space<semaphore_mem>>, %arg23: memref<!tpu.dma_semaphore, #tpu.memory_space<semaphore_mem>>, %arg24: memref<!tpu.dma_semaphore, #tpu.memory_space<semaphore_mem>>, %arg25: memref<!tpu.dma_semaphore, #tpu.memory_space<semaphore_mem>>, %arg26: memref<!tpu.dma_semaphore, #tpu.memory_space<semaphore_mem>>, %arg27: memref<!tpu.dma_semaphore, #tpu.memory_space<semaphore_mem>>, %arg28: memref<!tpu.dma_semaphore, #tpu.memory_space<semaphore_mem>>, %arg29: memref<!tpu.dma_semaphore, #tpu.memory_space<semaphore_mem>>, %arg30: memref<!tpu.dma_semaphore, #tpu.memory_space<semaphore_mem>>) attributes {dimension_semantics = [#tpu.dimension_semantics<core_parallel>, #tpu.dimension_semantics<subcore_parallel>], iteration_bounds = array<i64: 2, 16>, scalar_prefetch = 0 : i64, scratch_operands = 22 : i64, tpu.core_type = #tpu.core_type<sc_vector_subcore>, window_params = [{transform_indices = #map}, {transform_indices = #map1}, {transform_indices = #map1}, {transform_indices = #map2}, {transform_indices = #map1}, {transform_indices = #map}, {transform_indices = #map}]} {
    %mul3A = arith.constant 16 : i32
    %mul3A_0 = arith.muli %arg0, %mul3A : i32
    %add3A = arith.addi %mul3A_0, %arg1 : i32
    %mul3A_1 = arith.constant 640 : i32
    %mul3A_2 = arith.muli %arg1, %mul3A_1 : i32
    %broadcast_in_dim3A = arith.constant 0.000000e+00 : f32
    %broadcast_in_dim3A_3 = vector.broadcast %broadcast_in_dim3A : f32 to vector<16xf32>
    "tpu.region"() ({
      %run_scoped3A_256 = tpu.sem_alloc : memref<!tpu.dma_semaphore, #tpu.memory_space<semaphore_mem>>
      tpu.enqueue_dma source(%arg5 : memref<16xf32, #tpu.memory_space<hbm>>) target(%arg17 : memref<16xf32, #tpu.memory_space<vmem>>) target_semaphore(%run_scoped3A_256 : memref<!tpu.dma_semaphore, #tpu.memory_space<semaphore_mem>>)
      tpu.wait_dma2 semaphore(%run_scoped3A_256 : memref<!tpu.dma_semaphore, #tpu.memory_space<semaphore_mem>>) src(%arg5 : memref<16xf32, #tpu.memory_space<hbm>>) dst(%arg17 : memref<16xf32, #tpu.memory_space<vmem>>)
      tpu.yield
    }) : () -> ()
    %get3A = arith.constant 0 : index
    %get3A_4 = tpu.vector_load %arg17[%get3A] {strides = array<i32>} : memref<16xf32, #tpu.memory_space<vmem>>, vector<16xf32>,
    %get3A_5 = vector.shape_cast %get3A_4 : vector<16xf32> to vector<16xf32>
    %scan3A = arith.constant 0 : i32
    %scan3A_6 = arith.constant 0 : i32
    %scan3A_7 = arith.constant 40 : i32
    %scan3A_8 = arith.addi %scan3A_6, %scan3A_7 : i32
    %scan3A_9 = arith.constant 1 : i32
    %scan3A_10 = scf.for %scan3A_256 = %scan3A_6 to %scan3A_8 step %scan3A_9 iter_args(%scan3A_257 = %scan3A) -> (i32)  : i32 {
      %swap3A = arith.index_cast %scan3A_256 : i32 to index
      %swap3A_258 = arith.constant 0 : index
      %swap3A_259 = tpu.vector_load %arg18[%swap3A, %swap3A_258] {strides = array<i32>} : memref<40x16xf32, #tpu.memory_space<vmem>>, vector<1x16xf32>,
      %swap3A_260 = vector.shape_cast %swap3A_259 : vector<1x16xf32> to vector<16xf32>
      %swap3A_261 = vector.shape_cast %broadcast_in_dim3A_3 : vector<16xf32> to vector<1x16xf32>
      tpu.vector_store %arg18[%swap3A, %swap3A_258], %swap3A_261 {strides = array<i32>} : memref<40x16xf32, #tpu.memory_space<vmem>>, vector<1x16xf32>,
      %scan3A_262 = arith.constant 0 : i32
      scf.yield %scan3A_262 : i32
    }
    %scan3A_11 = arith.constant 40 : i32
    %lt3A = arith.constant 15 : i32
    %lt3A_12 = arith.cmpi slt, %arg1, %lt3A : i32
    %convert_element_type3A = arith.extui %lt3A_12 : i1 to i32
    %cond3A = arith.constant 0 : i32
    %cond3A_13 = arith.cmpi ne, %convert_element_type3A, %cond3A : i32
    scf.if %cond3A_13 {
      %run_scoped3A_256 = arith.constant 0 : i32
      "tpu.region"() ({
        %run_scoped3A_275 = tpu.sem_alloc : memref<!tpu.dma_semaphore, #tpu.memory_space<semaphore_mem>>
        %dma_start3A_276 = arith.constant 0 : i32
        %dma_start3A_277 = arith.constant 0 : i32
        %dma_start3A_278 = tpu.memref_slice %arg12[%dma_start3A_276, %dma_start3A_277] : memref<640x16xf32, #tpu.memory_space<vmem>> -> memref<640x16xf32, #tpu.memory_space<vmem>>
        %dma_start3A_279 = arith.constant 0 : i32
        %dma_start3A_280 = tpu.memref_slice %arg2[%run_scoped3A_256, %mul3A_2, %dma_start3A_279] : memref<2x10000x16xf32, #tpu.memory_space<hbm>> -> memref<1x640x16xf32, #tpu.memory_space<hbm>>
        %dma_start3A_281 = tpu.memref_squeeze %dma_start3A_280 : memref<1x640x16xf32, #tpu.memory_space<hbm>> -> memref<640x16xf32, #tpu.memory_space<hbm>>
        %dma_start3A_282 = arith.constant 0 : i32
        %dma_start3A_283 = arith.constant 0 : i32
        %dma_start3A_284 = tpu.memref_slice %arg12[%dma_start3A_282, %dma_start3A_283] : memref<640x16xf32, #tpu.memory_space<vmem>> -> memref<640x16xf32, #tpu.memory_space<vmem>>
        %dma_start3A_285 = arith.constant 0 : i32
        %dma_start3A_286 = tpu.memref_slice %arg2[%run_scoped3A_256, %mul3A_2, %dma_start3A_285] : memref<2x10000x16xf32, #tpu.memory_space<hbm>> -> memref<1x640x16xf32, #tpu.memory_space<hbm>>
        %dma_start3A_287 = tpu.memref_squeeze %dma_start3A_286 : memref<1x640x16xf32, #tpu.memory_space<hbm>> -> memref<640x16xf32, #tpu.memory_space<hbm>>
        tpu.enqueue_dma source(%dma_start3A_287 : memref<640x16xf32, #tpu.memory_space<hbm>>) target(%dma_start3A_284 : memref<640x16xf32, #tpu.memory_space<vmem>>) target_semaphore(%run_scoped3A_275 : memref<!tpu.dma_semaphore, #tpu.memory_space<semaphore_mem>>)
        %dma_wait3A_288 = arith.constant 0 : i32
        %dma_wait3A_289 = arith.constant 0 : i32
        %dma_wait3A_290 = tpu.memref_slice %arg12[%dma_wait3A_288, %dma_wait3A_289] : memref<640x16xf32, #tpu.memory_space<vmem>> -> memref<640x16xf32, #tpu.memory_space<vmem>>
        %dma_wait3A_291 = arith.constant 0 : i32
        %dma_wait3A_292 = tpu.memref_slice %arg2[%run_scoped3A_256, %mul3A_2, %dma_wait3A_291] : memref<2x10000x16xf32, #tpu.memory_space<hbm>> -> memref<1x640x16xf32, #tpu.memory_space<hbm>>
        %dma_wait3A_293 = tpu.memref_squeeze %dma_wait3A_292 : memref<1x640x16xf32, #tpu.memory_space<hbm>> -> memref<640x16xf32, #tpu.memory_space<hbm>>
        %dma_wait3A_294 = arith.constant 0 : i32
        %dma_wait3A_295 = arith.constant 0 : i32
        %dma_wait3A_296 = tpu.memref_slice %arg12[%dma_wait3A_294, %dma_wait3A_295] : memref<640x16xf32, #tpu.memory_space<vmem>> -> memref<640x16xf32, #tpu.memory_space<vmem>>
        %dma_wait3A_297 = arith.constant 0 : i32
        %dma_wait3A_298 = tpu.memref_slice %arg2[%run_scoped3A_256, %mul3A_2, %dma_wait3A_297] : memref<2x10000x16xf32, #tpu.memory_space<hbm>> -> memref<1x640x16xf32, #tpu.memory_space<hbm>>
        %dma_wait3A_299 = tpu.memref_squeeze %dma_wait3A_298 : memref<1x640x16xf32, #tpu.memory_space<hbm>> -> memref<640x16xf32, #tpu.memory_space<hbm>>
        tpu.wait_dma2 semaphore(%run_scoped3A_275 : memref<!tpu.dma_semaphore, #tpu.memory_space<semaphore_mem>>) src(%dma_wait3A_299 : memref<640x16xf32, #tpu.memory_space<hbm>>) dst(%dma_wait3A_296 : memref<640x16xf32, #tpu.memory_space<vmem>>)
        tpu.yield
      }) : () -> ()
      %run_scoped3A_257 = arith.constant 1 : i32
      "tpu.region"() ({
        %run_scoped3A_275 = tpu.sem_alloc : memref<!tpu.dma_semaphore, #tpu.memory_space<semaphore_mem>>
        %dma_start3A_276 = arith.constant 0 : i32
        %dma_start3A_277 = arith.constant 0 : i32
        %dma_start3A_278 = tpu.memref_slice %arg13[%dma_start3A_276, %dma_start3A_277] : memref<640x16xf32, #tpu.memory_space<vmem>> -> memref<640x16xf32, #tpu.memory_space<vmem>>
        %dma_start3A_279 = arith.constant 0 : i32
        %dma_start3A_280 = tpu.memref_slice %arg2[%run_scoped3A_257, %mul3A_2, %dma_start3A_279] : memref<2x10000x16xf32, #tpu.memory_space<hbm>> -> memref<1x640x16xf32, #tpu.memory_space<hbm>>
        %dma_start3A_281 = tpu.memref_squeeze %dma_start3A_280 : memref<1x640x16xf32, #tpu.memory_space<hbm>> -> memref<640x16xf32, #tpu.memory_space<hbm>>
        %dma_start3A_282 = arith.constant 0 : i32
        %dma_start3A_283 = arith.constant 0 : i32
        %dma_start3A_284 = tpu.memref_slice %arg13[%dma_start3A_282, %dma_start3A_283] : memref<640x16xf32, #tpu.memory_space<vmem>> -> memref<640x16xf32, #tpu.memory_space<vmem>>
        %dma_start3A_285 = arith.constant 0 : i32
        %dma_start3A_286 = tpu.memref_slice %arg2[%run_scoped3A_257, %mul3A_2, %dma_start3A_285] : memref<2x10000x16xf32, #tpu.memory_space<hbm>> -> memref<1x640x16xf32, #tpu.memory_space<hbm>>
        %dma_start3A_287 = tpu.memref_squeeze %dma_start3A_286 : memref<1x640x16xf32, #tpu.memory_space<hbm>> -> memref<640x16xf32, #tpu.memory_space<hbm>>
        tpu.enqueue_dma source(%dma_start3A_287 : memref<640x16xf32, #tpu.memory_space<hbm>>) target(%dma_start3A_284 : memref<640x16xf32, #tpu.memory_space<vmem>>) target_semaphore(%run_scoped3A_275 : memref<!tpu.dma_semaphore, #tpu.memory_space<semaphore_mem>>)
        %dma_wait3A_288 = arith.constant 0 : i32
        %dma_wait3A_289 = arith.constant 0 : i32
        %dma_wait3A_290 = tpu.memref_slice %arg13[%dma_wait3A_288, %dma_wait3A_289] : memref<640x16xf32, #tpu.memory_space<vmem>> -> memref<640x16xf32, #tpu.memory_space<vmem>>
        %dma_wait3A_291 = arith.constant 0 : i32
        %dma_wait3A_292 = tpu.memref_slice %arg2[%run_scoped3A_257, %mul3A_2, %dma_wait3A_291] : memref<2x10000x16xf32, #tpu.memory_space<hbm>> -> memref<1x640x16xf32, #tpu.memory_space<hbm>>
        %dma_wait3A_293 = tpu.memref_squeeze %dma_wait3A_292 : memref<1x640x16xf32, #tpu.memory_space<hbm>> -> memref<640x16xf32, #tpu.memory_space<hbm>>
        %dma_wait3A_294 = arith.constant 0 : i32
        %dma_wait3A_295 = arith.constant 0 : i32
        %dma_wait3A_296 = tpu.memref_slice %arg13[%dma_wait3A_294, %dma_wait3A_295] : memref<640x16xf32, #tpu.memory_space<vmem>> -> memref<640x16xf32, #tpu.memory_space<vmem>>
        %dma_wait3A_297 = arith.constant 0 : i32
        %dma_wait3A_298 = tpu.memref_slice %arg2[%run_scoped3A_257, %mul3A_2, %dma_wait3A_297] : memref<2x10000x16xf32, #tpu.memory_space<hbm>> -> memref<1x640x16xf32, #tpu.memory_space<hbm>>
        %dma_wait3A_299 = tpu.memref_squeeze %dma_wait3A_298 : memref<1x640x16xf32, #tpu.memory_space<hbm>> -> memref<640x16xf32, #tpu.memory_space<hbm>>
        tpu.wait_dma2 semaphore(%run_scoped3A_275 : memref<!tpu.dma_semaphore, #tpu.memory_space<semaphore_mem>>) src(%dma_wait3A_299 : memref<640x16xf32, #tpu.memory_space<hbm>>) dst(%dma_wait3A_296 : memref<640x16xf32, #tpu.memory_space<vmem>>)
        tpu.yield
      }) : () -> ()
      "tpu.region"() ({
        %run_scoped3A_275 = tpu.sem_alloc : memref<!tpu.dma_semaphore, #tpu.memory_space<semaphore_mem>>
        %dma_start3A_276 = arith.constant 0 : i32
        %dma_start3A_277 = arith.constant 0 : i32
        %dma_start3A_278 = tpu.memref_slice %arg14[%dma_start3A_276, %dma_start3A_277] : memref<640x16xf32, #tpu.memory_space<vmem>> -> memref<640x16xf32, #tpu.memory_space<vmem>>
        %dma_start3A_279 = arith.constant 0 : i32
        %dma_start3A_280 = tpu.memref_slice %arg3[%mul3A_2, %dma_start3A_279] : memref<10000x16xf32, #tpu.memory_space<hbm>> -> memref<640x16xf32, #tpu.memory_space<hbm>>
        %dma_start3A_281 = arith.constant 0 : i32
        %dma_start3A_282 = arith.constant 0 : i32
        %dma_start3A_283 = tpu.memref_slice %arg14[%dma_start3A_281, %dma_start3A_282] : memref<640x16xf32, #tpu.memory_space<vmem>> -> memref<640x16xf32, #tpu.memory_space<vmem>>
        %dma_start3A_284 = arith.constant 0 : i32
        %dma_start3A_285 = tpu.memref_slice %arg3[%mul3A_2, %dma_start3A_284] : memref<10000x16xf32, #tpu.memory_space<hbm>> -> memref<640x16xf32, #tpu.memory_space<hbm>>
        tpu.enqueue_dma source(%dma_start3A_285 : memref<640x16xf32, #tpu.memory_space<hbm>>) target(%dma_start3A_283 : memref<640x16xf32, #tpu.memory_space<vmem>>) target_semaphore(%run_scoped3A_275 : memref<!tpu.dma_semaphore, #tpu.memory_space<semaphore_mem>>)
        %dma_wait3A_286 = arith.constant 0 : i32
        %dma_wait3A_287 = arith.constant 0 : i32
        %dma_wait3A_288 = tpu.memref_slice %arg14[%dma_wait3A_286, %dma_wait3A_287] : memref<640x16xf32, #tpu.memory_space<vmem>> -> memref<640x16xf32, #tpu.memory_space<vmem>>
        %dma_wait3A_289 = arith.constant 0 : i32
        %dma_wait3A_290 = tpu.memref_slice %arg3[%mul3A_2, %dma_wait3A_289] : memref<10000x16xf32, #tpu.memory_space<hbm>> -> memref<640x16xf32, #tpu.memory_space<hbm>>
        %dma_wait3A_291 = arith.constant 0 : i32
        %dma_wait3A_292 = arith.constant 0 : i32
        %dma_wait3A_293 = tpu.memref_slice %arg14[%dma_wait3A_291, %dma_wait3A_292] : memref<640x16xf32, #tpu.memory_space<vmem>> -> memref<640x16xf32, #tpu.memory_space<vmem>>
        %dma_wait3A_294 = arith.constant 0 : i32
        %dma_wait3A_295 = tpu.memref_slice %arg3[%mul3A_2, %dma_wait3A_294] : memref<10000x16xf32, #tpu.memory_space<hbm>> -> memref<640x16xf32, #tpu.memory_space<hbm>>
        tpu.wait_dma2 semaphore(%run_scoped3A_275 : memref<!tpu.dma_semaphore, #tpu.memory_space<semaphore_mem>>) src(%dma_wait3A_295 : memref<640x16xf32, #tpu.memory_space<hbm>>) dst(%dma_wait3A_293 : memref<640x16xf32, #tpu.memory_space<vmem>>)
        tpu.yield
      }) : () -> ()
      "tpu.region"() ({
        %run_scoped3A_275 = tpu.sem_alloc : memref<!tpu.dma_semaphore, #tpu.memory_space<semaphore_mem>>
        %dma_start3A_276 = arith.constant 0 : i32
        %dma_start3A_277 = arith.constant 0 : i32
        %dma_start3A_278 = tpu.memref_slice %arg16[%dma_start3A_276, %dma_start3A_277] : memref<640x16xf32, #tpu.memory_space<vmem>> -> memref<640x16xf32, #tpu.memory_space<vmem>>
        %dma_start3A_279 = arith.constant 0 : i32
        %dma_start3A_280 = tpu.memref_slice %arg4[%mul3A_2, %dma_start3A_279] : memref<10000x16xf32, #tpu.memory_space<hbm>> -> memref<640x16xf32, #tpu.memory_space<hbm>>
        %dma_start3A_281 = arith.constant 0 : i32
        %dma_start3A_282 = arith.constant 0 : i32
        %dma_start3A_283 = tpu.memref_slice %arg16[%dma_start3A_281, %dma_start3A_282] : memref<640x16xf32, #tpu.memory_space<vmem>> -> memref<640x16xf32, #tpu.memory_space<vmem>>
        %dma_start3A_284 = arith.constant 0 : i32
        %dma_start3A_285 = tpu.memref_slice %arg4[%mul3A_2, %dma_start3A_284] : memref<10000x16xf32, #tpu.memory_space<hbm>> -> memref<640x16xf32, #tpu.memory_space<hbm>>
        tpu.enqueue_dma source(%dma_start3A_285 : memref<640x16xf32, #tpu.memory_space<hbm>>) target(%dma_start3A_283 : memref<640x16xf32, #tpu.memory_space<vmem>>) target_semaphore(%run_scoped3A_275 : memref<!tpu.dma_semaphore, #tpu.memory_space<semaphore_mem>>)
        %dma_wait3A_286 = arith.constant 0 : i32
        %dma_wait3A_287 = arith.constant 0 : i32
        %dma_wait3A_288 = tpu.memref_slice %arg16[%dma_wait3A_286, %dma_wait3A_287] : memref<640x16xf32, #tpu.memory_space<vmem>> -> memref<640x16xf32, #tpu.memory_space<vmem>>
        %dma_wait3A_289 = arith.constant 0 : i32
        %dma_wait3A_290 = tpu.memref_slice %arg4[%mul3A_2, %dma_wait3A_289] : memref<10000x16xf32, #tpu.memory_space<hbm>> -> memref<640x16xf32, #tpu.memory_space<hbm>>
        %dma_wait3A_291 = arith.constant 0 : i32
        %dma_wait3A_292 = arith.constant 0 : i32
        %dma_wait3A_293 = tpu.memref_slice %arg16[%dma_wait3A_291, %dma_wait3A_292] : memref<640x16xf32, #tpu.memory_space<vmem>> -> memref<640x16xf32, #tpu.memory_space<vmem>>
        %dma_wait3A_294 = arith.constant 0 : i32
        %dma_wait3A_295 = tpu.memref_slice %arg4[%mul3A_2, %dma_wait3A_294] : memref<10000x16xf32, #tpu.memory_space<hbm>> -> memref<640x16xf32, #tpu.memory_space<hbm>>
        tpu.wait_dma2 semaphore(%run_scoped3A_275 : memref<!tpu.dma_semaphore, #tpu.memory_space<semaphore_mem>>) src(%dma_wait3A_295 : memref<640x16xf32, #tpu.memory_space<hbm>>) dst(%dma_wait3A_293 : memref<640x16xf32, #tpu.memory_space<vmem>>)
        tpu.yield
      }) : () -> ()
      %scan3A_258 = arith.constant 0 : i32
      %scan3A_259 = arith.constant 0 : i32
      %scan3A_260 = arith.constant 640 : i32
      %scan3A_261 = arith.addi %scan3A_259, %scan3A_260 : i32
      %scan3A_262 = arith.constant 1 : i32
      %scan3A_263 = scf.for %scan3A_275 = %scan3A_259 to %scan3A_261 step %scan3A_262 iter_args(%scan3A_276 = %scan3A_258) -> (i32)  : i32 {
        %get3A_277 = arith.index_cast %scan3A_275 : i32 to index
        %get3A_278 = arith.constant 0 : index
        %get3A_279 = tpu.vector_load %arg16[%get3A_277, %get3A_278] {strides = array<i32>} : memref<640x16xf32, #tpu.memory_space<vmem>>, vector<1x16xf32>,
        %get3A_280 = vector.shape_cast %get3A_279 : vector<1x16xf32> to vector<16xf32>
        %get3A_281 = arith.index_cast %scan3A_275 : i32 to index
        %get3A_282 = arith.constant 0 : index
        %get3A_283 = tpu.vector_load %arg12[%get3A_281, %get3A_282] {strides = array<i32>} : memref<640x16xf32, #tpu.memory_space<vmem>>, vector<1x16xf32>,
        %get3A_284 = vector.shape_cast %get3A_283 : vector<1x16xf32> to vector<16xf32>
        %get3A_285 = arith.index_cast %scan3A_275 : i32 to index
        %get3A_286 = arith.constant 0 : index
        %get3A_287 = tpu.vector_load %arg13[%get3A_285, %get3A_286] {strides = array<i32>} : memref<640x16xf32, #tpu.memory_space<vmem>>, vector<1x16xf32>,
        %get3A_288 = vector.shape_cast %get3A_287 : vector<1x16xf32> to vector<16xf32>
        %add3A_289 = arith.addf %get3A_284, %get3A_288 : vector<16xf32>
        %get3A_290 = arith.index_cast %scan3A_275 : i32 to index
        %get3A_291 = arith.constant 0 : index
        %get3A_292 = tpu.vector_load %arg14[%get3A_290, %get3A_291] {strides = array<i32>} : memref<640x16xf32, #tpu.memory_space<vmem>>, vector<1x16xf32>,
        %get3A_293 = vector.shape_cast %get3A_292 : vector<1x16xf32> to vector<16xf32>
        %add3A_294 = arith.addf %add3A_289, %get3A_293 : vector<16xf32>
        %mul3A_295 = arith.mulf %add3A_294, %get3A_280 : vector<16xf32>
        %add3A_296 = arith.addf %mul3A_295, %get3A_5 : vector<16xf32>
        %max3A = arith.constant 0.000000e+00 : f32
        %max3A_297 = vector.broadcast %max3A : f32 to vector<16xf32>
        %max3A_298 = arith.maximumf %add3A_296, %max3A_297 : vector<16xf32>
        %mul3A_299 = arith.mulf %max3A_298, %get3A_280 : vector<16xf32>
        %swap3A = arith.index_cast %scan3A_275 : i32 to index
        %swap3A_300 = arith.constant 0 : index
        %swap3A_301 = tpu.vector_load %arg15[%swap3A, %swap3A_300] {strides = array<i32>} : memref<640x16xf32, #tpu.memory_space<vmem>>, vector<1x16xf32>,
        %swap3A_302 = vector.shape_cast %swap3A_301 : vector<1x16xf32> to vector<16xf32>
        %swap3A_303 = vector.shape_cast %mul3A_299 : vector<16xf32> to vector<1x16xf32>
        tpu.vector_store %arg15[%swap3A, %swap3A_300], %swap3A_303 {strides = array<i32>} : memref<640x16xf32, #tpu.memory_space<vmem>>, vector<1x16xf32>,
        %scan3A_304 = arith.constant 0 : i32
        scf.yield %scan3A_304 : i32
      }
      %scan3A_264 = arith.constant 640 : i32
      "tpu.region"() ({
        %run_scoped3A_275 = tpu.sem_alloc : memref<!tpu.dma_semaphore, #tpu.memory_space<semaphore_mem>>
        %dma_start3A_276 = arith.constant 0 : i32
        %dma_start3A_277 = arith.constant 0 : i32
        %dma_start3A_278 = tpu.memref_slice %arg15[%dma_start3A_276, %dma_start3A_277] : memref<640x16xf32, #tpu.memory_space<vmem>> -> memref<640x16xf32, #tpu.memory_space<vmem>>
        %dma_start3A_279 = arith.constant 0 : i32
        %dma_start3A_280 = tpu.memref_slice %arg19[%mul3A_2, %dma_start3A_279] : memref<10240x16xf32, #tpu.memory_space<vmem_shared>> -> memref<640x16xf32, #tpu.memory_space<vmem_shared>>
        %dma_start3A_281 = arith.constant 0 : i32
        %dma_start3A_282 = tpu.memref_slice %arg19[%mul3A_2, %dma_start3A_281] : memref<10240x16xf32, #tpu.memory_space<vmem_shared>> -> memref<640x16xf32, #tpu.memory_space<vmem_shared>>
        %dma_start3A_283 = arith.constant 0 : i32
        %dma_start3A_284 = arith.constant 0 : i32
        %dma_start3A_285 = tpu.memref_slice %arg15[%dma_start3A_283, %dma_start3A_284] : memref<640x16xf32, #tpu.memory_space<vmem>> -> memref<640x16xf32, #tpu.memory_space<vmem>>
        tpu.enqueue_dma source(%dma_start3A_285 : memref<640x16xf32, #tpu.memory_space<vmem>>) target(%dma_start3A_282 : memref<640x16xf32, #tpu.memory_space<vmem_shared>>) target_semaphore(%run_scoped3A_275 : memref<!tpu.dma_semaphore, #tpu.memory_space<semaphore_mem>>)
        %dma_wait3A_286 = arith.constant 0 : i32
        %dma_wait3A_287 = arith.constant 0 : i32
        %dma_wait3A_288 = tpu.memref_slice %arg15[%dma_wait3A_286, %dma_wait3A_287] : memref<640x16xf32, #tpu.memory_space<vmem>> -> memref<640x16xf32, #tpu.memory_space<vmem>>
        %dma_wait3A_289 = arith.constant 0 : i32
        %dma_wait3A_290 = tpu.memref_slice %arg19[%mul3A_2, %dma_wait3A_289] : memref<10240x16xf32, #tpu.memory_space<vmem_shared>> -> memref<640x16xf32, #tpu.memory_space<vmem_shared>>
        %dma_wait3A_291 = arith.constant 0 : i32
        %dma_wait3A_292 = tpu.memref_slice %arg19[%mul3A_2, %dma_wait3A_291] : memref<10240x16xf32, #tpu.memory_space<vmem_shared>> -> memref<640x16xf32, #tpu.memory_space<vmem_shared>>
        %dma_wait3A_293 = arith.constant 0 : i32
        %dma_wait3A_294 = arith.constant 0 : i32
        %dma_wait3A_295 = tpu.memref_slice %arg15[%dma_wait3A_293, %dma_wait3A_294] : memref<640x16xf32, #tpu.memory_space<vmem>> -> memref<640x16xf32, #tpu.memory_space<vmem>>
        tpu.wait_dma2 semaphore(%run_scoped3A_275 : memref<!tpu.dma_semaphore, #tpu.memory_space<semaphore_mem>>) src(%dma_wait3A_295 : memref<640x16xf32, #tpu.memory_space<vmem>>) dst(%dma_wait3A_292 : memref<640x16xf32, #tpu.memory_space<vmem_shared>>)
        tpu.yield
      }) : () -> ()
      %eq3A_265 = arith.constant 0 : i32
      %eq3A_266 = arith.cmpi eq, %arg0, %eq3A_265 : i32
      %convert_element_type3A_267 = arith.extui %eq3A_266 : i1 to i32
      %cond3A_268 = arith.constant 0 : i32
      %cond3A_269 = arith.cmpi ne, %convert_element_type3A_267, %cond3A_268 : i32
      scf.if %cond3A_269 {
        "tpu.region"() ({
          %run_scoped3A_275 = tpu.sem_alloc : memref<!tpu.dma_semaphore, #tpu.memory_space<semaphore_mem>>
          %dma_start3A_276 = arith.constant 0 : i32
          %dma_start3A_277 = arith.constant 0 : i32
          %dma_start3A_278 = tpu.memref_slice %arg15[%dma_start3A_276, %dma_start3A_277] : memref<640x16xf32, #tpu.memory_space<vmem>> -> memref<640x16xf32, #tpu.memory_space<vmem>>
          %dma_start3A_279 = arith.constant 0 : i32
          %dma_start3A_280 = tpu.memref_slice %arg20[%mul3A_2, %dma_start3A_279] : memref<10240x16xf32, #tpu.memory_space<vmem_shared>> -> memref<640x16xf32, #tpu.memory_space<vmem_shared>>
          %dma_start3A_281 = arith.constant 0 : i32
          %dma_start3A_282 = tpu.memref_slice %arg20[%mul3A_2, %dma_start3A_281] : memref<10240x16xf32, #tpu.memory_space<vmem_shared>> -> memref<640x16xf32, #tpu.memory_space<vmem_shared>>
          %dma_start3A_283 = arith.constant 0 : i32
          %dma_start3A_284 = arith.constant 0 : i32
          %dma_start3A_285 = tpu.memref_slice %arg15[%dma_start3A_283, %dma_start3A_284] : memref<640x16xf32, #tpu.memory_space<vmem>> -> memref<640x16xf32, #tpu.memory_space<vmem>>
          tpu.enqueue_dma source(%dma_start3A_285 : memref<640x16xf32, #tpu.memory_space<vmem>>) target(%dma_start3A_282 : memref<640x16xf32, #tpu.memory_space<vmem_shared>>) target_semaphore(%run_scoped3A_275 : memref<!tpu.dma_semaphore, #tpu.memory_space<semaphore_mem>>)
          %dma_wait3A_286 = arith.constant 0 : i32
          %dma_wait3A_287 = arith.constant 0 : i32
          %dma_wait3A_288 = tpu.memref_slice %arg15[%dma_wait3A_286, %dma_wait3A_287] : memref<640x16xf32, #tpu.memory_space<vmem>> -> memref<640x16xf32, #tpu.memory_space<vmem>>
          %dma_wait3A_289 = arith.constant 0 : i32
          %dma_wait3A_290 = tpu.memref_slice %arg20[%mul3A_2, %dma_wait3A_289] : memref<10240x16xf32, #tpu.memory_space<vmem_shared>> -> memref<640x16xf32, #tpu.memory_space<vmem_shared>>
          %dma_wait3A_291 = arith.constant 0 : i32
          %dma_wait3A_292 = tpu.memref_slice %arg20[%mul3A_2, %dma_wait3A_291] : memref<10240x16xf32, #tpu.memory_space<vmem_shared>> -> memref<640x16xf32, #tpu.memory_space<vmem_shared>>
          %dma_wait3A_293 = arith.constant 0 : i32
          %dma_wait3A_294 = arith.constant 0 : i32
          %dma_wait3A_295 = tpu.memref_slice %arg15[%dma_wait3A_293, %dma_wait3A_294] : memref<640x16xf32, #tpu.memory_space<vmem>> -> memref<640x16xf32, #tpu.memory_space<vmem>>
          tpu.wait_dma2 semaphore(%run_scoped3A_275 : memref<!tpu.dma_semaphore, #tpu.memory_space<semaphore_mem>>) src(%dma_wait3A_295 : memref<640x16xf32, #tpu.memory_space<vmem>>) dst(%dma_wait3A_292 : memref<640x16xf32, #tpu.memory_space<vmem_shared>>)
          tpu.yield
        }) : () -> ()
      } else {
      }
      %eq3A_270 = arith.constant 1 : i32
      %eq3A_271 = arith.cmpi eq, %arg0, %eq3A_270 : i32
      %convert_element_type3A_272 = arith.extui %eq3A_271 : i1 to i32
      %cond3A_273 = arith.constant 0 : i32
      %cond3A_274 = arith.cmpi ne, %convert_element_type3A_272, %cond3A_273 : i32
      scf.if %cond3A_274 {
        %add3A_275 = arith.constant 0 : i32
        %add3A_276 = arith.addi %mul3A_2, %add3A_275 : i32
        "tpu.region"() ({
          %run_scoped3A_307 = tpu.sem_alloc : memref<!tpu.dma_semaphore, #tpu.memory_space<semaphore_mem>>
          %dma_start3A_308 = arith.constant 0 : i32
          %dma_start3A_309 = tpu.memref_slice %arg20[%add3A_276, %dma_start3A_308] : memref<10240x16xf32, #tpu.memory_space<vmem_shared>> -> memref<40x16xf32, #tpu.memory_space<vmem_shared>>
          %dma_start3A_310 = arith.constant 0 : i32
          %dma_start3A_311 = tpu.memref_slice %arg20[%add3A_276, %dma_start3A_310] : memref<10240x16xf32, #tpu.memory_space<vmem_shared>> -> memref<40x16xf32, #tpu.memory_space<vmem_shared>>
          tpu.enqueue_dma source(%arg18 : memref<40x16xf32, #tpu.memory_space<vmem>>) target(%dma_start3A_311 : memref<40x16xf32, #tpu.memory_space<vmem_shared>>) target_semaphore(%run_scoped3A_307 : memref<!tpu.dma_semaphore, #tpu.memory_space<semaphore_mem>>)
          %dma_wait3A_312 = arith.constant 0 : i32
          %dma_wait3A_313 = tpu.memref_slice %arg20[%add3A_276, %dma_wait3A_312] : memref<10240x16xf32, #tpu.memory_space<vmem_shared>> -> memref<40x16xf32, #tpu.memory_space<vmem_shared>>
          %dma_wait3A_314 = arith.constant 0 : i32
          %dma_wait3A_315 = tpu.memref_slice %arg20[%add3A_276, %dma_wait3A_314] : memref<10240x16xf32, #tpu.memory_space<vmem_shared>> -> memref<40x16xf32, #tpu.memory_space<vmem_shared>>
          tpu.wait_dma2 semaphore(%run_scoped3A_307 : memref<!tpu.dma_semaphore, #tpu.memory_space<semaphore_mem>>) src(%arg18 : memref<40x16xf32, #tpu.memory_space<vmem>>) dst(%dma_wait3A_315 : memref<40x16xf32, #tpu.memory_space<vmem_shared>>)
          tpu.yield
        }) : () -> ()
        %add3A_277 = arith.constant 40 : i32
        %add3A_278 = arith.addi %mul3A_2, %add3A_277 : i32
        "tpu.region"() ({
          %run_scoped3A_307 = tpu.sem_alloc : memref<!tpu.dma_semaphore, #tpu.memory_space<semaphore_mem>>
          %dma_start3A_308 = arith.constant 0 : i32
          %dma_start3A_309 = tpu.memref_slice %arg20[%add3A_278, %dma_start3A_308] : memref<10240x16xf32, #tpu.memory_space<vmem_shared>> -> memref<40x16xf32, #tpu.memory_space<vmem_shared>>
          %dma_start3A_310 = arith.constant 0 : i32
          %dma_start3A_311 = tpu.memref_slice %arg20[%add3A_278, %dma_start3A_310] : memref<10240x16xf32, #tpu.memory_space<vmem_shared>> -> memref<40x16xf32, #tpu.memory_space<vmem_shared>>
          tpu.enqueue_dma source(%arg18 : memref<40x16xf32, #tpu.memory_space<vmem>>) target(%dma_start3A_311 : memref<40x16xf32, #tpu.memory_space<vmem_shared>>) target_semaphore(%run_scoped3A_307 : memref<!tpu.dma_semaphore, #tpu.memory_space<semaphore_mem>>)
          %dma_wait3A_312 = arith.constant 0 : i32
          %dma_wait3A_313 = tpu.memref_slice %arg20[%add3A_278, %dma_wait3A_312] : memref<10240x16xf32, #tpu.memory_space<vmem_shared>> -> memref<40x16xf32, #tpu.memory_space<vmem_shared>>
          %dma_wait3A_314 = arith.constant 0 : i32
          %dma_wait3A_315 = tpu.memref_slice %arg20[%add3A_278, %dma_wait3A_314] : memref<10240x16xf32, #tpu.memory_space<vmem_shared>> -> memref<40x16xf32, #tpu.memory_space<vmem_shared>>
          tpu.wait_dma2 semaphore(%run_scoped3A_307 : memref<!tpu.dma_semaphore, #tpu.memory_space<semaphore_mem>>) src(%arg18 : memref<40x16xf32, #tpu.memory_space<vmem>>) dst(%dma_wait3A_315 : memref<40x16xf32, #tpu.memory_space<vmem_shared>>)
          tpu.yield
        }) : () -> ()
        %add3A_279 = arith.constant 80 : i32
        %add3A_280 = arith.addi %mul3A_2, %add3A_279 : i32
        "tpu.region"() ({
          %run_scoped3A_307 = tpu.sem_alloc : memref<!tpu.dma_semaphore, #tpu.memory_space<semaphore_mem>>
          %dma_start3A_308 = arith.constant 0 : i32
          %dma_start3A_309 = tpu.memref_slice %arg20[%add3A_280, %dma_start3A_308] : memref<10240x16xf32, #tpu.memory_space<vmem_shared>> -> memref<40x16xf32, #tpu.memory_space<vmem_shared>>
          %dma_start3A_310 = arith.constant 0 : i32
          %dma_start3A_311 = tpu.memref_slice %arg20[%add3A_280, %dma_start3A_310] : memref<10240x16xf32, #tpu.memory_space<vmem_shared>> -> memref<40x16xf32, #tpu.memory_space<vmem_shared>>
          tpu.enqueue_dma source(%arg18 : memref<40x16xf32, #tpu.memory_space<vmem>>) target(%dma_start3A_311 : memref<40x16xf32, #tpu.memory_space<vmem_shared>>) target_semaphore(%run_scoped3A_307 : memref<!tpu.dma_semaphore, #tpu.memory_space<semaphore_mem>>)
          %dma_wait3A_312 = arith.constant 0 : i32
          %dma_wait3A_313 = tpu.memref_slice %arg20[%add3A_280, %dma_wait3A_312] : memref<10240x16xf32, #tpu.memory_space<vmem_shared>> -> memref<40x16xf32, #tpu.memory_space<vmem_shared>>
          %dma_wait3A_314 = arith.constant 0 : i32
          %dma_wait3A_315 = tpu.memref_slice %arg20[%add3A_280, %dma_wait3A_314] : memref<10240x16xf32, #tpu.memory_space<vmem_shared>> -> memref<40x16xf32, #tpu.memory_space<vmem_shared>>
          tpu.wait_dma2 semaphore(%run_scoped3A_307 : memref<!tpu.dma_semaphore, #tpu.memory_space<semaphore_mem>>) src(%arg18 : memref<40x16xf32, #tpu.memory_space<vmem>>) dst(%dma_wait3A_315 : memref<40x16xf32, #tpu.memory_space<vmem_shared>>)
          tpu.yield
        }) : () -> ()
        %add3A_281 = arith.constant 120 : i32
        %add3A_282 = arith.addi %mul3A_2, %add3A_281 : i32
        "tpu.region"() ({
          %run_scoped3A_307 = tpu.sem_alloc : memref<!tpu.dma_semaphore, #tpu.memory_space<semaphore_mem>>
          %dma_start3A_308 = arith.constant 0 : i32
          %dma_start3A_309 = tpu.memref_slice %arg20[%add3A_282, %dma_start3A_308] : memref<10240x16xf32, #tpu.memory_space<vmem_shared>> -> memref<40x16xf32, #tpu.memory_space<vmem_shared>>
          %dma_start3A_310 = arith.constant 0 : i32
          %dma_start3A_311 = tpu.memref_slice %arg20[%add3A_282, %dma_start3A_310] : memref<10240x16xf32, #tpu.memory_space<vmem_shared>> -> memref<40x16xf32, #tpu.memory_space<vmem_shared>>
          tpu.enqueue_dma source(%arg18 : memref<40x16xf32, #tpu.memory_space<vmem>>) target(%dma_start3A_311 : memref<40x16xf32, #tpu.memory_space<vmem_shared>>) target_semaphore(%run_scoped3A_307 : memref<!tpu.dma_semaphore, #tpu.memory_space<semaphore_mem>>)
          %dma_wait3A_312 = arith.constant 0 : i32
          %dma_wait3A_313 = tpu.memref_slice %arg20[%add3A_282, %dma_wait3A_312] : memref<10240x16xf32, #tpu.memory_space<vmem_shared>> -> memref<40x16xf32, #tpu.memory_space<vmem_shared>>
          %dma_wait3A_314 = arith.constant 0 : i32
          %dma_wait3A_315 = tpu.memref_slice %arg20[%add3A_282, %dma_wait3A_314] : memref<10240x16xf32, #tpu.memory_space<vmem_shared>> -> memref<40x16xf32, #tpu.memory_space<vmem_shared>>
          tpu.wait_dma2 semaphore(%run_scoped3A_307 : memref<!tpu.dma_semaphore, #tpu.memory_space<semaphore_mem>>) src(%arg18 : memref<40x16xf32, #tpu.memory_space<vmem>>) dst(%dma_wait3A_315 : memref<40x16xf32, #tpu.memory_space<vmem_shared>>)
          tpu.yield
        }) : () -> ()
        %add3A_283 = arith.constant 160 : i32
        %add3A_284 = arith.addi %mul3A_2, %add3A_283 : i32
        "tpu.region"() ({
          %run_scoped3A_307 = tpu.sem_alloc : memref<!tpu.dma_semaphore, #tpu.memory_space<semaphore_mem>>
          %dma_start3A_308 = arith.constant 0 : i32
          %dma_start3A_309 = tpu.memref_slice %arg20[%add3A_284, %dma_start3A_308] : memref<10240x16xf32, #tpu.memory_space<vmem_shared>> -> memref<40x16xf32, #tpu.memory_space<vmem_shared>>
          %dma_start3A_310 = arith.constant 0 : i32
          %dma_start3A_311 = tpu.memref_slice %arg20[%add3A_284, %dma_start3A_310] : memref<10240x16xf32, #tpu.memory_space<vmem_shared>> -> memref<40x16xf32, #tpu.memory_space<vmem_shared>>
          tpu.enqueue_dma source(%arg18 : memref<40x16xf32, #tpu.memory_space<vmem>>) target(%dma_start3A_311 : memref<40x16xf32, #tpu.memory_space<vmem_shared>>) target_semaphore(%run_scoped3A_307 : memref<!tpu.dma_semaphore, #tpu.memory_space<semaphore_mem>>)
          %dma_wait3A_312 = arith.constant 0 : i32
          %dma_wait3A_313 = tpu.memref_slice %arg20[%add3A_284, %dma_wait3A_312] : memref<10240x16xf32, #tpu.memory_space<vmem_shared>> -> memref<40x16xf32, #tpu.memory_space<vmem_shared>>
          %dma_wait3A_314 = arith.constant 0 : i32
          %dma_wait3A_315 = tpu.memref_slice %arg20[%add3A_284, %dma_wait3A_314] : memref<10240x16xf32, #tpu.memory_space<vmem_shared>> -> memref<40x16xf32, #tpu.memory_space<vmem_shared>>
          tpu.wait_dma2 semaphore(%run_scoped3A_307 : memref<!tpu.dma_semaphore, #tpu.memory_space<semaphore_mem>>) src(%arg18 : memref<40x16xf32, #tpu.memory_space<vmem>>) dst(%dma_wait3A_315 : memref<40x16xf32, #tpu.memory_space<vmem_shared>>)
          tpu.yield
        }) : () -> ()
        %add3A_285 = arith.constant 200 : i32
        %add3A_286 = arith.addi %mul3A_2, %add3A_285 : i32
        "tpu.region"() ({
          %run_scoped3A_307 = tpu.sem_alloc : memref<!tpu.dma_semaphore, #tpu.memory_space<semaphore_mem>>
          %dma_start3A_308 = arith.constant 0 : i32
          %dma_start3A_309 = tpu.memref_slice %arg20[%add3A_286, %dma_start3A_308] : memref<10240x16xf32, #tpu.memory_space<vmem_shared>> -> memref<40x16xf32, #tpu.memory_space<vmem_shared>>
          %dma_start3A_310 = arith.constant 0 : i32
          %dma_start3A_311 = tpu.memref_slice %arg20[%add3A_286, %dma_start3A_310] : memref<10240x16xf32, #tpu.memory_space<vmem_shared>> -> memref<40x16xf32, #tpu.memory_space<vmem_shared>>
          tpu.enqueue_dma source(%arg18 : memref<40x16xf32, #tpu.memory_space<vmem>>) target(%dma_start3A_311 : memref<40x16xf32, #tpu.memory_space<vmem_shared>>) target_semaphore(%run_scoped3A_307 : memref<!tpu.dma_semaphore, #tpu.memory_space<semaphore_mem>>)
          %dma_wait3A_312 = arith.constant 0 : i32
          %dma_wait3A_313 = tpu.memref_slice %arg20[%add3A_286, %dma_wait3A_312] : memref<10240x16xf32, #tpu.memory_space<vmem_shared>> -> memref<40x16xf32, #tpu.memory_space<vmem_shared>>
          %dma_wait3A_314 = arith.constant 0 : i32
          %dma_wait3A_315 = tpu.memref_slice %arg20[%add3A_286, %dma_wait3A_314] : memref<10240x16xf32, #tpu.memory_space<vmem_shared>> -> memref<40x16xf32, #tpu.memory_space<vmem_shared>>
          tpu.wait_dma2 semaphore(%run_scoped3A_307 : memref<!tpu.dma_semaphore, #tpu.memory_space<semaphore_mem>>) src(%arg18 : memref<40x16xf32, #tpu.memory_space<vmem>>) dst(%dma_wait3A_315 : memref<40x16xf32, #tpu.memory_space<vmem_shared>>)
          tpu.yield
        }) : () -> ()
        %add3A_287 = arith.constant 240 : i32
        %add3A_288 = arith.addi %mul3A_2, %add3A_287 : i32
        "tpu.region"() ({
          %run_scoped3A_307 = tpu.sem_alloc : memref<!tpu.dma_semaphore, #tpu.memory_space<semaphore_mem>>
          %dma_start3A_308 = arith.constant 0 : i32
          %dma_start3A_309 = tpu.memref_slice %arg20[%add3A_288, %dma_start3A_308] : memref<10240x16xf32, #tpu.memory_space<vmem_shared>> -> memref<40x16xf32, #tpu.memory_space<vmem_shared>>
          %dma_start3A_310 = arith.constant 0 : i32
          %dma_start3A_311 = tpu.memref_slice %arg20[%add3A_288, %dma_start3A_310] : memref<10240x16xf32, #tpu.memory_space<vmem_shared>> -> memref<40x16xf32, #tpu.memory_space<vmem_shared>>
          tpu.enqueue_dma source(%arg18 : memref<40x16xf32, #tpu.memory_space<vmem>>) target(%dma_start3A_311 : memref<40x16xf32, #tpu.memory_space<vmem_shared>>) target_semaphore(%run_scoped3A_307 : memref<!tpu.dma_semaphore, #tpu.memory_space<semaphore_mem>>)
          %dma_wait3A_312 = arith.constant 0 : i32
          %dma_wait3A_313 = tpu.memref_slice %arg20[%add3A_288, %dma_wait3A_312] : memref<10240x16xf32, #tpu.memory_space<vmem_shared>> -> memref<40x16xf32, #tpu.memory_space<vmem_shared>>
          %dma_wait3A_314 = arith.constant 0 : i32
          %dma_wait3A_315 = tpu.memref_slice %arg20[%add3A_288, %dma_wait3A_314] : memref<10240x16xf32, #tpu.memory_space<vmem_shared>> -> memref<40x16xf32, #tpu.memory_space<vmem_shared>>
          tpu.wait_dma2 semaphore(%run_scoped3A_307 : memref<!tpu.dma_semaphore, #tpu.memory_space<semaphore_mem>>) src(%arg18 : memref<40x16xf32, #tpu.memory_space<vmem>>) dst(%dma_wait3A_315 : memref<40x16xf32, #tpu.memory_space<vmem_shared>>)
          tpu.yield
        }) : () -> ()
        %add3A_289 = arith.constant 280 : i32
        %add3A_290 = arith.addi %mul3A_2, %add3A_289 : i32
        "tpu.region"() ({
          %run_scoped3A_307 = tpu.sem_alloc : memref<!tpu.dma_semaphore, #tpu.memory_space<semaphore_mem>>
          %dma_start3A_308 = arith.constant 0 : i32
          %dma_start3A_309 = tpu.memref_slice %arg20[%add3A_290, %dma_start3A_308] : memref<10240x16xf32, #tpu.memory_space<vmem_shared>> -> memref<40x16xf32, #tpu.memory_space<vmem_shared>>
          %dma_start3A_310 = arith.constant 0 : i32
          %dma_start3A_311 = tpu.memref_slice %arg20[%add3A_290, %dma_start3A_310] : memref<10240x16xf32, #tpu.memory_space<vmem_shared>> -> memref<40x16xf32, #tpu.memory_space<vmem_shared>>
          tpu.enqueue_dma source(%arg18 : memref<40x16xf32, #tpu.memory_space<vmem>>) target(%dma_start3A_311 : memref<40x16xf32, #tpu.memory_space<vmem_shared>>) target_semaphore(%run_scoped3A_307 : memref<!tpu.dma_semaphore, #tpu.memory_space<semaphore_mem>>)
          %dma_wait3A_312 = arith.constant 0 : i32
          %dma_wait3A_313 = tpu.memref_slice %arg20[%add3A_290, %dma_wait3A_312] : memref<10240x16xf32, #tpu.memory_space<vmem_shared>> -> memref<40x16xf32, #tpu.memory_space<vmem_shared>>
          %dma_wait3A_314 = arith.constant 0 : i32
          %dma_wait3A_315 = tpu.memref_slice %arg20[%add3A_290, %dma_wait3A_314] : memref<10240x16xf32, #tpu.memory_space<vmem_shared>> -> memref<40x16xf32, #tpu.memory_space<vmem_shared>>
          tpu.wait_dma2 semaphore(%run_scoped3A_307 : memref<!tpu.dma_semaphore, #tpu.memory_space<semaphore_mem>>) src(%arg18 : memref<40x16xf32, #tpu.memory_space<vmem>>) dst(%dma_wait3A_315 : memref<40x16xf32, #tpu.memory_space<vmem_shared>>)
          tpu.yield
        }) : () -> ()
        %add3A_291 = arith.constant 320 : i32
        %add3A_292 = arith.addi %mul3A_2, %add3A_291 : i32
        "tpu.region"() ({
          %run_scoped3A_307 = tpu.sem_alloc : memref<!tpu.dma_semaphore, #tpu.memory_space<semaphore_mem>>
          %dma_start3A_308 = arith.constant 0 : i32
          %dma_start3A_309 = tpu.memref_slice %arg20[%add3A_292, %dma_start3A_308] : memref<10240x16xf32, #tpu.memory_space<vmem_shared>> -> memref<40x16xf32, #tpu.memory_space<vmem_shared>>
          %dma_start3A_310 = arith.constant 0 : i32
          %dma_start3A_311 = tpu.memref_slice %arg20[%add3A_292, %dma_start3A_310] : memref<10240x16xf32, #tpu.memory_space<vmem_shared>> -> memref<40x16xf32, #tpu.memory_space<vmem_shared>>
          tpu.enqueue_dma source(%arg18 : memref<40x16xf32, #tpu.memory_space<vmem>>) target(%dma_start3A_311 : memref<40x16xf32, #tpu.memory_space<vmem_shared>>) target_semaphore(%run_scoped3A_307 : memref<!tpu.dma_semaphore, #tpu.memory_space<semaphore_mem>>)
          %dma_wait3A_312 = arith.constant 0 : i32
          %dma_wait3A_313 = tpu.memref_slice %arg20[%add3A_292, %dma_wait3A_312] : memref<10240x16xf32, #tpu.memory_space<vmem_shared>> -> memref<40x16xf32, #tpu.memory_space<vmem_shared>>
          %dma_wait3A_314 = arith.constant 0 : i32
          %dma_wait3A_315 = tpu.memref_slice %arg20[%add3A_292, %dma_wait3A_314] : memref<10240x16xf32, #tpu.memory_space<vmem_shared>> -> memref<40x16xf32, #tpu.memory_space<vmem_shared>>
          tpu.wait_dma2 semaphore(%run_scoped3A_307 : memref<!tpu.dma_semaphore, #tpu.memory_space<semaphore_mem>>) src(%arg18 : memref<40x16xf32, #tpu.memory_space<vmem>>) dst(%dma_wait3A_315 : memref<40x16xf32, #tpu.memory_space<vmem_shared>>)
          tpu.yield
        }) : () -> ()
        %add3A_293 = arith.constant 360 : i32
        %add3A_294 = arith.addi %mul3A_2, %add3A_293 : i32
        "tpu.region"() ({
          %run_scoped3A_307 = tpu.sem_alloc : memref<!tpu.dma_semaphore, #tpu.memory_space<semaphore_mem>>
          %dma_start3A_308 = arith.constant 0 : i32
          %dma_start3A_309 = tpu.memref_slice %arg20[%add3A_294, %dma_start3A_308] : memref<10240x16xf32, #tpu.memory_space<vmem_shared>> -> memref<40x16xf32, #tpu.memory_space<vmem_shared>>
          %dma_start3A_310 = arith.constant 0 : i32
          %dma_start3A_311 = tpu.memref_slice %arg20[%add3A_294, %dma_start3A_310] : memref<10240x16xf32, #tpu.memory_space<vmem_shared>> -> memref<40x16xf32, #tpu.memory_space<vmem_shared>>
          tpu.enqueue_dma source(%arg18 : memref<40x16xf32, #tpu.memory_space<vmem>>) target(%dma_start3A_311 : memref<40x16xf32, #tpu.memory_space<vmem_shared>>) target_semaphore(%run_scoped3A_307 : memref<!tpu.dma_semaphore, #tpu.memory_space<semaphore_mem>>)
          %dma_wait3A_312 = arith.constant 0 : i32
          %dma_wait3A_313 = tpu.memref_slice %arg20[%add3A_294, %dma_wait3A_312] : memref<10240x16xf32, #tpu.memory_space<vmem_shared>> -> memref<40x16xf32, #tpu.memory_space<vmem_shared>>
          %dma_wait3A_314 = arith.constant 0 : i32
          %dma_wait3A_315 = tpu.memref_slice %arg20[%add3A_294, %dma_wait3A_314] : memref<10240x16xf32, #tpu.memory_space<vmem_shared>> -> memref<40x16xf32, #tpu.memory_space<vmem_shared>>
          tpu.wait_dma2 semaphore(%run_scoped3A_307 : memref<!tpu.dma_semaphore, #tpu.memory_space<semaphore_mem>>) src(%arg18 : memref<40x16xf32, #tpu.memory_space<vmem>>) dst(%dma_wait3A_315 : memref<40x16xf32, #tpu.memory_space<vmem_shared>>)
          tpu.yield
        }) : () -> ()
        %add3A_295 = arith.constant 400 : i32
        %add3A_296 = arith.addi %mul3A_2, %add3A_295 : i32
        "tpu.region"() ({
          %run_scoped3A_307 = tpu.sem_alloc : memref<!tpu.dma_semaphore, #tpu.memory_space<semaphore_mem>>
          %dma_start3A_308 = arith.constant 0 : i32
          %dma_start3A_309 = tpu.memref_slice %arg20[%add3A_296, %dma_start3A_308] : memref<10240x16xf32, #tpu.memory_space<vmem_shared>> -> memref<40x16xf32, #tpu.memory_space<vmem_shared>>
          %dma_start3A_310 = arith.constant 0 : i32
          %dma_start3A_311 = tpu.memref_slice %arg20[%add3A_296, %dma_start3A_310] : memref<10240x16xf32, #tpu.memory_space<vmem_shared>> -> memref<40x16xf32, #tpu.memory_space<vmem_shared>>
          tpu.enqueue_dma source(%arg18 : memref<40x16xf32, #tpu.memory_space<vmem>>) target(%dma_start3A_311 : memref<40x16xf32, #tpu.memory_space<vmem_shared>>) target_semaphore(%run_scoped3A_307 : memref<!tpu.dma_semaphore, #tpu.memory_space<semaphore_mem>>)
          %dma_wait3A_312 = arith.constant 0 : i32
          %dma_wait3A_313 = tpu.memref_slice %arg20[%add3A_296, %dma_wait3A_312] : memref<10240x16xf32, #tpu.memory_space<vmem_shared>> -> memref<40x16xf32, #tpu.memory_space<vmem_shared>>
          %dma_wait3A_314 = arith.constant 0 : i32
          %dma_wait3A_315 = tpu.memref_slice %arg20[%add3A_296, %dma_wait3A_314] : memref<10240x16xf32, #tpu.memory_space<vmem_shared>> -> memref<40x16xf32, #tpu.memory_space<vmem_shared>>
          tpu.wait_dma2 semaphore(%run_scoped3A_307 : memref<!tpu.dma_semaphore, #tpu.memory_space<semaphore_mem>>) src(%arg18 : memref<40x16xf32, #tpu.memory_space<vmem>>) dst(%dma_wait3A_315 : memref<40x16xf32, #tpu.memory_space<vmem_shared>>)
          tpu.yield
        }) : () -> ()
        %add3A_297 = arith.constant 440 : i32
        %add3A_298 = arith.addi %mul3A_2, %add3A_297 : i32
        "tpu.region"() ({
          %run_scoped3A_307 = tpu.sem_alloc : memref<!tpu.dma_semaphore, #tpu.memory_space<semaphore_mem>>
          %dma_start3A_308 = arith.constant 0 : i32
          %dma_start3A_309 = tpu.memref_slice %arg20[%add3A_298, %dma_start3A_308] : memref<10240x16xf32, #tpu.memory_space<vmem_shared>> -> memref<40x16xf32, #tpu.memory_space<vmem_shared>>
          %dma_start3A_310 = arith.constant 0 : i32
          %dma_start3A_311 = tpu.memref_slice %arg20[%add3A_298, %dma_start3A_310] : memref<10240x16xf32, #tpu.memory_space<vmem_shared>> -> memref<40x16xf32, #tpu.memory_space<vmem_shared>>
          tpu.enqueue_dma source(%arg18 : memref<40x16xf32, #tpu.memory_space<vmem>>) target(%dma_start3A_311 : memref<40x16xf32, #tpu.memory_space<vmem_shared>>) target_semaphore(%run_scoped3A_307 : memref<!tpu.dma_semaphore, #tpu.memory_space<semaphore_mem>>)
          %dma_wait3A_312 = arith.constant 0 : i32
          %dma_wait3A_313 = tpu.memref_slice %arg20[%add3A_298, %dma_wait3A_312] : memref<10240x16xf32, #tpu.memory_space<vmem_shared>> -> memref<40x16xf32, #tpu.memory_space<vmem_shared>>
          %dma_wait3A_314 = arith.constant 0 : i32
          %dma_wait3A_315 = tpu.memref_slice %arg20[%add3A_298, %dma_wait3A_314] : memref<10240x16xf32, #tpu.memory_space<vmem_shared>> -> memref<40x16xf32, #tpu.memory_space<vmem_shared>>
          tpu.wait_dma2 semaphore(%run_scoped3A_307 : memref<!tpu.dma_semaphore, #tpu.memory_space<semaphore_mem>>) src(%arg18 : memref<40x16xf32, #tpu.memory_space<vmem>>) dst(%dma_wait3A_315 : memref<40x16xf32, #tpu.memory_space<vmem_shared>>)
          tpu.yield
        }) : () -> ()
        %add3A_299 = arith.constant 480 : i32
        %add3A_300 = arith.addi %mul3A_2, %add3A_299 : i32
        "tpu.region"() ({
          %run_scoped3A_307 = tpu.sem_alloc : memref<!tpu.dma_semaphore, #tpu.memory_space<semaphore_mem>>
          %dma_start3A_308 = arith.constant 0 : i32
          %dma_start3A_309 = tpu.memref_slice %arg20[%add3A_300, %dma_start3A_308] : memref<10240x16xf32, #tpu.memory_space<vmem_shared>> -> memref<40x16xf32, #tpu.memory_space<vmem_shared>>
          %dma_start3A_310 = arith.constant 0 : i32
          %dma_start3A_311 = tpu.memref_slice %arg20[%add3A_300, %dma_start3A_310] : memref<10240x16xf32, #tpu.memory_space<vmem_shared>> -> memref<40x16xf32, #tpu.memory_space<vmem_shared>>
          tpu.enqueue_dma source(%arg18 : memref<40x16xf32, #tpu.memory_space<vmem>>) target(%dma_start3A_311 : memref<40x16xf32, #tpu.memory_space<vmem_shared>>) target_semaphore(%run_scoped3A_307 : memref<!tpu.dma_semaphore, #tpu.memory_space<semaphore_mem>>)
          %dma_wait3A_312 = arith.constant 0 : i32
          %dma_wait3A_313 = tpu.memref_slice %arg20[%add3A_300, %dma_wait3A_312] : memref<10240x16xf32, #tpu.memory_space<vmem_shared>> -> memref<40x16xf32, #tpu.memory_space<vmem_shared>>
          %dma_wait3A_314 = arith.constant 0 : i32
          %dma_wait3A_315 = tpu.memref_slice %arg20[%add3A_300, %dma_wait3A_314] : memref<10240x16xf32, #tpu.memory_space<vmem_shared>> -> memref<40x16xf32, #tpu.memory_space<vmem_shared>>
          tpu.wait_dma2 semaphore(%run_scoped3A_307 : memref<!tpu.dma_semaphore, #tpu.memory_space<semaphore_mem>>) src(%arg18 : memref<40x16xf32, #tpu.memory_space<vmem>>) dst(%dma_wait3A_315 : memref<40x16xf32, #tpu.memory_space<vmem_shared>>)
          tpu.yield
        }) : () -> ()
        %add3A_301 = arith.constant 520 : i32
        %add3A_302 = arith.addi %mul3A_2, %add3A_301 : i32
        "tpu.region"() ({
          %run_scoped3A_307 = tpu.sem_alloc : memref<!tpu.dma_semaphore, #tpu.memory_space<semaphore_mem>>
          %dma_start3A_308 = arith.constant 0 : i32
          %dma_start3A_309 = tpu.memref_slice %arg20[%add3A_302, %dma_start3A_308] : memref<10240x16xf32, #tpu.memory_space<vmem_shared>> -> memref<40x16xf32, #tpu.memory_space<vmem_shared>>
          %dma_start3A_310 = arith.constant 0 : i32
          %dma_start3A_311 = tpu.memref_slice %arg20[%add3A_302, %dma_start3A_310] : memref<10240x16xf32, #tpu.memory_space<vmem_shared>> -> memref<40x16xf32, #tpu.memory_space<vmem_shared>>
          tpu.enqueue_dma source(%arg18 : memref<40x16xf32, #tpu.memory_space<vmem>>) target(%dma_start3A_311 : memref<40x16xf32, #tpu.memory_space<vmem_shared>>) target_semaphore(%run_scoped3A_307 : memref<!tpu.dma_semaphore, #tpu.memory_space<semaphore_mem>>)
          %dma_wait3A_312 = arith.constant 0 : i32
          %dma_wait3A_313 = tpu.memref_slice %arg20[%add3A_302, %dma_wait3A_312] : memref<10240x16xf32, #tpu.memory_space<vmem_shared>> -> memref<40x16xf32, #tpu.memory_space<vmem_shared>>
          %dma_wait3A_314 = arith.constant 0 : i32
          %dma_wait3A_315 = tpu.memref_slice %arg20[%add3A_302, %dma_wait3A_314] : memref<10240x16xf32, #tpu.memory_space<vmem_shared>> -> memref<40x16xf32, #tpu.memory_space<vmem_shared>>
          tpu.wait_dma2 semaphore(%run_scoped3A_307 : memref<!tpu.dma_semaphore, #tpu.memory_space<semaphore_mem>>) src(%arg18 : memref<40x16xf32, #tpu.memory_space<vmem>>) dst(%dma_wait3A_315 : memref<40x16xf32, #tpu.memory_space<vmem_shared>>)
          tpu.yield
        }) : () -> ()
        %add3A_303 = arith.constant 560 : i32
        %add3A_304 = arith.addi %mul3A_2, %add3A_303 : i32
        "tpu.region"() ({
          %run_scoped3A_307 = tpu.sem_alloc : memref<!tpu.dma_semaphore, #tpu.memory_space<semaphore_mem>>
          %dma_start3A_308 = arith.constant 0 : i32
          %dma_start3A_309 = tpu.memref_slice %arg20[%add3A_304, %dma_start3A_308] : memref<10240x16xf32, #tpu.memory_space<vmem_shared>> -> memref<40x16xf32, #tpu.memory_space<vmem_shared>>
          %dma_start3A_310 = arith.constant 0 : i32
          %dma_start3A_311 = tpu.memref_slice %arg20[%add3A_304, %dma_start3A_310] : memref<10240x16xf32, #tpu.memory_space<vmem_shared>> -> memref<40x16xf32, #tpu.memory_space<vmem_shared>>
          tpu.enqueue_dma source(%arg18 : memref<40x16xf32, #tpu.memory_space<vmem>>) target(%dma_start3A_311 : memref<40x16xf32, #tpu.memory_space<vmem_shared>>) target_semaphore(%run_scoped3A_307 : memref<!tpu.dma_semaphore, #tpu.memory_space<semaphore_mem>>)
          %dma_wait3A_312 = arith.constant 0 : i32
          %dma_wait3A_313 = tpu.memref_slice %arg20[%add3A_304, %dma_wait3A_312] : memref<10240x16xf32, #tpu.memory_space<vmem_shared>> -> memref<40x16xf32, #tpu.memory_space<vmem_shared>>
          %dma_wait3A_314 = arith.constant 0 : i32
          %dma_wait3A_315 = tpu.memref_slice %arg20[%add3A_304, %dma_wait3A_314] : memref<10240x16xf32, #tpu.memory_space<vmem_shared>> -> memref<40x16xf32, #tpu.memory_space<vmem_shared>>
          tpu.wait_dma2 semaphore(%run_scoped3A_307 : memref<!tpu.dma_semaphore, #tpu.memory_space<semaphore_mem>>) src(%arg18 : memref<40x16xf32, #tpu.memory_space<vmem>>) dst(%dma_wait3A_315 : memref<40x16xf32, #tpu.memory_space<vmem_shared>>)
          tpu.yield
        }) : () -> ()
        %add3A_305 = arith.constant 600 : i32
        %add3A_306 = arith.addi %mul3A_2, %add3A_305 : i32
        "tpu.region"() ({
          %run_scoped3A_307 = tpu.sem_alloc : memref<!tpu.dma_semaphore, #tpu.memory_space<semaphore_mem>>
          %dma_start3A_308 = arith.constant 0 : i32
          %dma_start3A_309 = tpu.memref_slice %arg20[%add3A_306, %dma_start3A_308] : memref<10240x16xf32, #tpu.memory_space<vmem_shared>> -> memref<40x16xf32, #tpu.memory_space<vmem_shared>>
          %dma_start3A_310 = arith.constant 0 : i32
          %dma_start3A_311 = tpu.memref_slice %arg20[%add3A_306, %dma_start3A_310] : memref<10240x16xf32, #tpu.memory_space<vmem_shared>> -> memref<40x16xf32, #tpu.memory_space<vmem_shared>>
          tpu.enqueue_dma source(%arg18 : memref<40x16xf32, #tpu.memory_space<vmem>>) target(%dma_start3A_311 : memref<40x16xf32, #tpu.memory_space<vmem_shared>>) target_semaphore(%run_scoped3A_307 : memref<!tpu.dma_semaphore, #tpu.memory_space<semaphore_mem>>)
          %dma_wait3A_312 = arith.constant 0 : i32
          %dma_wait3A_313 = tpu.memref_slice %arg20[%add3A_306, %dma_wait3A_312] : memref<10240x16xf32, #tpu.memory_space<vmem_shared>> -> memref<40x16xf32, #tpu.memory_space<vmem_shared>>
          %dma_wait3A_314 = arith.constant 0 : i32
          %dma_wait3A_315 = tpu.memref_slice %arg20[%add3A_306, %dma_wait3A_314] : memref<10240x16xf32, #tpu.memory_space<vmem_shared>> -> memref<40x16xf32, #tpu.memory_space<vmem_shared>>
          tpu.wait_dma2 semaphore(%run_scoped3A_307 : memref<!tpu.dma_semaphore, #tpu.memory_space<semaphore_mem>>) src(%arg18 : memref<40x16xf32, #tpu.memory_space<vmem>>) dst(%dma_wait3A_315 : memref<40x16xf32, #tpu.memory_space<vmem_shared>>)
          tpu.yield
        }) : () -> ()
      } else {
      }
    } else {
    }
    %eq3A = arith.constant 15 : i32
    %eq3A_14 = arith.cmpi eq, %arg1, %eq3A : i32
    %convert_element_type3A_15 = arith.extui %eq3A_14 : i1 to i32
    %cond3A_16 = arith.constant 0 : i32
    %cond3A_17 = arith.cmpi ne, %convert_element_type3A_15, %cond3A_16 : i32
    scf.if %cond3A_17 {
      %run_scoped3A_256 = arith.constant 0 : i32
      "tpu.region"() ({
        %run_scoped3A_275 = tpu.sem_alloc : memref<!tpu.dma_semaphore, #tpu.memory_space<semaphore_mem>>
        %dma_start3A_276 = arith.constant 0 : i32
        %dma_start3A_277 = arith.constant 0 : i32
        %dma_start3A_278 = tpu.memref_slice %arg12[%dma_start3A_276, %dma_start3A_277] : memref<640x16xf32, #tpu.memory_space<vmem>> -> memref<400x16xf32, #tpu.memory_space<vmem>>
        %dma_start3A_279 = arith.constant 0 : i32
        %dma_start3A_280 = tpu.memref_slice %arg2[%run_scoped3A_256, %mul3A_2, %dma_start3A_279] : memref<2x10000x16xf32, #tpu.memory_space<hbm>> -> memref<1x400x16xf32, #tpu.memory_space<hbm>>
        %dma_start3A_281 = tpu.memref_squeeze %dma_start3A_280 : memref<1x400x16xf32, #tpu.memory_space<hbm>> -> memref<400x16xf32, #tpu.memory_space<hbm>>
        %dma_start3A_282 = arith.constant 0 : i32
        %dma_start3A_283 = arith.constant 0 : i32
        %dma_start3A_284 = tpu.memref_slice %arg12[%dma_start3A_282, %dma_start3A_283] : memref<640x16xf32, #tpu.memory_space<vmem>> -> memref<400x16xf32, #tpu.memory_space<vmem>>
        %dma_start3A_285 = arith.constant 0 : i32
        %dma_start3A_286 = tpu.memref_slice %arg2[%run_scoped3A_256, %mul3A_2, %dma_start3A_285] : memref<2x10000x16xf32, #tpu.memory_space<hbm>> -> memref<1x400x16xf32, #tpu.memory_space<hbm>>
        %dma_start3A_287 = tpu.memref_squeeze %dma_start3A_286 : memref<1x400x16xf32, #tpu.memory_space<hbm>> -> memref<400x16xf32, #tpu.memory_space<hbm>>
        tpu.enqueue_dma source(%dma_start3A_287 : memref<400x16xf32, #tpu.memory_space<hbm>>) target(%dma_start3A_284 : memref<400x16xf32, #tpu.memory_space<vmem>>) target_semaphore(%run_scoped3A_275 : memref<!tpu.dma_semaphore, #tpu.memory_space<semaphore_mem>>)
        %dma_wait3A_288 = arith.constant 0 : i32
        %dma_wait3A_289 = arith.constant 0 : i32
        %dma_wait3A_290 = tpu.memref_slice %arg12[%dma_wait3A_288, %dma_wait3A_289] : memref<640x16xf32, #tpu.memory_space<vmem>> -> memref<400x16xf32, #tpu.memory_space<vmem>>
        %dma_wait3A_291 = arith.constant 0 : i32
        %dma_wait3A_292 = tpu.memref_slice %arg2[%run_scoped3A_256, %mul3A_2, %dma_wait3A_291] : memref<2x10000x16xf32, #tpu.memory_space<hbm>> -> memref<1x400x16xf32, #tpu.memory_space<hbm>>
        %dma_wait3A_293 = tpu.memref_squeeze %dma_wait3A_292 : memref<1x400x16xf32, #tpu.memory_space<hbm>> -> memref<400x16xf32, #tpu.memory_space<hbm>>
        %dma_wait3A_294 = arith.constant 0 : i32
        %dma_wait3A_295 = arith.constant 0 : i32
        %dma_wait3A_296 = tpu.memref_slice %arg12[%dma_wait3A_294, %dma_wait3A_295] : memref<640x16xf32, #tpu.memory_space<vmem>> -> memref<400x16xf32, #tpu.memory_space<vmem>>
        %dma_wait3A_297 = arith.constant 0 : i32
        %dma_wait3A_298 = tpu.memref_slice %arg2[%run_scoped3A_256, %mul3A_2, %dma_wait3A_297] : memref<2x10000x16xf32, #tpu.memory_space<hbm>> -> memref<1x400x16xf32, #tpu.memory_space<hbm>>
        %dma_wait3A_299 = tpu.memref_squeeze %dma_wait3A_298 : memref<1x400x16xf32, #tpu.memory_space<hbm>> -> memref<400x16xf32, #tpu.memory_space<hbm>>
        tpu.wait_dma2 semaphore(%run_scoped3A_275 : memref<!tpu.dma_semaphore, #tpu.memory_space<semaphore_mem>>) src(%dma_wait3A_299 : memref<400x16xf32, #tpu.memory_space<hbm>>) dst(%dma_wait3A_296 : memref<400x16xf32, #tpu.memory_space<vmem>>)
        tpu.yield
      }) : () -> ()
      %run_scoped3A_257 = arith.constant 1 : i32
      "tpu.region"() ({
        %run_scoped3A_275 = tpu.sem_alloc : memref<!tpu.dma_semaphore, #tpu.memory_space<semaphore_mem>>
        %dma_start3A_276 = arith.constant 0 : i32
        %dma_start3A_277 = arith.constant 0 : i32
        %dma_start3A_278 = tpu.memref_slice %arg13[%dma_start3A_276, %dma_start3A_277] : memref<640x16xf32, #tpu.memory_space<vmem>> -> memref<400x16xf32, #tpu.memory_space<vmem>>
        %dma_start3A_279 = arith.constant 0 : i32
        %dma_start3A_280 = tpu.memref_slice %arg2[%run_scoped3A_257, %mul3A_2, %dma_start3A_279] : memref<2x10000x16xf32, #tpu.memory_space<hbm>> -> memref<1x400x16xf32, #tpu.memory_space<hbm>>
        %dma_start3A_281 = tpu.memref_squeeze %dma_start3A_280 : memref<1x400x16xf32, #tpu.memory_space<hbm>> -> memref<400x16xf32, #tpu.memory_space<hbm>>
        %dma_start3A_282 = arith.constant 0 : i32
        %dma_start3A_283 = arith.constant 0 : i32
        %dma_start3A_284 = tpu.memref_slice %arg13[%dma_start3A_282, %dma_start3A_283] : memref<640x16xf32, #tpu.memory_space<vmem>> -> memref<400x16xf32, #tpu.memory_space<vmem>>
        %dma_start3A_285 = arith.constant 0 : i32
        %dma_start3A_286 = tpu.memref_slice %arg2[%run_scoped3A_257, %mul3A_2, %dma_start3A_285] : memref<2x10000x16xf32, #tpu.memory_space<hbm>> -> memref<1x400x16xf32, #tpu.memory_space<hbm>>
        %dma_start3A_287 = tpu.memref_squeeze %dma_start3A_286 : memref<1x400x16xf32, #tpu.memory_space<hbm>> -> memref<400x16xf32, #tpu.memory_space<hbm>>
        tpu.enqueue_dma source(%dma_start3A_287 : memref<400x16xf32, #tpu.memory_space<hbm>>) target(%dma_start3A_284 : memref<400x16xf32, #tpu.memory_space<vmem>>) target_semaphore(%run_scoped3A_275 : memref<!tpu.dma_semaphore, #tpu.memory_space<semaphore_mem>>)
        %dma_wait3A_288 = arith.constant 0 : i32
        %dma_wait3A_289 = arith.constant 0 : i32
        %dma_wait3A_290 = tpu.memref_slice %arg13[%dma_wait3A_288, %dma_wait3A_289] : memref<640x16xf32, #tpu.memory_space<vmem>> -> memref<400x16xf32, #tpu.memory_space<vmem>>
        %dma_wait3A_291 = arith.constant 0 : i32
        %dma_wait3A_292 = tpu.memref_slice %arg2[%run_scoped3A_257, %mul3A_2, %dma_wait3A_291] : memref<2x10000x16xf32, #tpu.memory_space<hbm>> -> memref<1x400x16xf32, #tpu.memory_space<hbm>>
        %dma_wait3A_293 = tpu.memref_squeeze %dma_wait3A_292 : memref<1x400x16xf32, #tpu.memory_space<hbm>> -> memref<400x16xf32, #tpu.memory_space<hbm>>
        %dma_wait3A_294 = arith.constant 0 : i32
        %dma_wait3A_295 = arith.constant 0 : i32
        %dma_wait3A_296 = tpu.memref_slice %arg13[%dma_wait3A_294, %dma_wait3A_295] : memref<640x16xf32, #tpu.memory_space<vmem>> -> memref<400x16xf32, #tpu.memory_space<vmem>>
        %dma_wait3A_297 = arith.constant 0 : i32
        %dma_wait3A_298 = tpu.memref_slice %arg2[%run_scoped3A_257, %mul3A_2, %dma_wait3A_297] : memref<2x10000x16xf32, #tpu.memory_space<hbm>> -> memref<1x400x16xf32, #tpu.memory_space<hbm>>
        %dma_wait3A_299 = tpu.memref_squeeze %dma_wait3A_298 : memref<1x400x16xf32, #tpu.memory_space<hbm>> -> memref<400x16xf32, #tpu.memory_space<hbm>>
        tpu.wait_dma2 semaphore(%run_scoped3A_275 : memref<!tpu.dma_semaphore, #tpu.memory_space<semaphore_mem>>) src(%dma_wait3A_299 : memref<400x16xf32, #tpu.memory_space<hbm>>) dst(%dma_wait3A_296 : memref<400x16xf32, #tpu.memory_space<vmem>>)
        tpu.yield
      }) : () -> ()
      "tpu.region"() ({
        %run_scoped3A_275 = tpu.sem_alloc : memref<!tpu.dma_semaphore, #tpu.memory_space<semaphore_mem>>
        %dma_start3A_276 = arith.constant 0 : i32
        %dma_start3A_277 = arith.constant 0 : i32
        %dma_start3A_278 = tpu.memref_slice %arg14[%dma_start3A_276, %dma_start3A_277] : memref<640x16xf32, #tpu.memory_space<vmem>> -> memref<400x16xf32, #tpu.memory_space<vmem>>
        %dma_start3A_279 = arith.constant 0 : i32
        %dma_start3A_280 = tpu.memref_slice %arg3[%mul3A_2, %dma_start3A_279] : memref<10000x16xf32, #tpu.memory_space<hbm>> -> memref<400x16xf32, #tpu.memory_space<hbm>>
        %dma_start3A_281 = arith.constant 0 : i32
        %dma_start3A_282 = arith.constant 0 : i32
        %dma_start3A_283 = tpu.memref_slice %arg14[%dma_start3A_281, %dma_start3A_282] : memref<640x16xf32, #tpu.memory_space<vmem>> -> memref<400x16xf32, #tpu.memory_space<vmem>>
        %dma_start3A_284 = arith.constant 0 : i32
        %dma_start3A_285 = tpu.memref_slice %arg3[%mul3A_2, %dma_start3A_284] : memref<10000x16xf32, #tpu.memory_space<hbm>> -> memref<400x16xf32, #tpu.memory_space<hbm>>
        tpu.enqueue_dma source(%dma_start3A_285 : memref<400x16xf32, #tpu.memory_space<hbm>>) target(%dma_start3A_283 : memref<400x16xf32, #tpu.memory_space<vmem>>) target_semaphore(%run_scoped3A_275 : memref<!tpu.dma_semaphore, #tpu.memory_space<semaphore_mem>>)
        %dma_wait3A_286 = arith.constant 0 : i32
        %dma_wait3A_287 = arith.constant 0 : i32
        %dma_wait3A_288 = tpu.memref_slice %arg14[%dma_wait3A_286, %dma_wait3A_287] : memref<640x16xf32, #tpu.memory_space<vmem>> -> memref<400x16xf32, #tpu.memory_space<vmem>>
        %dma_wait3A_289 = arith.constant 0 : i32
        %dma_wait3A_290 = tpu.memref_slice %arg3[%mul3A_2, %dma_wait3A_289] : memref<10000x16xf32, #tpu.memory_space<hbm>> -> memref<400x16xf32, #tpu.memory_space<hbm>>
        %dma_wait3A_291 = arith.constant 0 : i32
        %dma_wait3A_292 = arith.constant 0 : i32
        %dma_wait3A_293 = tpu.memref_slice %arg14[%dma_wait3A_291, %dma_wait3A_292] : memref<640x16xf32, #tpu.memory_space<vmem>> -> memref<400x16xf32, #tpu.memory_space<vmem>>
        %dma_wait3A_294 = arith.constant 0 : i32
        %dma_wait3A_295 = tpu.memref_slice %arg3[%mul3A_2, %dma_wait3A_294] : memref<10000x16xf32, #tpu.memory_space<hbm>> -> memref<400x16xf32, #tpu.memory_space<hbm>>
        tpu.wait_dma2 semaphore(%run_scoped3A_275 : memref<!tpu.dma_semaphore, #tpu.memory_space<semaphore_mem>>) src(%dma_wait3A_295 : memref<400x16xf32, #tpu.memory_space<hbm>>) dst(%dma_wait3A_293 : memref<400x16xf32, #tpu.memory_space<vmem>>)
        tpu.yield
      }) : () -> ()
      "tpu.region"() ({
        %run_scoped3A_275 = tpu.sem_alloc : memref<!tpu.dma_semaphore, #tpu.memory_space<semaphore_mem>>
        %dma_start3A_276 = arith.constant 0 : i32
        %dma_start3A_277 = arith.constant 0 : i32
        %dma_start3A_278 = tpu.memref_slice %arg16[%dma_start3A_276, %dma_start3A_277] : memref<640x16xf32, #tpu.memory_space<vmem>> -> memref<400x16xf32, #tpu.memory_space<vmem>>
        %dma_start3A_279 = arith.constant 0 : i32
        %dma_start3A_280 = tpu.memref_slice %arg4[%mul3A_2, %dma_start3A_279] : memref<10000x16xf32, #tpu.memory_space<hbm>> -> memref<400x16xf32, #tpu.memory_space<hbm>>
        %dma_start3A_281 = arith.constant 0 : i32
        %dma_start3A_282 = arith.constant 0 : i32
        %dma_start3A_283 = tpu.memref_slice %arg16[%dma_start3A_281, %dma_start3A_282] : memref<640x16xf32, #tpu.memory_space<vmem>> -> memref<400x16xf32, #tpu.memory_space<vmem>>
        %dma_start3A_284 = arith.constant 0 : i32
        %dma_start3A_285 = tpu.memref_slice %arg4[%mul3A_2, %dma_start3A_284] : memref<10000x16xf32, #tpu.memory_space<hbm>> -> memref<400x16xf32, #tpu.memory_space<hbm>>
        tpu.enqueue_dma source(%dma_start3A_285 : memref<400x16xf32, #tpu.memory_space<hbm>>) target(%dma_start3A_283 : memref<400x16xf32, #tpu.memory_space<vmem>>) target_semaphore(%run_scoped3A_275 : memref<!tpu.dma_semaphore, #tpu.memory_space<semaphore_mem>>)
        %dma_wait3A_286 = arith.constant 0 : i32
        %dma_wait3A_287 = arith.constant 0 : i32
        %dma_wait3A_288 = tpu.memref_slice %arg16[%dma_wait3A_286, %dma_wait3A_287] : memref<640x16xf32, #tpu.memory_space<vmem>> -> memref<400x16xf32, #tpu.memory_space<vmem>>
        %dma_wait3A_289 = arith.constant 0 : i32
        %dma_wait3A_290 = tpu.memref_slice %arg4[%mul3A_2, %dma_wait3A_289] : memref<10000x16xf32, #tpu.memory_space<hbm>> -> memref<400x16xf32, #tpu.memory_space<hbm>>
        %dma_wait3A_291 = arith.constant 0 : i32
        %dma_wait3A_292 = arith.constant 0 : i32
        %dma_wait3A_293 = tpu.memref_slice %arg16[%dma_wait3A_291, %dma_wait3A_292] : memref<640x16xf32, #tpu.memory_space<vmem>> -> memref<400x16xf32, #tpu.memory_space<vmem>>
        %dma_wait3A_294 = arith.constant 0 : i32
        %dma_wait3A_295 = tpu.memref_slice %arg4[%mul3A_2, %dma_wait3A_294] : memref<10000x16xf32, #tpu.memory_space<hbm>> -> memref<400x16xf32, #tpu.memory_space<hbm>>
        tpu.wait_dma2 semaphore(%run_scoped3A_275 : memref<!tpu.dma_semaphore, #tpu.memory_space<semaphore_mem>>) src(%dma_wait3A_295 : memref<400x16xf32, #tpu.memory_space<hbm>>) dst(%dma_wait3A_293 : memref<400x16xf32, #tpu.memory_space<vmem>>)
        tpu.yield
      }) : () -> ()
      %scan3A_258 = arith.constant 0 : i32
      %scan3A_259 = arith.constant 0 : i32
      %scan3A_260 = arith.constant 400 : i32
      %scan3A_261 = arith.addi %scan3A_259, %scan3A_260 : i32
      %scan3A_262 = arith.constant 1 : i32
      %scan3A_263 = scf.for %scan3A_275 = %scan3A_259 to %scan3A_261 step %scan3A_262 iter_args(%scan3A_276 = %scan3A_258) -> (i32)  : i32 {
        %get3A_277 = arith.index_cast %scan3A_275 : i32 to index
        %get3A_278 = arith.constant 0 : index
        %get3A_279 = tpu.vector_load %arg16[%get3A_277, %get3A_278] {strides = array<i32>} : memref<640x16xf32, #tpu.memory_space<vmem>>, vector<1x16xf32>,
        %get3A_280 = vector.shape_cast %get3A_279 : vector<1x16xf32> to vector<16xf32>
        %get3A_281 = arith.index_cast %scan3A_275 : i32 to index
        %get3A_282 = arith.constant 0 : index
        %get3A_283 = tpu.vector_load %arg12[%get3A_281, %get3A_282] {strides = array<i32>} : memref<640x16xf32, #tpu.memory_space<vmem>>, vector<1x16xf32>,
        %get3A_284 = vector.shape_cast %get3A_283 : vector<1x16xf32> to vector<16xf32>
        %get3A_285 = arith.index_cast %scan3A_275 : i32 to index
        %get3A_286 = arith.constant 0 : index
        %get3A_287 = tpu.vector_load %arg13[%get3A_285, %get3A_286] {strides = array<i32>} : memref<640x16xf32, #tpu.memory_space<vmem>>, vector<1x16xf32>,
        %get3A_288 = vector.shape_cast %get3A_287 : vector<1x16xf32> to vector<16xf32>
        %add3A_289 = arith.addf %get3A_284, %get3A_288 : vector<16xf32>
        %get3A_290 = arith.index_cast %scan3A_275 : i32 to index
        %get3A_291 = arith.constant 0 : index
        %get3A_292 = tpu.vector_load %arg14[%get3A_290, %get3A_291] {strides = array<i32>} : memref<640x16xf32, #tpu.memory_space<vmem>>, vector<1x16xf32>,
        %get3A_293 = vector.shape_cast %get3A_292 : vector<1x16xf32> to vector<16xf32>
        %add3A_294 = arith.addf %add3A_289, %get3A_293 : vector<16xf32>
        %mul3A_295 = arith.mulf %add3A_294, %get3A_280 : vector<16xf32>
        %add3A_296 = arith.addf %mul3A_295, %get3A_5 : vector<16xf32>
        %max3A = arith.constant 0.000000e+00 : f32
        %max3A_297 = vector.broadcast %max3A : f32 to vector<16xf32>
        %max3A_298 = arith.maximumf %add3A_296, %max3A_297 : vector<16xf32>
        %mul3A_299 = arith.mulf %max3A_298, %get3A_280 : vector<16xf32>
        %swap3A = arith.index_cast %scan3A_275 : i32 to index
        %swap3A_300 = arith.constant 0 : index
        %swap3A_301 = tpu.vector_load %arg15[%swap3A, %swap3A_300] {strides = array<i32>} : memref<640x16xf32, #tpu.memory_space<vmem>>, vector<1x16xf32>,
        %swap3A_302 = vector.shape_cast %swap3A_301 : vector<1x16xf32> to vector<16xf32>
        %swap3A_303 = vector.shape_cast %mul3A_299 : vector<16xf32> to vector<1x16xf32>
        tpu.vector_store %arg15[%swap3A, %swap3A_300], %swap3A_303 {strides = array<i32>} : memref<640x16xf32, #tpu.memory_space<vmem>>, vector<1x16xf32>,
        %scan3A_304 = arith.constant 0 : i32
        scf.yield %scan3A_304 : i32
      }
      %scan3A_264 = arith.constant 400 : i32
      "tpu.region"() ({
        %run_scoped3A_275 = tpu.sem_alloc : memref<!tpu.dma_semaphore, #tpu.memory_space<semaphore_mem>>
        %dma_start3A_276 = arith.constant 0 : i32
        %dma_start3A_277 = arith.constant 0 : i32
        %dma_start3A_278 = tpu.memref_slice %arg15[%dma_start3A_276, %dma_start3A_277] : memref<640x16xf32, #tpu.memory_space<vmem>> -> memref<400x16xf32, #tpu.memory_space<vmem>>
        %dma_start3A_279 = arith.constant 0 : i32
        %dma_start3A_280 = tpu.memref_slice %arg19[%mul3A_2, %dma_start3A_279] : memref<10240x16xf32, #tpu.memory_space<vmem_shared>> -> memref<400x16xf32, #tpu.memory_space<vmem_shared>>
        %dma_start3A_281 = arith.constant 0 : i32
        %dma_start3A_282 = tpu.memref_slice %arg19[%mul3A_2, %dma_start3A_281] : memref<10240x16xf32, #tpu.memory_space<vmem_shared>> -> memref<400x16xf32, #tpu.memory_space<vmem_shared>>
        %dma_start3A_283 = arith.constant 0 : i32
        %dma_start3A_284 = arith.constant 0 : i32
        %dma_start3A_285 = tpu.memref_slice %arg15[%dma_start3A_283, %dma_start3A_284] : memref<640x16xf32, #tpu.memory_space<vmem>> -> memref<400x16xf32, #tpu.memory_space<vmem>>
        tpu.enqueue_dma source(%dma_start3A_285 : memref<400x16xf32, #tpu.memory_space<vmem>>) target(%dma_start3A_282 : memref<400x16xf32, #tpu.memory_space<vmem_shared>>) target_semaphore(%run_scoped3A_275 : memref<!tpu.dma_semaphore, #tpu.memory_space<semaphore_mem>>)
        %dma_wait3A_286 = arith.constant 0 : i32
        %dma_wait3A_287 = arith.constant 0 : i32
        %dma_wait3A_288 = tpu.memref_slice %arg15[%dma_wait3A_286, %dma_wait3A_287] : memref<640x16xf32, #tpu.memory_space<vmem>> -> memref<400x16xf32, #tpu.memory_space<vmem>>
        %dma_wait3A_289 = arith.constant 0 : i32
        %dma_wait3A_290 = tpu.memref_slice %arg19[%mul3A_2, %dma_wait3A_289] : memref<10240x16xf32, #tpu.memory_space<vmem_shared>> -> memref<400x16xf32, #tpu.memory_space<vmem_shared>>
        %dma_wait3A_291 = arith.constant 0 : i32
        %dma_wait3A_292 = tpu.memref_slice %arg19[%mul3A_2, %dma_wait3A_291] : memref<10240x16xf32, #tpu.memory_space<vmem_shared>> -> memref<400x16xf32, #tpu.memory_space<vmem_shared>>
        %dma_wait3A_293 = arith.constant 0 : i32
        %dma_wait3A_294 = arith.constant 0 : i32
        %dma_wait3A_295 = tpu.memref_slice %arg15[%dma_wait3A_293, %dma_wait3A_294] : memref<640x16xf32, #tpu.memory_space<vmem>> -> memref<400x16xf32, #tpu.memory_space<vmem>>
        tpu.wait_dma2 semaphore(%run_scoped3A_275 : memref<!tpu.dma_semaphore, #tpu.memory_space<semaphore_mem>>) src(%dma_wait3A_295 : memref<400x16xf32, #tpu.memory_space<vmem>>) dst(%dma_wait3A_292 : memref<400x16xf32, #tpu.memory_space<vmem_shared>>)
        tpu.yield
      }) : () -> ()
      %eq3A_265 = arith.constant 0 : i32
      %eq3A_266 = arith.cmpi eq, %arg0, %eq3A_265 : i32
      %convert_element_type3A_267 = arith.extui %eq3A_266 : i1 to i32
      %cond3A_268 = arith.constant 0 : i32
      %cond3A_269 = arith.cmpi ne, %convert_element_type3A_267, %cond3A_268 : i32
      scf.if %cond3A_269 {
        "tpu.region"() ({
          %run_scoped3A_275 = tpu.sem_alloc : memref<!tpu.dma_semaphore, #tpu.memory_space<semaphore_mem>>
          %dma_start3A_276 = arith.constant 0 : i32
          %dma_start3A_277 = arith.constant 0 : i32
          %dma_start3A_278 = tpu.memref_slice %arg15[%dma_start3A_276, %dma_start3A_277] : memref<640x16xf32, #tpu.memory_space<vmem>> -> memref<400x16xf32, #tpu.memory_space<vmem>>
          %dma_start3A_279 = arith.constant 0 : i32
          %dma_start3A_280 = tpu.memref_slice %arg20[%mul3A_2, %dma_start3A_279] : memref<10240x16xf32, #tpu.memory_space<vmem_shared>> -> memref<400x16xf32, #tpu.memory_space<vmem_shared>>
          %dma_start3A_281 = arith.constant 0 : i32
          %dma_start3A_282 = tpu.memref_slice %arg20[%mul3A_2, %dma_start3A_281] : memref<10240x16xf32, #tpu.memory_space<vmem_shared>> -> memref<400x16xf32, #tpu.memory_space<vmem_shared>>
          %dma_start3A_283 = arith.constant 0 : i32
          %dma_start3A_284 = arith.constant 0 : i32
          %dma_start3A_285 = tpu.memref_slice %arg15[%dma_start3A_283, %dma_start3A_284] : memref<640x16xf32, #tpu.memory_space<vmem>> -> memref<400x16xf32, #tpu.memory_space<vmem>>
          tpu.enqueue_dma source(%dma_start3A_285 : memref<400x16xf32, #tpu.memory_space<vmem>>) target(%dma_start3A_282 : memref<400x16xf32, #tpu.memory_space<vmem_shared>>) target_semaphore(%run_scoped3A_275 : memref<!tpu.dma_semaphore, #tpu.memory_space<semaphore_mem>>)
          %dma_wait3A_286 = arith.constant 0 : i32
          %dma_wait3A_287 = arith.constant 0 : i32
          %dma_wait3A_288 = tpu.memref_slice %arg15[%dma_wait3A_286, %dma_wait3A_287] : memref<640x16xf32, #tpu.memory_space<vmem>> -> memref<400x16xf32, #tpu.memory_space<vmem>>
          %dma_wait3A_289 = arith.constant 0 : i32
          %dma_wait3A_290 = tpu.memref_slice %arg20[%mul3A_2, %dma_wait3A_289] : memref<10240x16xf32, #tpu.memory_space<vmem_shared>> -> memref<400x16xf32, #tpu.memory_space<vmem_shared>>
          %dma_wait3A_291 = arith.constant 0 : i32
          %dma_wait3A_292 = tpu.memref_slice %arg20[%mul3A_2, %dma_wait3A_291] : memref<10240x16xf32, #tpu.memory_space<vmem_shared>> -> memref<400x16xf32, #tpu.memory_space<vmem_shared>>
          %dma_wait3A_293 = arith.constant 0 : i32
          %dma_wait3A_294 = arith.constant 0 : i32
          %dma_wait3A_295 = tpu.memref_slice %arg15[%dma_wait3A_293, %dma_wait3A_294] : memref<640x16xf32, #tpu.memory_space<vmem>> -> memref<400x16xf32, #tpu.memory_space<vmem>>
          tpu.wait_dma2 semaphore(%run_scoped3A_275 : memref<!tpu.dma_semaphore, #tpu.memory_space<semaphore_mem>>) src(%dma_wait3A_295 : memref<400x16xf32, #tpu.memory_space<vmem>>) dst(%dma_wait3A_292 : memref<400x16xf32, #tpu.memory_space<vmem_shared>>)
          tpu.yield
        }) : () -> ()
      } else {
      }
      %eq3A_270 = arith.constant 1 : i32
      %eq3A_271 = arith.cmpi eq, %arg0, %eq3A_270 : i32
      %convert_element_type3A_272 = arith.extui %eq3A_271 : i1 to i32
      %cond3A_273 = arith.constant 0 : i32
      %cond3A_274 = arith.cmpi ne, %convert_element_type3A_272, %cond3A_273 : i32
      scf.if %cond3A_274 {
        %add3A_275 = arith.constant 0 : i32
        %add3A_276 = arith.addi %mul3A_2, %add3A_275 : i32
        "tpu.region"() ({
          %run_scoped3A_295 = tpu.sem_alloc : memref<!tpu.dma_semaphore, #tpu.memory_space<semaphore_mem>>
          %dma_start3A_296 = arith.constant 0 : i32
          %dma_start3A_297 = tpu.memref_slice %arg20[%add3A_276, %dma_start3A_296] : memref<10240x16xf32, #tpu.memory_space<vmem_shared>> -> memref<40x16xf32, #tpu.memory_space<vmem_shared>>
          %dma_start3A_298 = arith.constant 0 : i32
          %dma_start3A_299 = tpu.memref_slice %arg20[%add3A_276, %dma_start3A_298] : memref<10240x16xf32, #tpu.memory_space<vmem_shared>> -> memref<40x16xf32, #tpu.memory_space<vmem_shared>>
          tpu.enqueue_dma source(%arg18 : memref<40x16xf32, #tpu.memory_space<vmem>>) target(%dma_start3A_299 : memref<40x16xf32, #tpu.memory_space<vmem_shared>>) target_semaphore(%run_scoped3A_295 : memref<!tpu.dma_semaphore, #tpu.memory_space<semaphore_mem>>)
          %dma_wait3A_300 = arith.constant 0 : i32
          %dma_wait3A_301 = tpu.memref_slice %arg20[%add3A_276, %dma_wait3A_300] : memref<10240x16xf32, #tpu.memory_space<vmem_shared>> -> memref<40x16xf32, #tpu.memory_space<vmem_shared>>
          %dma_wait3A_302 = arith.constant 0 : i32
          %dma_wait3A_303 = tpu.memref_slice %arg20[%add3A_276, %dma_wait3A_302] : memref<10240x16xf32, #tpu.memory_space<vmem_shared>> -> memref<40x16xf32, #tpu.memory_space<vmem_shared>>
          tpu.wait_dma2 semaphore(%run_scoped3A_295 : memref<!tpu.dma_semaphore, #tpu.memory_space<semaphore_mem>>) src(%arg18 : memref<40x16xf32, #tpu.memory_space<vmem>>) dst(%dma_wait3A_303 : memref<40x16xf32, #tpu.memory_space<vmem_shared>>)
          tpu.yield
        }) : () -> ()
        %add3A_277 = arith.constant 40 : i32
        %add3A_278 = arith.addi %mul3A_2, %add3A_277 : i32
        "tpu.region"() ({
          %run_scoped3A_295 = tpu.sem_alloc : memref<!tpu.dma_semaphore, #tpu.memory_space<semaphore_mem>>
          %dma_start3A_296 = arith.constant 0 : i32
          %dma_start3A_297 = tpu.memref_slice %arg20[%add3A_278, %dma_start3A_296] : memref<10240x16xf32, #tpu.memory_space<vmem_shared>> -> memref<40x16xf32, #tpu.memory_space<vmem_shared>>
          %dma_start3A_298 = arith.constant 0 : i32
          %dma_start3A_299 = tpu.memref_slice %arg20[%add3A_278, %dma_start3A_298] : memref<10240x16xf32, #tpu.memory_space<vmem_shared>> -> memref<40x16xf32, #tpu.memory_space<vmem_shared>>
          tpu.enqueue_dma source(%arg18 : memref<40x16xf32, #tpu.memory_space<vmem>>) target(%dma_start3A_299 : memref<40x16xf32, #tpu.memory_space<vmem_shared>>) target_semaphore(%run_scoped3A_295 : memref<!tpu.dma_semaphore, #tpu.memory_space<semaphore_mem>>)
          %dma_wait3A_300 = arith.constant 0 : i32
          %dma_wait3A_301 = tpu.memref_slice %arg20[%add3A_278, %dma_wait3A_300] : memref<10240x16xf32, #tpu.memory_space<vmem_shared>> -> memref<40x16xf32, #tpu.memory_space<vmem_shared>>
          %dma_wait3A_302 = arith.constant 0 : i32
          %dma_wait3A_303 = tpu.memref_slice %arg20[%add3A_278, %dma_wait3A_302] : memref<10240x16xf32, #tpu.memory_space<vmem_shared>> -> memref<40x16xf32, #tpu.memory_space<vmem_shared>>
          tpu.wait_dma2 semaphore(%run_scoped3A_295 : memref<!tpu.dma_semaphore, #tpu.memory_space<semaphore_mem>>) src(%arg18 : memref<40x16xf32, #tpu.memory_space<vmem>>) dst(%dma_wait3A_303 : memref<40x16xf32, #tpu.memory_space<vmem_shared>>)
          tpu.yield
        }) : () -> ()
        %add3A_279 = arith.constant 80 : i32
        %add3A_280 = arith.addi %mul3A_2, %add3A_279 : i32
        "tpu.region"() ({
          %run_scoped3A_295 = tpu.sem_alloc : memref<!tpu.dma_semaphore, #tpu.memory_space<semaphore_mem>>
          %dma_start3A_296 = arith.constant 0 : i32
          %dma_start3A_297 = tpu.memref_slice %arg20[%add3A_280, %dma_start3A_296] : memref<10240x16xf32, #tpu.memory_space<vmem_shared>> -> memref<40x16xf32, #tpu.memory_space<vmem_shared>>
          %dma_start3A_298 = arith.constant 0 : i32
          %dma_start3A_299 = tpu.memref_slice %arg20[%add3A_280, %dma_start3A_298] : memref<10240x16xf32, #tpu.memory_space<vmem_shared>> -> memref<40x16xf32, #tpu.memory_space<vmem_shared>>
          tpu.enqueue_dma source(%arg18 : memref<40x16xf32, #tpu.memory_space<vmem>>) target(%dma_start3A_299 : memref<40x16xf32, #tpu.memory_space<vmem_shared>>) target_semaphore(%run_scoped3A_295 : memref<!tpu.dma_semaphore, #tpu.memory_space<semaphore_mem>>)
          %dma_wait3A_300 = arith.constant 0 : i32
          %dma_wait3A_301 = tpu.memref_slice %arg20[%add3A_280, %dma_wait3A_300] : memref<10240x16xf32, #tpu.memory_space<vmem_shared>> -> memref<40x16xf32, #tpu.memory_space<vmem_shared>>
          %dma_wait3A_302 = arith.constant 0 : i32
          %dma_wait3A_303 = tpu.memref_slice %arg20[%add3A_280, %dma_wait3A_302] : memref<10240x16xf32, #tpu.memory_space<vmem_shared>> -> memref<40x16xf32, #tpu.memory_space<vmem_shared>>
          tpu.wait_dma2 semaphore(%run_scoped3A_295 : memref<!tpu.dma_semaphore, #tpu.memory_space<semaphore_mem>>) src(%arg18 : memref<40x16xf32, #tpu.memory_space<vmem>>) dst(%dma_wait3A_303 : memref<40x16xf32, #tpu.memory_space<vmem_shared>>)
          tpu.yield
        }) : () -> ()
        %add3A_281 = arith.constant 120 : i32
        %add3A_282 = arith.addi %mul3A_2, %add3A_281 : i32
        "tpu.region"() ({
          %run_scoped3A_295 = tpu.sem_alloc : memref<!tpu.dma_semaphore, #tpu.memory_space<semaphore_mem>>
          %dma_start3A_296 = arith.constant 0 : i32
          %dma_start3A_297 = tpu.memref_slice %arg20[%add3A_282, %dma_start3A_296] : memref<10240x16xf32, #tpu.memory_space<vmem_shared>> -> memref<40x16xf32, #tpu.memory_space<vmem_shared>>
          %dma_start3A_298 = arith.constant 0 : i32
          %dma_start3A_299 = tpu.memref_slice %arg20[%add3A_282, %dma_start3A_298] : memref<10240x16xf32, #tpu.memory_space<vmem_shared>> -> memref<40x16xf32, #tpu.memory_space<vmem_shared>>
          tpu.enqueue_dma source(%arg18 : memref<40x16xf32, #tpu.memory_space<vmem>>) target(%dma_start3A_299 : memref<40x16xf32, #tpu.memory_space<vmem_shared>>) target_semaphore(%run_scoped3A_295 : memref<!tpu.dma_semaphore, #tpu.memory_space<semaphore_mem>>)
          %dma_wait3A_300 = arith.constant 0 : i32
          %dma_wait3A_301 = tpu.memref_slice %arg20[%add3A_282, %dma_wait3A_300] : memref<10240x16xf32, #tpu.memory_space<vmem_shared>> -> memref<40x16xf32, #tpu.memory_space<vmem_shared>>
          %dma_wait3A_302 = arith.constant 0 : i32
          %dma_wait3A_303 = tpu.memref_slice %arg20[%add3A_282, %dma_wait3A_302] : memref<10240x16xf32, #tpu.memory_space<vmem_shared>> -> memref<40x16xf32, #tpu.memory_space<vmem_shared>>
          tpu.wait_dma2 semaphore(%run_scoped3A_295 : memref<!tpu.dma_semaphore, #tpu.memory_space<semaphore_mem>>) src(%arg18 : memref<40x16xf32, #tpu.memory_space<vmem>>) dst(%dma_wait3A_303 : memref<40x16xf32, #tpu.memory_space<vmem_shared>>)
          tpu.yield
        }) : () -> ()
        %add3A_283 = arith.constant 160 : i32
        %add3A_284 = arith.addi %mul3A_2, %add3A_283 : i32
        "tpu.region"() ({
          %run_scoped3A_295 = tpu.sem_alloc : memref<!tpu.dma_semaphore, #tpu.memory_space<semaphore_mem>>
          %dma_start3A_296 = arith.constant 0 : i32
          %dma_start3A_297 = tpu.memref_slice %arg20[%add3A_284, %dma_start3A_296] : memref<10240x16xf32, #tpu.memory_space<vmem_shared>> -> memref<40x16xf32, #tpu.memory_space<vmem_shared>>
          %dma_start3A_298 = arith.constant 0 : i32
          %dma_start3A_299 = tpu.memref_slice %arg20[%add3A_284, %dma_start3A_298] : memref<10240x16xf32, #tpu.memory_space<vmem_shared>> -> memref<40x16xf32, #tpu.memory_space<vmem_shared>>
          tpu.enqueue_dma source(%arg18 : memref<40x16xf32, #tpu.memory_space<vmem>>) target(%dma_start3A_299 : memref<40x16xf32, #tpu.memory_space<vmem_shared>>) target_semaphore(%run_scoped3A_295 : memref<!tpu.dma_semaphore, #tpu.memory_space<semaphore_mem>>)
          %dma_wait3A_300 = arith.constant 0 : i32
          %dma_wait3A_301 = tpu.memref_slice %arg20[%add3A_284, %dma_wait3A_300] : memref<10240x16xf32, #tpu.memory_space<vmem_shared>> -> memref<40x16xf32, #tpu.memory_space<vmem_shared>>
          %dma_wait3A_302 = arith.constant 0 : i32
          %dma_wait3A_303 = tpu.memref_slice %arg20[%add3A_284, %dma_wait3A_302] : memref<10240x16xf32, #tpu.memory_space<vmem_shared>> -> memref<40x16xf32, #tpu.memory_space<vmem_shared>>
          tpu.wait_dma2 semaphore(%run_scoped3A_295 : memref<!tpu.dma_semaphore, #tpu.memory_space<semaphore_mem>>) src(%arg18 : memref<40x16xf32, #tpu.memory_space<vmem>>) dst(%dma_wait3A_303 : memref<40x16xf32, #tpu.memory_space<vmem_shared>>)
          tpu.yield
        }) : () -> ()
        %add3A_285 = arith.constant 200 : i32
        %add3A_286 = arith.addi %mul3A_2, %add3A_285 : i32
        "tpu.region"() ({
          %run_scoped3A_295 = tpu.sem_alloc : memref<!tpu.dma_semaphore, #tpu.memory_space<semaphore_mem>>
          %dma_start3A_296 = arith.constant 0 : i32
          %dma_start3A_297 = tpu.memref_slice %arg20[%add3A_286, %dma_start3A_296] : memref<10240x16xf32, #tpu.memory_space<vmem_shared>> -> memref<40x16xf32, #tpu.memory_space<vmem_shared>>
          %dma_start3A_298 = arith.constant 0 : i32
          %dma_start3A_299 = tpu.memref_slice %arg20[%add3A_286, %dma_start3A_298] : memref<10240x16xf32, #tpu.memory_space<vmem_shared>> -> memref<40x16xf32, #tpu.memory_space<vmem_shared>>
          tpu.enqueue_dma source(%arg18 : memref<40x16xf32, #tpu.memory_space<vmem>>) target(%dma_start3A_299 : memref<40x16xf32, #tpu.memory_space<vmem_shared>>) target_semaphore(%run_scoped3A_295 : memref<!tpu.dma_semaphore, #tpu.memory_space<semaphore_mem>>)
          %dma_wait3A_300 = arith.constant 0 : i32
          %dma_wait3A_301 = tpu.memref_slice %arg20[%add3A_286, %dma_wait3A_300] : memref<10240x16xf32, #tpu.memory_space<vmem_shared>> -> memref<40x16xf32, #tpu.memory_space<vmem_shared>>
          %dma_wait3A_302 = arith.constant 0 : i32
          %dma_wait3A_303 = tpu.memref_slice %arg20[%add3A_286, %dma_wait3A_302] : memref<10240x16xf32, #tpu.memory_space<vmem_shared>> -> memref<40x16xf32, #tpu.memory_space<vmem_shared>>
          tpu.wait_dma2 semaphore(%run_scoped3A_295 : memref<!tpu.dma_semaphore, #tpu.memory_space<semaphore_mem>>) src(%arg18 : memref<40x16xf32, #tpu.memory_space<vmem>>) dst(%dma_wait3A_303 : memref<40x16xf32, #tpu.memory_space<vmem_shared>>)
          tpu.yield
        }) : () -> ()
        %add3A_287 = arith.constant 240 : i32
        %add3A_288 = arith.addi %mul3A_2, %add3A_287 : i32
        "tpu.region"() ({
          %run_scoped3A_295 = tpu.sem_alloc : memref<!tpu.dma_semaphore, #tpu.memory_space<semaphore_mem>>
          %dma_start3A_296 = arith.constant 0 : i32
          %dma_start3A_297 = tpu.memref_slice %arg20[%add3A_288, %dma_start3A_296] : memref<10240x16xf32, #tpu.memory_space<vmem_shared>> -> memref<40x16xf32, #tpu.memory_space<vmem_shared>>
          %dma_start3A_298 = arith.constant 0 : i32
          %dma_start3A_299 = tpu.memref_slice %arg20[%add3A_288, %dma_start3A_298] : memref<10240x16xf32, #tpu.memory_space<vmem_shared>> -> memref<40x16xf32, #tpu.memory_space<vmem_shared>>
          tpu.enqueue_dma source(%arg18 : memref<40x16xf32, #tpu.memory_space<vmem>>) target(%dma_start3A_299 : memref<40x16xf32, #tpu.memory_space<vmem_shared>>) target_semaphore(%run_scoped3A_295 : memref<!tpu.dma_semaphore, #tpu.memory_space<semaphore_mem>>)
          %dma_wait3A_300 = arith.constant 0 : i32
          %dma_wait3A_301 = tpu.memref_slice %arg20[%add3A_288, %dma_wait3A_300] : memref<10240x16xf32, #tpu.memory_space<vmem_shared>> -> memref<40x16xf32, #tpu.memory_space<vmem_shared>>
          %dma_wait3A_302 = arith.constant 0 : i32
          %dma_wait3A_303 = tpu.memref_slice %arg20[%add3A_288, %dma_wait3A_302] : memref<10240x16xf32, #tpu.memory_space<vmem_shared>> -> memref<40x16xf32, #tpu.memory_space<vmem_shared>>
          tpu.wait_dma2 semaphore(%run_scoped3A_295 : memref<!tpu.dma_semaphore, #tpu.memory_space<semaphore_mem>>) src(%arg18 : memref<40x16xf32, #tpu.memory_space<vmem>>) dst(%dma_wait3A_303 : memref<40x16xf32, #tpu.memory_space<vmem_shared>>)
          tpu.yield
        }) : () -> ()
        %add3A_289 = arith.constant 280 : i32
        %add3A_290 = arith.addi %mul3A_2, %add3A_289 : i32
        "tpu.region"() ({
          %run_scoped3A_295 = tpu.sem_alloc : memref<!tpu.dma_semaphore, #tpu.memory_space<semaphore_mem>>
          %dma_start3A_296 = arith.constant 0 : i32
          %dma_start3A_297 = tpu.memref_slice %arg20[%add3A_290, %dma_start3A_296] : memref<10240x16xf32, #tpu.memory_space<vmem_shared>> -> memref<40x16xf32, #tpu.memory_space<vmem_shared>>
          %dma_start3A_298 = arith.constant 0 : i32
          %dma_start3A_299 = tpu.memref_slice %arg20[%add3A_290, %dma_start3A_298] : memref<10240x16xf32, #tpu.memory_space<vmem_shared>> -> memref<40x16xf32, #tpu.memory_space<vmem_shared>>
          tpu.enqueue_dma source(%arg18 : memref<40x16xf32, #tpu.memory_space<vmem>>) target(%dma_start3A_299 : memref<40x16xf32, #tpu.memory_space<vmem_shared>>) target_semaphore(%run_scoped3A_295 : memref<!tpu.dma_semaphore, #tpu.memory_space<semaphore_mem>>)
          %dma_wait3A_300 = arith.constant 0 : i32
          %dma_wait3A_301 = tpu.memref_slice %arg20[%add3A_290, %dma_wait3A_300] : memref<10240x16xf32, #tpu.memory_space<vmem_shared>> -> memref<40x16xf32, #tpu.memory_space<vmem_shared>>
          %dma_wait3A_302 = arith.constant 0 : i32
          %dma_wait3A_303 = tpu.memref_slice %arg20[%add3A_290, %dma_wait3A_302] : memref<10240x16xf32, #tpu.memory_space<vmem_shared>> -> memref<40x16xf32, #tpu.memory_space<vmem_shared>>
          tpu.wait_dma2 semaphore(%run_scoped3A_295 : memref<!tpu.dma_semaphore, #tpu.memory_space<semaphore_mem>>) src(%arg18 : memref<40x16xf32, #tpu.memory_space<vmem>>) dst(%dma_wait3A_303 : memref<40x16xf32, #tpu.memory_space<vmem_shared>>)
          tpu.yield
        }) : () -> ()
        %add3A_291 = arith.constant 320 : i32
        %add3A_292 = arith.addi %mul3A_2, %add3A_291 : i32
        "tpu.region"() ({
          %run_scoped3A_295 = tpu.sem_alloc : memref<!tpu.dma_semaphore, #tpu.memory_space<semaphore_mem>>
          %dma_start3A_296 = arith.constant 0 : i32
          %dma_start3A_297 = tpu.memref_slice %arg20[%add3A_292, %dma_start3A_296] : memref<10240x16xf32, #tpu.memory_space<vmem_shared>> -> memref<40x16xf32, #tpu.memory_space<vmem_shared>>
          %dma_start3A_298 = arith.constant 0 : i32
          %dma_start3A_299 = tpu.memref_slice %arg20[%add3A_292, %dma_start3A_298] : memref<10240x16xf32, #tpu.memory_space<vmem_shared>> -> memref<40x16xf32, #tpu.memory_space<vmem_shared>>
          tpu.enqueue_dma source(%arg18 : memref<40x16xf32, #tpu.memory_space<vmem>>) target(%dma_start3A_299 : memref<40x16xf32, #tpu.memory_space<vmem_shared>>) target_semaphore(%run_scoped3A_295 : memref<!tpu.dma_semaphore, #tpu.memory_space<semaphore_mem>>)
          %dma_wait3A_300 = arith.constant 0 : i32
          %dma_wait3A_301 = tpu.memref_slice %arg20[%add3A_292, %dma_wait3A_300] : memref<10240x16xf32, #tpu.memory_space<vmem_shared>> -> memref<40x16xf32, #tpu.memory_space<vmem_shared>>
          %dma_wait3A_302 = arith.constant 0 : i32
          %dma_wait3A_303 = tpu.memref_slice %arg20[%add3A_292, %dma_wait3A_302] : memref<10240x16xf32, #tpu.memory_space<vmem_shared>> -> memref<40x16xf32, #tpu.memory_space<vmem_shared>>
          tpu.wait_dma2 semaphore(%run_scoped3A_295 : memref<!tpu.dma_semaphore, #tpu.memory_space<semaphore_mem>>) src(%arg18 : memref<40x16xf32, #tpu.memory_space<vmem>>) dst(%dma_wait3A_303 : memref<40x16xf32, #tpu.memory_space<vmem_shared>>)
          tpu.yield
        }) : () -> ()
        %add3A_293 = arith.constant 360 : i32
        %add3A_294 = arith.addi %mul3A_2, %add3A_293 : i32
        "tpu.region"() ({
          %run_scoped3A_295 = tpu.sem_alloc : memref<!tpu.dma_semaphore, #tpu.memory_space<semaphore_mem>>
          %dma_start3A_296 = arith.constant 0 : i32
          %dma_start3A_297 = tpu.memref_slice %arg20[%add3A_294, %dma_start3A_296] : memref<10240x16xf32, #tpu.memory_space<vmem_shared>> -> memref<40x16xf32, #tpu.memory_space<vmem_shared>>
          %dma_start3A_298 = arith.constant 0 : i32
          %dma_start3A_299 = tpu.memref_slice %arg20[%add3A_294, %dma_start3A_298] : memref<10240x16xf32, #tpu.memory_space<vmem_shared>> -> memref<40x16xf32, #tpu.memory_space<vmem_shared>>
          tpu.enqueue_dma source(%arg18 : memref<40x16xf32, #tpu.memory_space<vmem>>) target(%dma_start3A_299 : memref<40x16xf32, #tpu.memory_space<vmem_shared>>) target_semaphore(%run_scoped3A_295 : memref<!tpu.dma_semaphore, #tpu.memory_space<semaphore_mem>>)
          %dma_wait3A_300 = arith.constant 0 : i32
          %dma_wait3A_301 = tpu.memref_slice %arg20[%add3A_294, %dma_wait3A_300] : memref<10240x16xf32, #tpu.memory_space<vmem_shared>> -> memref<40x16xf32, #tpu.memory_space<vmem_shared>>
          %dma_wait3A_302 = arith.constant 0 : i32
          %dma_wait3A_303 = tpu.memref_slice %arg20[%add3A_294, %dma_wait3A_302] : memref<10240x16xf32, #tpu.memory_space<vmem_shared>> -> memref<40x16xf32, #tpu.memory_space<vmem_shared>>
          tpu.wait_dma2 semaphore(%run_scoped3A_295 : memref<!tpu.dma_semaphore, #tpu.memory_space<semaphore_mem>>) src(%arg18 : memref<40x16xf32, #tpu.memory_space<vmem>>) dst(%dma_wait3A_303 : memref<40x16xf32, #tpu.memory_space<vmem_shared>>)
          tpu.yield
        }) : () -> ()
      } else {
      }
    } else {
    }
    %mul3A_18 = arith.constant 10000 : i32
    %mul3A_19 = arith.muli %add3A, %mul3A_18 : i32
    %run_scoped3A = arith.constant 0 : i32
    "tpu.region"() ({
      %run_scoped3A_256 = tpu.sem_alloc : memref<!tpu.dma_semaphore, #tpu.memory_space<semaphore_mem>>
      %dma_start3A_257 = tpu.memref_slice %arg6[%run_scoped3A, %mul3A_19] : memref<2x320000xi32, #tpu.memory_space<hbm>> -> memref<1x10000xi32, #tpu.memory_space<hbm>>
      %dma_start3A_258 = tpu.memref_squeeze %dma_start3A_257 : memref<1x10000xi32, #tpu.memory_space<hbm>> -> memref<10000xi32, #tpu.memory_space<hbm>>
      %dma_start3A_259 = tpu.memref_slice %arg6[%run_scoped3A, %mul3A_19] : memref<2x320000xi32, #tpu.memory_space<hbm>> -> memref<1x10000xi32, #tpu.memory_space<hbm>>
      %dma_start3A_260 = tpu.memref_squeeze %dma_start3A_259 : memref<1x10000xi32, #tpu.memory_space<hbm>> -> memref<10000xi32, #tpu.memory_space<hbm>>
      tpu.enqueue_dma source(%dma_start3A_260 : memref<10000xi32, #tpu.memory_space<hbm>>) target(%arg9 : memref<10000xi32, #tpu.memory_space<vmem>>) target_semaphore(%run_scoped3A_256 : memref<!tpu.dma_semaphore, #tpu.memory_space<semaphore_mem>>)
      %dma_wait3A_261 = tpu.memref_slice %arg6[%run_scoped3A, %mul3A_19] : memref<2x320000xi32, #tpu.memory_space<hbm>> -> memref<1x10000xi32, #tpu.memory_space<hbm>>
      %dma_wait3A_262 = tpu.memref_squeeze %dma_wait3A_261 : memref<1x10000xi32, #tpu.memory_space<hbm>> -> memref<10000xi32, #tpu.memory_space<hbm>>
      %dma_wait3A_263 = tpu.memref_slice %arg6[%run_scoped3A, %mul3A_19] : memref<2x320000xi32, #tpu.memory_space<hbm>> -> memref<1x10000xi32, #tpu.memory_space<hbm>>
      %dma_wait3A_264 = tpu.memref_squeeze %dma_wait3A_263 : memref<1x10000xi32, #tpu.memory_space<hbm>> -> memref<10000xi32, #tpu.memory_space<hbm>>
      tpu.wait_dma2 semaphore(%run_scoped3A_256 : memref<!tpu.dma_semaphore, #tpu.memory_space<semaphore_mem>>) src(%dma_wait3A_264 : memref<10000xi32, #tpu.memory_space<hbm>>) dst(%arg9 : memref<10000xi32, #tpu.memory_space<vmem>>)
      tpu.yield
    }) : () -> ()
    "tpu.region"() ({
      %run_scoped3A_256 = tpu.sem_alloc : memref<!tpu.dma_semaphore, #tpu.memory_space<semaphore_mem>>
      %dma_start3A_257 = arith.constant 0 : i32
      %dma_start3A_258 = arith.constant 0 : i32
      %dma_start3A_259 = tpu.memref_slice %arg7[%add3A, %dma_start3A_257, %dma_start3A_258] : memref<32x125x80xi32, #tpu.memory_space<hbm>> -> memref<1x125x80xi32, #tpu.memory_space<hbm>>
      %dma_start3A_260 = tpu.memref_squeeze %dma_start3A_259 : memref<1x125x80xi32, #tpu.memory_space<hbm>> -> memref<125x80xi32, #tpu.memory_space<hbm>>
      %dma_start3A_261 = arith.constant 0 : i32
      %dma_start3A_262 = arith.constant 0 : i32
      %dma_start3A_263 = tpu.memref_slice %arg7[%add3A, %dma_start3A_261, %dma_start3A_262] : memref<32x125x80xi32, #tpu.memory_space<hbm>> -> memref<1x125x80xi32, #tpu.memory_space<hbm>>
      %dma_start3A_264 = tpu.memref_squeeze %dma_start3A_263 : memref<1x125x80xi32, #tpu.memory_space<hbm>> -> memref<125x80xi32, #tpu.memory_space<hbm>>
      tpu.enqueue_dma source(%dma_start3A_264 : memref<125x80xi32, #tpu.memory_space<hbm>>) target(%arg10 : memref<125x80xi32, #tpu.memory_space<vmem>>) target_semaphore(%run_scoped3A_256 : memref<!tpu.dma_semaphore, #tpu.memory_space<semaphore_mem>>)
      %dma_wait3A_265 = arith.constant 0 : i32
      %dma_wait3A_266 = arith.constant 0 : i32
      %dma_wait3A_267 = tpu.memref_slice %arg7[%add3A, %dma_wait3A_265, %dma_wait3A_266] : memref<32x125x80xi32, #tpu.memory_space<hbm>> -> memref<1x125x80xi32, #tpu.memory_space<hbm>>
      %dma_wait3A_268 = tpu.memref_squeeze %dma_wait3A_267 : memref<1x125x80xi32, #tpu.memory_space<hbm>> -> memref<125x80xi32, #tpu.memory_space<hbm>>
      %dma_wait3A_269 = arith.constant 0 : i32
      %dma_wait3A_270 = arith.constant 0 : i32
      %dma_wait3A_271 = tpu.memref_slice %arg7[%add3A, %dma_wait3A_269, %dma_wait3A_270] : memref<32x125x80xi32, #tpu.memory_space<hbm>> -> memref<1x125x80xi32, #tpu.memory_space<hbm>>
      %dma_wait3A_272 = tpu.memref_squeeze %dma_wait3A_271 : memref<1x125x80xi32, #tpu.memory_space<hbm>> -> memref<125x80xi32, #tpu.memory_space<hbm>>
      tpu.wait_dma2 semaphore(%run_scoped3A_256 : memref<!tpu.dma_semaphore, #tpu.memory_space<semaphore_mem>>) src(%dma_wait3A_272 : memref<125x80xi32, #tpu.memory_space<hbm>>) dst(%arg10 : memref<125x80xi32, #tpu.memory_space<vmem>>)
      tpu.yield
    }) : () -> ()
    %barrier3A = arith.constant 0 : index
    tpu.barrier barrier_id(%barrier3A)
    %dma_start3A = arith.constant 0 : i32
    %dma_start3A_20 = arith.constant 0 : i32
    %dma_start3A_21 = arith.constant 0 : i32
    %dma_start3A_22 = tpu.memref_slice %arg11[%dma_start3A, %dma_start3A_20, %dma_start3A_21] : memref<5x80x16xf32, #tpu.memory_space<vmem>> -> memref<1x80x16xf32, #tpu.memory_space<vmem>>
    %dma_start3A_23 = tpu.memref_squeeze %dma_start3A_22 : memref<1x80x16xf32, #tpu.memory_space<vmem>> -> memref<80x16xf32, #tpu.memory_space<vmem>>
    %dma_start3A_24 = arith.constant 0 : i32
    %dma_start3A_25 = tpu.memref_slice %arg9[%dma_start3A_24] : memref<10000xi32, #tpu.memory_space<vmem>> -> memref<80xi32, #tpu.memory_space<vmem>>
    %dma_start3A_26 = arith.constant 0 : i32
    %dma_start3A_27 = arith.constant 0 : i32
    %dma_start3A_28 = tpu.memref_slice %arg19[%dma_start3A_26, %dma_start3A_27] : memref<10240x16xf32, #tpu.memory_space<vmem_shared>> -> memref<10240x16xf32, #tpu.memory_space<vmem_shared>>
    tpu.enqueue_indirect_dma source(%dma_start3A_28 : memref<10240x16xf32, #tpu.memory_space<vmem_shared>>) target(%dma_start3A_23 : memref<80x16xf32, #tpu.memory_space<vmem>>) offsets(%dma_start3A_25 : memref<80xi32, #tpu.memory_space<vmem>>) semaphore(%arg21 : memref<!tpu.dma_semaphore, #tpu.memory_space<semaphore_mem>>)
    %dma_start3A_29 = arith.constant 1 : i32
    %dma_start3A_30 = arith.constant 0 : i32
    %dma_start3A_31 = arith.constant 0 : i32
    %dma_start3A_32 = tpu.memref_slice %arg11[%dma_start3A_29, %dma_start3A_30, %dma_start3A_31] : memref<5x80x16xf32, #tpu.memory_space<vmem>> -> memref<1x80x16xf32, #tpu.memory_space<vmem>>
    %dma_start3A_33 = tpu.memref_squeeze %dma_start3A_32 : memref<1x80x16xf32, #tpu.memory_space<vmem>> -> memref<80x16xf32, #tpu.memory_space<vmem>>
    %dma_start3A_34 = arith.constant 80 : i32
    %dma_start3A_35 = tpu.memref_slice %arg9[%dma_start3A_34] : memref<10000xi32, #tpu.memory_space<vmem>> -> memref<80xi32, #tpu.memory_space<vmem>>
    %dma_start3A_36 = arith.constant 0 : i32
    %dma_start3A_37 = arith.constant 0 : i32
    %dma_start3A_38 = tpu.memref_slice %arg19[%dma_start3A_36, %dma_start3A_37] : memref<10240x16xf32, #tpu.memory_space<vmem_shared>> -> memref<10240x16xf32, #tpu.memory_space<vmem_shared>>
    tpu.enqueue_indirect_dma source(%dma_start3A_38 : memref<10240x16xf32, #tpu.memory_space<vmem_shared>>) target(%dma_start3A_33 : memref<80x16xf32, #tpu.memory_space<vmem>>) offsets(%dma_start3A_35 : memref<80xi32, #tpu.memory_space<vmem>>) semaphore(%arg22 : memref<!tpu.dma_semaphore, #tpu.memory_space<semaphore_mem>>)
    %dma_start3A_39 = arith.constant 2 : i32
    %dma_start3A_40 = arith.constant 0 : i32
    %dma_start3A_41 = arith.constant 0 : i32
    %dma_start3A_42 = tpu.memref_slice %arg11[%dma_start3A_39, %dma_start3A_40, %dma_start3A_41] : memref<5x80x16xf32, #tpu.memory_space<vmem>> -> memref<1x80x16xf32, #tpu.memory_space<vmem>>
    %dma_start3A_43 = tpu.memref_squeeze %dma_start3A_42 : memref<1x80x16xf32, #tpu.memory_space<vmem>> -> memref<80x16xf32, #tpu.memory_space<vmem>>
    %dma_start3A_44 = arith.constant 160 : i32
    %dma_start3A_45 = tpu.memref_slice %arg9[%dma_start3A_44] : memref<10000xi32, #tpu.memory_space<vmem>> -> memref<80xi32, #tpu.memory_space<vmem>>
    %dma_start3A_46 = arith.constant 0 : i32
    %dma_start3A_47 = arith.constant 0 : i32
    %dma_start3A_48 = tpu.memref_slice %arg19[%dma_start3A_46, %dma_start3A_47] : memref<10240x16xf32, #tpu.memory_space<vmem_shared>> -> memref<10240x16xf32, #tpu.memory_space<vmem_shared>>
    tpu.enqueue_indirect_dma source(%dma_start3A_48 : memref<10240x16xf32, #tpu.memory_space<vmem_shared>>) target(%dma_start3A_43 : memref<80x16xf32, #tpu.memory_space<vmem>>) offsets(%dma_start3A_45 : memref<80xi32, #tpu.memory_space<vmem>>) semaphore(%arg23 : memref<!tpu.dma_semaphore, #tpu.memory_space<semaphore_mem>>)
    %dma_start3A_49 = arith.constant 3 : i32
    %dma_start3A_50 = arith.constant 0 : i32
    %dma_start3A_51 = arith.constant 0 : i32
    %dma_start3A_52 = tpu.memref_slice %arg11[%dma_start3A_49, %dma_start3A_50, %dma_start3A_51] : memref<5x80x16xf32, #tpu.memory_space<vmem>> -> memref<1x80x16xf32, #tpu.memory_space<vmem>>
    %dma_start3A_53 = tpu.memref_squeeze %dma_start3A_52 : memref<1x80x16xf32, #tpu.memory_space<vmem>> -> memref<80x16xf32, #tpu.memory_space<vmem>>
    %dma_start3A_54 = arith.constant 240 : i32
    %dma_start3A_55 = tpu.memref_slice %arg9[%dma_start3A_54] : memref<10000xi32, #tpu.memory_space<vmem>> -> memref<80xi32, #tpu.memory_space<vmem>>
    %dma_start3A_56 = arith.constant 0 : i32
    %dma_start3A_57 = arith.constant 0 : i32
    %dma_start3A_58 = tpu.memref_slice %arg19[%dma_start3A_56, %dma_start3A_57] : memref<10240x16xf32, #tpu.memory_space<vmem_shared>> -> memref<10240x16xf32, #tpu.memory_space<vmem_shared>>
    tpu.enqueue_indirect_dma source(%dma_start3A_58 : memref<10240x16xf32, #tpu.memory_space<vmem_shared>>) target(%dma_start3A_53 : memref<80x16xf32, #tpu.memory_space<vmem>>) offsets(%dma_start3A_55 : memref<80xi32, #tpu.memory_space<vmem>>) semaphore(%arg24 : memref<!tpu.dma_semaphore, #tpu.memory_space<semaphore_mem>>)
    %dma_start3A_59 = arith.constant 4 : i32
    %dma_start3A_60 = arith.constant 0 : i32
    %dma_start3A_61 = arith.constant 0 : i32
    %dma_start3A_62 = tpu.memref_slice %arg11[%dma_start3A_59, %dma_start3A_60, %dma_start3A_61] : memref<5x80x16xf32, #tpu.memory_space<vmem>> -> memref<1x80x16xf32, #tpu.memory_space<vmem>>
    %dma_start3A_63 = tpu.memref_squeeze %dma_start3A_62 : memref<1x80x16xf32, #tpu.memory_space<vmem>> -> memref<80x16xf32, #tpu.memory_space<vmem>>
    %dma_start3A_64 = arith.constant 320 : i32
    %dma_start3A_65 = tpu.memref_slice %arg9[%dma_start3A_64] : memref<10000xi32, #tpu.memory_space<vmem>> -> memref<80xi32, #tpu.memory_space<vmem>>
    %dma_start3A_66 = arith.constant 0 : i32
    %dma_start3A_67 = arith.constant 0 : i32
    %dma_start3A_68 = tpu.memref_slice %arg19[%dma_start3A_66, %dma_start3A_67] : memref<10240x16xf32, #tpu.memory_space<vmem_shared>> -> memref<10240x16xf32, #tpu.memory_space<vmem_shared>>
    tpu.enqueue_indirect_dma source(%dma_start3A_68 : memref<10240x16xf32, #tpu.memory_space<vmem_shared>>) target(%dma_start3A_63 : memref<80x16xf32, #tpu.memory_space<vmem>>) offsets(%dma_start3A_65 : memref<80xi32, #tpu.memory_space<vmem>>) semaphore(%arg25 : memref<!tpu.dma_semaphore, #tpu.memory_space<semaphore_mem>>)
    %scan3A_69 = arith.constant 0 : i32
    %scan3A_70 = arith.constant 0 : i32
    %scan3A_71 = arith.constant 24 : i32
    %scan3A_72 = arith.addi %scan3A_70, %scan3A_71 : i32
    %scan3A_73 = arith.constant 1 : i32
    %scan3A_74 = scf.for %scan3A_256 = %scan3A_70 to %scan3A_72 step %scan3A_73 iter_args(%scan3A_257 = %scan3A_69) -> (i32)  : i32 {
      %mul3A_258 = arith.constant 5 : i32
      %mul3A_259 = arith.muli %scan3A_256, %mul3A_258 : i32
      %add3A_260 = arith.constant 0 : i32
      %add3A_261 = arith.addi %mul3A_259, %add3A_260 : i32
      %mul3A_262 = arith.constant 80 : i32
      %mul3A_263 = arith.muli %add3A_261, %mul3A_262 : i32
      %dma_wait3A_264 = arith.constant 0 : i32
      %dma_wait3A_265 = arith.constant 0 : i32
      %dma_wait3A_266 = arith.constant 0 : i32
      %dma_wait3A_267 = tpu.memref_slice %arg11[%dma_wait3A_264, %dma_wait3A_265, %dma_wait3A_266] : memref<5x80x16xf32, #tpu.memory_space<vmem>> -> memref<1x80x16xf32, #tpu.memory_space<vmem>>
      %dma_wait3A_268 = tpu.memref_squeeze %dma_wait3A_267 : memref<1x80x16xf32, #tpu.memory_space<vmem>> -> memref<80x16xf32, #tpu.memory_space<vmem>>
      %dma_wait3A_269 = tpu.memref_slice %arg9[%mul3A_263] : memref<10000xi32, #tpu.memory_space<vmem>> -> memref<80xi32, #tpu.memory_space<vmem>>
      %dma_wait3A_270 = arith.constant 0 : i32
      %dma_wait3A_271 = arith.constant 0 : i32
      %dma_wait3A_272 = tpu.memref_slice %arg19[%dma_wait3A_270, %dma_wait3A_271] : memref<10240x16xf32, #tpu.memory_space<vmem_shared>> -> memref<10240x16xf32, #tpu.memory_space<vmem_shared>>
      tpu.wait_indirect_dma semaphore(%arg21 : memref<!tpu.dma_semaphore, #tpu.memory_space<semaphore_mem>>) src(%dma_wait3A_272 : memref<10240x16xf32, #tpu.memory_space<vmem_shared>>) dst(%dma_wait3A_268 : memref<80x16xf32, #tpu.memory_space<vmem>>)
      %add3A_273 = arith.constant 0 : i32
      %add3A_274 = arith.addi %mul3A_259, %add3A_273 : i32
      %dma_start3A_275 = arith.constant 0 : i32
      %dma_start3A_276 = arith.constant 0 : i32
      %dma_start3A_277 = arith.constant 0 : i32
      %dma_start3A_278 = tpu.memref_slice %arg11[%dma_start3A_275, %dma_start3A_276, %dma_start3A_277] : memref<5x80x16xf32, #tpu.memory_space<vmem>> -> memref<1x80x16xf32, #tpu.memory_space<vmem>>
      %dma_start3A_279 = tpu.memref_squeeze %dma_start3A_278 : memref<1x80x16xf32, #tpu.memory_space<vmem>> -> memref<80x16xf32, #tpu.memory_space<vmem>>
      %dma_start3A_280 = arith.constant 0 : i32
      %dma_start3A_281 = tpu.memref_slice %arg10[%add3A_274, %dma_start3A_280] : memref<125x80xi32, #tpu.memory_space<vmem>> -> memref<1x80xi32, #tpu.memory_space<vmem>>
      %dma_start3A_282 = tpu.memref_squeeze %dma_start3A_281 : memref<1x80xi32, #tpu.memory_space<vmem>> -> memref<80xi32, #tpu.memory_space<vmem>>
      %dma_start3A_283 = arith.constant 0 : i32
      %dma_start3A_284 = arith.constant 0 : i32
      %dma_start3A_285 = tpu.memref_slice %arg20[%dma_start3A_283, %dma_start3A_284] : memref<10240x16xf32, #tpu.memory_space<vmem_shared>> -> memref<10240x16xf32, #tpu.memory_space<vmem_shared>>
      tpu.enqueue_indirect_dma source(%dma_start3A_279 : memref<80x16xf32, #tpu.memory_space<vmem>>) target(%dma_start3A_285 : memref<10240x16xf32, #tpu.memory_space<vmem_shared>>) offsets(%dma_start3A_282 : memref<80xi32, #tpu.memory_space<vmem>>) semaphore(%arg26 : memref<!tpu.dma_semaphore, #tpu.memory_space<semaphore_mem>>) {add = true}
      %add3A_286 = arith.constant 1 : i32
      %add3A_287 = arith.addi %mul3A_259, %add3A_286 : i32
      %mul3A_288 = arith.constant 80 : i32
      %mul3A_289 = arith.muli %add3A_287, %mul3A_288 : i32
      %dma_wait3A_290 = arith.constant 1 : i32
      %dma_wait3A_291 = arith.constant 0 : i32
      %dma_wait3A_292 = arith.constant 0 : i32
      %dma_wait3A_293 = tpu.memref_slice %arg11[%dma_wait3A_290, %dma_wait3A_291, %dma_wait3A_292] : memref<5x80x16xf32, #tpu.memory_space<vmem>> -> memref<1x80x16xf32, #tpu.memory_space<vmem>>
      %dma_wait3A_294 = tpu.memref_squeeze %dma_wait3A_293 : memref<1x80x16xf32, #tpu.memory_space<vmem>> -> memref<80x16xf32, #tpu.memory_space<vmem>>
      %dma_wait3A_295 = tpu.memref_slice %arg9[%mul3A_289] : memref<10000xi32, #tpu.memory_space<vmem>> -> memref<80xi32, #tpu.memory_space<vmem>>
      %dma_wait3A_296 = arith.constant 0 : i32
      %dma_wait3A_297 = arith.constant 0 : i32
      %dma_wait3A_298 = tpu.memref_slice %arg19[%dma_wait3A_296, %dma_wait3A_297] : memref<10240x16xf32, #tpu.memory_space<vmem_shared>> -> memref<10240x16xf32, #tpu.memory_space<vmem_shared>>
      tpu.wait_indirect_dma semaphore(%arg22 : memref<!tpu.dma_semaphore, #tpu.memory_space<semaphore_mem>>) src(%dma_wait3A_298 : memref<10240x16xf32, #tpu.memory_space<vmem_shared>>) dst(%dma_wait3A_294 : memref<80x16xf32, #tpu.memory_space<vmem>>)
      %add3A_299 = arith.constant 1 : i32
      %add3A_300 = arith.addi %mul3A_259, %add3A_299 : i32
      %dma_start3A_301 = arith.constant 1 : i32
      %dma_start3A_302 = arith.constant 0 : i32
      %dma_start3A_303 = arith.constant 0 : i32
      %dma_start3A_304 = tpu.memref_slice %arg11[%dma_start3A_301, %dma_start3A_302, %dma_start3A_303] : memref<5x80x16xf32, #tpu.memory_space<vmem>> -> memref<1x80x16xf32, #tpu.memory_space<vmem>>
      %dma_start3A_305 = tpu.memref_squeeze %dma_start3A_304 : memref<1x80x16xf32, #tpu.memory_space<vmem>> -> memref<80x16xf32, #tpu.memory_space<vmem>>
      %dma_start3A_306 = arith.constant 0 : i32
      %dma_start3A_307 = tpu.memref_slice %arg10[%add3A_300, %dma_start3A_306] : memref<125x80xi32, #tpu.memory_space<vmem>> -> memref<1x80xi32, #tpu.memory_space<vmem>>
      %dma_start3A_308 = tpu.memref_squeeze %dma_start3A_307 : memref<1x80xi32, #tpu.memory_space<vmem>> -> memref<80xi32, #tpu.memory_space<vmem>>
      %dma_start3A_309 = arith.constant 0 : i32
      %dma_start3A_310 = arith.constant 0 : i32
      %dma_start3A_311 = tpu.memref_slice %arg20[%dma_start3A_309, %dma_start3A_310] : memref<10240x16xf32, #tpu.memory_space<vmem_shared>> -> memref<10240x16xf32, #tpu.memory_space<vmem_shared>>
      tpu.enqueue_indirect_dma source(%dma_start3A_305 : memref<80x16xf32, #tpu.memory_space<vmem>>) target(%dma_start3A_311 : memref<10240x16xf32, #tpu.memory_space<vmem_shared>>) offsets(%dma_start3A_308 : memref<80xi32, #tpu.memory_space<vmem>>) semaphore(%arg27 : memref<!tpu.dma_semaphore, #tpu.memory_space<semaphore_mem>>) {add = true}
      %add3A_312 = arith.constant 1 : i32
      %add3A_313 = arith.addi %mul3A_259, %add3A_312 : i32
      %sub3A = arith.constant 1 : i32
      %sub3A_314 = arith.subi %add3A_313, %sub3A : i32
      %dma_wait3A_315 = arith.constant 0 : i32
      %dma_wait3A_316 = arith.constant 0 : i32
      %dma_wait3A_317 = arith.constant 0 : i32
      %dma_wait3A_318 = tpu.memref_slice %arg11[%dma_wait3A_315, %dma_wait3A_316, %dma_wait3A_317] : memref<5x80x16xf32, #tpu.memory_space<vmem>> -> memref<1x80x16xf32, #tpu.memory_space<vmem>>
      %dma_wait3A_319 = tpu.memref_squeeze %dma_wait3A_318 : memref<1x80x16xf32, #tpu.memory_space<vmem>> -> memref<80x16xf32, #tpu.memory_space<vmem>>
      %dma_wait3A_320 = arith.constant 0 : i32
      %dma_wait3A_321 = tpu.memref_slice %arg10[%sub3A_314, %dma_wait3A_320] : memref<125x80xi32, #tpu.memory_space<vmem>> -> memref<1x80xi32, #tpu.memory_space<vmem>>
      %dma_wait3A_322 = tpu.memref_squeeze %dma_wait3A_321 : memref<1x80xi32, #tpu.memory_space<vmem>> -> memref<80xi32, #tpu.memory_space<vmem>>
      %dma_wait3A_323 = arith.constant 0 : i32
      %dma_wait3A_324 = arith.constant 0 : i32
      %dma_wait3A_325 = tpu.memref_slice %arg20[%dma_wait3A_323, %dma_wait3A_324] : memref<10240x16xf32, #tpu.memory_space<vmem_shared>> -> memref<10240x16xf32, #tpu.memory_space<vmem_shared>>
      tpu.wait_indirect_dma semaphore(%arg26 : memref<!tpu.dma_semaphore, #tpu.memory_space<semaphore_mem>>) src(%dma_wait3A_319 : memref<80x16xf32, #tpu.memory_space<vmem>>) dst(%dma_wait3A_325 : memref<10240x16xf32, #tpu.memory_space<vmem_shared>>)
      %add3A_326 = arith.constant 5 : i32
      %add3A_327 = arith.addi %mul3A_259, %add3A_326 : i32
      %add3A_328 = arith.constant 1 : i32
      %add3A_329 = arith.addi %add3A_327, %add3A_328 : i32
      %sub3A_330 = arith.constant 1 : i32
      %sub3A_331 = arith.subi %add3A_329, %sub3A_330 : i32
      %mul3A_332 = arith.constant 80 : i32
      %mul3A_333 = arith.muli %sub3A_331, %mul3A_332 : i32
      %dma_start3A_334 = arith.constant 0 : i32
      %dma_start3A_335 = arith.constant 0 : i32
      %dma_start3A_336 = arith.constant 0 : i32
      %dma_start3A_337 = tpu.memref_slice %arg11[%dma_start3A_334, %dma_start3A_335, %dma_start3A_336] : memref<5x80x16xf32, #tpu.memory_space<vmem>> -> memref<1x80x16xf32, #tpu.memory_space<vmem>>
      %dma_start3A_338 = tpu.memref_squeeze %dma_start3A_337 : memref<1x80x16xf32, #tpu.memory_space<vmem>> -> memref<80x16xf32, #tpu.memory_space<vmem>>
      %dma_start3A_339 = tpu.memref_slice %arg9[%mul3A_333] : memref<10000xi32, #tpu.memory_space<vmem>> -> memref<80xi32, #tpu.memory_space<vmem>>
      %dma_start3A_340 = arith.constant 0 : i32
      %dma_start3A_341 = arith.constant 0 : i32
      %dma_start3A_342 = tpu.memref_slice %arg19[%dma_start3A_340, %dma_start3A_341] : memref<10240x16xf32, #tpu.memory_space<vmem_shared>> -> memref<10240x16xf32, #tpu.memory_space<vmem_shared>>
      tpu.enqueue_indirect_dma source(%dma_start3A_342 : memref<10240x16xf32, #tpu.memory_space<vmem_shared>>) target(%dma_start3A_338 : memref<80x16xf32, #tpu.memory_space<vmem>>) offsets(%dma_start3A_339 : memref<80xi32, #tpu.memory_space<vmem>>) semaphore(%arg21 : memref<!tpu.dma_semaphore, #tpu.memory_space<semaphore_mem>>)
      %add3A_343 = arith.constant 2 : i32
      %add3A_344 = arith.addi %mul3A_259, %add3A_343 : i32
      %mul3A_345 = arith.constant 80 : i32
      %mul3A_346 = arith.muli %add3A_344, %mul3A_345 : i32
      %dma_wait3A_347 = arith.constant 2 : i32
      %dma_wait3A_348 = arith.constant 0 : i32
      %dma_wait3A_349 = arith.constant 0 : i32
      %dma_wait3A_350 = tpu.memref_slice %arg11[%dma_wait3A_347, %dma_wait3A_348, %dma_wait3A_349] : memref<5x80x16xf32, #tpu.memory_space<vmem>> -> memref<1x80x16xf32, #tpu.memory_space<vmem>>
      %dma_wait3A_351 = tpu.memref_squeeze %dma_wait3A_350 : memref<1x80x16xf32, #tpu.memory_space<vmem>> -> memref<80x16xf32, #tpu.memory_space<vmem>>
      %dma_wait3A_352 = tpu.memref_slice %arg9[%mul3A_346] : memref<10000xi32, #tpu.memory_space<vmem>> -> memref<80xi32, #tpu.memory_space<vmem>>
      %dma_wait3A_353 = arith.constant 0 : i32
      %dma_wait3A_354 = arith.constant 0 : i32
      %dma_wait3A_355 = tpu.memref_slice %arg19[%dma_wait3A_353, %dma_wait3A_354] : memref<10240x16xf32, #tpu.memory_space<vmem_shared>> -> memref<10240x16xf32, #tpu.memory_space<vmem_shared>>
      tpu.wait_indirect_dma semaphore(%arg23 : memref<!tpu.dma_semaphore, #tpu.memory_space<semaphore_mem>>) src(%dma_wait3A_355 : memref<10240x16xf32, #tpu.memory_space<vmem_shared>>) dst(%dma_wait3A_351 : memref<80x16xf32, #tpu.memory_space<vmem>>)
      %add3A_356 = arith.constant 2 : i32
      %add3A_357 = arith.addi %mul3A_259, %add3A_356 : i32
      %dma_start3A_358 = arith.constant 2 : i32
      %dma_start3A_359 = arith.constant 0 : i32
      %dma_start3A_360 = arith.constant 0 : i32
      %dma_start3A_361 = tpu.memref_slice %arg11[%dma_start3A_358, %dma_start3A_359, %dma_start3A_360] : memref<5x80x16xf32, #tpu.memory_space<vmem>> -> memref<1x80x16xf32, #tpu.memory_space<vmem>>
      %dma_start3A_362 = tpu.memref_squeeze %dma_start3A_361 : memref<1x80x16xf32, #tpu.memory_space<vmem>> -> memref<80x16xf32, #tpu.memory_space<vmem>>
      %dma_start3A_363 = arith.constant 0 : i32
      %dma_start3A_364 = tpu.memref_slice %arg10[%add3A_357, %dma_start3A_363] : memref<125x80xi32, #tpu.memory_space<vmem>> -> memref<1x80xi32, #tpu.memory_space<vmem>>
      %dma_start3A_365 = tpu.memref_squeeze %dma_start3A_364 : memref<1x80xi32, #tpu.memory_space<vmem>> -> memref<80xi32, #tpu.memory_space<vmem>>
      %dma_start3A_366 = arith.constant 0 : i32
      %dma_start3A_367 = arith.constant 0 : i32
      %dma_start3A_368 = tpu.memref_slice %arg20[%dma_start3A_366, %dma_start3A_367] : memref<10240x16xf32, #tpu.memory_space<vmem_shared>> -> memref<10240x16xf32, #tpu.memory_space<vmem_shared>>
      tpu.enqueue_indirect_dma source(%dma_start3A_362 : memref<80x16xf32, #tpu.memory_space<vmem>>) target(%dma_start3A_368 : memref<10240x16xf32, #tpu.memory_space<vmem_shared>>) offsets(%dma_start3A_365 : memref<80xi32, #tpu.memory_space<vmem>>) semaphore(%arg28 : memref<!tpu.dma_semaphore, #tpu.memory_space<semaphore_mem>>) {add = true}
      %add3A_369 = arith.constant 2 : i32
      %add3A_370 = arith.addi %mul3A_259, %add3A_369 : i32
      %sub3A_371 = arith.constant 1 : i32
      %sub3A_372 = arith.subi %add3A_370, %sub3A_371 : i32
      %dma_wait3A_373 = arith.constant 1 : i32
      %dma_wait3A_374 = arith.constant 0 : i32
      %dma_wait3A_375 = arith.constant 0 : i32
      %dma_wait3A_376 = tpu.memref_slice %arg11[%dma_wait3A_373, %dma_wait3A_374, %dma_wait3A_375] : memref<5x80x16xf32, #tpu.memory_space<vmem>> -> memref<1x80x16xf32, #tpu.memory_space<vmem>>
      %dma_wait3A_377 = tpu.memref_squeeze %dma_wait3A_376 : memref<1x80x16xf32, #tpu.memory_space<vmem>> -> memref<80x16xf32, #tpu.memory_space<vmem>>
      %dma_wait3A_378 = arith.constant 0 : i32
      %dma_wait3A_379 = tpu.memref_slice %arg10[%sub3A_372, %dma_wait3A_378] : memref<125x80xi32, #tpu.memory_space<vmem>> -> memref<1x80xi32, #tpu.memory_space<vmem>>
      %dma_wait3A_380 = tpu.memref_squeeze %dma_wait3A_379 : memref<1x80xi32, #tpu.memory_space<vmem>> -> memref<80xi32, #tpu.memory_space<vmem>>
      %dma_wait3A_381 = arith.constant 0 : i32
      %dma_wait3A_382 = arith.constant 0 : i32
      %dma_wait3A_383 = tpu.memref_slice %arg20[%dma_wait3A_381, %dma_wait3A_382] : memref<10240x16xf32, #tpu.memory_space<vmem_shared>> -> memref<10240x16xf32, #tpu.memory_space<vmem_shared>>
      tpu.wait_indirect_dma semaphore(%arg27 : memref<!tpu.dma_semaphore, #tpu.memory_space<semaphore_mem>>) src(%dma_wait3A_377 : memref<80x16xf32, #tpu.memory_space<vmem>>) dst(%dma_wait3A_383 : memref<10240x16xf32, #tpu.memory_space<vmem_shared>>)
      %add3A_384 = arith.constant 5 : i32
      %add3A_385 = arith.addi %mul3A_259, %add3A_384 : i32
      %add3A_386 = arith.constant 2 : i32
      %add3A_387 = arith.addi %add3A_385, %add3A_386 : i32
      %sub3A_388 = arith.constant 1 : i32
      %sub3A_389 = arith.subi %add3A_387, %sub3A_388 : i32
      %mul3A_390 = arith.constant 80 : i32
      %mul3A_391 = arith.muli %sub3A_389, %mul3A_390 : i32
      %dma_start3A_392 = arith.constant 1 : i32
      %dma_start3A_393 = arith.constant 0 : i32
      %dma_start3A_394 = arith.constant 0 : i32
      %dma_start3A_395 = tpu.memref_slice %arg11[%dma_start3A_392, %dma_start3A_393, %dma_start3A_394] : memref<5x80x16xf32, #tpu.memory_space<vmem>> -> memref<1x80x16xf32, #tpu.memory_space<vmem>>
      %dma_start3A_396 = tpu.memref_squeeze %dma_start3A_395 : memref<1x80x16xf32, #tpu.memory_space<vmem>> -> memref<80x16xf32, #tpu.memory_space<vmem>>
      %dma_start3A_397 = tpu.memref_slice %arg9[%mul3A_391] : memref<10000xi32, #tpu.memory_space<vmem>> -> memref<80xi32, #tpu.memory_space<vmem>>
      %dma_start3A_398 = arith.constant 0 : i32
      %dma_start3A_399 = arith.constant 0 : i32
      %dma_start3A_400 = tpu.memref_slice %arg19[%dma_start3A_398, %dma_start3A_399] : memref<10240x16xf32, #tpu.memory_space<vmem_shared>> -> memref<10240x16xf32, #tpu.memory_space<vmem_shared>>
      tpu.enqueue_indirect_dma source(%dma_start3A_400 : memref<10240x16xf32, #tpu.memory_space<vmem_shared>>) target(%dma_start3A_396 : memref<80x16xf32, #tpu.memory_space<vmem>>) offsets(%dma_start3A_397 : memref<80xi32, #tpu.memory_space<vmem>>) semaphore(%arg22 : memref<!tpu.dma_semaphore, #tpu.memory_space<semaphore_mem>>)
      %add3A_401 = arith.constant 3 : i32
      %add3A_402 = arith.addi %mul3A_259, %add3A_401 : i32
      %mul3A_403 = arith.constant 80 : i32
      %mul3A_404 = arith.muli %add3A_402, %mul3A_403 : i32
      %dma_wait3A_405 = arith.constant 3 : i32
      %dma_wait3A_406 = arith.constant 0 : i32
      %dma_wait3A_407 = arith.constant 0 : i32
      %dma_wait3A_408 = tpu.memref_slice %arg11[%dma_wait3A_405, %dma_wait3A_406, %dma_wait3A_407] : memref<5x80x16xf32, #tpu.memory_space<vmem>> -> memref<1x80x16xf32, #tpu.memory_space<vmem>>
      %dma_wait3A_409 = tpu.memref_squeeze %dma_wait3A_408 : memref<1x80x16xf32, #tpu.memory_space<vmem>> -> memref<80x16xf32, #tpu.memory_space<vmem>>
      %dma_wait3A_410 = tpu.memref_slice %arg9[%mul3A_404] : memref<10000xi32, #tpu.memory_space<vmem>> -> memref<80xi32, #tpu.memory_space<vmem>>
      %dma_wait3A_411 = arith.constant 0 : i32
      %dma_wait3A_412 = arith.constant 0 : i32
      %dma_wait3A_413 = tpu.memref_slice %arg19[%dma_wait3A_411, %dma_wait3A_412] : memref<10240x16xf32, #tpu.memory_space<vmem_shared>> -> memref<10240x16xf32, #tpu.memory_space<vmem_shared>>
      tpu.wait_indirect_dma semaphore(%arg24 : memref<!tpu.dma_semaphore, #tpu.memory_space<semaphore_mem>>) src(%dma_wait3A_413 : memref<10240x16xf32, #tpu.memory_space<vmem_shared>>) dst(%dma_wait3A_409 : memref<80x16xf32, #tpu.memory_space<vmem>>)
      %add3A_414 = arith.constant 3 : i32
      %add3A_415 = arith.addi %mul3A_259, %add3A_414 : i32
      %dma_start3A_416 = arith.constant 3 : i32
      %dma_start3A_417 = arith.constant 0 : i32
      %dma_start3A_418 = arith.constant 0 : i32
      %dma_start3A_419 = tpu.memref_slice %arg11[%dma_start3A_416, %dma_start3A_417, %dma_start3A_418] : memref<5x80x16xf32, #tpu.memory_space<vmem>> -> memref<1x80x16xf32, #tpu.memory_space<vmem>>
      %dma_start3A_420 = tpu.memref_squeeze %dma_start3A_419 : memref<1x80x16xf32, #tpu.memory_space<vmem>> -> memref<80x16xf32, #tpu.memory_space<vmem>>
      %dma_start3A_421 = arith.constant 0 : i32
      %dma_start3A_422 = tpu.memref_slice %arg10[%add3A_415, %dma_start3A_421] : memref<125x80xi32, #tpu.memory_space<vmem>> -> memref<1x80xi32, #tpu.memory_space<vmem>>
      %dma_start3A_423 = tpu.memref_squeeze %dma_start3A_422 : memref<1x80xi32, #tpu.memory_space<vmem>> -> memref<80xi32, #tpu.memory_space<vmem>>
      %dma_start3A_424 = arith.constant 0 : i32
      %dma_start3A_425 = arith.constant 0 : i32
      %dma_start3A_426 = tpu.memref_slice %arg20[%dma_start3A_424, %dma_start3A_425] : memref<10240x16xf32, #tpu.memory_space<vmem_shared>> -> memref<10240x16xf32, #tpu.memory_space<vmem_shared>>
      tpu.enqueue_indirect_dma source(%dma_start3A_420 : memref<80x16xf32, #tpu.memory_space<vmem>>) target(%dma_start3A_426 : memref<10240x16xf32, #tpu.memory_space<vmem_shared>>) offsets(%dma_start3A_423 : memref<80xi32, #tpu.memory_space<vmem>>) semaphore(%arg29 : memref<!tpu.dma_semaphore, #tpu.memory_space<semaphore_mem>>) {add = true}
      %add3A_427 = arith.constant 3 : i32
      %add3A_428 = arith.addi %mul3A_259, %add3A_427 : i32
      %sub3A_429 = arith.constant 1 : i32
      %sub3A_430 = arith.subi %add3A_428, %sub3A_429 : i32
      %dma_wait3A_431 = arith.constant 2 : i32
      %dma_wait3A_432 = arith.constant 0 : i32
      %dma_wait3A_433 = arith.constant 0 : i32
      %dma_wait3A_434 = tpu.memref_slice %arg11[%dma_wait3A_431, %dma_wait3A_432, %dma_wait3A_433] : memref<5x80x16xf32, #tpu.memory_space<vmem>> -> memref<1x80x16xf32, #tpu.memory_space<vmem>>
      %dma_wait3A_435 = tpu.memref_squeeze %dma_wait3A_434 : memref<1x80x16xf32, #tpu.memory_space<vmem>> -> memref<80x16xf32, #tpu.memory_space<vmem>>
      %dma_wait3A_436 = arith.constant 0 : i32
      %dma_wait3A_437 = tpu.memref_slice %arg10[%sub3A_430, %dma_wait3A_436] : memref<125x80xi32, #tpu.memory_space<vmem>> -> memref<1x80xi32, #tpu.memory_space<vmem>>
      %dma_wait3A_438 = tpu.memref_squeeze %dma_wait3A_437 : memref<1x80xi32, #tpu.memory_space<vmem>> -> memref<80xi32, #tpu.memory_space<vmem>>
      %dma_wait3A_439 = arith.constant 0 : i32
      %dma_wait3A_440 = arith.constant 0 : i32
      %dma_wait3A_441 = tpu.memref_slice %arg20[%dma_wait3A_439, %dma_wait3A_440] : memref<10240x16xf32, #tpu.memory_space<vmem_shared>> -> memref<10240x16xf32, #tpu.memory_space<vmem_shared>>
      tpu.wait_indirect_dma semaphore(%arg28 : memref<!tpu.dma_semaphore, #tpu.memory_space<semaphore_mem>>) src(%dma_wait3A_435 : memref<80x16xf32, #tpu.memory_space<vmem>>) dst(%dma_wait3A_441 : memref<10240x16xf32, #tpu.memory_space<vmem_shared>>)
      %add3A_442 = arith.constant 5 : i32
      %add3A_443 = arith.addi %mul3A_259, %add3A_442 : i32
      %add3A_444 = arith.constant 3 : i32
      %add3A_445 = arith.addi %add3A_443, %add3A_444 : i32
      %sub3A_446 = arith.constant 1 : i32
      %sub3A_447 = arith.subi %add3A_445, %sub3A_446 : i32
      %mul3A_448 = arith.constant 80 : i32
      %mul3A_449 = arith.muli %sub3A_447, %mul3A_448 : i32
      %dma_start3A_450 = arith.constant 2 : i32
      %dma_start3A_451 = arith.constant 0 : i32
      %dma_start3A_452 = arith.constant 0 : i32
      %dma_start3A_453 = tpu.memref_slice %arg11[%dma_start3A_450, %dma_start3A_451, %dma_start3A_452] : memref<5x80x16xf32, #tpu.memory_space<vmem>> -> memref<1x80x16xf32, #tpu.memory_space<vmem>>
      %dma_start3A_454 = tpu.memref_squeeze %dma_start3A_453 : memref<1x80x16xf32, #tpu.memory_space<vmem>> -> memref<80x16xf32, #tpu.memory_space<vmem>>
      %dma_start3A_455 = tpu.memref_slice %arg9[%mul3A_449] : memref<10000xi32, #tpu.memory_space<vmem>> -> memref<80xi32, #tpu.memory_space<vmem>>
      %dma_start3A_456 = arith.constant 0 : i32
      %dma_start3A_457 = arith.constant 0 : i32
      %dma_start3A_458 = tpu.memref_slice %arg19[%dma_start3A_456, %dma_start3A_457] : memref<10240x16xf32, #tpu.memory_space<vmem_shared>> -> memref<10240x16xf32, #tpu.memory_space<vmem_shared>>
      tpu.enqueue_indirect_dma source(%dma_start3A_458 : memref<10240x16xf32, #tpu.memory_space<vmem_shared>>) target(%dma_start3A_454 : memref<80x16xf32, #tpu.memory_space<vmem>>) offsets(%dma_start3A_455 : memref<80xi32, #tpu.memory_space<vmem>>) semaphore(%arg23 : memref<!tpu.dma_semaphore, #tpu.memory_space<semaphore_mem>>)
      %add3A_459 = arith.constant 4 : i32
      %add3A_460 = arith.addi %mul3A_259, %add3A_459 : i32
      %mul3A_461 = arith.constant 80 : i32
      %mul3A_462 = arith.muli %add3A_460, %mul3A_461 : i32
      %dma_wait3A_463 = arith.constant 4 : i32
      %dma_wait3A_464 = arith.constant 0 : i32
      %dma_wait3A_465 = arith.constant 0 : i32
      %dma_wait3A_466 = tpu.memref_slice %arg11[%dma_wait3A_463, %dma_wait3A_464, %dma_wait3A_465] : memref<5x80x16xf32, #tpu.memory_space<vmem>> -> memref<1x80x16xf32, #tpu.memory_space<vmem>>
      %dma_wait3A_467 = tpu.memref_squeeze %dma_wait3A_466 : memref<1x80x16xf32, #tpu.memory_space<vmem>> -> memref<80x16xf32, #tpu.memory_space<vmem>>
      %dma_wait3A_468 = tpu.memref_slice %arg9[%mul3A_462] : memref<10000xi32, #tpu.memory_space<vmem>> -> memref<80xi32, #tpu.memory_space<vmem>>
      %dma_wait3A_469 = arith.constant 0 : i32
      %dma_wait3A_470 = arith.constant 0 : i32
      %dma_wait3A_471 = tpu.memref_slice %arg19[%dma_wait3A_469, %dma_wait3A_470] : memref<10240x16xf32, #tpu.memory_space<vmem_shared>> -> memref<10240x16xf32, #tpu.memory_space<vmem_shared>>
      tpu.wait_indirect_dma semaphore(%arg25 : memref<!tpu.dma_semaphore, #tpu.memory_space<semaphore_mem>>) src(%dma_wait3A_471 : memref<10240x16xf32, #tpu.memory_space<vmem_shared>>) dst(%dma_wait3A_467 : memref<80x16xf32, #tpu.memory_space<vmem>>)
      %add3A_472 = arith.constant 4 : i32
      %add3A_473 = arith.addi %mul3A_259, %add3A_472 : i32
      %dma_start3A_474 = arith.constant 4 : i32
      %dma_start3A_475 = arith.constant 0 : i32
      %dma_start3A_476 = arith.constant 0 : i32
      %dma_start3A_477 = tpu.memref_slice %arg11[%dma_start3A_474, %dma_start3A_475, %dma_start3A_476] : memref<5x80x16xf32, #tpu.memory_space<vmem>> -> memref<1x80x16xf32, #tpu.memory_space<vmem>>
      %dma_start3A_478 = tpu.memref_squeeze %dma_start3A_477 : memref<1x80x16xf32, #tpu.memory_space<vmem>> -> memref<80x16xf32, #tpu.memory_space<vmem>>
      %dma_start3A_479 = arith.constant 0 : i32
      %dma_start3A_480 = tpu.memref_slice %arg10[%add3A_473, %dma_start3A_479] : memref<125x80xi32, #tpu.memory_space<vmem>> -> memref<1x80xi32, #tpu.memory_space<vmem>>
      %dma_start3A_481 = tpu.memref_squeeze %dma_start3A_480 : memref<1x80xi32, #tpu.memory_space<vmem>> -> memref<80xi32, #tpu.memory_space<vmem>>
      %dma_start3A_482 = arith.constant 0 : i32
      %dma_start3A_483 = arith.constant 0 : i32
      %dma_start3A_484 = tpu.memref_slice %arg20[%dma_start3A_482, %dma_start3A_483] : memref<10240x16xf32, #tpu.memory_space<vmem_shared>> -> memref<10240x16xf32, #tpu.memory_space<vmem_shared>>
      tpu.enqueue_indirect_dma source(%dma_start3A_478 : memref<80x16xf32, #tpu.memory_space<vmem>>) target(%dma_start3A_484 : memref<10240x16xf32, #tpu.memory_space<vmem_shared>>) offsets(%dma_start3A_481 : memref<80xi32, #tpu.memory_space<vmem>>) semaphore(%arg30 : memref<!tpu.dma_semaphore, #tpu.memory_space<semaphore_mem>>) {add = true}
      %add3A_485 = arith.constant 4 : i32
      %add3A_486 = arith.addi %mul3A_259, %add3A_485 : i32
      %sub3A_487 = arith.constant 1 : i32
      %sub3A_488 = arith.subi %add3A_486, %sub3A_487 : i32
      %dma_wait3A_489 = arith.constant 3 : i32
      %dma_wait3A_490 = arith.constant 0 : i32
      %dma_wait3A_491 = arith.constant 0 : i32
      %dma_wait3A_492 = tpu.memref_slice %arg11[%dma_wait3A_489, %dma_wait3A_490, %dma_wait3A_491] : memref<5x80x16xf32, #tpu.memory_space<vmem>> -> memref<1x80x16xf32, #tpu.memory_space<vmem>>
      %dma_wait3A_493 = tpu.memref_squeeze %dma_wait3A_492 : memref<1x80x16xf32, #tpu.memory_space<vmem>> -> memref<80x16xf32, #tpu.memory_space<vmem>>
      %dma_wait3A_494 = arith.constant 0 : i32
      %dma_wait3A_495 = tpu.memref_slice %arg10[%sub3A_488, %dma_wait3A_494] : memref<125x80xi32, #tpu.memory_space<vmem>> -> memref<1x80xi32, #tpu.memory_space<vmem>>
      %dma_wait3A_496 = tpu.memref_squeeze %dma_wait3A_495 : memref<1x80xi32, #tpu.memory_space<vmem>> -> memref<80xi32, #tpu.memory_space<vmem>>
      %dma_wait3A_497 = arith.constant 0 : i32
      %dma_wait3A_498 = arith.constant 0 : i32
      %dma_wait3A_499 = tpu.memref_slice %arg20[%dma_wait3A_497, %dma_wait3A_498] : memref<10240x16xf32, #tpu.memory_space<vmem_shared>> -> memref<10240x16xf32, #tpu.memory_space<vmem_shared>>
      tpu.wait_indirect_dma semaphore(%arg29 : memref<!tpu.dma_semaphore, #tpu.memory_space<semaphore_mem>>) src(%dma_wait3A_493 : memref<80x16xf32, #tpu.memory_space<vmem>>) dst(%dma_wait3A_499 : memref<10240x16xf32, #tpu.memory_space<vmem_shared>>)
      %add3A_500 = arith.constant 5 : i32
      %add3A_501 = arith.addi %mul3A_259, %add3A_500 : i32
      %add3A_502 = arith.constant 4 : i32
      %add3A_503 = arith.addi %add3A_501, %add3A_502 : i32
      %sub3A_504 = arith.constant 1 : i32
      %sub3A_505 = arith.subi %add3A_503, %sub3A_504 : i32
      %mul3A_506 = arith.constant 80 : i32
      %mul3A_507 = arith.muli %sub3A_505, %mul3A_506 : i32
      %dma_start3A_508 = arith.constant 3 : i32
      %dma_start3A_509 = arith.constant 0 : i32
      %dma_start3A_510 = arith.constant 0 : i32
      %dma_start3A_511 = tpu.memref_slice %arg11[%dma_start3A_508, %dma_start3A_509, %dma_start3A_510] : memref<5x80x16xf32, #tpu.memory_space<vmem>> -> memref<1x80x16xf32, #tpu.memory_space<vmem>>
      %dma_start3A_512 = tpu.memref_squeeze %dma_start3A_511 : memref<1x80x16xf32, #tpu.memory_space<vmem>> -> memref<80x16xf32, #tpu.memory_space<vmem>>
      %dma_start3A_513 = tpu.memref_slice %arg9[%mul3A_507] : memref<10000xi32, #tpu.memory_space<vmem>> -> memref<80xi32, #tpu.memory_space<vmem>>
      %dma_start3A_514 = arith.constant 0 : i32
      %dma_start3A_515 = arith.constant 0 : i32
      %dma_start3A_516 = tpu.memref_slice %arg19[%dma_start3A_514, %dma_start3A_515] : memref<10240x16xf32, #tpu.memory_space<vmem_shared>> -> memref<10240x16xf32, #tpu.memory_space<vmem_shared>>
      tpu.enqueue_indirect_dma source(%dma_start3A_516 : memref<10240x16xf32, #tpu.memory_space<vmem_shared>>) target(%dma_start3A_512 : memref<80x16xf32, #tpu.memory_space<vmem>>) offsets(%dma_start3A_513 : memref<80xi32, #tpu.memory_space<vmem>>) semaphore(%arg24 : memref<!tpu.dma_semaphore, #tpu.memory_space<semaphore_mem>>)
      %add3A_517 = arith.constant 5 : i32
      %add3A_518 = arith.addi %mul3A_259, %add3A_517 : i32
      %sub3A_519 = arith.constant 1 : i32
      %sub3A_520 = arith.subi %add3A_518, %sub3A_519 : i32
      %dma_wait3A_521 = arith.constant 4 : i32
      %dma_wait3A_522 = arith.constant 0 : i32
      %dma_wait3A_523 = arith.constant 0 : i32
      %dma_wait3A_524 = tpu.memref_slice %arg11[%dma_wait3A_521, %dma_wait3A_522, %dma_wait3A_523] : memref<5x80x16xf32, #tpu.memory_space<vmem>> -> memref<1x80x16xf32, #tpu.memory_space<vmem>>
      %dma_wait3A_525 = tpu.memref_squeeze %dma_wait3A_524 : memref<1x80x16xf32, #tpu.memory_space<vmem>> -> memref<80x16xf32, #tpu.memory_space<vmem>>
      %dma_wait3A_526 = arith.constant 0 : i32
      %dma_wait3A_527 = tpu.memref_slice %arg10[%sub3A_520, %dma_wait3A_526] : memref<125x80xi32, #tpu.memory_space<vmem>> -> memref<1x80xi32, #tpu.memory_space<vmem>>
      %dma_wait3A_528 = tpu.memref_squeeze %dma_wait3A_527 : memref<1x80xi32, #tpu.memory_space<vmem>> -> memref<80xi32, #tpu.memory_space<vmem>>
      %dma_wait3A_529 = arith.constant 0 : i32
      %dma_wait3A_530 = arith.constant 0 : i32
      %dma_wait3A_531 = tpu.memref_slice %arg20[%dma_wait3A_529, %dma_wait3A_530] : memref<10240x16xf32, #tpu.memory_space<vmem_shared>> -> memref<10240x16xf32, #tpu.memory_space<vmem_shared>>
      tpu.wait_indirect_dma semaphore(%arg30 : memref<!tpu.dma_semaphore, #tpu.memory_space<semaphore_mem>>) src(%dma_wait3A_525 : memref<80x16xf32, #tpu.memory_space<vmem>>) dst(%dma_wait3A_531 : memref<10240x16xf32, #tpu.memory_space<vmem_shared>>)
      %add3A_532 = arith.constant 10 : i32
      %add3A_533 = arith.addi %mul3A_259, %add3A_532 : i32
      %sub3A_534 = arith.constant 1 : i32
      %sub3A_535 = arith.subi %add3A_533, %sub3A_534 : i32
      %mul3A_536 = arith.constant 80 : i32
      %mul3A_537 = arith.muli %sub3A_535, %mul3A_536 : i32
      %dma_start3A_538 = arith.constant 4 : i32
      %dma_start3A_539 = arith.constant 0 : i32
      %dma_start3A_540 = arith.constant 0 : i32
      %dma_start3A_541 = tpu.memref_slice %arg11[%dma_start3A_538, %dma_start3A_539, %dma_start3A_540] : memref<5x80x16xf32, #tpu.memory_space<vmem>> -> memref<1x80x16xf32, #tpu.memory_space<vmem>>
      %dma_start3A_542 = tpu.memref_squeeze %dma_start3A_541 : memref<1x80x16xf32, #tpu.memory_space<vmem>> -> memref<80x16xf32, #tpu.memory_space<vmem>>
      %dma_start3A_543 = tpu.memref_slice %arg9[%mul3A_537] : memref<10000xi32, #tpu.memory_space<vmem>> -> memref<80xi32, #tpu.memory_space<vmem>>
      %dma_start3A_544 = arith.constant 0 : i32
      %dma_start3A_545 = arith.constant 0 : i32
      %dma_start3A_546 = tpu.memref_slice %arg19[%dma_start3A_544, %dma_start3A_545] : memref<10240x16xf32, #tpu.memory_space<vmem_shared>> -> memref<10240x16xf32, #tpu.memory_space<vmem_shared>>
      tpu.enqueue_indirect_dma source(%dma_start3A_546 : memref<10240x16xf32, #tpu.memory_space<vmem_shared>>) target(%dma_start3A_542 : memref<80x16xf32, #tpu.memory_space<vmem>>) offsets(%dma_start3A_543 : memref<80xi32, #tpu.memory_space<vmem>>) semaphore(%arg25 : memref<!tpu.dma_semaphore, #tpu.memory_space<semaphore_mem>>)
      %scan3A_547 = arith.constant 0 : i32
      scf.yield %scan3A_547 : i32
    }
    %scan3A_75 = arith.constant 24 : i32
    %dma_wait3A = arith.constant 0 : i32
    %dma_wait3A_76 = arith.constant 0 : i32
    %dma_wait3A_77 = arith.constant 0 : i32
    %dma_wait3A_78 = tpu.memref_slice %arg11[%dma_wait3A, %dma_wait3A_76, %dma_wait3A_77] : memref<5x80x16xf32, #tpu.memory_space<vmem>> -> memref<1x80x16xf32, #tpu.memory_space<vmem>>
    %dma_wait3A_79 = tpu.memref_squeeze %dma_wait3A_78 : memref<1x80x16xf32, #tpu.memory_space<vmem>> -> memref<80x16xf32, #tpu.memory_space<vmem>>
    %dma_wait3A_80 = arith.constant 9600 : i32
    %dma_wait3A_81 = tpu.memref_slice %arg9[%dma_wait3A_80] : memref<10000xi32, #tpu.memory_space<vmem>> -> memref<80xi32, #tpu.memory_space<vmem>>
    %dma_wait3A_82 = arith.constant 0 : i32
    %dma_wait3A_83 = arith.constant 0 : i32
    %dma_wait3A_84 = tpu.memref_slice %arg19[%dma_wait3A_82, %dma_wait3A_83] : memref<10240x16xf32, #tpu.memory_space<vmem_shared>> -> memref<10240x16xf32, #tpu.memory_space<vmem_shared>>
    tpu.wait_indirect_dma semaphore(%arg21 : memref<!tpu.dma_semaphore, #tpu.memory_space<semaphore_mem>>) src(%dma_wait3A_84 : memref<10240x16xf32, #tpu.memory_space<vmem_shared>>) dst(%dma_wait3A_79 : memref<80x16xf32, #tpu.memory_space<vmem>>)
    %dma_start3A_85 = arith.constant 0 : i32
    %dma_start3A_86 = arith.constant 120 : i32
    %dma_start3A_87 = arith.constant 0 : i32
    %dma_start3A_88 = arith.constant 0 : i32
    %dma_start3A_89 = tpu.memref_slice %arg11[%dma_start3A_85, %dma_start3A_87, %dma_start3A_88] : memref<5x80x16xf32, #tpu.memory_space<vmem>> -> memref<1x80x16xf32, #tpu.memory_space<vmem>>
    %dma_start3A_90 = tpu.memref_squeeze %dma_start3A_89 : memref<1x80x16xf32, #tpu.memory_space<vmem>> -> memref<80x16xf32, #tpu.memory_space<vmem>>
    %dma_start3A_91 = arith.constant 0 : i32
    %dma_start3A_92 = tpu.memref_slice %arg10[%dma_start3A_86, %dma_start3A_91] : memref<125x80xi32, #tpu.memory_space<vmem>> -> memref<1x80xi32, #tpu.memory_space<vmem>>
    %dma_start3A_93 = tpu.memref_squeeze %dma_start3A_92 : memref<1x80xi32, #tpu.memory_space<vmem>> -> memref<80xi32, #tpu.memory_space<vmem>>
    %dma_start3A_94 = arith.constant 0 : i32
    %dma_start3A_95 = arith.constant 0 : i32
    %dma_start3A_96 = tpu.memref_slice %arg20[%dma_start3A_94, %dma_start3A_95] : memref<10240x16xf32, #tpu.memory_space<vmem_shared>> -> memref<10240x16xf32, #tpu.memory_space<vmem_shared>>
    tpu.enqueue_indirect_dma source(%dma_start3A_90 : memref<80x16xf32, #tpu.memory_space<vmem>>) target(%dma_start3A_96 : memref<10240x16xf32, #tpu.memory_space<vmem_shared>>) offsets(%dma_start3A_93 : memref<80xi32, #tpu.memory_space<vmem>>) semaphore(%arg26 : memref<!tpu.dma_semaphore, #tpu.memory_space<semaphore_mem>>) {add = true}
    %dma_wait3A_97 = arith.constant 1 : i32
    %dma_wait3A_98 = arith.constant 0 : i32
    %dma_wait3A_99 = arith.constant 0 : i32
    %dma_wait3A_100 = tpu.memref_slice %arg11[%dma_wait3A_97, %dma_wait3A_98, %dma_wait3A_99] : memref<5x80x16xf32, #tpu.memory_space<vmem>> -> memref<1x80x16xf32, #tpu.memory_space<vmem>>
    %dma_wait3A_101 = tpu.memref_squeeze %dma_wait3A_100 : memref<1x80x16xf32, #tpu.memory_space<vmem>> -> memref<80x16xf32, #tpu.memory_space<vmem>>
    %dma_wait3A_102 = arith.constant 9680 : i32
    %dma_wait3A_103 = tpu.memref_slice %arg9[%dma_wait3A_102] : memref<10000xi32, #tpu.memory_space<vmem>> -> memref<80xi32, #tpu.memory_space<vmem>>
    %dma_wait3A_104 = arith.constant 0 : i32
    %dma_wait3A_105 = arith.constant 0 : i32
    %dma_wait3A_106 = tpu.memref_slice %arg19[%dma_wait3A_104, %dma_wait3A_105] : memref<10240x16xf32, #tpu.memory_space<vmem_shared>> -> memref<10240x16xf32, #tpu.memory_space<vmem_shared>>
    tpu.wait_indirect_dma semaphore(%arg22 : memref<!tpu.dma_semaphore, #tpu.memory_space<semaphore_mem>>) src(%dma_wait3A_106 : memref<10240x16xf32, #tpu.memory_space<vmem_shared>>) dst(%dma_wait3A_101 : memref<80x16xf32, #tpu.memory_space<vmem>>)
    %dma_start3A_107 = arith.constant 1 : i32
    %dma_start3A_108 = arith.constant 121 : i32
    %dma_start3A_109 = arith.constant 0 : i32
    %dma_start3A_110 = arith.constant 0 : i32
    %dma_start3A_111 = tpu.memref_slice %arg11[%dma_start3A_107, %dma_start3A_109, %dma_start3A_110] : memref<5x80x16xf32, #tpu.memory_space<vmem>> -> memref<1x80x16xf32, #tpu.memory_space<vmem>>
    %dma_start3A_112 = tpu.memref_squeeze %dma_start3A_111 : memref<1x80x16xf32, #tpu.memory_space<vmem>> -> memref<80x16xf32, #tpu.memory_space<vmem>>
    %dma_start3A_113 = arith.constant 0 : i32
    %dma_start3A_114 = tpu.memref_slice %arg10[%dma_start3A_108, %dma_start3A_113] : memref<125x80xi32, #tpu.memory_space<vmem>> -> memref<1x80xi32, #tpu.memory_space<vmem>>
    %dma_start3A_115 = tpu.memref_squeeze %dma_start3A_114 : memref<1x80xi32, #tpu.memory_space<vmem>> -> memref<80xi32, #tpu.memory_space<vmem>>
    %dma_start3A_116 = arith.constant 0 : i32
    %dma_start3A_117 = arith.constant 0 : i32
    %dma_start3A_118 = tpu.memref_slice %arg20[%dma_start3A_116, %dma_start3A_117] : memref<10240x16xf32, #tpu.memory_space<vmem_shared>> -> memref<10240x16xf32, #tpu.memory_space<vmem_shared>>
    tpu.enqueue_indirect_dma source(%dma_start3A_112 : memref<80x16xf32, #tpu.memory_space<vmem>>) target(%dma_start3A_118 : memref<10240x16xf32, #tpu.memory_space<vmem_shared>>) offsets(%dma_start3A_115 : memref<80xi32, #tpu.memory_space<vmem>>) semaphore(%arg27 : memref<!tpu.dma_semaphore, #tpu.memory_space<semaphore_mem>>) {add = true}
    %dma_wait3A_119 = arith.constant 2 : i32
    %dma_wait3A_120 = arith.constant 0 : i32
    %dma_wait3A_121 = arith.constant 0 : i32
    %dma_wait3A_122 = tpu.memref_slice %arg11[%dma_wait3A_119, %dma_wait3A_120, %dma_wait3A_121] : memref<5x80x16xf32, #tpu.memory_space<vmem>> -> memref<1x80x16xf32, #tpu.memory_space<vmem>>
    %dma_wait3A_123 = tpu.memref_squeeze %dma_wait3A_122 : memref<1x80x16xf32, #tpu.memory_space<vmem>> -> memref<80x16xf32, #tpu.memory_space<vmem>>
    %dma_wait3A_124 = arith.constant 9760 : i32
    %dma_wait3A_125 = tpu.memref_slice %arg9[%dma_wait3A_124] : memref<10000xi32, #tpu.memory_space<vmem>> -> memref<80xi32, #tpu.memory_space<vmem>>
    %dma_wait3A_126 = arith.constant 0 : i32
    %dma_wait3A_127 = arith.constant 0 : i32
    %dma_wait3A_128 = tpu.memref_slice %arg19[%dma_wait3A_126, %dma_wait3A_127] : memref<10240x16xf32, #tpu.memory_space<vmem_shared>> -> memref<10240x16xf32, #tpu.memory_space<vmem_shared>>
    tpu.wait_indirect_dma semaphore(%arg23 : memref<!tpu.dma_semaphore, #tpu.memory_space<semaphore_mem>>) src(%dma_wait3A_128 : memref<10240x16xf32, #tpu.memory_space<vmem_shared>>) dst(%dma_wait3A_123 : memref<80x16xf32, #tpu.memory_space<vmem>>)
    %dma_start3A_129 = arith.constant 2 : i32
    %dma_start3A_130 = arith.constant 122 : i32
    %dma_start3A_131 = arith.constant 0 : i32
    %dma_start3A_132 = arith.constant 0 : i32
    %dma_start3A_133 = tpu.memref_slice %arg11[%dma_start3A_129, %dma_start3A_131, %dma_start3A_132] : memref<5x80x16xf32, #tpu.memory_space<vmem>> -> memref<1x80x16xf32, #tpu.memory_space<vmem>>
    %dma_start3A_134 = tpu.memref_squeeze %dma_start3A_133 : memref<1x80x16xf32, #tpu.memory_space<vmem>> -> memref<80x16xf32, #tpu.memory_space<vmem>>
    %dma_start3A_135 = arith.constant 0 : i32
    %dma_start3A_136 = tpu.memref_slice %arg10[%dma_start3A_130, %dma_start3A_135] : memref<125x80xi32, #tpu.memory_space<vmem>> -> memref<1x80xi32, #tpu.memory_space<vmem>>
    %dma_start3A_137 = tpu.memref_squeeze %dma_start3A_136 : memref<1x80xi32, #tpu.memory_space<vmem>> -> memref<80xi32, #tpu.memory_space<vmem>>
    %dma_start3A_138 = arith.constant 0 : i32
    %dma_start3A_139 = arith.constant 0 : i32
    %dma_start3A_140 = tpu.memref_slice %arg20[%dma_start3A_138, %dma_start3A_139] : memref<10240x16xf32, #tpu.memory_space<vmem_shared>> -> memref<10240x16xf32, #tpu.memory_space<vmem_shared>>
    tpu.enqueue_indirect_dma source(%dma_start3A_134 : memref<80x16xf32, #tpu.memory_space<vmem>>) target(%dma_start3A_140 : memref<10240x16xf32, #tpu.memory_space<vmem_shared>>) offsets(%dma_start3A_137 : memref<80xi32, #tpu.memory_space<vmem>>) semaphore(%arg28 : memref<!tpu.dma_semaphore, #tpu.memory_space<semaphore_mem>>) {add = true}
    %dma_wait3A_141 = arith.constant 3 : i32
    %dma_wait3A_142 = arith.constant 0 : i32
    %dma_wait3A_143 = arith.constant 0 : i32
    %dma_wait3A_144 = tpu.memref_slice %arg11[%dma_wait3A_141, %dma_wait3A_142, %dma_wait3A_143] : memref<5x80x16xf32, #tpu.memory_space<vmem>> -> memref<1x80x16xf32, #tpu.memory_space<vmem>>
    %dma_wait3A_145 = tpu.memref_squeeze %dma_wait3A_144 : memref<1x80x16xf32, #tpu.memory_space<vmem>> -> memref<80x16xf32, #tpu.memory_space<vmem>>
    %dma_wait3A_146 = arith.constant 9840 : i32
    %dma_wait3A_147 = tpu.memref_slice %arg9[%dma_wait3A_146] : memref<10000xi32, #tpu.memory_space<vmem>> -> memref<80xi32, #tpu.memory_space<vmem>>
    %dma_wait3A_148 = arith.constant 0 : i32
    %dma_wait3A_149 = arith.constant 0 : i32
    %dma_wait3A_150 = tpu.memref_slice %arg19[%dma_wait3A_148, %dma_wait3A_149] : memref<10240x16xf32, #tpu.memory_space<vmem_shared>> -> memref<10240x16xf32, #tpu.memory_space<vmem_shared>>
    tpu.wait_indirect_dma semaphore(%arg24 : memref<!tpu.dma_semaphore, #tpu.memory_space<semaphore_mem>>) src(%dma_wait3A_150 : memref<10240x16xf32, #tpu.memory_space<vmem_shared>>) dst(%dma_wait3A_145 : memref<80x16xf32, #tpu.memory_space<vmem>>)
    %dma_start3A_151 = arith.constant 3 : i32
    %dma_start3A_152 = arith.constant 123 : i32
    %dma_start3A_153 = arith.constant 0 : i32
    %dma_start3A_154 = arith.constant 0 : i32
    %dma_start3A_155 = tpu.memref_slice %arg11[%dma_start3A_151, %dma_start3A_153, %dma_start3A_154] : memref<5x80x16xf32, #tpu.memory_space<vmem>> -> memref<1x80x16xf32, #tpu.memory_space<vmem>>
    %dma_start3A_156 = tpu.memref_squeeze %dma_start3A_155 : memref<1x80x16xf32, #tpu.memory_space<vmem>> -> memref<80x16xf32, #tpu.memory_space<vmem>>
    %dma_start3A_157 = arith.constant 0 : i32
    %dma_start3A_158 = tpu.memref_slice %arg10[%dma_start3A_152, %dma_start3A_157] : memref<125x80xi32, #tpu.memory_space<vmem>> -> memref<1x80xi32, #tpu.memory_space<vmem>>
    %dma_start3A_159 = tpu.memref_squeeze %dma_start3A_158 : memref<1x80xi32, #tpu.memory_space<vmem>> -> memref<80xi32, #tpu.memory_space<vmem>>
    %dma_start3A_160 = arith.constant 0 : i32
    %dma_start3A_161 = arith.constant 0 : i32
    %dma_start3A_162 = tpu.memref_slice %arg20[%dma_start3A_160, %dma_start3A_161] : memref<10240x16xf32, #tpu.memory_space<vmem_shared>> -> memref<10240x16xf32, #tpu.memory_space<vmem_shared>>
    tpu.enqueue_indirect_dma source(%dma_start3A_156 : memref<80x16xf32, #tpu.memory_space<vmem>>) target(%dma_start3A_162 : memref<10240x16xf32, #tpu.memory_space<vmem_shared>>) offsets(%dma_start3A_159 : memref<80xi32, #tpu.memory_space<vmem>>) semaphore(%arg29 : memref<!tpu.dma_semaphore, #tpu.memory_space<semaphore_mem>>) {add = true}
    %dma_wait3A_163 = arith.constant 4 : i32
    %dma_wait3A_164 = arith.constant 0 : i32
    %dma_wait3A_165 = arith.constant 0 : i32
    %dma_wait3A_166 = tpu.memref_slice %arg11[%dma_wait3A_163, %dma_wait3A_164, %dma_wait3A_165] : memref<5x80x16xf32, #tpu.memory_space<vmem>> -> memref<1x80x16xf32, #tpu.memory_space<vmem>>
    %dma_wait3A_167 = tpu.memref_squeeze %dma_wait3A_166 : memref<1x80x16xf32, #tpu.memory_space<vmem>> -> memref<80x16xf32, #tpu.memory_space<vmem>>
    %dma_wait3A_168 = arith.constant 9920 : i32
    %dma_wait3A_169 = tpu.memref_slice %arg9[%dma_wait3A_168] : memref<10000xi32, #tpu.memory_space<vmem>> -> memref<80xi32, #tpu.memory_space<vmem>>
    %dma_wait3A_170 = arith.constant 0 : i32
    %dma_wait3A_171 = arith.constant 0 : i32
    %dma_wait3A_172 = tpu.memref_slice %arg19[%dma_wait3A_170, %dma_wait3A_171] : memref<10240x16xf32, #tpu.memory_space<vmem_shared>> -> memref<10240x16xf32, #tpu.memory_space<vmem_shared>>
    tpu.wait_indirect_dma semaphore(%arg25 : memref<!tpu.dma_semaphore, #tpu.memory_space<semaphore_mem>>) src(%dma_wait3A_172 : memref<10240x16xf32, #tpu.memory_space<vmem_shared>>) dst(%dma_wait3A_167 : memref<80x16xf32, #tpu.memory_space<vmem>>)
    %dma_start3A_173 = arith.constant 4 : i32
    %dma_start3A_174 = arith.constant 124 : i32
    %dma_start3A_175 = arith.constant 0 : i32
    %dma_start3A_176 = arith.constant 0 : i32
    %dma_start3A_177 = tpu.memref_slice %arg11[%dma_start3A_173, %dma_start3A_175, %dma_start3A_176] : memref<5x80x16xf32, #tpu.memory_space<vmem>> -> memref<1x80x16xf32, #tpu.memory_space<vmem>>
    %dma_start3A_178 = tpu.memref_squeeze %dma_start3A_177 : memref<1x80x16xf32, #tpu.memory_space<vmem>> -> memref<80x16xf32, #tpu.memory_space<vmem>>
    %dma_start3A_179 = arith.constant 0 : i32
    %dma_start3A_180 = tpu.memref_slice %arg10[%dma_start3A_174, %dma_start3A_179] : memref<125x80xi32, #tpu.memory_space<vmem>> -> memref<1x80xi32, #tpu.memory_space<vmem>>
    %dma_start3A_181 = tpu.memref_squeeze %dma_start3A_180 : memref<1x80xi32, #tpu.memory_space<vmem>> -> memref<80xi32, #tpu.memory_space<vmem>>
    %dma_start3A_182 = arith.constant 0 : i32
    %dma_start3A_183 = arith.constant 0 : i32
    %dma_start3A_184 = tpu.memref_slice %arg20[%dma_start3A_182, %dma_start3A_183] : memref<10240x16xf32, #tpu.memory_space<vmem_shared>> -> memref<10240x16xf32, #tpu.memory_space<vmem_shared>>
    tpu.enqueue_indirect_dma source(%dma_start3A_178 : memref<80x16xf32, #tpu.memory_space<vmem>>) target(%dma_start3A_184 : memref<10240x16xf32, #tpu.memory_space<vmem_shared>>) offsets(%dma_start3A_181 : memref<80xi32, #tpu.memory_space<vmem>>) semaphore(%arg30 : memref<!tpu.dma_semaphore, #tpu.memory_space<semaphore_mem>>) {add = true}
    %dma_wait3A_185 = arith.constant 0 : i32
    %dma_wait3A_186 = arith.constant 120 : i32
    %dma_wait3A_187 = arith.constant 0 : i32
    %dma_wait3A_188 = arith.constant 0 : i32
    %dma_wait3A_189 = tpu.memref_slice %arg11[%dma_wait3A_185, %dma_wait3A_187, %dma_wait3A_188] : memref<5x80x16xf32, #tpu.memory_space<vmem>> -> memref<1x80x16xf32, #tpu.memory_space<vmem>>
    %dma_wait3A_190 = tpu.memref_squeeze %dma_wait3A_189 : memref<1x80x16xf32, #tpu.memory_space<vmem>> -> memref<80x16xf32, #tpu.memory_space<vmem>>
    %dma_wait3A_191 = arith.constant 0 : i32
    %dma_wait3A_192 = tpu.memref_slice %arg10[%dma_wait3A_186, %dma_wait3A_191] : memref<125x80xi32, #tpu.memory_space<vmem>> -> memref<1x80xi32, #tpu.memory_space<vmem>>
    %dma_wait3A_193 = tpu.memref_squeeze %dma_wait3A_192 : memref<1x80xi32, #tpu.memory_space<vmem>> -> memref<80xi32, #tpu.memory_space<vmem>>
    %dma_wait3A_194 = arith.constant 0 : i32
    %dma_wait3A_195 = arith.constant 0 : i32
    %dma_wait3A_196 = tpu.memref_slice %arg20[%dma_wait3A_194, %dma_wait3A_195] : memref<10240x16xf32, #tpu.memory_space<vmem_shared>> -> memref<10240x16xf32, #tpu.memory_space<vmem_shared>>
    tpu.wait_indirect_dma semaphore(%arg26 : memref<!tpu.dma_semaphore, #tpu.memory_space<semaphore_mem>>) src(%dma_wait3A_190 : memref<80x16xf32, #tpu.memory_space<vmem>>) dst(%dma_wait3A_196 : memref<10240x16xf32, #tpu.memory_space<vmem_shared>>)
    %dma_wait3A_197 = arith.constant 1 : i32
    %dma_wait3A_198 = arith.constant 121 : i32
    %dma_wait3A_199 = arith.constant 0 : i32
    %dma_wait3A_200 = arith.constant 0 : i32
    %dma_wait3A_201 = tpu.memref_slice %arg11[%dma_wait3A_197, %dma_wait3A_199, %dma_wait3A_200] : memref<5x80x16xf32, #tpu.memory_space<vmem>> -> memref<1x80x16xf32, #tpu.memory_space<vmem>>
    %dma_wait3A_202 = tpu.memref_squeeze %dma_wait3A_201 : memref<1x80x16xf32, #tpu.memory_space<vmem>> -> memref<80x16xf32, #tpu.memory_space<vmem>>
    %dma_wait3A_203 = arith.constant 0 : i32
    %dma_wait3A_204 = tpu.memref_slice %arg10[%dma_wait3A_198, %dma_wait3A_203] : memref<125x80xi32, #tpu.memory_space<vmem>> -> memref<1x80xi32, #tpu.memory_space<vmem>>
    %dma_wait3A_205 = tpu.memref_squeeze %dma_wait3A_204 : memref<1x80xi32, #tpu.memory_space<vmem>> -> memref<80xi32, #tpu.memory_space<vmem>>
    %dma_wait3A_206 = arith.constant 0 : i32
    %dma_wait3A_207 = arith.constant 0 : i32
    %dma_wait3A_208 = tpu.memref_slice %arg20[%dma_wait3A_206, %dma_wait3A_207] : memref<10240x16xf32, #tpu.memory_space<vmem_shared>> -> memref<10240x16xf32, #tpu.memory_space<vmem_shared>>
    tpu.wait_indirect_dma semaphore(%arg27 : memref<!tpu.dma_semaphore, #tpu.memory_space<semaphore_mem>>) src(%dma_wait3A_202 : memref<80x16xf32, #tpu.memory_space<vmem>>) dst(%dma_wait3A_208 : memref<10240x16xf32, #tpu.memory_space<vmem_shared>>)
    %dma_wait3A_209 = arith.constant 2 : i32
    %dma_wait3A_210 = arith.constant 122 : i32
    %dma_wait3A_211 = arith.constant 0 : i32
    %dma_wait3A_212 = arith.constant 0 : i32
    %dma_wait3A_213 = tpu.memref_slice %arg11[%dma_wait3A_209, %dma_wait3A_211, %dma_wait3A_212] : memref<5x80x16xf32, #tpu.memory_space<vmem>> -> memref<1x80x16xf32, #tpu.memory_space<vmem>>
    %dma_wait3A_214 = tpu.memref_squeeze %dma_wait3A_213 : memref<1x80x16xf32, #tpu.memory_space<vmem>> -> memref<80x16xf32, #tpu.memory_space<vmem>>
    %dma_wait3A_215 = arith.constant 0 : i32
    %dma_wait3A_216 = tpu.memref_slice %arg10[%dma_wait3A_210, %dma_wait3A_215] : memref<125x80xi32, #tpu.memory_space<vmem>> -> memref<1x80xi32, #tpu.memory_space<vmem>>
    %dma_wait3A_217 = tpu.memref_squeeze %dma_wait3A_216 : memref<1x80xi32, #tpu.memory_space<vmem>> -> memref<80xi32, #tpu.memory_space<vmem>>
    %dma_wait3A_218 = arith.constant 0 : i32
    %dma_wait3A_219 = arith.constant 0 : i32
    %dma_wait3A_220 = tpu.memref_slice %arg20[%dma_wait3A_218, %dma_wait3A_219] : memref<10240x16xf32, #tpu.memory_space<vmem_shared>> -> memref<10240x16xf32, #tpu.memory_space<vmem_shared>>
    tpu.wait_indirect_dma semaphore(%arg28 : memref<!tpu.dma_semaphore, #tpu.memory_space<semaphore_mem>>) src(%dma_wait3A_214 : memref<80x16xf32, #tpu.memory_space<vmem>>) dst(%dma_wait3A_220 : memref<10240x16xf32, #tpu.memory_space<vmem_shared>>)
    %dma_wait3A_221 = arith.constant 3 : i32
    %dma_wait3A_222 = arith.constant 123 : i32
    %dma_wait3A_223 = arith.constant 0 : i32
    %dma_wait3A_224 = arith.constant 0 : i32
    %dma_wait3A_225 = tpu.memref_slice %arg11[%dma_wait3A_221, %dma_wait3A_223, %dma_wait3A_224] : memref<5x80x16xf32, #tpu.memory_space<vmem>> -> memref<1x80x16xf32, #tpu.memory_space<vmem>>
    %dma_wait3A_226 = tpu.memref_squeeze %dma_wait3A_225 : memref<1x80x16xf32, #tpu.memory_space<vmem>> -> memref<80x16xf32, #tpu.memory_space<vmem>>
    %dma_wait3A_227 = arith.constant 0 : i32
    %dma_wait3A_228 = tpu.memref_slice %arg10[%dma_wait3A_222, %dma_wait3A_227] : memref<125x80xi32, #tpu.memory_space<vmem>> -> memref<1x80xi32, #tpu.memory_space<vmem>>
    %dma_wait3A_229 = tpu.memref_squeeze %dma_wait3A_228 : memref<1x80xi32, #tpu.memory_space<vmem>> -> memref<80xi32, #tpu.memory_space<vmem>>
    %dma_wait3A_230 = arith.constant 0 : i32
    %dma_wait3A_231 = arith.constant 0 : i32
    %dma_wait3A_232 = tpu.memref_slice %arg20[%dma_wait3A_230, %dma_wait3A_231] : memref<10240x16xf32, #tpu.memory_space<vmem_shared>> -> memref<10240x16xf32, #tpu.memory_space<vmem_shared>>
    tpu.wait_indirect_dma semaphore(%arg29 : memref<!tpu.dma_semaphore, #tpu.memory_space<semaphore_mem>>) src(%dma_wait3A_226 : memref<80x16xf32, #tpu.memory_space<vmem>>) dst(%dma_wait3A_232 : memref<10240x16xf32, #tpu.memory_space<vmem_shared>>)
    %dma_wait3A_233 = arith.constant 4 : i32
    %dma_wait3A_234 = arith.constant 124 : i32
    %dma_wait3A_235 = arith.constant 0 : i32
    %dma_wait3A_236 = arith.constant 0 : i32
    %dma_wait3A_237 = tpu.memref_slice %arg11[%dma_wait3A_233, %dma_wait3A_235, %dma_wait3A_236] : memref<5x80x16xf32, #tpu.memory_space<vmem>> -> memref<1x80x16xf32, #tpu.memory_space<vmem>>
    %dma_wait3A_238 = tpu.memref_squeeze %dma_wait3A_237 : memref<1x80x16xf32, #tpu.memory_space<vmem>> -> memref<80x16xf32, #tpu.memory_space<vmem>>
    %dma_wait3A_239 = arith.constant 0 : i32
    %dma_wait3A_240 = tpu.memref_slice %arg10[%dma_wait3A_234, %dma_wait3A_239] : memref<125x80xi32, #tpu.memory_space<vmem>> -> memref<1x80xi32, #tpu.memory_space<vmem>>
    %dma_wait3A_241 = tpu.memref_squeeze %dma_wait3A_240 : memref<1x80xi32, #tpu.memory_space<vmem>> -> memref<80xi32, #tpu.memory_space<vmem>>
    %dma_wait3A_242 = arith.constant 0 : i32
    %dma_wait3A_243 = arith.constant 0 : i32
    %dma_wait3A_244 = tpu.memref_slice %arg20[%dma_wait3A_242, %dma_wait3A_243] : memref<10240x16xf32, #tpu.memory_space<vmem_shared>> -> memref<10240x16xf32, #tpu.memory_space<vmem_shared>>
    tpu.wait_indirect_dma semaphore(%arg30 : memref<!tpu.dma_semaphore, #tpu.memory_space<semaphore_mem>>) src(%dma_wait3A_238 : memref<80x16xf32, #tpu.memory_space<vmem>>) dst(%dma_wait3A_244 : memref<10240x16xf32, #tpu.memory_space<vmem_shared>>)
    %barrier3A_245 = arith.constant 0 : index
    tpu.barrier barrier_id(%barrier3A_245)
    %lt3A_246 = arith.constant 15 : i32
    %lt3A_247 = arith.cmpi slt, %arg1, %lt3A_246 : i32
    %convert_element_type3A_248 = arith.extui %lt3A_247 : i1 to i32
    %cond3A_249 = arith.constant 0 : i32
    %cond3A_250 = arith.cmpi ne, %convert_element_type3A_248, %cond3A_249 : i32
    scf.if %cond3A_250 {
      %mul3A_256 = arith.constant 640 : i32
      %mul3A_257 = arith.muli %arg1, %mul3A_256 : i32
      %mul3A_258 = arith.constant 640 : i32
      %mul3A_259 = arith.muli %arg1, %mul3A_258 : i32
      "tpu.region"() ({
        %run_scoped3A_260 = tpu.sem_alloc : memref<!tpu.dma_semaphore, #tpu.memory_space<semaphore_mem>>
        %dma_start3A_261 = arith.constant 0 : i32
        %dma_start3A_262 = tpu.memref_slice %arg8[%arg0, %mul3A_259, %dma_start3A_261] : memref<2x10000x16xf32, #tpu.memory_space<hbm>> -> memref<1x640x16xf32, #tpu.memory_space<hbm>>
        %dma_start3A_263 = tpu.memref_squeeze %dma_start3A_262 : memref<1x640x16xf32, #tpu.memory_space<hbm>> -> memref<640x16xf32, #tpu.memory_space<hbm>>
        %dma_start3A_264 = arith.constant 0 : i32
        %dma_start3A_265 = tpu.memref_slice %arg20[%mul3A_257, %dma_start3A_264] : memref<10240x16xf32, #tpu.memory_space<vmem_shared>> -> memref<640x16xf32, #tpu.memory_space<vmem_shared>>
        tpu.enqueue_dma source(%dma_start3A_265 : memref<640x16xf32, #tpu.memory_space<vmem_shared>>) target(%dma_start3A_263 : memref<640x16xf32, #tpu.memory_space<hbm>>) target_semaphore(%run_scoped3A_260 : memref<!tpu.dma_semaphore, #tpu.memory_space<semaphore_mem>>)
        %dma_wait3A_266 = arith.constant 0 : i32
        %dma_wait3A_267 = tpu.memref_slice %arg8[%arg0, %mul3A_259, %dma_wait3A_266] : memref<2x10000x16xf32, #tpu.memory_space<hbm>> -> memref<1x640x16xf32, #tpu.memory_space<hbm>>
        %dma_wait3A_268 = tpu.memref_squeeze %dma_wait3A_267 : memref<1x640x16xf32, #tpu.memory_space<hbm>> -> memref<640x16xf32, #tpu.memory_space<hbm>>
        %dma_wait3A_269 = arith.constant 0 : i32
        %dma_wait3A_270 = tpu.memref_slice %arg20[%mul3A_257, %dma_wait3A_269] : memref<10240x16xf32, #tpu.memory_space<vmem_shared>> -> memref<640x16xf32, #tpu.memory_space<vmem_shared>>
        tpu.wait_dma2 semaphore(%run_scoped3A_260 : memref<!tpu.dma_semaphore, #tpu.memory_space<semaphore_mem>>) src(%dma_wait3A_270 : memref<640x16xf32, #tpu.memory_space<vmem_shared>>) dst(%dma_wait3A_268 : memref<640x16xf32, #tpu.memory_space<hbm>>)
        tpu.yield
      }) : () -> ()
    } else {
    }
    %eq3A_251 = arith.constant 15 : i32
    %eq3A_252 = arith.cmpi eq, %arg1, %eq3A_251 : i32
    %convert_element_type3A_253 = arith.extui %eq3A_252 : i1 to i32
    %cond3A_254 = arith.constant 0 : i32
    %cond3A_255 = arith.cmpi ne, %convert_element_type3A_253, %cond3A_254 : i32
    scf.if %cond3A_255 {
      "tpu.region"() ({
        %run_scoped3A_256 = tpu.sem_alloc : memref<!tpu.dma_semaphore, #tpu.memory_space<semaphore_mem>>
        %dma_start3A_257 = arith.constant 9600 : i32
        %dma_start3A_258 = arith.constant 0 : i32
        %dma_start3A_259 = tpu.memref_slice %arg8[%arg0, %dma_start3A_257, %dma_start3A_258] : memref<2x10000x16xf32, #tpu.memory_space<hbm>> -> memref<1x400x16xf32, #tpu.memory_space<hbm>>
        %dma_start3A_260 = tpu.memref_squeeze %dma_start3A_259 : memref<1x400x16xf32, #tpu.memory_space<hbm>> -> memref<400x16xf32, #tpu.memory_space<hbm>>
        %dma_start3A_261 = arith.constant 9600 : i32
        %dma_start3A_262 = arith.constant 0 : i32
        %dma_start3A_263 = tpu.memref_slice %arg20[%dma_start3A_261, %dma_start3A_262] : memref<10240x16xf32, #tpu.memory_space<vmem_shared>> -> memref<400x16xf32, #tpu.memory_space<vmem_shared>>
        tpu.enqueue_dma source(%dma_start3A_263 : memref<400x16xf32, #tpu.memory_space<vmem_shared>>) target(%dma_start3A_260 : memref<400x16xf32, #tpu.memory_space<hbm>>) target_semaphore(%run_scoped3A_256 : memref<!tpu.dma_semaphore, #tpu.memory_space<semaphore_mem>>)
        %dma_wait3A_264 = arith.constant 9600 : i32
        %dma_wait3A_265 = arith.constant 0 : i32
        %dma_wait3A_266 = tpu.memref_slice %arg8[%arg0, %dma_wait3A_264, %dma_wait3A_265] : memref<2x10000x16xf32, #tpu.memory_space<hbm>> -> memref<1x400x16xf32, #tpu.memory_space<hbm>>
        %dma_wait3A_267 = tpu.memref_squeeze %dma_wait3A_266 : memref<1x400x16xf32, #tpu.memory_space<hbm>> -> memref<400x16xf32, #tpu.memory_space<hbm>>
        %dma_wait3A_268 = arith.constant 9600 : i32
        %dma_wait3A_269 = arith.constant 0 : i32
        %dma_wait3A_270 = tpu.memref_slice %arg20[%dma_wait3A_268, %dma_wait3A_269] : memref<10240x16xf32, #tpu.memory_space<vmem_shared>> -> memref<400x16xf32, #tpu.memory_space<vmem_shared>>
        tpu.wait_dma2 semaphore(%run_scoped3A_256 : memref<!tpu.dma_semaphore, #tpu.memory_space<semaphore_mem>>) src(%dma_wait3A_270 : memref<400x16xf32, #tpu.memory_space<vmem_shared>>) dst(%dma_wait3A_267 : memref<400x16xf32, #tpu.memory_space<hbm>>)
        tpu.yield
      }) : () -> ()
    } else {
    }
    return
  }
}

module attributes {stable_mosaic.version = 14 : i64} {
  func.func @_tc1_body(%arg0: i32, %arg1: memref<1000x2xf32, #tpu.memory_space<vmem>>, %arg2: memref<1000x128xf32, #tpu.memory_space<vmem>>, %arg3: memref<128x16xf32, #tpu.memory_space<vmem>>, %arg4: memref<1000x1xf32, #tpu.memory_space<vmem>>, %arg5: memref<1000x16xf32, #tpu.memory_space<vmem>>, %arg6: memref<1000x16xf32, #tpu.memory_space<vmem>>) attributes {dimension_semantics = [#tpu.dimension_semantics<arbitrary>], iteration_bounds = array<i64: 10>, scalar_prefetch = 0 : i64, scratch_operands = 0 : i64, tpu.core_type = #tpu.core_type<tc>, window_params = [{transform_indices = @transform_0, window_bounds = array<i64: 1000, 2>}, {transform_indices = @transform_1, window_bounds = array<i64: 1000, 128>}, {pipeline_mode = #tpu.pipeline_mode<synchronous>, transform_indices = @transform_2, window_bounds = array<i64: 128, 16>}, {transform_indices = @transform_3, window_bounds = array<i64: 1000, 1>}, {transform_indices = @transform_4, window_bounds = array<i64: 1000, 16>}, {transform_indices = @transform_5, window_bounds = array<i64: 1000, 16>}]} {
    %get3A = arith.constant 0 : index
    %get3A_0 = arith.constant 0 : index
    %get3A_1 = vector.load %arg1[%get3A, %get3A_0] : memref<1000x2xf32, #tpu.memory_space<vmem>>, vector<1000x1xf32>
    %get3A_2 = vector.shape_cast %get3A_1 : vector<1000x1xf32> to vector<1000xf32>
    %get3A_3 = arith.constant 0 : index
    %get3A_4 = arith.constant 1 : index
    %get3A_5 = vector.load %arg1[%get3A_3, %get3A_4] : memref<1000x2xf32, #tpu.memory_space<vmem>>, vector<1000x1xf32>
    %get3A_6 = vector.shape_cast %get3A_5 : vector<1000x1xf32> to vector<1000xf32>
    %add3A = arith.addf %get3A_2, %get3A_6 : vector<1000xf32>
    %add3A_7 = arith.constant 1.000000e+00 : f32
    %add3A_8 = vector.broadcast %add3A_7 : f32 to vector<1000xf32>
    %add3A_9 = arith.addf %add3A, %add3A_8 : vector<1000xf32>
    %rsqrt3A = math.rsqrt %add3A_9 : vector<1000xf32>
    %get3A_10 = arith.constant 0 : index
    %get3A_11 = arith.constant 0 : index
    %get3A_12 = vector.load %arg2[%get3A_10, %get3A_11] : memref<1000x128xf32, #tpu.memory_space<vmem>>, vector<1000x128xf32>
    %get3A_13 = arith.constant 0 : index
    %get3A_14 = arith.constant 0 : index
    %get3A_15 = vector.load %arg3[%get3A_13, %get3A_14] : memref<128x16xf32, #tpu.memory_space<vmem>>, vector<128x16xf32>
    %dot_general3A = arith.constant dense<0.000000e+00> : vector<1000x16xf32>
    %dot_general3A_16 = tpu.matmul %get3A_12, %get3A_15, %dot_general3A {dimension_numbers = #tpu.dot_dimension_numbers<[1], [0], [0], [1], [0, 0, 1, 1], [], []>, transpose_lhs_hint = false} : vector<1000x128xf32>, vector<128x16xf32>, vector<1000x16xf32> -> vector<1000x16xf32>
    %broadcast_in_dim3A = vector.shape_cast %rsqrt3A : vector<1000xf32> to vector<1000x1xf32>
    %swap3A = arith.constant 0 : index
    %swap3A_17 = arith.constant 0 : index
    %swap3A_18 = vector.load %arg4[%swap3A, %swap3A_17] : memref<1000x1xf32, #tpu.memory_space<vmem>>, vector<1000x1xf32>
    tpu.vector_store %arg4[%swap3A, %swap3A_17], %broadcast_in_dim3A {strides = array<i32>} : memref<1000x1xf32, #tpu.memory_space<vmem>>, vector<1000x1xf32>,
    %broadcast_in_dim3A_19 = vector.shape_cast %rsqrt3A : vector<1000xf32> to vector<1000x1xf32>
    %broadcast_in_dim3A_20 = vector.shape_cast %broadcast_in_dim3A_19 : vector<1000x1xf32> to vector<1000x1xf32>
    %broadcast_in_dim3A_21 = vector.broadcast %broadcast_in_dim3A_20 : vector<1000x1xf32> to vector<1000x16xf32>
    %swap3A_22 = arith.constant 0 : index
    %swap3A_23 = arith.constant 0 : index
    %swap3A_24 = vector.load %arg5[%swap3A_22, %swap3A_23] : memref<1000x16xf32, #tpu.memory_space<vmem>>, vector<1000x16xf32>
    tpu.vector_store %arg5[%swap3A_22, %swap3A_23], %broadcast_in_dim3A_21 {strides = array<i32>} : memref<1000x16xf32, #tpu.memory_space<vmem>>, vector<1000x16xf32>,
    %broadcast_in_dim3A_25 = vector.shape_cast %rsqrt3A : vector<1000xf32> to vector<1000x1xf32>
    %mul3A = vector.broadcast %broadcast_in_dim3A_25 : vector<1000x1xf32> to vector<1000x16xf32>
    %mul3A_26 = arith.mulf %dot_general3A_16, %mul3A : vector<1000x16xf32>
    %swap3A_27 = arith.constant 0 : index
    %swap3A_28 = arith.constant 0 : index
    %swap3A_29 = vector.load %arg6[%swap3A_27, %swap3A_28] : memref<1000x16xf32, #tpu.memory_space<vmem>>, vector<1000x16xf32>
    tpu.vector_store %arg6[%swap3A_27, %swap3A_28], %mul3A_26 {strides = array<i32>} : memref<1000x16xf32, #tpu.memory_space<vmem>>, vector<1000x16xf32>,
    return
  }
  func.func @transform_0(%arg0: i32) -> (i32, i32) {
    %c0_i32 = arith.constant 0 : i32
    %c0_i32_0 = arith.constant 0 : i32
    return %arg0, %c0_i32 : i32, i32
  }
  func.func @transform_1(%arg0: i32) -> (i32, i32) {
    %c0_i32 = arith.constant 0 : i32
    %c0_i32_0 = arith.constant 0 : i32
    return %arg0, %c0_i32 : i32, i32
  }
  func.func @transform_2(%arg0: i32) -> (i32, i32) {
    %c0_i32 = arith.constant 0 : i32
    %c0_i32_0 = arith.constant 0 : i32
    %c0_i32_1 = arith.constant 0 : i32
    return %c0_i32, %c0_i32_0 : i32, i32
  }
  func.func @transform_3(%arg0: i32) -> (i32, i32) {
    %c0_i32 = arith.constant 0 : i32
    %c0_i32_0 = arith.constant 0 : i32
    return %arg0, %c0_i32 : i32, i32
  }
  func.func @transform_4(%arg0: i32) -> (i32, i32) {
    %c0_i32 = arith.constant 0 : i32
    %c0_i32_0 = arith.constant 0 : i32
    return %arg0, %c0_i32 : i32, i32
  }
  func.func @transform_5(%arg0: i32) -> (i32, i32) {
    %c0_i32 = arith.constant 0 : i32
    %c0_i32_0 = arith.constant 0 : i32
    return %arg0, %c0_i32 : i32, i32
  }
}

module attributes {stable_mosaic.version = 14 : i64} {
  func.func @_tc3_body(%arg0: i32, %arg1: memref<1000x1xf32, #tpu.memory_space<vmem>>, %arg2: memref<2x1000x16xf32, #tpu.memory_space<vmem>>, %arg3: memref<1x64xf32, #tpu.memory_space<vmem>>, %arg4: memref<16x64xf32, #tpu.memory_space<vmem>>, %arg5: memref<1000x64xf32, #tpu.memory_space<vmem>>) attributes {dimension_semantics = [#tpu.dimension_semantics<arbitrary>], iteration_bounds = array<i64: 10>, scalar_prefetch = 0 : i64, scratch_operands = 0 : i64, tpu.core_type = #tpu.core_type<tc>, window_params = [{transform_indices = @transform_0, window_bounds = array<i64: 1000, 1>}, {transform_indices = @transform_1, window_bounds = array<i64: 2, 1000, 16>}, {pipeline_mode = #tpu.pipeline_mode<synchronous>, transform_indices = @transform_2, window_bounds = array<i64: 1, 64>}, {pipeline_mode = #tpu.pipeline_mode<synchronous>, transform_indices = @transform_3, window_bounds = array<i64: 16, 64>}, {transform_indices = @transform_4, window_bounds = array<i64: 1000, 64>}]} {
    %get3A = arith.constant 0 : index
    %get3A_0 = arith.constant 0 : index
    %get3A_1 = arith.constant 0 : index
    %get3A_2 = vector.load %arg2[%get3A, %get3A_0, %get3A_1] : memref<2x1000x16xf32, #tpu.memory_space<vmem>>, vector<1x1000x16xf32>
    %get3A_3 = vector.shape_cast %get3A_2 : vector<1x1000x16xf32> to vector<1000x16xf32>
    %get3A_4 = arith.constant 1 : index
    %get3A_5 = arith.constant 0 : index
    %get3A_6 = arith.constant 0 : index
    %get3A_7 = vector.load %arg2[%get3A_4, %get3A_5, %get3A_6] : memref<2x1000x16xf32, #tpu.memory_space<vmem>>, vector<1x1000x16xf32>
    %get3A_8 = vector.shape_cast %get3A_7 : vector<1x1000x16xf32> to vector<1000x16xf32>
    %add3A = arith.addf %get3A_3, %get3A_8 : vector<1000x16xf32>
    %get3A_9 = arith.constant 0 : index
    %get3A_10 = arith.constant 0 : index
    %get3A_11 = vector.load %arg1[%get3A_9, %get3A_10] : memref<1000x1xf32, #tpu.memory_space<vmem>>, vector<1000x1xf32>
    %mul3A = vector.broadcast %get3A_11 : vector<1000x1xf32> to vector<1000x16xf32>
    %mul3A_12 = arith.mulf %add3A, %mul3A : vector<1000x16xf32>
    %get3A_13 = arith.constant 0 : index
    %get3A_14 = arith.constant 0 : index
    %get3A_15 = vector.load %arg4[%get3A_13, %get3A_14] : memref<16x64xf32, #tpu.memory_space<vmem>>, vector<16x64xf32>
    %dot_general3A = arith.constant dense<0.000000e+00> : vector<1000x64xf32>
    %dot_general3A_16 = tpu.matmul %mul3A_12, %get3A_15, %dot_general3A {dimension_numbers = #tpu.dot_dimension_numbers<[1], [0], [0], [1], [0, 0, 1, 1], [], []>, transpose_lhs_hint = false} : vector<1000x16xf32>, vector<16x64xf32>, vector<1000x64xf32> -> vector<1000x64xf32>
    %get3A_17 = arith.constant 0 : index
    %get3A_18 = arith.constant 0 : index
    %get3A_19 = vector.load %arg3[%get3A_17, %get3A_18] : memref<1x64xf32, #tpu.memory_space<vmem>>, vector<1x64xf32>
    %add3A_20 = vector.broadcast %get3A_19 : vector<1x64xf32> to vector<1000x64xf32>
    %add3A_21 = arith.addf %dot_general3A_16, %add3A_20 : vector<1000x64xf32>
    %reduce_max3A = arith.constant dense<0xFF800000> : vector<1000xf32>
    %reduce_max3A_22 = vector.multi_reduction <maximumf>, %add3A_21, %reduce_max3A [1] : vector<1000x64xf32> to vector<1000xf32>
    %broadcast_in_dim3A = vector.shape_cast %reduce_max3A_22 : vector<1000xf32> to vector<1000x1xf32>
    %sub3A = vector.broadcast %broadcast_in_dim3A : vector<1000x1xf32> to vector<1000x64xf32>
    %sub3A_23 = arith.subf %add3A_21, %sub3A : vector<1000x64xf32>
    %exp3A = math.exp %sub3A_23 : vector<1000x64xf32>
    %reduce_sum3A = arith.constant dense<0.000000e+00> : vector<1000xf32>
    %reduce_sum3A_24 = vector.multi_reduction <add>, %exp3A, %reduce_sum3A [1] : vector<1000x64xf32> to vector<1000xf32>
    %broadcast_in_dim3A_25 = vector.shape_cast %reduce_sum3A_24 : vector<1000xf32> to vector<1000x1xf32>
    %log3A = math.log %broadcast_in_dim3A_25 : vector<1000x1xf32>
    %sub3A_26 = vector.broadcast %broadcast_in_dim3A : vector<1000x1xf32> to vector<1000x64xf32>
    %sub3A_27 = arith.subf %add3A_21, %sub3A_26 : vector<1000x64xf32>
    %sub3A_28 = vector.broadcast %log3A : vector<1000x1xf32> to vector<1000x64xf32>
    %sub3A_29 = arith.subf %sub3A_27, %sub3A_28 : vector<1000x64xf32>
    %swap3A = arith.constant 0 : index
    %swap3A_30 = arith.constant 0 : index
    %swap3A_31 = vector.load %arg5[%swap3A, %swap3A_30] : memref<1000x64xf32, #tpu.memory_space<vmem>>, vector<1000x64xf32>
    tpu.vector_store %arg5[%swap3A, %swap3A_30], %sub3A_29 {strides = array<i32>} : memref<1000x64xf32, #tpu.memory_space<vmem>>, vector<1000x64xf32>,
    return
  }
  func.func @transform_0(%arg0: i32) -> (i32, i32) {
    %c0_i32 = arith.constant 0 : i32
    %c0_i32_0 = arith.constant 0 : i32
    return %arg0, %c0_i32 : i32, i32
  }
  func.func @transform_1(%arg0: i32) -> (i32, i32, i32) {
    %c0_i32 = arith.constant 0 : i32
    %c0_i32_0 = arith.constant 0 : i32
    %c0_i32_1 = arith.constant 0 : i32
    return %c0_i32, %arg0, %c0_i32_0 : i32, i32, i32
  }
  func.func @transform_2(%arg0: i32) -> (i32, i32) {
    %c0_i32 = arith.constant 0 : i32
    %c0_i32_0 = arith.constant 0 : i32
    %c0_i32_1 = arith.constant 0 : i32
    return %c0_i32, %c0_i32_0 : i32, i32
  }
  func.func @transform_3(%arg0: i32) -> (i32, i32) {
    %c0_i32 = arith.constant 0 : i32
    %c0_i32_0 = arith.constant 0 : i32
    %c0_i32_1 = arith.constant 0 : i32
    return %c0_i32, %c0_i32_0 : i32, i32
  }
  func.func @transform_4(%arg0: i32) -> (i32, i32) {
    %c0_i32 = arith.constant 0 : i32
    %c0_i32_0 = arith.constant 0 : i32
    return %arg0, %c0_i32 : i32, i32
  }
}

</mosaic_0001>

<sc_bundles>
// kernel: kernel.10.cloned.1.call-start
scs
__scs_entry_jumppad:
0x0: {  	(pc) =	sbr.rel $0x88, $3  }
0x1: {  	(tag) =	ssettag $0x0;
	lr =	simm.s32 $0x1  }
0x2: {  	[smem:$0x3F9B] =	sst lr;
	_ =	strace $0xD0000000  }
0x3: {  	_ = 	snop  }
0x4: {  	_ = 	snop  }
0x5: {  	_ = 	snop  }
0x6: {  	_ = 	snop  }
0x7: {  	_ = 	snop  }
__scs_overlays_trampoline_lowered:
0x8: {  	[smem:$0x3FAA] =	sst s0  }
0x9: {  	[smem:$0x3FAB] =	sst s1  }
0xa: {  	[smem:$0x3FAC] =	sst s2  }
0xb: {  	[smem:$0x3FAD] =	sst s3  }
0xc: {  	[smem:$0x3FAE] =	sst s4  }
0xd: {  	[smem:$0x3FAF] =	sst s5  }
0xe: {  	[smem:$0x3FB0] =	sst s6  }
0xf: {  	[smem:$0x3FB1] =	sst s7  }
0x10: {  	[smem:$0x3FB2] =	sst s8  }
0x11: {  	[smem:$0x3FB3] =	sst s9;
	s0 =	simm.s32 @!p0 $0x0  }
0x12: {  	s1 =	sld [smem:$0x3F99];
	s0 =	simm.s32 @p0 $0x1  }
0x13: {  	[smem:$0x3FB4] =	sst s0;
	s0 =	simm.s32 @!p1 $0x0  }
0x14: {  	s2 =	sld [smem:$0x3F98];
	s0 =	simm.s32 @p1 $0x1  }
0x15: {  	[smem:$0x3FB5] =	sst s0;
	s0 =	simm.s32 @!p2 $0x0  }
0x16: {  	s3 =	sld [smem:$0x3FDB];
	s0 =	simm.s32 @p2 $0x1  }
0x17: {  	s4 =	simm.s32 $0x1BF5;
	[smem:$0x3FB7] =	sst s0  }
0x18: {  	s0 =	sld [smem:$0x3F9A];
	_ =	swait.ge [sflag:s4], $0x0  }
0x19: {  	s7 =	sld [smem:$0x3F9B]  }
0x1a: {  	s8 =	sadd.s32 $0xFFFFE003, lr  }
0x1b: {  	s9 =	sadd.s32 $0xFFFFFEF7, lr;
	s5 =	simm.s32 $0xFFFFFFFF;
	p2 =	slt.u32 s8, $0xFFFFF086  }
0x1c: {  	p1 =	slt.u32 s9, $0xF7A;
	s5 =	simm.s32 @!p2 $0x0  }
0x1d: {  	s5 =	simm.s32 @p1 $0x1;
	p0 =	seq.s32 s7, s2  }
0x1e: {  	s7 =	smul.u32 @!p0 $0xF7A, s2;
	p2 =	seq.s32 @!p0 s5, $0x0  }
0x1f: {  	s9 =	smul.u32 $0xF7A, s1;
	s8 =	simm.s32 @!p0 $0x1BF5;
	p2 =	por !p2, p0  }
0x20: {  	[sflag:s8] =	ssyncset.s32 @!p0 $0xFFFFF086;
	s6 =	sadd.s32 @!p0 s3, s7;
	s7 =	simm.s32 @!p0 $0x108  }
0x21: {  	s3 =	sadd.s32 s3, s9;
	s6 =	sadd.s32 @!p0 $0x88, s6;
	s7 =	simm.s32 @p2 $0x1082  }
0x22: {  	[simem:s7], [sflag:s8] =	dma.local @!p0 [hbm:s6], $0xF7A  }
0x23: {  	s9 =	sor.u32 $0xD0000000, s2;
	s6 =	simm.s32 $0x108;
	_ =	swait.ge @!p0 [sflag:s8], $0x0  }
0x24: {  	s3 =	sadd.s32 $0x88, s3;
	s6 =	simm.s32 @!p1 $0x1082;
	[sflag:s4] =	ssyncset.s32 $0xFFFFF086  }
0x25: {  	[simem:s6], [sflag:s4] =	dma.local [hbm:s3], $0xF7A  }
0x26: {  	[smem:$0x3F9B] =	sst s1;
	(tag) =	ssettag s2;
	_ =	strace s9  }
0x27: {  	s1 =	sld [smem:$0x3FAB]  }
0x28: {  	s2 =	sld [smem:$0x3FAC]  }
0x29: {  	s4 =	sld [smem:$0x3FAE]  }
0x2a: {  	p0 =	seq.s32 s5, $0x0;
	s5 =	sld [smem:$0x3FAF]  }
0x2b: {  	s6 =	sld [smem:$0x3FB0]  }
0x2c: {  	s7 =	sld [smem:$0x3FB1]  }
0x2d: {  	s3 =	simm.s32 $0x108;
	s8 =	sld [smem:$0x3FB2]  }
0x2e: {  	s3 =	simm.s32 @!p0 $0x1082;
	s9 =	sld [smem:$0x3FB3]  }
0x2f: {  	lr =	sadd.s32 s0, s3;
	s0 =	sld [smem:$0x3FAA]  }
0x30: {  	s3 =	sld [smem:$0x3FAD]  }
0x31: {  	[smem:$0x3FB6] =	sst s10  }
0x32: {  	s10 =	sld [smem:$0x3FB4];
	_ =	sdelay $0x3  }
0x33: {  	p0 =	seq.s32 s10, $0x1;
	s10 =	sld [smem:$0x3FB6];
	_ =	sdelay $0x3  }
0x34: {  	[smem:$0x3FB6] =	sst s10  }
0x35: {  	s10 =	sld [smem:$0x3FB5];
	_ =	sdelay $0x3  }
0x36: {  	p1 =	seq.s32 s10, $0x1;
	s10 =	sld [smem:$0x3FB6];
	_ =	sdelay $0x3  }
0x37: {  	[smem:$0x3FB6] =	sst s10  }
0x38: {  	s10 =	sld [smem:$0x3FB7]  }
0x39: {  	_ = 	snop;
	(pc) =	sbr.ind lr, $3  }
0x3a: {  	_ = 	snop  }
0x3b: {  	_ = 	snop  }
0x3c: {  	p2 =	seq.s32 s10, $0x1;
	s10 =	sld [smem:$0x3FB6]  }
0x3d: {  	_ =	shalt  }
0x3e: {  	_ =	shalt  }
0x3f: {  	_ =	shalt  }
0x40: {  	_ =	shalt  }
0x41: {  	_ =	shalt  }
0x42: {  	_ =	shalt  }
0x43: {  	_ =	shalt  }
0x44: {  	_ =	shalt  }
0x45: {  	_ =	shalt  }
0x46: {  	_ =	shalt  }
0x47: {  	_ =	shalt  }
0x48: {  	_ =	shalt  }
0x49: {  	_ =	shalt  }
0x4a: {  	_ =	shalt  }
0x4b: {  	_ =	shalt  }
0x4c: {  	_ =	shalt  }
0x4d: {  	_ =	shalt  }
0x4e: {  	_ =	shalt  }
0x4f: {  	_ =	shalt  }
0x50: {  	_ =	shalt  }
0x51: {  	_ =	shalt  }
0x52: {  	_ =	shalt  }
0x53: {  	_ =	shalt  }
0x54: {  	_ =	shalt  }
0x55: {  	_ =	shalt  }
0x56: {  	_ =	shalt  }
0x57: {  	_ =	shalt  }
0x58: {  	_ =	shalt  }
0x59: {  	_ =	shalt  }
0x5a: {  	_ =	shalt  }
0x5b: {  	_ =	shalt  }
0x5c: {  	_ =	shalt  }
0x5d: {  	_ =	shalt  }
0x5e: {  	_ =	shalt  }
0x5f: {  	_ =	shalt  }
0x60: {  	_ =	shalt  }
0x61: {  	_ =	shalt  }
0x62: {  	_ =	shalt  }
0x63: {  	_ =	shalt  }
0x64: {  	_ =	shalt  }
0x65: {  	_ =	shalt  }
0x66: {  	_ =	shalt  }
0x67: {  	_ =	shalt  }
0x68: {  	_ =	shalt  }
0x69: {  	_ =	shalt  }
0x6a: {  	_ =	shalt  }
0x6b: {  	_ =	shalt  }
0x6c: {  	_ =	shalt  }
0x6d: {  	_ =	shalt  }
0x6e: {  	_ =	shalt  }
0x6f: {  	_ =	shalt  }
0x70: {  	_ =	shalt  }
0x71: {  	_ =	shalt  }
0x72: {  	_ =	shalt  }
0x73: {  	_ =	shalt  }
0x74: {  	_ =	shalt  }
0x75: {  	_ =	shalt  }
0x76: {  	_ =	shalt  }
0x77: {  	_ =	shalt  }
0x78: {  	_ =	shalt  }
0x79: {  	_ =	shalt  }
0x7a: {  	_ =	shalt  }
0x7b: {  	_ =	shalt  }
0x7c: {  	_ =	shalt  }
0x7d: {  	_ =	shalt  }
0x7e: {  	_ =	shalt  }
0x7f: {  	_ =	shalt  }
0x80: {  	_ =	shalt  }
0x81: {  	_ =	shalt  }
0x82: {  	_ =	shalt  }
0x83: {  	_ =	shalt  }
0x84: {  	_ =	shalt  }
0x85: {  	_ =	shalt  }
0x86: {  	_ =	shalt  }
0x87: {  	_ =	shalt  }
.Lfunc_end0:
.L_simem_size_0:
called_computation.1_lowered:
.L_overlay_start_0:
0x88: {  	s2 =	sld [smem:$0x3FD9]  }
0x89: {  	s3 =	sld [smem:$0x3FFE];
	_ =	sdelay $0x1  }
0x8a: {  	s1 =	srdreg.scid  }
0x8b: {  	s0 =	sand.u32 $0x1, s1  }
0x8c: {  	s17 =	sshll.u32 s0, $0xA;
	s2 =	sadd.s32 s3, s2  }
0x8d: {  	s2 =	sadd.s32 s2, s17  }
0x8e: {  	[smem:$0x3FC2] =	sst s2  }
0x8f: {  	_ = 	snop  }
0x90: {  	s2 =	sld [smem:$0x3FD0];
	(tm) =	ssettm $0x1  }
0x91: {  	s18 =	sld [smem:$0x3FFB];
	_ =	sdelay $0x3  }
0x92: {  	_ =	strace s18  }
0x93: {  	s3 =	sld [smem:$0x3FFC];
	_ =	sdelay $0x3  }
0x94: {  	_ =	strace s3  }
0x95: {  	s3 =	sld [smem:$0x3FFD];
	_ =	sdelay $0x3  }
0x96: {  	_ =	strace s3  }
0x97: {  	_ =	strace $0x8FFFFFFF  }
0x98: {  	s19 =	sld [smem:$0x3FDB];
	_ =	sdelay $0x1  }
0x99: {  	s4 =	simm.s32 $_scs_section_size  }
0x9a: {  	s5 =	simm.s32 $_size__tile_overlayer_lowered;
	s6 =	simm.s32 $_tile_overlayer_lowered  }
0x9b: {  	s22 =	simm.s32 $0x1BFF;
	s21 =	sshll.u32 s6, $0x1;
	s3 =	sadd.s32 s4, s19  }
0x9c: {  	s7 =	simm.s32 $0x0;
	s20 =	sshll.u32 s5, $0x1;
	s5 =	sadd.s32 s21, s3  }
0x9d: {  	[timem:s7], [sflag:s22] =	dma.local [hbm:s5], s20  }
0x9e: {  	_ =	swait.ge [sflag:s22], s20  }
0x9f: {  	s4 =	ssub.s32 $0x0, s20;
	[sflag:s22] =	ssyncset.done $0x0  }
0xa0: {  	[sflag:s22] =	ssyncadd.s32 s4;
	_ =	sdelay $0x1  }
0xa1: {  	s23 =	simm.s32 $0x1B8B  }
0xa2: {  	_ =	swait.ge [sflag:s23], $0x1  }
0xa3: {  	[sflag:s23] =	ssyncset.done $0x0  }
0xa4: {  	s25 =	simm.s32 $0x1B8E;
	s24 =	sld [smem:$0x3FFE];
	[sflag:s23] =	ssyncadd.s32 $0xFFFFFFFF  }
0xa5: {  	s26 =	simm.s32 $execute0_lowered;
	[smem:$0x3FD2] =	sst s25  }
0xa6: {  	s5 =	sshll.u32 s26, $0x1;
	_ =	strace $0x80000049;
	[dreg:$0x1] =	wrdreg $0xFFFFFFFF  }
0xa7: {  	s28 =	simm.s32 $_size_execute0_lowered;
	s3 =	sadd.s32 s3, s5;
	[dreg:$0x0] =	wrdreg $0x0  }
0xa8: {  	s5 =	sshll.u32 s28, $0x1;
	[dreg:$0x2] =	wrdreg s3  }
0xa9: {  	[dreg:$0x3] =	wrdreg s5  }
0xaa: {  	[dreg:$0x4] =	wrdreg $0xC0  }
0xab: {  	_ =	task [dreg:s7], $0x5FFFF  }
0xac: {  	[dreg:$0x1] =	wrdreg $0xFFFFFFFF  }
0xad: {  	[dreg:$0x0] =	wrdreg $0x60  }
0xae: {  	[dreg:$0x2] =	wrdreg s24  }
0xaf: {  	[dreg:$0x3] =	wrdreg s2  }
0xb0: {  	[dreg:$0x4] =	wrdreg $0x69A00  }
0xb1: {  	[dreg:$0x5] =	wrdreg $0x9  }
0xb2: {  	_ =	task.clear_ibuf [dreg:s7], $0x6FFFF;
	_ =	strace $0x90000049  }
0xb3: {  	s29 =	simm.s32 $0x9;
	_ =	strace $0x8000004B  }
0xb4: {  	_ =	swait.ge [sflag:s29], $0x1  }
0xb5: {  	[sflag:s29] =	ssyncadd.s32 $0xFFFFFFFF  }
0xb6: {  	_ =	strace $0x9000004B  }
0xb7: {  	_ =	sfence  }
0xb8: {  	s30 =	sld [smem:$0x0];
	_ =	sdelay $0x2  }
0xb9: {  	s31 =	sshll.u32 s1, $0xD;
	s1 =	sshrl.u32 s1, $0x2  }
0xba: {  	s3 =	sand.u32 $0x4000, s31;
	s1 =	sadd.s32 s1, s30  }
0xbb: {  	s0 =	sor.u32 s3, s0;
	s1 =	sshll.u32 s1, $0x11  }
0xbc: {  	s0 =	sor.u32 s1, s0  }
0xbd: {  	s0 =	sadd.s32 $0x8F2B, s0  }
0xbe: {  	[sflag:s0] =	ssyncadd.remote.s32 $0x1  }
0xbf: {  	_ =	sfence.sel $0xFFFF  }
0xc0: {  	[dreg:$0x0] =	wrdreg $0xFFFFFFFF;
	(pc) =	sbr.abs _section_cstart, $3  }
0xc1: {  	[dreg:$0x1] =	wrdreg $0xFFFFFFFF  }
0xc2: {  	_ =	task.clear_ibuf [dreg:s7], $0x2FFFF;
	_ =	strace $0x9FFFFFFF  }
0xc3: {  	(tm) =	ssettm $0x7FFFFFFF  }
tec
execute0_lowered:
.L_overlay_start_1:
0x0: {  	(tag) =	ssettag $0x1  }
0x1: {  	s0 =	rddreg [dreg:$0x0]  }
0x2: {  	s1 =	srdreg.scid;
	s6 =	rddreg [dreg:$0x1]  }
0x3: {  	s2 =	rddreg [dreg:$0x2];
	s12 =	stileid.u32  }
0x4: {  	s3 =	simm.s32 $0x0;
	s28 =	simm.s32 $0x6720;
	s29 =	simm.s32 $0xB  }
0x5: {  	s31 =	simm.s32 $0x50;
	s1 =	sand.u32 $0x1, s1;
	s5 =	smul.u32 $0xA000, s12  }
0x6: {  	s30 =	simm.s32 $0x5320;
	[smem:$0x7FF] =	sst s3;
	s9 =	ssub.s32 $0x2, s1  }
0x7: {  	s11 =	smul.u32 $0x2800, s12;
	s10 =	sshrl.u32 s9, $0x1;
	s5 =	sshrl.u32 s5, $0x2  }
0x8: {  	p0 =	seq.s32 s12, $0xF;
	s9 =	ssub.s32 s9, s10;
	s10 =	sadd.s32 s5, s2  }
0x9: {  	s4 =	sshll.u32 s1, $0x4;
	_ =	strace $0x8000004A;
	s13 =	sadd.s32 $0x280, s10  }
0xa: {  	s1 =	smul.u32 $0x27100, s1;
	s26 =	sadd.s32 $0x500, s10;
	[dreg:$0x4] =	wrdreg s13  }
0xb: {  	s4 =	sor.u32 s12, s4;
	s14 =	sadd.s32 $0x780, s10;
	[dreg:$0x5] =	wrdreg s26  }
0xc: {  	s12 =	simm.s32 $0x7;
	s15 =	sadd.s32 $0xA00, s10;
	[dreg:$0x6] =	wrdreg s14  }
0xd: {  	s7 =	smul.u32 $0x4E2, s4;
	s16 =	sadd.s32 $0xC80, s10;
	[dreg:$0x7] =	wrdreg s15  }
0xe: {  	s4 =	sadd.s32 $0xC000, s0;
	s17 =	sadd.s32 $0xF00, s10;
	[dreg:$0x8] =	wrdreg s16  }
0xf: {  	s5 =	sadd.s32 s11, s2;
	s18 =	sadd.s32 $0x1180, s10;
	[dreg:$0x9] =	wrdreg s17  }
0x10: {  	s11 =	sadd.s32 s11, s1;
	s19 =	sadd.s32 $0x1400, s10;
	[dreg:$0xa] =	wrdreg s18  }
0x11: {  	s1 =	sshrl.u32 s1, $0x3;
	s20 =	sadd.s32 $0x1680, s10;
	[dreg:$0xb] =	wrdreg s19  }
0x12: {  	s21 =	sadd.s32 $0x1900, s10;
	s22 =	sadd.s32 $0x1B80, s10;
	[dreg:$0xc] =	wrdreg s20  }
0x13: {  	s23 =	sadd.s32 $0x1E00, s10;
	s24 =	sshrl.u32 s11, $0x3;
	[dreg:$0xd] =	wrdreg s21  }
0x14: {  	s25 =	sadd.s32 $0x2080, s10;
	s11 =	simm.s32 $0x3;
	[dreg:$0xe] =	wrdreg s22  }
0x15: {  	s8 =	sadd.s32 s7, s0;
	s0 =	sadd.s32 $0x11000, s0;
	[dreg:$0xf] =	wrdreg s23  }
0x16: {  	s6 =	sadd.s32 s6, s7;
	[dreg:$0x11] =	wrdreg s25;
	s26 =	sadd.s32 $0x2300, s10  }
0x17: {  	s22 =	sadd.s32 $0x2580, s10;
	s25 =	smax.u32 s9, $0x1;
	s7 =	simm.s32 $0x6220  }
0x18: {  	s9 =	simm.s32 $0x2;
	s10 =	simm.s32 $0x6;
	s13 =	simm.s32 $0x4  }
0x19: {  	s14 =	simm.s32 $0x8;
	s15 =	simm.s32 $0x5;
	s16 =	simm.s32 $0x9  }
0x1a: {  	s17 =	simm.s32 $0xA;
	s18 =	simm.s32 $0x0;
	[dreg:$0x10] =	wrdreg s6  }
0x1b: {  	s6 =	sadd.s32 s0, s24;
	s0 =	sadd.s32 s0, s1;
	[dreg:$0x13] =	wrdreg s26  }
0x1c: {  	s23 =	sadd.s32 $0x2200, s8;
	s1 =	simm.s32 $0x5820;
	s8 =	simm.s32 $0x1  }
0x1d: {  	[dreg:$0x12] =	wrdreg s6;
	s24 =	sadd.s32 $0x4B00, s0;
	s0 =	sadd.s32 $0x25800, s2  }
0x1e: {  	v0 =	vimm.f32 $0.0e+00;
	s6 =	simm.s32 $0x5D20;
	s26 =	sshrl.u32 @p0 s0, $0x3;
	s0 =	simm.s32 $0x4E20  }
.LBB2_1:
0x1f: {  	[tilespmem:$0x6720] =	vst v0  }
0x20: {  	[tilespmem:$0x6730] =	vst v0  }
0x21: {  	[tilespmem:$0x6740] =	vst v0  }
0x22: {  	[tilespmem:$0x6750] =	vst v0  }
0x23: {  	[tilespmem:$0x6760] =	vst v0  }
0x24: {  	[tilespmem:$0x6770] =	vst v0  }
0x25: {  	[tilespmem:$0x6780] =	vst v0  }
0x26: {  	[tilespmem:$0x6790] =	vst v0  }
0x27: {  	[tilespmem:$0x67A0] =	vst v0  }
0x28: {  	[tilespmem:$0x67B0] =	vst v0  }
0x29: {  	[tilespmem:$0x67C0] =	vst v0  }
0x2a: {  	[tilespmem:$0x67D0] =	vst v0  }
0x2b: {  	[tilespmem:$0x67E0] =	vst v0  }
0x2c: {  	[tilespmem:$0x67F0] =	vst v0  }
0x2d: {  	[tilespmem:$0x6800] =	vst v0  }
0x2e: {  	[tilespmem:$0x6810] =	vst v0  }
0x2f: {  	[tilespmem:$0x6820] =	vst v0  }
0x30: {  	[tilespmem:$0x6830] =	vst v0  }
0x31: {  	[tilespmem:$0x6840] =	vst v0  }
0x32: {  	[tilespmem:$0x6850] =	vst v0  }
0x33: {  	[tilespmem:$0x6860] =	vst v0  }
0x34: {  	[tilespmem:$0x6870] =	vst v0  }
0x35: {  	[tilespmem:$0x6880] =	vst v0  }
0x36: {  	[tilespmem:$0x6890] =	vst v0  }
0x37: {  	[tilespmem:$0x68A0] =	vst v0  }
0x38: {  	[tilespmem:$0x68B0] =	vst v0  }
0x39: {  	[tilespmem:$0x68C0] =	vst v0  }
0x3a: {  	[tilespmem:$0x68D0] =	vst v0  }
0x3b: {  	[tilespmem:$0x68E0] =	vst v0  }
0x3c: {  	[tilespmem:$0x68F0] =	vst v0  }
0x3d: {  	[tilespmem:$0x6900] =	vst v0  }
0x3e: {  	[tilespmem:$0x6910] =	vst v0  }
0x3f: {  	[tilespmem:$0x6920] =	vst v0  }
0x40: {  	[tilespmem:$0x6930] =	vst v0  }
0x41: {  	[tilespmem:$0x6940] =	vst v0  }
0x42: {  	[tilespmem:$0x6950] =	vst v0  }
0x43: {  	[tilespmem:$0x6960] =	vst v0  }
0x44: {  	[tilespmem:$0x6970] =	vst v0  }
0x45: {  	[tilespmem:$0x6980] =	vst v0  }
0x46: {  	[tilespmem:$0x6990] =	vst v0  }
0x47: {  	[spmem:s5] =	stream.linear.scatter [tilespmem:s28], [sflag:$0xB], $0x280, $0x38;
	[tilespmem:$0x91A0] =	vst v63  }
0x48: {  	_ =	swait.ge [sflag:s29], $0x280  }
0x49: {  	[sflag:s29] =	ssyncset.done $0x0  }
0x4a: {  	s19 =	rddreg [dreg:$0x4];
	[sflag:s29] =	ssyncadd.s32 $0xFFFFFD80  }
0x4b: {  	[spmem:s19] =	stream.linear.scatter [tilespmem:s28], [sflag:$0xB], $0x280, $0x38;
	[tilespmem:$0x91A0] =	vst v63  }
0x4c: {  	_ =	swait.ge [sflag:s29], $0x280  }
0x4d: {  	[sflag:s29] =	ssyncset.done $0x0  }
0x4e: {  	s21 =	rddreg [dreg:$0x5];
	[sflag:s29] =	ssyncadd.s32 $0xFFFFFD80  }
0x4f: {  	[spmem:s21] =	stream.linear.scatter [tilespmem:s28], [sflag:$0xB], $0x280, $0x38;
	[tilespmem:$0x91A0] =	vst v63  }
0x50: {  	_ =	swait.ge [sflag:s29], $0x280  }
0x51: {  	[sflag:s29] =	ssyncset.done $0x0  }
0x52: {  	s20 =	rddreg [dreg:$0x6];
	[sflag:s29] =	ssyncadd.s32 $0xFFFFFD80  }
0x53: {  	[spmem:s20] =	stream.linear.scatter [tilespmem:s28], [sflag:$0xB], $0x280, $0x38;
	[tilespmem:$0x91A0] =	vst v63  }
0x54: {  	_ =	swait.ge [sflag:s29], $0x280  }
0x55: {  	[sflag:s29] =	ssyncset.done $0x0  }
0x56: {  	s21 =	rddreg [dreg:$0x7];
	[sflag:s29] =	ssyncadd.s32 $0xFFFFFD80  }
0x57: {  	[spmem:s21] =	stream.linear.scatter [tilespmem:s28], [sflag:$0xB], $0x280, $0x38;
	[tilespmem:$0x91A0] =	vst v63  }
0x58: {  	_ =	swait.ge [sflag:s29], $0x280  }
0x59: {  	[sflag:s29] =	ssyncset.done $0x0  }
0x5a: {  	s20 =	rddreg [dreg:$0x8];
	[sflag:s29] =	ssyncadd.s32 $0xFFFFFD80  }
0x5b: {  	[spmem:s20] =	stream.linear.scatter [tilespmem:s28], [sflag:$0xB], $0x280, $0x38;
	[tilespmem:$0x91A0] =	vst v63  }
0x5c: {  	_ =	swait.ge [sflag:s29], $0x280  }
0x5d: {  	[sflag:s29] =	ssyncset.done $0x0  }
0x5e: {  	s21 =	rddreg [dreg:$0x9];
	[sflag:s29] =	ssyncadd.s32 $0xFFFFFD80  }
0x5f: {  	[spmem:s21] =	stream.linear.scatter [tilespmem:s28], [sflag:$0xB], $0x280, $0x38;
	[tilespmem:$0x91A0] =	vst v63  }
0x60: {  	_ =	swait.ge [sflag:s29], $0x280  }
0x61: {  	[sflag:s29] =	ssyncset.done $0x0  }
0x62: {  	s20 =	rddreg [dreg:$0xa];
	[sflag:s29] =	ssyncadd.s32 $0xFFFFFD80  }
0x63: {  	[spmem:s20] =	stream.linear.scatter [tilespmem:s28], [sflag:$0xB], $0x280, $0x38;
	[tilespmem:$0x91A0] =	vst v63  }
0x64: {  	_ =	swait.ge [sflag:s29], $0x280  }
0x65: {  	[sflag:s29] =	ssyncset.done $0x0  }
0x66: {  	s21 =	rddreg [dreg:$0xb];
	[sflag:s29] =	ssyncadd.s32 $0xFFFFFD80  }
0x67: {  	[spmem:s21] =	stream.linear.scatter [tilespmem:s28], [sflag:$0xB], $0x280, $0x38;
	[tilespmem:$0x91A0] =	vst v63  }
0x68: {  	_ =	swait.ge [sflag:s29], $0x280  }
0x69: {  	[sflag:s29] =	ssyncset.done $0x0  }
0x6a: {  	s20 =	rddreg [dreg:$0xc];
	[sflag:s29] =	ssyncadd.s32 $0xFFFFFD80  }
0x6b: {  	[spmem:s20] =	stream.linear.scatter [tilespmem:s28], [sflag:$0xB], $0x280, $0x38;
	[tilespmem:$0x91A0] =	vst v63  }
0x6c: {  	_ =	swait.ge [sflag:s29], $0x280  }
0x6d: {  	[sflag:s29] =	ssyncset.done $0x0  }
0x6e: {  	s21 =	rddreg [dreg:$0xd];
	[sflag:s29] =	ssyncadd.s32 $0xFFFFFD80  }
0x6f: {  	[spmem:s21] =	stream.linear.scatter [tilespmem:s28], [sflag:$0xB], $0x280, $0x38;
	[tilespmem:$0x91A0] =	vst v63  }
0x70: {  	_ =	swait.ge [sflag:s29], $0x280  }
0x71: {  	[sflag:s29] =	ssyncset.done $0x0  }
0x72: {  	s20 =	rddreg [dreg:$0xe];
	[sflag:s29] =	ssyncadd.s32 $0xFFFFFD80  }
0x73: {  	[spmem:s20] =	stream.linear.scatter [tilespmem:s28], [sflag:$0xB], $0x280, $0x38;
	[tilespmem:$0x91A0] =	vst v63  }
0x74: {  	_ =	swait.ge [sflag:s29], $0x280  }
0x75: {  	[sflag:s29] =	ssyncset.done $0x0  }
0x76: {  	s21 =	rddreg [dreg:$0xf];
	[sflag:s29] =	ssyncadd.s32 $0xFFFFFD80  }
0x77: {  	[spmem:s21] =	stream.linear.scatter [tilespmem:s28], [sflag:$0xB], $0x280, $0x38;
	[tilespmem:$0x91A0] =	vst v63  }
0x78: {  	_ =	swait.ge [sflag:s29], $0x280  }
0x79: {  	[sflag:s29] =	ssyncset.done $0x0  }
0x7a: {  	s20 =	rddreg [dreg:$0x11];
	[sflag:s29] =	ssyncadd.s32 $0xFFFFFD80  }
0x7b: {  	[spmem:s20] =	stream.linear.scatter [tilespmem:s28], [sflag:$0xB], $0x280, $0x38;
	[tilespmem:$0x91A0] =	vst v63  }
0x7c: {  	_ =	swait.ge [sflag:s29], $0x280  }
0x7d: {  	[sflag:s29] =	ssyncset.done $0x0  }
0x7e: {  	s21 =	rddreg [dreg:$0x13];
	[sflag:s29] =	ssyncadd.s32 $0xFFFFFD80  }
0x7f: {  	[spmem:s21] =	stream.linear.scatter [tilespmem:s28], [sflag:$0xB], $0x280, $0x38;
	[tilespmem:$0x91A0] =	vst v63  }
0x80: {  	_ =	swait.ge [sflag:s29], $0x280  }
0x81: {  	[sflag:s29] =	ssyncset.done $0x0  }
0x82: {  	[sflag:s29] =	ssyncadd.s32 $0xFFFFFD80  }
0x83: {  	[spmem:s22] =	stream.linear.scatter [tilespmem:s28], [sflag:$0xB], $0x280, $0x38;
	[tilespmem:$0x91A0] =	vst v63  }
0x84: {  	_ =	swait.ge [sflag:s29], $0x280  }
0x85: {  	[sflag:s29] =	ssyncset.done $0x0  }
0x86: {  	s20 =	rddreg [dreg:$0x10];
	[sflag:s29] =	ssyncadd.s32 $0xFFFFFD80  }
0x87: {  	[tilespmem:s3], [sflag:$0xB] =	stream.linear.gather [hbm4b:s20+s3], $0x2710, $0x38;
	[tilespmem:$0x91A0] =	vst v63  }
0x88: {  	_ =	swait.ge [sflag:s29], $0x2710  }
0x89: {  	[sflag:s29] =	ssyncset.done $0x0  }
0x8a: {  	s21 =	simm.s32 $0x2710;
	[sflag:s29] =	ssyncadd.s32 $0xFFFFD8F0  }
0x8b: {  	[tilespmem:s21], [sflag:$0xB] =	stream.linear.gather [hbm4b:s23+s3], $0x2710, $0x38;
	[tilespmem:$0x91A0] =	vst v63  }
0x8c: {  	_ =	swait.ge [sflag:s29], $0x2710  }
0x8d: {  	[sflag:s29] =	ssyncset.done $0x0  }
0x8e: {  	[sflag:s29] =	ssyncadd.s32 $0xFFFFD8F0  }
0x8f: {  	[bflag:$0x0] =	sbarrier.arrive $0xFFFF  }
0x90: {  	[tilespmem:s0], [sflag:$0x1] =	stream.indirect.gather [hbm4b:s4+s31], $0x10, s3, s31, $0xb8;
	[tilespmem:$0x91A0] =	vst v63  }
0x91: {  	_ = 	snop  }
0x92: {  	[tilespmem:s30], [sflag:$0x2] =	stream.indirect.gather [hbm4b:s4+s31], $0x10, s31, s31, $0xb8;
	[tilespmem:$0x91A0] =	vst v63  }
0x93: {  	s20 =	simm.s32 $0xA0  }
0x94: {  	[tilespmem:s1], [sflag:$0x3] =	stream.indirect.gather [hbm4b:s4+s31], $0x10, s20, s31, $0xb8;
	[tilespmem:$0x91A0] =	vst v63  }
0x95: {  	s21 =	simm.s32 $0xF0  }
0x96: {  	[tilespmem:s6], [sflag:$0x4] =	stream.indirect.gather [hbm4b:s4+s31], $0x10, s21, s31, $0xb8;
	[tilespmem:$0x91A0] =	vst v63  }
0x97: {  	s20 =	simm.s32 $0x140  }
0x98: {  	[tilespmem:s7], [sflag:$0x5] =	stream.indirect.gather [hbm4b:s4+s31], $0x10, s20, s31, $0xb8;
	[tilespmem:$0x91A0] =	vst v63  }
0x99: {  	_ =	swait.ge [sflag:s8], $0x500  }
0x9a: {  	[sflag:s8] =	ssyncset.done $0x0  }
0x9b: {  	s21 =	simm.s32 $0x2710;
	[sflag:s8] =	ssyncadd.s32 $0xFFFFFB00  }
0x9c: {  	[spmem:s2] =	stream.indirect.scatter.add.f32 [tilespmem:s0], [sflag:$0x6], $0x10, s21, s31, $0xb8;
	[tilespmem:$0x91A0] =	vst v63  }
0x9d: {  	_ =	swait.ge [sflag:s9], $0x500  }
0x9e: {  	[sflag:s9] =	ssyncset.done $0x0  }
0x9f: {  	s20 =	simm.s32 $0x2760;
	[sflag:s9] =	ssyncadd.s32 $0xFFFFFB00  }
0xa0: {  	[spmem:s2] =	stream.indirect.scatter.add.f32 [tilespmem:s30], [sflag:$0x7], $0x10, s20, s31, $0xb8;
	[tilespmem:$0x91A0] =	vst v63  }
0xa1: {  	_ =	swait.ge [sflag:s10], $0x500  }
0xa2: {  	[sflag:s10] =	ssyncset.done $0x0  }
0xa3: {  	s21 =	simm.s32 $0x190;
	[sflag:s10] =	ssyncadd.s32 $0xFFFFFB00  }
0xa4: {  	[tilespmem:s0], [sflag:$0x1] =	stream.indirect.gather [hbm4b:s4+s31], $0x10, s21, s31, $0xb8;
	[tilespmem:$0x91A0] =	vst v63  }
0xa5: {  	_ =	swait.ge [sflag:s11], $0x500  }
0xa6: {  	[sflag:s11] =	ssyncset.done $0x0  }
0xa7: {  	s20 =	simm.s32 $0x27B0;
	[sflag:s11] =	ssyncadd.s32 $0xFFFFFB00  }
0xa8: {  	[spmem:s2] =	stream.indirect.scatter.add.f32 [tilespmem:s1], [sflag:$0x8], $0x10, s20, s31, $0xb8;
	[tilespmem:$0x91A0] =	vst v63  }
0xa9: {  	_ =	swait.ge [sflag:s12], $0x500  }
0xaa: {  	[sflag:s12] =	ssyncset.done $0x0  }
0xab: {  	s21 =	simm.s32 $0x1E0;
	[sflag:s12] =	ssyncadd.s32 $0xFFFFFB00  }
0xac: {  	[tilespmem:s30], [sflag:$0x2] =	stream.indirect.gather [hbm4b:s4+s31], $0x10, s21, s31, $0xb8;
	[tilespmem:$0x91A0] =	vst v63  }
0xad: {  	_ =	swait.ge [sflag:s13], $0x500  }
0xae: {  	[sflag:s13] =	ssyncset.done $0x0  }
0xaf: {  	s20 =	simm.s32 $0x2800;
	[sflag:s13] =	ssyncadd.s32 $0xFFFFFB00  }
0xb0: {  	[spmem:s2] =	stream.indirect.scatter.add.f32 [tilespmem:s6], [sflag:$0x9], $0x10, s20, s31, $0xb8;
	[tilespmem:$0x91A0] =	vst v63  }
0xb1: {  	_ =	swait.ge [sflag:s14], $0x500  }
0xb2: {  	[sflag:s14] =	ssyncset.done $0x0  }
0xb3: {  	s21 =	simm.s32 $0x230;
	[sflag:s14] =	ssyncadd.s32 $0xFFFFFB00  }
0xb4: {  	[tilespmem:s1], [sflag:$0x3] =	stream.indirect.gather [hbm4b:s4+s31], $0x10, s21, s31, $0xb8;
	[tilespmem:$0x91A0] =	vst v63  }
0xb5: {  	_ =	swait.ge [sflag:s15], $0x500  }
0xb6: {  	[sflag:s15] =	ssyncset.done $0x0  }
0xb7: {  	s20 =	simm.s32 $0x2850;
	[sflag:s15] =	ssyncadd.s32 $0xFFFFFB00  }
0xb8: {  	[spmem:s2] =	stream.indirect.scatter.add.f32 [tilespmem:s7], [sflag:$0xA], $0x10, s20, s31, $0xb8;
	[tilespmem:$0x91A0] =	vst v63  }
0xb9: {  	_ =	swait.ge [sflag:s16], $0x500  }
0xba: {  	[sflag:s16] =	ssyncset.done $0x0  }
0xbb: {  	s21 =	simm.s32 $0x280;
	[sflag:s16] =	ssyncadd.s32 $0xFFFFFB00  }
0xbc: {  	[tilespmem:s6], [sflag:$0x4] =	stream.indirect.gather [hbm4b:s4+s31], $0x10, s21, s31, $0xb8;
	[tilespmem:$0x91A0] =	vst v63  }
0xbd: {  	_ =	swait.ge [sflag:s17], $0x500  }
0xbe: {  	[sflag:s17] =	ssyncset.done $0x0  }
0xbf: {  	s19 =	simm.s32 $0x640;
	s20 =	simm.s32 $0x2D0;
	[sflag:s17] =	ssyncadd.s32 $0xFFFFFB00  }
.LBB2_2:
0xc0: {  	[tilespmem:s7], [sflag:$0x5] =	stream.indirect.gather [hbm4b:s4+s31], $0x10, s20, s31, $0xb8;
	[tilespmem:$0x91A0] =	vst v63  }
0xc1: {  	s20 =	smov.u32 s19  }
0xc2: {  	p1 =	sne.s32 s19, $0x8FC0;
	s19 =	sadd.s32 $0x640, s19;
	_ =	swait.ge [sflag:s8], $0x500  }
0xc3: {  	s20 =	sshra.s32 s20, $0x2;
	[sflag:s8] =	ssyncset.done $0x0  }
0xc4: {  	s21 =	sadd.s32 $0x2710, s20;
	[sflag:s8] =	ssyncadd.s32 $0xFFFFFB00  }
0xc5: {  	[spmem:s2] =	stream.indirect.scatter.add.f32 [tilespmem:s0], [sflag:$0x6], $0x10, s21, s31, $0xb8;
	[tilespmem:$0x91A0] =	vst v63  }
0xc6: {  	_ =	swait.ge [sflag:s9], $0x500  }
0xc7: {  	[sflag:s9] =	ssyncset.done $0x0  }
0xc8: {  	s21 =	sadd.s32 $0x2760, s20;
	[sflag:s9] =	ssyncadd.s32 $0xFFFFFB00  }
0xc9: {  	[spmem:s2] =	stream.indirect.scatter.add.f32 [tilespmem:s30], [sflag:$0x7], $0x10, s21, s31, $0xb8;
	[tilespmem:$0x91A0] =	vst v63  }
0xca: {  	_ =	swait.ge [sflag:s10], $0x500  }
0xcb: {  	[sflag:s10] =	ssyncset.done $0x0  }
0xcc: {  	s21 =	sadd.s32 $0x190, s20;
	[sflag:s10] =	ssyncadd.s32 $0xFFFFFB00  }
0xcd: {  	[tilespmem:s0], [sflag:$0x1] =	stream.indirect.gather [hbm4b:s4+s31], $0x10, s21, s31, $0xb8;
	[tilespmem:$0x91A0] =	vst v63  }
0xce: {  	_ =	swait.ge [sflag:s11], $0x500  }
0xcf: {  	[sflag:s11] =	ssyncset.done $0x0  }
0xd0: {  	s21 =	sadd.s32 $0x27B0, s20;
	[sflag:s11] =	ssyncadd.s32 $0xFFFFFB00  }
0xd1: {  	[spmem:s2] =	stream.indirect.scatter.add.f32 [tilespmem:s1], [sflag:$0x8], $0x10, s21, s31, $0xb8;
	[tilespmem:$0x91A0] =	vst v63  }
0xd2: {  	_ =	swait.ge [sflag:s12], $0x500  }
0xd3: {  	[sflag:s12] =	ssyncset.done $0x0  }
0xd4: {  	s21 =	sadd.s32 $0x1E0, s20;
	[sflag:s12] =	ssyncadd.s32 $0xFFFFFB00  }
0xd5: {  	[tilespmem:s30], [sflag:$0x2] =	stream.indirect.gather [hbm4b:s4+s31], $0x10, s21, s31, $0xb8;
	[tilespmem:$0x91A0] =	vst v63  }
0xd6: {  	_ =	swait.ge [sflag:s13], $0x500  }
0xd7: {  	[sflag:s13] =	ssyncset.done $0x0  }
0xd8: {  	s21 =	sadd.s32 $0x2800, s20;
	[sflag:s13] =	ssyncadd.s32 $0xFFFFFB00  }
0xd9: {  	[spmem:s2] =	stream.indirect.scatter.add.f32 [tilespmem:s6], [sflag:$0x9], $0x10, s21, s31, $0xb8;
	[tilespmem:$0x91A0] =	vst v63  }
0xda: {  	_ =	swait.ge [sflag:s14], $0x500  }
0xdb: {  	[sflag:s14] =	ssyncset.done $0x0  }
0xdc: {  	s21 =	sadd.s32 $0x230, s20;
	[sflag:s14] =	ssyncadd.s32 $0xFFFFFB00  }
0xdd: {  	[tilespmem:s1], [sflag:$0x3] =	stream.indirect.gather [hbm4b:s4+s31], $0x10, s21, s31, $0xb8;
	[tilespmem:$0x91A0] =	vst v63  }
0xde: {  	_ =	swait.ge [sflag:s15], $0x500  }
0xdf: {  	[sflag:s15] =	ssyncset.done $0x0  }
0xe0: {  	s21 =	sadd.s32 $0x2850, s20;
	[sflag:s15] =	ssyncadd.s32 $0xFFFFFB00  }
0xe1: {  	[spmem:s2] =	stream.indirect.scatter.add.f32 [tilespmem:s7], [sflag:$0xA], $0x10, s21, s31, $0xb8;
	[tilespmem:$0x91A0] =	vst v63  }
0xe2: {  	_ =	swait.ge [sflag:s16], $0x500  }
0xe3: {  	[sflag:s16] =	ssyncset.done $0x0  }
.Ltmp0:
0xe4: {  	s21 =	sadd.s32 $0x280, s20;
	[sflag:s16] =	ssyncadd.s32 $0xFFFFFB00;
	(pc) =	sbr.rel @p1 .LBB2_2-.Ltmp0, $4  }
0xe5: {  	[tilespmem:s6], [sflag:$0x4] =	stream.indirect.gather [hbm4b:s4+s31], $0x10, s21, s31, $0xb8;
	[tilespmem:$0x91A0] =	vst v63  }
0xe6: {  	_ =	swait.ge [sflag:s17], $0x500  }
0xe7: {  	[sflag:s17] =	ssyncset.done $0x0  }
0xe8: {  	s20 =	sadd.s32 $0x2D0, s20;
	[sflag:s17] =	ssyncadd.s32 $0xFFFFFB00  }
0xe9: {  	[tilespmem:s7], [sflag:$0x5] =	stream.indirect.gather [hbm4b:s4+s31], $0x10, s20, s31, $0xb8;
	[tilespmem:$0x91A0] =	vst v63  }
0xea: {  	_ =	swait.ge [sflag:s8], $0x500  }
0xeb: {  	[sflag:s8] =	ssyncset.done $0x0  }
0xec: {  	s19 =	simm.s32 $0x4C90;
	[sflag:s8] =	ssyncadd.s32 $0xFFFFFB00  }
0xed: {  	[spmem:s2] =	stream.indirect.scatter.add.f32 [tilespmem:s0], [sflag:$0x6], $0x10, s19, s31, $0xb8;
	[tilespmem:$0x91A0] =	vst v63  }
0xee: {  	_ =	swait.ge [sflag:s9], $0x500  }
0xef: {  	[sflag:s9] =	ssyncset.done $0x0  }
0xf0: {  	s20 =	simm.s32 $0x4CE0;
	[sflag:s9] =	ssyncadd.s32 $0xFFFFFB00  }
0xf1: {  	[spmem:s2] =	stream.indirect.scatter.add.f32 [tilespmem:s30], [sflag:$0x7], $0x10, s20, s31, $0xb8;
	[tilespmem:$0x91A0] =	vst v63  }
0xf2: {  	_ =	swait.ge [sflag:s11], $0x500  }
0xf3: {  	[sflag:s11] =	ssyncset.done $0x0  }
0xf4: {  	s21 =	simm.s32 $0x4D30;
	[sflag:s11] =	ssyncadd.s32 $0xFFFFFB00  }
0xf5: {  	[spmem:s2] =	stream.indirect.scatter.add.f32 [tilespmem:s1], [sflag:$0x8], $0x10, s21, s31, $0xb8;
	[tilespmem:$0x91A0] =	vst v63  }
0xf6: {  	_ =	swait.ge [sflag:s13], $0x500  }
0xf7: {  	[sflag:s13] =	ssyncset.done $0x0  }
0xf8: {  	s20 =	simm.s32 $0x4D80;
	[sflag:s13] =	ssyncadd.s32 $0xFFFFFB00  }
0xf9: {  	[spmem:s2] =	stream.indirect.scatter.add.f32 [tilespmem:s6], [sflag:$0x9], $0x10, s20, s31, $0xb8;
	[tilespmem:$0x91A0] =	vst v63  }
0xfa: {  	_ =	swait.ge [sflag:s15], $0x500  }
0xfb: {  	[sflag:s15] =	ssyncset.done $0x0  }
0xfc: {  	s21 =	simm.s32 $0x4DD0;
	[sflag:s15] =	ssyncadd.s32 $0xFFFFFB00  }
0xfd: {  	[spmem:s2] =	stream.indirect.scatter.add.f32 [tilespmem:s7], [sflag:$0xA], $0x10, s21, s31, $0xb8;
	[tilespmem:$0x91A0] =	vst v63  }
0xfe: {  	_ =	swait.ge [sflag:s10], $0x500  }
0xff: {  	[sflag:s10] =	ssyncset.done $0x0  }
0x100: {  	[sflag:s10] =	ssyncadd.s32 $0xFFFFFB00  }
0x101: {  	_ =	swait.ge [sflag:s12], $0x500  }
0x102: {  	[sflag:s12] =	ssyncset.done $0x0  }
0x103: {  	[sflag:s12] =	ssyncadd.s32 $0xFFFFFB00  }
0x104: {  	_ =	swait.ge [sflag:s14], $0x500  }
0x105: {  	[sflag:s14] =	ssyncset.done $0x0  }
0x106: {  	[sflag:s14] =	ssyncadd.s32 $0xFFFFFB00  }
0x107: {  	_ =	swait.ge [sflag:s16], $0x500  }
0x108: {  	[sflag:s16] =	ssyncset.done $0x0  }
0x109: {  	[sflag:s16] =	ssyncadd.s32 $0xFFFFFB00  }
0x10a: {  	_ =	swait.ge [sflag:s17], $0x500  }
0x10b: {  	[sflag:s17] =	ssyncset.done $0x0  }
0x10c: {  	[sflag:s17] =	ssyncadd.s32 $0xFFFFFB00  }
0x10d: {  	s19 =	simm.s32 @p0 $0x1FCB;
	[bflag:$0x0] =	sbarrier.arrive $0xFFFF  }
0x10e: {  	[hbm:s24], [sflag:s19] =	dma.local @p0 [spmem:s26], $0x320  }
0x10f: {  	s18 =	sadd.s32 $0x1, s18;
	s19 =	simm.s32 @p0 $0xB  }
0x110: {  	p1 =	sne.s32 s18, s25;
	s20 =	stileid.u32;
	_ =	swait.ge @p0 [sflag:s19], $0x320  }
0x111: {  	s20 =	sshll.u32 @!p0 s20, $0x6;
	[sflag:s19] =	ssyncset.done @p0 $0x0;
	s21 =	rddreg [dreg:$0x12]  }
0x112: {  	[sflag:s19] =	ssyncadd.s32 @p0 $0xFFFFFCE0;
	s19 =	sor.u32 @!p0 $0x1C0B, s20;
	s20 =	sshrl.u32 @!p0 s5, $0x3  }
0x113: {  	[hbm:s21], [sflag:s19] =	dma.local @!p0 [spmem:s20], $0x500  }
.Ltmp1:
0x114: {  	_ = 	snop;
	(pc) =	sbr.rel @p1 .LBB2_1-.Ltmp1, $4  }
0x115: {  	s19 =	simm.s32 @!p0 $0xB  }
0x116: {  	_ =	swait.ge @!p0 [sflag:s19], $0x500  }
0x117: {  	[sflag:s19] =	ssyncset.done @!p0 $0x0  }
0x118: {  	[sflag:s19] =	ssyncadd.s32 @!p0 $0xFFFFFB00  }
0x119: {  	_ =	sfence.sel $0x180000  }
0x11a: {  	[bflag:$0x0] =	sbarrier.arrive $0xFFFF  }
0x11b: {  	_ =	strace $0x9000004A  }
0x11c: {  	s0 =	stileid.u32;
	[bflag:$0x2] =	sbarrier.arrive $0xFFFF  }
0x11d: {  	p0 =	sne.s32 s0, $0x0;
	s0 =	rddreg [dreg:$0x3]  }
0x11e: {  	s0 =	sadd.s32 @!p0 $0x100000, s0  }
0x11f: {  	[sflag:s0] =	ssyncadd.tile.s32 @!p0 $0x1;
	_ =	shalt  }
.Lfunc_end2:
_tile_overlayer_lowered:
.L_overlay_start_2:
0x120: {  	(tag) =	ssettag $0x2  }
0x121: {  	s0 =	rddreg [dreg:$0x0];
	s2 =	stileid.u32  }
0x122: {  	s1 =	rddreg [dreg:$0x1];
	p0 =	sne.s32 s2, $0x0  }
0x123: {  	s3 =	rddreg [dreg:$0x2];
	[bflag:$0x3] =	sbarrier.arrive $0xFFFF;
	s2 =	simm.s32 @!p0 $0x1C0B  }
0x124: {  	[timem:s3], [sflag:s2] =	dma.local @!p0 [hbm:s0], s1  }
0x125: {  	s0 =	simm.s32 @!p0 $0xB  }
0x126: {  	_ =	swait.ge @!p0 [sflag:s0], s1  }
0x127: {  	s1 =	ssub.s32 @!p0 $0x0, s1;
	[sflag:s0] =	ssyncset.done @!p0 $0x0  }
0x128: {  	[sflag:s0] =	ssyncadd.s32 @!p0 s1  }
0x129: {  	[bflag:$0x3] =	sbarrier.arrive $0xFFFF  }
0x12a: {  	_ =	shalt  }

// kernel: kernel.13.cloned.1.call-start
scs
__scs_entry_jumppad:
0x0: {  	(pc) =	sbr.rel $0x88, $3  }
0x1: {  	(tag) =	ssettag $0x0;
	lr =	simm.s32 $0x1  }
0x2: {  	[smem:$0x3F9B] =	sst lr;
	_ =	strace $0xD0000000  }
0x3: {  	_ = 	snop  }
0x4: {  	_ = 	snop  }
0x5: {  	_ = 	snop  }
0x6: {  	_ = 	snop  }
0x7: {  	_ = 	snop  }
__scs_overlays_trampoline_lowered:
0x8: {  	[smem:$0x3FAA] =	sst s0  }
0x9: {  	[smem:$0x3FAB] =	sst s1  }
0xa: {  	[smem:$0x3FAC] =	sst s2  }
0xb: {  	[smem:$0x3FAD] =	sst s3  }
0xc: {  	[smem:$0x3FAE] =	sst s4  }
0xd: {  	[smem:$0x3FAF] =	sst s5  }
0xe: {  	[smem:$0x3FB0] =	sst s6  }
0xf: {  	[smem:$0x3FB1] =	sst s7  }
0x10: {  	[smem:$0x3FB2] =	sst s8  }
0x11: {  	[smem:$0x3FB3] =	sst s9;
	s0 =	simm.s32 @!p0 $0x0  }
0x12: {  	s1 =	sld [smem:$0x3F99];
	s0 =	simm.s32 @p0 $0x1  }
0x13: {  	[smem:$0x3FB4] =	sst s0;
	s0 =	simm.s32 @!p1 $0x0  }
0x14: {  	s2 =	sld [smem:$0x3F98];
	s0 =	simm.s32 @p1 $0x1  }
0x15: {  	[smem:$0x3FB5] =	sst s0;
	s0 =	simm.s32 @!p2 $0x0  }
0x16: {  	s3 =	sld [smem:$0x3FDB];
	s0 =	simm.s32 @p2 $0x1  }
0x17: {  	s4 =	simm.s32 $0x1BF5;
	[smem:$0x3FB7] =	sst s0  }
0x18: {  	s0 =	sld [smem:$0x3F9A];
	_ =	swait.ge [sflag:s4], $0x0  }
0x19: {  	s7 =	sld [smem:$0x3F9B]  }
0x1a: {  	s8 =	sadd.s32 $0xFFFFE003, lr  }
0x1b: {  	s9 =	sadd.s32 $0xFFFFFEF7, lr;
	s5 =	simm.s32 $0xFFFFFFFF;
	p2 =	slt.u32 s8, $0xFFFFF086  }
0x1c: {  	p1 =	slt.u32 s9, $0xF7A;
	s5 =	simm.s32 @!p2 $0x0  }
0x1d: {  	s5 =	simm.s32 @p1 $0x1;
	p0 =	seq.s32 s7, s2  }
0x1e: {  	s7 =	smul.u32 @!p0 $0xF7A, s2;
	p2 =	seq.s32 @!p0 s5, $0x0  }
0x1f: {  	s9 =	smul.u32 $0xF7A, s1;
	s8 =	simm.s32 @!p0 $0x1BF5;
	p2 =	por !p2, p0  }
0x20: {  	[sflag:s8] =	ssyncset.s32 @!p0 $0xFFFFF086;
	s6 =	sadd.s32 @!p0 s3, s7;
	s7 =	simm.s32 @!p0 $0x108  }
0x21: {  	s3 =	sadd.s32 s3, s9;
	s6 =	sadd.s32 @!p0 $0x88, s6;
	s7 =	simm.s32 @p2 $0x1082  }
0x22: {  	[simem:s7], [sflag:s8] =	dma.local @!p0 [hbm:s6], $0xF7A  }
0x23: {  	s9 =	sor.u32 $0xD0000000, s2;
	s6 =	simm.s32 $0x108;
	_ =	swait.ge @!p0 [sflag:s8], $0x0  }
0x24: {  	s3 =	sadd.s32 $0x88, s3;
	s6 =	simm.s32 @!p1 $0x1082;
	[sflag:s4] =	ssyncset.s32 $0xFFFFF086  }
0x25: {  	[simem:s6], [sflag:s4] =	dma.local [hbm:s3], $0xF7A  }
0x26: {  	[smem:$0x3F9B] =	sst s1;
	(tag) =	ssettag s2;
	_ =	strace s9  }
0x27: {  	s1 =	sld [smem:$0x3FAB]  }
0x28: {  	s2 =	sld [smem:$0x3FAC]  }
0x29: {  	s4 =	sld [smem:$0x3FAE]  }
0x2a: {  	p0 =	seq.s32 s5, $0x0;
	s5 =	sld [smem:$0x3FAF]  }
0x2b: {  	s6 =	sld [smem:$0x3FB0]  }
0x2c: {  	s7 =	sld [smem:$0x3FB1]  }
0x2d: {  	s3 =	simm.s32 $0x108;
	s8 =	sld [smem:$0x3FB2]  }
0x2e: {  	s3 =	simm.s32 @!p0 $0x1082;
	s9 =	sld [smem:$0x3FB3]  }
0x2f: {  	lr =	sadd.s32 s0, s3;
	s0 =	sld [smem:$0x3FAA]  }
0x30: {  	s3 =	sld [smem:$0x3FAD]  }
0x31: {  	[smem:$0x3FB6] =	sst s10  }
0x32: {  	s10 =	sld [smem:$0x3FB4];
	_ =	sdelay $0x3  }
0x33: {  	p0 =	seq.s32 s10, $0x1;
	s10 =	sld [smem:$0x3FB6];
	_ =	sdelay $0x3  }
0x34: {  	[smem:$0x3FB6] =	sst s10  }
0x35: {  	s10 =	sld [smem:$0x3FB5];
	_ =	sdelay $0x3  }
0x36: {  	p1 =	seq.s32 s10, $0x1;
	s10 =	sld [smem:$0x3FB6];
	_ =	sdelay $0x3  }
0x37: {  	[smem:$0x3FB6] =	sst s10  }
0x38: {  	s10 =	sld [smem:$0x3FB7]  }
0x39: {  	_ = 	snop;
	(pc) =	sbr.ind lr, $3  }
0x3a: {  	_ = 	snop  }
0x3b: {  	_ = 	snop  }
0x3c: {  	p2 =	seq.s32 s10, $0x1;
	s10 =	sld [smem:$0x3FB6]  }
0x3d: {  	_ =	shalt  }
0x3e: {  	_ =	shalt  }
0x3f: {  	_ =	shalt  }
0x40: {  	_ =	shalt  }
0x41: {  	_ =	shalt  }
0x42: {  	_ =	shalt  }
0x43: {  	_ =	shalt  }
0x44: {  	_ =	shalt  }
0x45: {  	_ =	shalt  }
0x46: {  	_ =	shalt  }
0x47: {  	_ =	shalt  }
0x48: {  	_ =	shalt  }
0x49: {  	_ =	shalt  }
0x4a: {  	_ =	shalt  }
0x4b: {  	_ =	shalt  }
0x4c: {  	_ =	shalt  }
0x4d: {  	_ =	shalt  }
0x4e: {  	_ =	shalt  }
0x4f: {  	_ =	shalt  }
0x50: {  	_ =	shalt  }
0x51: {  	_ =	shalt  }
0x52: {  	_ =	shalt  }
0x53: {  	_ =	shalt  }
0x54: {  	_ =	shalt  }
0x55: {  	_ =	shalt  }
0x56: {  	_ =	shalt  }
0x57: {  	_ =	shalt  }
0x58: {  	_ =	shalt  }
0x59: {  	_ =	shalt  }
0x5a: {  	_ =	shalt  }
0x5b: {  	_ =	shalt  }
0x5c: {  	_ =	shalt  }
0x5d: {  	_ =	shalt  }
0x5e: {  	_ =	shalt  }
0x5f: {  	_ =	shalt  }
0x60: {  	_ =	shalt  }
0x61: {  	_ =	shalt  }
0x62: {  	_ =	shalt  }
0x63: {  	_ =	shalt  }
0x64: {  	_ =	shalt  }
0x65: {  	_ =	shalt  }
0x66: {  	_ =	shalt  }
0x67: {  	_ =	shalt  }
0x68: {  	_ =	shalt  }
0x69: {  	_ =	shalt  }
0x6a: {  	_ =	shalt  }
0x6b: {  	_ =	shalt  }
0x6c: {  	_ =	shalt  }
0x6d: {  	_ =	shalt  }
0x6e: {  	_ =	shalt  }
0x6f: {  	_ =	shalt  }
0x70: {  	_ =	shalt  }
0x71: {  	_ =	shalt  }
0x72: {  	_ =	shalt  }
0x73: {  	_ =	shalt  }
0x74: {  	_ =	shalt  }
0x75: {  	_ =	shalt  }
0x76: {  	_ =	shalt  }
0x77: {  	_ =	shalt  }
0x78: {  	_ =	shalt  }
0x79: {  	_ =	shalt  }
0x7a: {  	_ =	shalt  }
0x7b: {  	_ =	shalt  }
0x7c: {  	_ =	shalt  }
0x7d: {  	_ =	shalt  }
0x7e: {  	_ =	shalt  }
0x7f: {  	_ =	shalt  }
0x80: {  	_ =	shalt  }
0x81: {  	_ =	shalt  }
0x82: {  	_ =	shalt  }
0x83: {  	_ =	shalt  }
0x84: {  	_ =	shalt  }
0x85: {  	_ =	shalt  }
0x86: {  	_ =	shalt  }
0x87: {  	_ =	shalt  }
.Lfunc_end0:
.L_simem_size_0:
called_computation.2_lowered:
.L_overlay_start_0:
0x88: {  	s2 =	sld [smem:$0x3FD9]  }
0x89: {  	s3 =	sld [smem:$0x3FFE];
	_ =	sdelay $0x1  }
0x8a: {  	s1 =	srdreg.scid  }
0x8b: {  	s0 =	sand.u32 $0x1, s1  }
0x8c: {  	s17 =	sshll.u32 s0, $0xA;
	s2 =	sadd.s32 s3, s2  }
0x8d: {  	s2 =	sadd.s32 s2, s17  }
0x8e: {  	[smem:$0x3FC2] =	sst s2  }
0x8f: {  	_ = 	snop  }
0x90: {  	s2 =	sld [smem:$0x3FC6]  }
0x91: {  	s18 =	sld [smem:$0x3FD0];
	(tm) =	ssettm $0x1  }
0x92: {  	s4 =	sld [smem:$0x3FFB];
	_ =	sdelay $0x3  }
0x93: {  	_ =	strace s4  }
0x94: {  	s4 =	sld [smem:$0x3FFC];
	_ =	sdelay $0x3  }
0x95: {  	_ =	strace s4  }
0x96: {  	s4 =	sld [smem:$0x3FFD];
	_ =	sdelay $0x3  }
0x97: {  	_ =	strace s4  }
0x98: {  	_ =	strace $0x8FFFFFFF  }
0x99: {  	s19 =	sld [smem:$0x3FDB];
	_ =	sdelay $0x1  }
0x9a: {  	s5 =	simm.s32 $_scs_section_size  }
0x9b: {  	s6 =	simm.s32 $_size__tile_overlayer_lowered;
	s7 =	simm.s32 $_tile_overlayer_lowered  }
0x9c: {  	s22 =	simm.s32 $0x1BFF;
	s21 =	sshll.u32 s7, $0x1;
	s4 =	sadd.s32 s5, s19  }
0x9d: {  	s8 =	simm.s32 $0x0;
	s20 =	sshll.u32 s6, $0x1;
	s6 =	sadd.s32 s21, s4  }
0x9e: {  	[timem:s8], [sflag:s22] =	dma.local [hbm:s6], s20  }
0x9f: {  	_ =	swait.ge [sflag:s22], s20  }
0xa0: {  	s5 =	ssub.s32 $0x0, s20;
	[sflag:s22] =	ssyncset.done $0x0  }
0xa1: {  	[sflag:s22] =	ssyncadd.s32 s5;
	_ =	sdelay $0x1  }
0xa2: {  	s23 =	simm.s32 $0x1B8B  }
0xa3: {  	_ =	swait.ge [sflag:s23], $0x1  }
0xa4: {  	[sflag:s23] =	ssyncset.done $0x0  }
0xa5: {  	s25 =	simm.s32 $0x1B8E;
	s24 =	sld [smem:$0x3FFE];
	[sflag:s23] =	ssyncadd.s32 $0xFFFFFFFF  }
0xa6: {  	s26 =	simm.s32 $execute0_lowered;
	[smem:$0x3FD2] =	sst s25  }
0xa7: {  	s6 =	sshll.u32 s26, $0x1;
	_ =	strace $0x8000004C;
	[dreg:$0x1] =	wrdreg $0xFFFFFFFF  }
0xa8: {  	s28 =	simm.s32 $_size_execute0_lowered;
	s4 =	sadd.s32 s4, s6;
	[dreg:$0x0] =	wrdreg $0x0  }
0xa9: {  	s6 =	sshll.u32 s28, $0x1;
	[dreg:$0x2] =	wrdreg s4  }
0xaa: {  	[dreg:$0x3] =	wrdreg s6  }
0xab: {  	[dreg:$0x4] =	wrdreg $0xC0  }
0xac: {  	_ =	task [dreg:s8], $0x5FFFF  }
0xad: {  	[dreg:$0x1] =	wrdreg $0xFFFFFFFF  }
0xae: {  	[dreg:$0x0] =	wrdreg $0x60  }
0xaf: {  	[dreg:$0x2] =	wrdreg s24  }
0xb0: {  	[dreg:$0x3] =	wrdreg s2  }
0xb1: {  	[dreg:$0x4] =	wrdreg s18  }
0xb2: {  	[dreg:$0x5] =	wrdreg $0x131B00  }
0xb3: {  	[dreg:$0x6] =	wrdreg $0x159B00  }
0xb4: {  	[dreg:$0x7] =	wrdreg $0x9  }
0xb5: {  	_ =	task.clear_ibuf [dreg:s8], $0x8FFFF;
	_ =	strace $0x9000004C  }
0xb6: {  	s29 =	simm.s32 $0x9;
	_ =	strace $0x8000004E  }
0xb7: {  	_ =	swait.ge [sflag:s29], $0x1  }
0xb8: {  	[sflag:s29] =	ssyncadd.s32 $0xFFFFFFFF  }
0xb9: {  	_ =	strace $0x9000004E  }
0xba: {  	_ =	sfence  }
0xbb: {  	s30 =	sld [smem:$0x0];
	_ =	sdelay $0x2  }
0xbc: {  	s31 =	sshll.u32 s1, $0xD;
	s1 =	sshrl.u32 s1, $0x2  }
0xbd: {  	s3 =	sand.u32 $0x4000, s31;
	s1 =	sadd.s32 s1, s30  }
0xbe: {  	s0 =	sor.u32 s3, s0;
	s1 =	sshll.u32 s1, $0x11  }
0xbf: {  	s0 =	sor.u32 s1, s0  }
0xc0: {  	s0 =	sadd.s32 $0x8F2B, s0  }
0xc1: {  	[sflag:s0] =	ssyncadd.remote.s32 $0x1  }
0xc2: {  	_ =	sfence.sel $0xFFFF  }
0xc3: {  	[dreg:$0x0] =	wrdreg $0xFFFFFFFF;
	(pc) =	sbr.abs _section_cstart, $3  }
0xc4: {  	[dreg:$0x1] =	wrdreg $0xFFFFFFFF  }
0xc5: {  	_ =	task.clear_ibuf [dreg:s8], $0x2FFFF;
	_ =	strace $0x9FFFFFFF  }
0xc6: {  	(tm) =	ssettm $0x7FFFFFFF  }
0xc7: {  	_ =	shalt  }
tec
execute0_lowered:
.L_overlay_start_1:
0x0: {  	(tag) =	ssettag $0x1  }
0x1: {  	s0 =	rddreg [dreg:$0x0]  }
0x2: {  	s1 =	rddreg [dreg:$0x2]  }
0x3: {  	s2 =	rddreg [dreg:$0x3]  }
0x4: {  	s3 =	srdreg.scid;
	s16 =	stileid.u32  }
0x5: {  	s4 =	rddreg [dreg:$0x4];
	s7 =	simm.s32 $0x0;
	s6 =	smul.u32 $0x2800, s16  }
0x6: {  	s3 =	sand.u32 $0x1, s3;
	[smem:$0x7FF] =	sst s7;
	s23 =	smul.u32 $0xA000, s16  }
0x7: {  	p1 =	seq.s32 s16, $0xF;
	s5 =	sshll.u32 s3, $0x4;
	_ =	strace $0x8000004D  }
0x8: {  	s5 =	sor.u32 s16, s5;
	s22 =	sshrl.u32 s6, $0x3;
	s26 =	sadd.s32 s6, s2  }
0x9: {  	s16 =	sadd.s32 $0x25800, s2;
	s7 =	sadd.s32 s22, s0;
	[dreg:$0xa] =	wrdreg s26  }
0xa: {  	[dreg:$0x1f] =	wrdreg s16;
	s11 =	sadd.s32 $0x11000, s7  }
0xb: {  	s24 =	sadd.s32 $0x15E20, s7;
	[dreg:$0x6] =	wrdreg s11  }
0xc: {  	s5 =	smul.u32 $0x4E2, s5;
	s25 =	sadd.s32 $0xC000, s7;
	[dreg:$0x7] =	wrdreg s24  }
0xd: {  	s7 =	sadd.s32 $0x1AE00, s7;
	[dreg:$0x8] =	wrdreg s25;
	s11 =	sshrl.u32 s23, $0x2  }
0xe: {  	[dreg:$0x9] =	wrdreg s7;
	s1 =	sadd.s32 s1, s5;
	s7 =	sadd.s32 s11, s4  }
0xf: {  	[dreg:$0x10] =	wrdreg s1;
	s13 =	sadd.s32 $0x280, s7  }
0x10: {  	s14 =	sadd.s32 $0x500, s7;
	[dreg:$0xb] =	wrdreg s13  }
0x11: {  	s15 =	sadd.s32 $0x780, s7;
	[dreg:$0xc] =	wrdreg s14  }
0x12: {  	s17 =	sadd.s32 $0xA00, s7;
	[dreg:$0xd] =	wrdreg s15  }
0x13: {  	s12 =	sadd.s32 $0x1FE00, s0;
	s18 =	sadd.s32 $0xC80, s7;
	[dreg:$0xe] =	wrdreg s17  }
0x14: {  	s8 =	ssub.s32 $0x2, s3;
	s20 =	sadd.s32 $0xF00, s7;
	[dreg:$0xf] =	wrdreg s18  }
0x15: {  	p0 =	seq.s32 s3, $0x1;
	s22 =	sadd.s32 $0x1180, s7;
	[dreg:$0x11] =	wrdreg s20  }
0x16: {  	s3 =	smul.u32 $0x27100, s3;
	s23 =	sadd.s32 $0x1400, s7;
	[dreg:$0x12] =	wrdreg s22  }
0x17: {  	s10 =	sshrl.u32 s8, $0x1;
	s24 =	sadd.s32 $0x1680, s7;
	[dreg:$0x13] =	wrdreg s23  }
0x18: {  	s9 =	sadd.s32 s5, s0;
	s25 =	sadd.s32 $0x1900, s7;
	[dreg:$0x14] =	wrdreg s24  }
0x19: {  	s11 =	sadd.s32 s6, s4;
	s26 =	sadd.s32 $0x1B80, s7;
	[dreg:$0x15] =	wrdreg s25  }
0x1a: {  	s6 =	sadd.s32 s6, s3;
	s5 =	sadd.s32 $0x1E00, s7;
	[dreg:$0x16] =	wrdreg s26  }
0x1b: {  	s19 =	sshrl.u32 s6, $0x3;
	s6 =	sadd.s32 $0x2080, s7;
	[dreg:$0x17] =	wrdreg s5  }
0x1c: {  	s8 =	ssub.s32 s8, s10;
	s10 =	sadd.s32 $0x2300, s7;
	[dreg:$0x18] =	wrdreg s6  }
0x1d: {  	s31 =	simm.s32 $0x4E20;
	s1 =	sadd.s32 s12, s19;
	[dreg:$0x19] =	wrdreg s10  }
0x1e: {  	s30 =	simm.s32 $0x6220;
	s13 =	sadd.s32 $0x15B00, s0;
	[smem:$0x7F4] =	sst s1  }
0x1f: {  	s28 =	simm.s32 $0x12F30;
	s14 =	sadd.s32 $0x1A920, s0;
	[dreg:$0x1b] =	wrdreg s13  }
0x20: {  	s29 =	simm.s32 $0x0;
	s15 =	sadd.s32 $0x10B00, s0;
	[dreg:$0x1c] =	wrdreg s14  }
0x21: {  	s21 =	sshrl.u32 s3, $0x3;
	s0 =	sadd.s32 $0x1F900, s0;
	[dreg:$0x1d] =	wrdreg s15  }
0x22: {  	s16 =	simm.s32 $0x1;
	s17 =	sadd.s32 $0x25A80, s4;
	[dreg:$0x1e] =	wrdreg s0  }
0x23: {  	s18 =	sadd.s32 $0x25800, s4;
	s19 =	sadd.s32 $0x25D00, s4;
	[smem:$0x7F5] =	sst s17  }
0x24: {  	s20 =	sadd.s32 $0x25F80, s4;
	s22 =	sadd.s32 $0x26480, s4;
	[smem:$0x7F6] =	sst s19  }
0x25: {  	s23 =	sadd.s32 $0x26700, s4;
	s24 =	sadd.s32 $0x26980, s4;
	[smem:$0x7F7] =	sst s20  }
0x26: {  	s25 =	sadd.s32 $0x26C00, s4;
	s26 =	sadd.s32 $0x26E80, s4;
	[smem:$0x7F9] =	sst s22  }
0x27: {  	s5 =	simm.s32 $0xB;
	s6 =	simm.s32 $0x3;
	[smem:$0x7FA] =	sst s23  }
0x28: {  	s1 =	sadd.s32 s12, s21;
	s12 =	sadd.s32 $0x2580, s7;
	[smem:$0x7FB] =	sst s24  }
0x29: {  	s13 =	sadd.s32 $0x2200, s9;
	s15 =	smax.u32 s8, $0x1;
	[smem:$0x7FC] =	sst s25  }
0x2a: {  	s21 =	sadd.s32 $0x26200, s4;
	[smem:$0x7FD] =	sst s26;
	s19 =	simm.s32 $0xDF20  }
0x2b: {  	s0 =	simm.s32 $0x5320;
	s8 =	simm.s32 $0x5D20;
	s20 =	simm.s32 $0x2  }
0x2c: {  	s22 =	simm.s32 $0x7;
	s23 =	simm.s32 $0x4;
	s7 =	simm.s32 $0x8  }
0x2d: {  	s24 =	simm.s32 $0x5;
	s25 =	simm.s32 $0x9;
	[dreg:$0x1a] =	wrdreg s12  }
0x2e: {  	s9 =	simm.s32 $0xA;
	s14 =	sadd.s32 $0x4B00, s1;
	[smem:$0x7F8] =	sst s21  }
0x2f: {  	v0 =	vimm.f32 $0.0e+00;
	s1 =	simm.s32 $0x50;
	s12 =	simm.s32 $0x5820;
	s21 =	simm.s32 $0x6  }
.LBB2_1:
0x30: {  	s3 =	rddreg [dreg:$0x1];
	s10 =	simm.s32 $0x0;
	s17 =	simm.s32 $0x12F20  }
0x31: {  	[tilespmem:s17], [sflag:$0xB] =	stream.linear.gather [hbm4b:s3+s10], $0x10, $0x38;
	[tilespmem:$0x181B0] =	vst v63  }
0x32: {  	_ =	swait.ge [sflag:s5], $0x10  }
0x33: {  	[sflag:s5] =	ssyncset.done $0x0  }
0x34: {  	[sflag:s5] =	ssyncadd.s32 $0xFFFFFFF0  }
0x35: {  	[tilespmem:$0x12F30] =	vst v0  }
0x36: {  	[tilespmem:$0x12F40] =	vst v0  }
0x37: {  	[tilespmem:$0x12F50] =	vst v0  }
0x38: {  	[tilespmem:$0x12F60] =	vst v0  }
0x39: {  	[tilespmem:$0x12F70] =	vst v0  }
0x3a: {  	[tilespmem:$0x12F80] =	vst v0  }
0x3b: {  	[tilespmem:$0x12F90] =	vst v0  }
0x3c: {  	[tilespmem:$0x12FA0] =	vst v0  }
0x3d: {  	[tilespmem:$0x12FB0] =	vst v0  }
0x3e: {  	[tilespmem:$0x12FC0] =	vst v0  }
0x3f: {  	[tilespmem:$0x12FD0] =	vst v0  }
0x40: {  	[tilespmem:$0x12FE0] =	vst v0  }
0x41: {  	[tilespmem:$0x12FF0] =	vst v0  }
0x42: {  	[tilespmem:$0x13000] =	vst v0  }
0x43: {  	[tilespmem:$0x13010] =	vst v0  }
0x44: {  	[tilespmem:$0x13020] =	vst v0  }
0x45: {  	[tilespmem:$0x13030] =	vst v0  }
0x46: {  	[tilespmem:$0x13040] =	vst v0  }
0x47: {  	[tilespmem:$0x13050] =	vst v0  }
0x48: {  	[tilespmem:$0x13060] =	vst v0  }
0x49: {  	[tilespmem:$0x13070] =	vst v0  }
0x4a: {  	[tilespmem:$0x13080] =	vst v0  }
0x4b: {  	[tilespmem:$0x13090] =	vst v0  }
0x4c: {  	[tilespmem:$0x130A0] =	vst v0  }
0x4d: {  	[tilespmem:$0x130B0] =	vst v0  }
0x4e: {  	[tilespmem:$0x130C0] =	vst v0  }
0x4f: {  	[tilespmem:$0x130D0] =	vst v0  }
0x50: {  	[tilespmem:$0x130E0] =	vst v0  }
0x51: {  	[tilespmem:$0x130F0] =	vst v0  }
0x52: {  	[tilespmem:$0x13100] =	vst v0  }
0x53: {  	[tilespmem:$0x13110] =	vst v0  }
0x54: {  	[tilespmem:$0x13120] =	vst v0  }
0x55: {  	[tilespmem:$0x13130] =	vst v0  }
0x56: {  	[tilespmem:$0x13140] =	vst v0  }
0x57: {  	[tilespmem:$0x13150] =	vst v0  }
.Ltmp0:
0x58: {  	[tilespmem:$0x13160] =	vst v0;
	(pc) =	sbr.rel @!p1 .LBB2_2-.Ltmp0, $4  }
0x59: {  	[tilespmem:$0x13170] =	vst v0  }
0x5a: {  	[tilespmem:$0x13180] =	vst v0;
	v1 =	vld [tilespmem:$0x12F20]  }
0x5b: {  	[tilespmem:$0x13190] =	vst v0  }
0x5c: {  	s3 =	simm.s32 $0x0;
	[tilespmem:$0x131A0] =	vst v0  }
0x5d: {  	s10 =	rddreg [dreg:$0x1b];
	s17 =	simm.s32 $0x6720  }
0x5e: {  	[tilespmem:s17], [sflag:$0xB] =	stream.linear.gather [hbm4b:s10+s3], $0x1900, $0x38;
	[tilespmem:$0x181B0] =	vst v63  }
0x5f: {  	_ =	swait.ge [sflag:s5], $0x1900  }
0x60: {  	[sflag:s5] =	ssyncset.done $0x0  }
0x61: {  	s26 =	simm.s32 $0x8F20;
	s17 =	rddreg [dreg:$0x1c];
	[sflag:s5] =	ssyncadd.s32 $0xFFFFE700  }
0x62: {  	[tilespmem:s26], [sflag:$0xB] =	stream.linear.gather [hbm4b:s17+s3], $0x1900, $0x38;
	[tilespmem:$0x181B0] =	vst v63  }
0x63: {  	_ =	swait.ge [sflag:s5], $0x1900  }
0x64: {  	[sflag:s5] =	ssyncset.done $0x0  }
0x65: {  	s26 =	simm.s32 $0xB720;
	s17 =	rddreg [dreg:$0x1d];
	[sflag:s5] =	ssyncadd.s32 $0xFFFFE700  }
0x66: {  	[tilespmem:s26], [sflag:$0xB] =	stream.linear.gather [hbm4b:s17+s3], $0x1900, $0x38;
	[tilespmem:$0x181B0] =	vst v63  }
0x67: {  	_ =	swait.ge [sflag:s5], $0x1900  }
0x68: {  	[sflag:s5] =	ssyncset.done $0x0  }
0x69: {  	s26 =	simm.s32 $0x10720;
	s17 =	rddreg [dreg:$0x1e];
	[sflag:s5] =	ssyncadd.s32 $0xFFFFE700  }
0x6a: {  	[tilespmem:s26], [sflag:$0xB] =	stream.linear.gather [hbm4b:s17+s3], $0x1900, $0x38;
	[tilespmem:$0x181B0] =	vst v63  }
0x6b: {  	_ =	swait.ge [sflag:s5], $0x1900  }
0x6c: {  	[sflag:s5] =	ssyncset.done $0x0  }
0x6d: {  	s3 =	simm.s32 $0x0;
	[sflag:s5] =	ssyncadd.s32 $0xFFFFE700  }
0x6e: {  	v2 =	vld [tilespmem:s3+$0x6720]  }
0x6f: {  	v3 =	vld [tilespmem:s3+$0x8F20];
	_ =	sdelay $0x1  }
0x70: {  	v4 =	vld [tilespmem:s3+$0xB720];
	_ =	sdelay $0x1  }
0x71: {  	s26 =	simm.s32 $0x10;
	v6 =	vld [tilespmem:s3+$0x10720]  }
0x72: {  	v5 =	vld [tilespmem:s26+$0x6720];
	v2 =	vadd.f32 v3, v2  }
0x73: {  	v3 =	vld [tilespmem:s26+$0x8F20]  }
0x74: {  	v2 =	vadd.f32 v4, v2  }
0x75: {  	v4 =	vld [tilespmem:s26+$0xB720]  }
0x76: {  	v7 =	vmul.f32 v2, v6  }
0x77: {  	v2 =	vld [tilespmem:s26+$0x10720]  }
0x78: {  	s10 =	simm.s32 $0x20;
	v5 =	vadd.f32 v3, v5;
	v7 =	vadd.f32 v7, v1  }
0x79: {  	v3 =	vld [tilespmem:s10+$0x6720]  }
0x7a: {  	v8 =	vadd.f32 v4, v5;
	v4 =	vld [tilespmem:s10+$0x8F20];
	v7 =	vmax.f32 v7, $0.0e+00  }
0x7b: {  	v7 =	vmul.f32 v7, v6  }
0x7c: {  	s17 =	simm.s32 $0xC0;
	v5 =	vld [tilespmem:s10+$0xB720];
	v6 =	vmul.f32 v8, v2  }
.LBB2_8:
0x7d: {  	v8 =	vld [tilespmem:s10+$0x10720];
	[tilespmem:s3+$0xDF20] =	vst v7;
	s3 =	smov.u32 s26  }
0x7e: {  	s26 =	smov.u32 s10;
	s10 =	sshra.s32 s17, $0x2;
	p2 =	sne.s32 s17, $0x63C0  }
.Ltmp1:
0x7f: {  	s17 =	sadd.s32 $0x40, s17;
	v7 =	vadd.f32 v4, v3;
	v3 =	vld [tilespmem:s10+$0x6720];
	v6 =	vadd.f32 v6, v1;
	(pc) =	sbr.rel @p2 .LBB2_8-.Ltmp1, $4  }
0x80: {  	v4 =	vld [tilespmem:s10+$0x8F20]  }
0x81: {  	v9 =	vadd.f32 v5, v7;
	v6 =	vmax.f32 v6, $0.0e+00  }
0x82: {  	v5 =	vld [tilespmem:s10+$0xB720];
	v7 =	vmul.f32 v6, v2  }
0x83: {  	v6 =	vmul.f32 v9, v8;
	v2 =	vmov v8  }
0x84: {  	v8 =	vld [tilespmem:s10+$0x10720]  }
0x85: {  	v3 =	vadd.f32 v4, v3;
	_ =	sdelay $0x1  }
0x86: {  	v3 =	vadd.f32 v5, v3;
	_ =	sdelay $0x1  }
0x87: {  	v3 =	vmul.f32 v3, v8  }
0x88: {  	v63 =	vadd.f32 v6, v1  }
0x89: {  	v1 =	vadd.f32 v3, v1  }
0x8a: {  	v3 =	vmax.f32 v63, $0.0e+00  }
0x8b: {  	v2 =	vmul.f32 v3, v2;
	v1 =	vmax.f32 v1, $0.0e+00  }
0x8c: {  	[tilespmem:s3+$0xDF20] =	vst v7;
	v1 =	vmul.f32 v1, v8  }
0x8d: {  	[tilespmem:s26+$0xDF20] =	vst v2  }
0x8e: {  	s26 =	rddreg [dreg:$0x1f];
	[tilespmem:s10+$0xDF20] =	vst v1  }
0x8f: {  	[spmem:s26] =	stream.linear.scatter [tilespmem:s19], [sflag:$0xB], $0x1900, $0x38;
	[tilespmem:$0x181B0] =	vst v63  }
0x90: {  	_ =	swait.ge [sflag:s5], $0x1900  }
0x91: {  	[sflag:s5] =	ssyncset.done $0x0  }
0x92: {  	s3 =	simm.s32 @p0 $0x12F30;
	s10 =	simm.s32 @p0 $0xB;
	[sflag:s5] =	ssyncadd.s32 $0xFFFFE700  }
0x93: {  	[spmem:s18] =	stream.linear.scatter @p0 [tilespmem:s3], [sflag:$0xB], $0x280, $0x38;
	[tilespmem:$0x181B0] =	vst v63  }
0x94: {  	_ =	swait.ge @p0 [sflag:s10], $0x280  }
0x95: {  	s17 =	sld [smem:$0x7F5]  }
0x96: {  	[sflag:s10] =	ssyncset.done @p0 $0x0  }
0x97: {  	[sflag:s10] =	ssyncadd.s32 @p0 $0xFFFFFD80  }
0x98: {  	[spmem:s17] =	stream.linear.scatter @p0 [tilespmem:s3], [sflag:$0xB], $0x280, $0x38;
	[tilespmem:$0x181B0] =	vst v63  }
0x99: {  	_ =	swait.ge @p0 [sflag:s10], $0x280  }
0x9a: {  	s17 =	sld [smem:$0x7F6]  }
0x9b: {  	[sflag:s10] =	ssyncset.done @p0 $0x0  }
0x9c: {  	[sflag:s10] =	ssyncadd.s32 @p0 $0xFFFFFD80  }
0x9d: {  	[spmem:s17] =	stream.linear.scatter @p0 [tilespmem:s3], [sflag:$0xB], $0x280, $0x38;
	[tilespmem:$0x181B0] =	vst v63  }
0x9e: {  	_ =	swait.ge @p0 [sflag:s10], $0x280  }
0x9f: {  	s17 =	sld [smem:$0x7F7]  }
0xa0: {  	[sflag:s10] =	ssyncset.done @p0 $0x0  }
0xa1: {  	[sflag:s10] =	ssyncadd.s32 @p0 $0xFFFFFD80  }
0xa2: {  	[spmem:s17] =	stream.linear.scatter @p0 [tilespmem:s3], [sflag:$0xB], $0x280, $0x38;
	[tilespmem:$0x181B0] =	vst v63  }
0xa3: {  	_ =	swait.ge @p0 [sflag:s10], $0x280  }
0xa4: {  	s17 =	sld [smem:$0x7F8]  }
0xa5: {  	[sflag:s10] =	ssyncset.done @p0 $0x0  }
0xa6: {  	[sflag:s10] =	ssyncadd.s32 @p0 $0xFFFFFD80  }
0xa7: {  	[spmem:s17] =	stream.linear.scatter @p0 [tilespmem:s3], [sflag:$0xB], $0x280, $0x38;
	[tilespmem:$0x181B0] =	vst v63  }
0xa8: {  	_ =	swait.ge @p0 [sflag:s10], $0x280  }
0xa9: {  	s17 =	sld [smem:$0x7F9]  }
0xaa: {  	[sflag:s10] =	ssyncset.done @p0 $0x0  }
0xab: {  	[sflag:s10] =	ssyncadd.s32 @p0 $0xFFFFFD80  }
0xac: {  	[spmem:s17] =	stream.linear.scatter @p0 [tilespmem:s3], [sflag:$0xB], $0x280, $0x38;
	[tilespmem:$0x181B0] =	vst v63  }
0xad: {  	_ =	swait.ge @p0 [sflag:s10], $0x280  }
0xae: {  	s17 =	sld [smem:$0x7FA]  }
0xaf: {  	[sflag:s10] =	ssyncset.done @p0 $0x0  }
0xb0: {  	[sflag:s10] =	ssyncadd.s32 @p0 $0xFFFFFD80  }
0xb1: {  	[spmem:s17] =	stream.linear.scatter @p0 [tilespmem:s3], [sflag:$0xB], $0x280, $0x38;
	[tilespmem:$0x181B0] =	vst v63  }
0xb2: {  	_ =	swait.ge @p0 [sflag:s10], $0x280  }
0xb3: {  	s17 =	sld [smem:$0x7FB]  }
0xb4: {  	[sflag:s10] =	ssyncset.done @p0 $0x0  }
0xb5: {  	[sflag:s10] =	ssyncadd.s32 @p0 $0xFFFFFD80  }
0xb6: {  	[spmem:s17] =	stream.linear.scatter @p0 [tilespmem:s3], [sflag:$0xB], $0x280, $0x38;
	[tilespmem:$0x181B0] =	vst v63  }
0xb7: {  	_ =	swait.ge @p0 [sflag:s10], $0x280  }
0xb8: {  	s17 =	sld [smem:$0x7FC]  }
0xb9: {  	[sflag:s10] =	ssyncset.done @p0 $0x0  }
0xba: {  	[sflag:s10] =	ssyncadd.s32 @p0 $0xFFFFFD80  }
0xbb: {  	[spmem:s17] =	stream.linear.scatter @p0 [tilespmem:s3], [sflag:$0xB], $0x280, $0x38;
	[tilespmem:$0x181B0] =	vst v63  }
0xbc: {  	_ =	swait.ge @p0 [sflag:s10], $0x280  }
0xbd: {  	s17 =	sld [smem:$0x7FD]  }
0xbe: {  	[sflag:s10] =	ssyncset.done @p0 $0x0  }
0xbf: {  	[sflag:s10] =	ssyncadd.s32 @p0 $0xFFFFFD80  }
0xc0: {  	[spmem:s17] =	stream.linear.scatter @p0 [tilespmem:s3], [sflag:$0xB], $0x280, $0x38;
	[tilespmem:$0x181B0] =	vst v63  }
0xc1: {  	_ =	swait.ge @p0 [sflag:s10], $0x280  }
0xc2: {  	[sflag:s10] =	ssyncset.done @p0 $0x0  }
0xc3: {  	s3 =	simm.s32 @!p0 $0xDF20;
	[sflag:s10] =	ssyncadd.s32 @p0 $0xFFFFFD80  }
0xc4: {  	[spmem:s18] =	stream.linear.scatter @!p0 [tilespmem:s3], [sflag:$0xB], $0x1900, $0x38;
	[tilespmem:$0x181B0] =	vst v63  }
.Ltmp2:
0xc5: {  	_ = 	snop;
	(pc) =	sbr.rel .LBB2_10-.Ltmp2, $4  }
0xc6: {  	s3 =	simm.s32 @!p0 $0xB  }
0xc7: {  	_ =	swait.ge @!p0 [sflag:s3], $0x1900  }
0xc8: {  	[sflag:s3] =	ssyncset.done @!p0 $0x0  }
0xc9: {  	[sflag:s3] =	ssyncadd.s32 @!p0 $0xFFFFE700  }
.LBB2_2:
0xca: {  	s10 =	rddreg [dreg:$0x6];
	s17 =	simm.s32 $0x6720  }
0xcb: {  	[tilespmem:s17], [sflag:$0xB] =	stream.linear.gather [hbm4b:s10+s3], $0x2800, $0x38;
	[tilespmem:$0x181B0] =	vst v63  }
0xcc: {  	_ =	swait.ge [sflag:s5], $0x2800  }
0xcd: {  	[sflag:s5] =	ssyncset.done $0x0  }
0xce: {  	s26 =	simm.s32 $0x8F20;
	s19 =	rddreg [dreg:$0x7];
	[sflag:s5] =	ssyncadd.s32 $0xFFFFD800  }
0xcf: {  	[tilespmem:s26], [sflag:$0xB] =	stream.linear.gather [hbm4b:s19+s3], $0x2800, $0x38;
	[tilespmem:$0x181B0] =	vst v63  }
0xd0: {  	_ =	swait.ge [sflag:s5], $0x2800  }
0xd1: {  	[sflag:s5] =	ssyncset.done $0x0  }
0xd2: {  	s26 =	simm.s32 $0xB720;
	s19 =	rddreg [dreg:$0x8];
	[sflag:s5] =	ssyncadd.s32 $0xFFFFD800  }
0xd3: {  	[tilespmem:s26], [sflag:$0xB] =	stream.linear.gather [hbm4b:s19+s3], $0x2800, $0x38;
	[tilespmem:$0x181B0] =	vst v63  }
0xd4: {  	_ =	swait.ge [sflag:s5], $0x2800  }
0xd5: {  	[sflag:s5] =	ssyncset.done $0x0  }
0xd6: {  	s26 =	simm.s32 $0x10720;
	s19 =	rddreg [dreg:$0x9];
	[sflag:s5] =	ssyncadd.s32 $0xFFFFD800  }
0xd7: {  	[tilespmem:s26], [sflag:$0xB] =	stream.linear.gather [hbm4b:s19+s3], $0x2800, $0x38;
	[tilespmem:$0x181B0] =	vst v63  }
0xd8: {  	_ =	swait.ge [sflag:s5], $0x2800  }
0xd9: {  	[sflag:s5] =	ssyncset.done $0x0  }
0xda: {  	s3 =	simm.s32 $0x0;
	[sflag:s5] =	ssyncadd.s32 $0xFFFFD800  }
0xdb: {  	v2 =	vld [tilespmem:s3+$0x6720]  }
0xdc: {  	v3 =	vld [tilespmem:s3+$0x8F20];
	_ =	sdelay $0x1  }
0xdd: {  	v4 =	vld [tilespmem:s3+$0xB720];
	_ =	sdelay $0x1  }
0xde: {  	s26 =	simm.s32 $0x10;
	v6 =	vld [tilespmem:s3+$0x10720]  }
0xdf: {  	v5 =	vld [tilespmem:s26+$0x6720];
	v2 =	vadd.f32 v3, v2  }
0xe0: {  	v3 =	vld [tilespmem:s26+$0x8F20]  }
0xe1: {  	v2 =	vadd.f32 v4, v2  }
0xe2: {  	v4 =	vld [tilespmem:s26+$0xB720]  }
0xe3: {  	v7 =	vmul.f32 v2, v6  }
0xe4: {  	v2 =	vld [tilespmem:s26+$0x10720]  }
0xe5: {  	s10 =	simm.s32 $0x20;
	v5 =	vadd.f32 v3, v5;
	v7 =	vadd.f32 v7, v1  }
0xe6: {  	v3 =	vld [tilespmem:s10+$0x6720]  }
0xe7: {  	v8 =	vadd.f32 v4, v5;
	v4 =	vld [tilespmem:s10+$0x8F20];
	v7 =	vmax.f32 v7, $0.0e+00  }
0xe8: {  	v7 =	vmul.f32 v7, v6  }
0xe9: {  	s17 =	simm.s32 $0xC0;
	v5 =	vld [tilespmem:s10+$0xB720];
	v6 =	vmul.f32 v8, v2  }
.LBB2_3:
0xea: {  	v8 =	vld [tilespmem:s10+$0x10720];
	[tilespmem:s3+$0xDF20] =	vst v7;
	s3 =	smov.u32 s26  }
0xeb: {  	s26 =	smov.u32 s10;
	s10 =	sshra.s32 s17, $0x2;
	p2 =	sne.s32 s17, $0x9FC0  }
.Ltmp3:
0xec: {  	s17 =	sadd.s32 $0x40, s17;
	v7 =	vadd.f32 v4, v3;
	v3 =	vld [tilespmem:s10+$0x6720];
	v6 =	vadd.f32 v6, v1;
	(pc) =	sbr.rel @p2 .LBB2_3-.Ltmp3, $4  }
0xed: {  	v4 =	vld [tilespmem:s10+$0x8F20]  }
0xee: {  	v9 =	vadd.f32 v5, v7;
	v6 =	vmax.f32 v6, $0.0e+00  }
0xef: {  	v5 =	vld [tilespmem:s10+$0xB720];
	v7 =	vmul.f32 v6, v2  }
0xf0: {  	v6 =	vmul.f32 v9, v8;
	v2 =	vmov v8  }
0xf1: {  	v8 =	vld [tilespmem:s10+$0x10720]  }
0xf2: {  	v3 =	vadd.f32 v4, v3;
	_ =	sdelay $0x1  }
0xf3: {  	v3 =	vadd.f32 v5, v3;
	_ =	sdelay $0x1  }
0xf4: {  	v3 =	vmul.f32 v3, v8  }
0xf5: {  	v63 =	vadd.f32 v6, v1  }
0xf6: {  	v1 =	vadd.f32 v3, v1  }
0xf7: {  	v3 =	vmax.f32 v63, $0.0e+00  }
0xf8: {  	v2 =	vmul.f32 v3, v2;
	v1 =	vmax.f32 v1, $0.0e+00  }
0xf9: {  	[tilespmem:s3+$0xDF20] =	vst v7;
	v1 =	vmul.f32 v1, v8  }
0xfa: {  	[tilespmem:s26+$0xDF20] =	vst v2  }
.Ltmp4:
0xfb: {  	s19 =	rddreg [dreg:$0xa];
	s26 =	simm.s32 $0xDF20;
	[tilespmem:s10+$0xDF20] =	vst v1;
	(pc) =	sbr.rel @!p0 .LBB2_5-.Ltmp4, $4  }
0xfc: {  	[spmem:s19] =	stream.linear.scatter [tilespmem:s26], [sflag:$0xB], $0x2800, $0x38;
	[tilespmem:$0x181B0] =	vst v63  }
0xfd: {  	_ =	swait.ge [sflag:s5], $0x2800  }
0xfe: {  	[sflag:s5] =	ssyncset.done $0x0  }
0xff: {  	s3 =	simm.s32 $0xDF20;
	s19 =	simm.s32 $0xDF20;
	[sflag:s5] =	ssyncadd.s32 $0xFFFFD800  }
0x100: {  	[spmem:s11] =	stream.linear.scatter [tilespmem:s28], [sflag:$0xB], $0x280, $0x38;
	[tilespmem:$0x181B0] =	vst v63  }
0x101: {  	_ =	swait.ge [sflag:s5], $0x280  }
0x102: {  	[sflag:s5] =	ssyncset.done $0x0  }
0x103: {  	s3 =	rddreg [dreg:$0xb];
	[sflag:s5] =	ssyncadd.s32 $0xFFFFFD80  }
0x104: {  	[spmem:s3] =	stream.linear.scatter [tilespmem:s28], [sflag:$0xB], $0x280, $0x38;
	[tilespmem:$0x181B0] =	vst v63  }
0x105: {  	_ =	swait.ge [sflag:s5], $0x280  }
0x106: {  	[sflag:s5] =	ssyncset.done $0x0  }
0x107: {  	s17 =	rddreg [dreg:$0xc];
	[sflag:s5] =	ssyncadd.s32 $0xFFFFFD80  }
0x108: {  	[spmem:s17] =	stream.linear.scatter [tilespmem:s28], [sflag:$0xB], $0x280, $0x38;
	[tilespmem:$0x181B0] =	vst v63  }
0x109: {  	_ =	swait.ge [sflag:s5], $0x280  }
0x10a: {  	[sflag:s5] =	ssyncset.done $0x0  }
0x10b: {  	s26 =	rddreg [dreg:$0xd];
	[sflag:s5] =	ssyncadd.s32 $0xFFFFFD80  }
0x10c: {  	[spmem:s26] =	stream.linear.scatter [tilespmem:s28], [sflag:$0xB], $0x280, $0x38;
	[tilespmem:$0x181B0] =	vst v63  }
0x10d: {  	_ =	swait.ge [sflag:s5], $0x280  }
0x10e: {  	[sflag:s5] =	ssyncset.done $0x0  }
0x10f: {  	s10 =	rddreg [dreg:$0xe];
	[sflag:s5] =	ssyncadd.s32 $0xFFFFFD80  }
0x110: {  	[spmem:s10] =	stream.linear.scatter [tilespmem:s28], [sflag:$0xB], $0x280, $0x38;
	[tilespmem:$0x181B0] =	vst v63  }
0x111: {  	_ =	swait.ge [sflag:s5], $0x280  }
0x112: {  	[sflag:s5] =	ssyncset.done $0x0  }
0x113: {  	s17 =	rddreg [dreg:$0xf];
	[sflag:s5] =	ssyncadd.s32 $0xFFFFFD80  }
0x114: {  	[spmem:s17] =	stream.linear.scatter [tilespmem:s28], [sflag:$0xB], $0x280, $0x38;
	[tilespmem:$0x181B0] =	vst v63  }
0x115: {  	_ =	swait.ge [sflag:s5], $0x280  }
0x116: {  	[sflag:s5] =	ssyncset.done $0x0  }
0x117: {  	s26 =	rddreg [dreg:$0x11];
	[sflag:s5] =	ssyncadd.s32 $0xFFFFFD80  }
0x118: {  	[spmem:s26] =	stream.linear.scatter [tilespmem:s28], [sflag:$0xB], $0x280, $0x38;
	[tilespmem:$0x181B0] =	vst v63  }
0x119: {  	_ =	swait.ge [sflag:s5], $0x280  }
0x11a: {  	[sflag:s5] =	ssyncset.done $0x0  }
0x11b: {  	s10 =	rddreg [dreg:$0x12];
	[sflag:s5] =	ssyncadd.s32 $0xFFFFFD80  }
0x11c: {  	[spmem:s10] =	stream.linear.scatter [tilespmem:s28], [sflag:$0xB], $0x280, $0x38;
	[tilespmem:$0x181B0] =	vst v63  }
0x11d: {  	_ =	swait.ge [sflag:s5], $0x280  }
0x11e: {  	[sflag:s5] =	ssyncset.done $0x0  }
0x11f: {  	s17 =	rddreg [dreg:$0x13];
	[sflag:s5] =	ssyncadd.s32 $0xFFFFFD80  }
0x120: {  	[spmem:s17] =	stream.linear.scatter [tilespmem:s28], [sflag:$0xB], $0x280, $0x38;
	[tilespmem:$0x181B0] =	vst v63  }
0x121: {  	_ =	swait.ge [sflag:s5], $0x280  }
0x122: {  	[sflag:s5] =	ssyncset.done $0x0  }
0x123: {  	s26 =	rddreg [dreg:$0x14];
	[sflag:s5] =	ssyncadd.s32 $0xFFFFFD80  }
0x124: {  	[spmem:s26] =	stream.linear.scatter [tilespmem:s28], [sflag:$0xB], $0x280, $0x38;
	[tilespmem:$0x181B0] =	vst v63  }
0x125: {  	_ =	swait.ge [sflag:s5], $0x280  }
0x126: {  	[sflag:s5] =	ssyncset.done $0x0  }
0x127: {  	s10 =	rddreg [dreg:$0x15];
	[sflag:s5] =	ssyncadd.s32 $0xFFFFFD80  }
0x128: {  	[spmem:s10] =	stream.linear.scatter [tilespmem:s28], [sflag:$0xB], $0x280, $0x38;
	[tilespmem:$0x181B0] =	vst v63  }
0x129: {  	_ =	swait.ge [sflag:s5], $0x280  }
0x12a: {  	[sflag:s5] =	ssyncset.done $0x0  }
0x12b: {  	s17 =	rddreg [dreg:$0x16];
	[sflag:s5] =	ssyncadd.s32 $0xFFFFFD80  }
0x12c: {  	[spmem:s17] =	stream.linear.scatter [tilespmem:s28], [sflag:$0xB], $0x280, $0x38;
	[tilespmem:$0x181B0] =	vst v63  }
0x12d: {  	_ =	swait.ge [sflag:s5], $0x280  }
0x12e: {  	[sflag:s5] =	ssyncset.done $0x0  }
0x12f: {  	s26 =	rddreg [dreg:$0x17];
	[sflag:s5] =	ssyncadd.s32 $0xFFFFFD80  }
0x130: {  	[spmem:s26] =	stream.linear.scatter [tilespmem:s28], [sflag:$0xB], $0x280, $0x38;
	[tilespmem:$0x181B0] =	vst v63  }
0x131: {  	_ =	swait.ge [sflag:s5], $0x280  }
0x132: {  	[sflag:s5] =	ssyncset.done $0x0  }
0x133: {  	s10 =	rddreg [dreg:$0x18];
	[sflag:s5] =	ssyncadd.s32 $0xFFFFFD80  }
0x134: {  	[spmem:s10] =	stream.linear.scatter [tilespmem:s28], [sflag:$0xB], $0x280, $0x38;
	[tilespmem:$0x181B0] =	vst v63  }
0x135: {  	_ =	swait.ge [sflag:s5], $0x280  }
0x136: {  	[sflag:s5] =	ssyncset.done $0x0  }
0x137: {  	s17 =	rddreg [dreg:$0x19];
	[sflag:s5] =	ssyncadd.s32 $0xFFFFFD80  }
0x138: {  	[spmem:s17] =	stream.linear.scatter [tilespmem:s28], [sflag:$0xB], $0x280, $0x38;
	[tilespmem:$0x181B0] =	vst v63  }
0x139: {  	_ =	swait.ge [sflag:s5], $0x280  }
0x13a: {  	[sflag:s5] =	ssyncset.done $0x0  }
.Ltmp5:
0x13b: {  	s26 =	rddreg [dreg:$0x1a];
	[sflag:s5] =	ssyncadd.s32 $0xFFFFFD80;
	(pc) =	sbr.rel .LBB2_10-.Ltmp5, $4  }
0x13c: {  	[spmem:s26] =	stream.linear.scatter [tilespmem:s28], [sflag:$0xB], $0x280, $0x38;
	[tilespmem:$0x181B0] =	vst v63  }
0x13d: {  	_ =	swait.ge [sflag:s5], $0x280  }
0x13e: {  	[sflag:s5] =	ssyncset.done $0x0  }
0x13f: {  	[sflag:s5] =	ssyncadd.s32 $0xFFFFFD80  }
.LBB2_5:
0x140: {  	[spmem:s11] =	stream.linear.scatter [tilespmem:s3], [sflag:$0xB], $0x2800, $0x38;
	[tilespmem:$0x181B0] =	vst v63  }
0x141: {  	_ =	swait.ge [sflag:s5], $0x2800  }
0x142: {  	[sflag:s5] =	ssyncset.done $0x0  }
0x143: {  	[sflag:s5] =	ssyncadd.s32 $0xFFFFD800  }
.LBB2_10:
0x144: {  	s3 =	simm.s32 $0x0;
	s10 =	rddreg [dreg:$0x10]  }
0x145: {  	[tilespmem:s3], [sflag:$0xB] =	stream.linear.gather [hbm4b:s10+s3], $0x2710, $0x38;
	[tilespmem:$0x181B0] =	vst v63  }
0x146: {  	_ =	swait.ge [sflag:s5], $0x2710  }
0x147: {  	[sflag:s5] =	ssyncset.done $0x0  }
0x148: {  	s26 =	simm.s32 $0x2710;
	[sflag:s5] =	ssyncadd.s32 $0xFFFFD8F0  }
0x149: {  	[tilespmem:s26], [sflag:$0xB] =	stream.linear.gather [hbm4b:s13+s3], $0x2710, $0x38;
	[tilespmem:$0x181B0] =	vst v63  }
0x14a: {  	_ =	swait.ge [sflag:s5], $0x2710  }
0x14b: {  	[sflag:s5] =	ssyncset.done $0x0  }
0x14c: {  	[sflag:s5] =	ssyncadd.s32 $0xFFFFD8F0  }
0x14d: {  	[bflag:$0x0] =	sbarrier.arrive $0xFFFF  }
0x14e: {  	[tilespmem:s31], [sflag:$0x1] =	stream.indirect.gather [spmem:s2], $0x10, s3, s1, $0xb8;
	[tilespmem:$0x181B0] =	vst v63  }
0x14f: {  	_ = 	snop  }
0x150: {  	[tilespmem:s0], [sflag:$0x2] =	stream.indirect.gather [spmem:s2], $0x10, s1, s1, $0xb8;
	[tilespmem:$0x181B0] =	vst v63  }
0x151: {  	s10 =	simm.s32 $0xA0  }
0x152: {  	[tilespmem:s12], [sflag:$0x3] =	stream.indirect.gather [spmem:s2], $0x10, s10, s1, $0xb8;
	[tilespmem:$0x181B0] =	vst v63  }
0x153: {  	s17 =	simm.s32 $0xF0  }
0x154: {  	[tilespmem:s8], [sflag:$0x4] =	stream.indirect.gather [spmem:s2], $0x10, s17, s1, $0xb8;
	[tilespmem:$0x181B0] =	vst v63  }
0x155: {  	s26 =	simm.s32 $0x140  }
0x156: {  	[tilespmem:s30], [sflag:$0x5] =	stream.indirect.gather [spmem:s2], $0x10, s26, s1, $0xb8;
	[tilespmem:$0x181B0] =	vst v63  }
0x157: {  	_ =	swait.ge [sflag:s16], $0x500  }
0x158: {  	[sflag:s16] =	ssyncset.done $0x0  }
0x159: {  	s10 =	simm.s32 $0x2710;
	[sflag:s16] =	ssyncadd.s32 $0xFFFFFB00  }
0x15a: {  	[spmem:s4] =	stream.indirect.scatter.add.f32 [tilespmem:s31], [sflag:$0x6], $0x10, s10, s1, $0xb8;
	[tilespmem:$0x181B0] =	vst v63  }
0x15b: {  	_ =	swait.ge [sflag:s20], $0x500  }
0x15c: {  	[sflag:s20] =	ssyncset.done $0x0  }
0x15d: {  	s17 =	simm.s32 $0x2760;
	[sflag:s20] =	ssyncadd.s32 $0xFFFFFB00  }
0x15e: {  	[spmem:s4] =	stream.indirect.scatter.add.f32 [tilespmem:s0], [sflag:$0x7], $0x10, s17, s1, $0xb8;
	[tilespmem:$0x181B0] =	vst v63  }
0x15f: {  	_ =	swait.ge [sflag:s21], $0x500  }
0x160: {  	[sflag:s21] =	ssyncset.done $0x0  }
0x161: {  	s26 =	simm.s32 $0x190;
	[sflag:s21] =	ssyncadd.s32 $0xFFFFFB00  }
0x162: {  	[tilespmem:s31], [sflag:$0x1] =	stream.indirect.gather [spmem:s2], $0x10, s26, s1, $0xb8;
	[tilespmem:$0x181B0] =	vst v63  }
0x163: {  	_ =	swait.ge [sflag:s6], $0x500  }
0x164: {  	[sflag:s6] =	ssyncset.done $0x0  }
0x165: {  	s10 =	simm.s32 $0x27B0;
	[sflag:s6] =	ssyncadd.s32 $0xFFFFFB00  }
0x166: {  	[spmem:s4] =	stream.indirect.scatter.add.f32 [tilespmem:s12], [sflag:$0x8], $0x10, s10, s1, $0xb8;
	[tilespmem:$0x181B0] =	vst v63  }
0x167: {  	_ =	swait.ge [sflag:s22], $0x500  }
0x168: {  	[sflag:s22] =	ssyncset.done $0x0  }
0x169: {  	s17 =	simm.s32 $0x1E0;
	[sflag:s22] =	ssyncadd.s32 $0xFFFFFB00  }
0x16a: {  	[tilespmem:s0], [sflag:$0x2] =	stream.indirect.gather [spmem:s2], $0x10, s17, s1, $0xb8;
	[tilespmem:$0x181B0] =	vst v63  }
0x16b: {  	_ =	swait.ge [sflag:s23], $0x500  }
0x16c: {  	[sflag:s23] =	ssyncset.done $0x0  }
0x16d: {  	s26 =	simm.s32 $0x2800;
	[sflag:s23] =	ssyncadd.s32 $0xFFFFFB00  }
0x16e: {  	[spmem:s4] =	stream.indirect.scatter.add.f32 [tilespmem:s8], [sflag:$0x9], $0x10, s26, s1, $0xb8;
	[tilespmem:$0x181B0] =	vst v63  }
0x16f: {  	_ =	swait.ge [sflag:s7], $0x500  }
0x170: {  	[sflag:s7] =	ssyncset.done $0x0  }
0x171: {  	s10 =	simm.s32 $0x230;
	[sflag:s7] =	ssyncadd.s32 $0xFFFFFB00  }
0x172: {  	[tilespmem:s12], [sflag:$0x3] =	stream.indirect.gather [spmem:s2], $0x10, s10, s1, $0xb8;
	[tilespmem:$0x181B0] =	vst v63  }
0x173: {  	_ =	swait.ge [sflag:s24], $0x500  }
0x174: {  	[sflag:s24] =	ssyncset.done $0x0  }
0x175: {  	s17 =	simm.s32 $0x2850;
	[sflag:s24] =	ssyncadd.s32 $0xFFFFFB00  }
0x176: {  	[spmem:s4] =	stream.indirect.scatter.add.f32 [tilespmem:s30], [sflag:$0xA], $0x10, s17, s1, $0xb8;
	[tilespmem:$0x181B0] =	vst v63  }
0x177: {  	_ =	swait.ge [sflag:s25], $0x500  }
0x178: {  	[sflag:s25] =	ssyncset.done $0x0  }
0x179: {  	s26 =	simm.s32 $0x280;
	[sflag:s25] =	ssyncadd.s32 $0xFFFFFB00  }
0x17a: {  	[tilespmem:s8], [sflag:$0x4] =	stream.indirect.gather [spmem:s2], $0x10, s26, s1, $0xb8;
	[tilespmem:$0x181B0] =	vst v63  }
0x17b: {  	_ =	swait.ge [sflag:s9], $0x500  }
0x17c: {  	[sflag:s9] =	ssyncset.done $0x0  }
0x17d: {  	s3 =	simm.s32 $0x640;
	s10 =	simm.s32 $0x2D0;
	[sflag:s9] =	ssyncadd.s32 $0xFFFFFB00  }
.LBB2_11:
0x17e: {  	[tilespmem:s30], [sflag:$0x5] =	stream.indirect.gather [spmem:s2], $0x10, s10, s1, $0xb8;
	[tilespmem:$0x181B0] =	vst v63  }
0x17f: {  	s10 =	smov.u32 s3  }
0x180: {  	p2 =	sne.s32 s3, $0x8FC0;
	s3 =	sadd.s32 $0x640, s3;
	_ =	swait.ge [sflag:s16], $0x500  }
0x181: {  	s26 =	sshra.s32 s10, $0x2;
	[sflag:s16] =	ssyncset.done $0x0  }
0x182: {  	s10 =	sadd.s32 $0x2710, s26;
	[sflag:s16] =	ssyncadd.s32 $0xFFFFFB00  }
0x183: {  	[spmem:s4] =	stream.indirect.scatter.add.f32 [tilespmem:s31], [sflag:$0x6], $0x10, s10, s1, $0xb8;
	[tilespmem:$0x181B0] =	vst v63  }
0x184: {  	_ =	swait.ge [sflag:s20], $0x500  }
0x185: {  	[sflag:s20] =	ssyncset.done $0x0  }
0x186: {  	s10 =	sadd.s32 $0x2760, s26;
	[sflag:s20] =	ssyncadd.s32 $0xFFFFFB00  }
0x187: {  	[spmem:s4] =	stream.indirect.scatter.add.f32 [tilespmem:s0], [sflag:$0x7], $0x10, s10, s1, $0xb8;
	[tilespmem:$0x181B0] =	vst v63  }
0x188: {  	_ =	swait.ge [sflag:s21], $0x500  }
0x189: {  	[sflag:s21] =	ssyncset.done $0x0  }
0x18a: {  	s10 =	sadd.s32 $0x190, s26;
	[sflag:s21] =	ssyncadd.s32 $0xFFFFFB00  }
0x18b: {  	[tilespmem:s31], [sflag:$0x1] =	stream.indirect.gather [spmem:s2], $0x10, s10, s1, $0xb8;
	[tilespmem:$0x181B0] =	vst v63  }
0x18c: {  	_ =	swait.ge [sflag:s6], $0x500  }
0x18d: {  	[sflag:s6] =	ssyncset.done $0x0  }
0x18e: {  	s10 =	sadd.s32 $0x27B0, s26;
	[sflag:s6] =	ssyncadd.s32 $0xFFFFFB00  }
0x18f: {  	[spmem:s4] =	stream.indirect.scatter.add.f32 [tilespmem:s12], [sflag:$0x8], $0x10, s10, s1, $0xb8;
	[tilespmem:$0x181B0] =	vst v63  }
0x190: {  	_ =	swait.ge [sflag:s22], $0x500  }
0x191: {  	[sflag:s22] =	ssyncset.done $0x0  }
0x192: {  	s10 =	sadd.s32 $0x1E0, s26;
	[sflag:s22] =	ssyncadd.s32 $0xFFFFFB00  }
0x193: {  	[tilespmem:s0], [sflag:$0x2] =	stream.indirect.gather [spmem:s2], $0x10, s10, s1, $0xb8;
	[tilespmem:$0x181B0] =	vst v63  }
0x194: {  	_ =	swait.ge [sflag:s23], $0x500  }
0x195: {  	[sflag:s23] =	ssyncset.done $0x0  }
0x196: {  	s10 =	sadd.s32 $0x2800, s26;
	[sflag:s23] =	ssyncadd.s32 $0xFFFFFB00  }
0x197: {  	[spmem:s4] =	stream.indirect.scatter.add.f32 [tilespmem:s8], [sflag:$0x9], $0x10, s10, s1, $0xb8;
	[tilespmem:$0x181B0] =	vst v63  }
0x198: {  	_ =	swait.ge [sflag:s7], $0x500  }
0x199: {  	[sflag:s7] =	ssyncset.done $0x0  }
0x19a: {  	s10 =	sadd.s32 $0x230, s26;
	[sflag:s7] =	ssyncadd.s32 $0xFFFFFB00  }
0x19b: {  	[tilespmem:s12], [sflag:$0x3] =	stream.indirect.gather [spmem:s2], $0x10, s10, s1, $0xb8;
	[tilespmem:$0x181B0] =	vst v63  }
0x19c: {  	_ =	swait.ge [sflag:s24], $0x500  }
0x19d: {  	[sflag:s24] =	ssyncset.done $0x0  }
0x19e: {  	s10 =	sadd.s32 $0x2850, s26;
	[sflag:s24] =	ssyncadd.s32 $0xFFFFFB00  }
0x19f: {  	[spmem:s4] =	stream.indirect.scatter.add.f32 [tilespmem:s30], [sflag:$0xA], $0x10, s10, s1, $0xb8;
	[tilespmem:$0x181B0] =	vst v63  }
0x1a0: {  	_ =	swait.ge [sflag:s25], $0x500  }
0x1a1: {  	[sflag:s25] =	ssyncset.done $0x0  }
.Ltmp6:
0x1a2: {  	s10 =	sadd.s32 $0x280, s26;
	[sflag:s25] =	ssyncadd.s32 $0xFFFFFB00;
	(pc) =	sbr.rel @p2 .LBB2_11-.Ltmp6, $4  }
0x1a3: {  	[tilespmem:s8], [sflag:$0x4] =	stream.indirect.gather [spmem:s2], $0x10, s10, s1, $0xb8;
	[tilespmem:$0x181B0] =	vst v63  }
0x1a4: {  	_ =	swait.ge [sflag:s9], $0x500  }
0x1a5: {  	[sflag:s9] =	ssyncset.done $0x0  }
0x1a6: {  	s10 =	sadd.s32 $0x2D0, s26;
	[sflag:s9] =	ssyncadd.s32 $0xFFFFFB00  }
0x1a7: {  	[tilespmem:s30], [sflag:$0x5] =	stream.indirect.gather [spmem:s2], $0x10, s10, s1, $0xb8;
	[tilespmem:$0x181B0] =	vst v63  }
0x1a8: {  	_ =	swait.ge [sflag:s16], $0x500  }
0x1a9: {  	[sflag:s16] =	ssyncset.done $0x0  }
0x1aa: {  	s3 =	simm.s32 $0x4C90;
	[sflag:s16] =	ssyncadd.s32 $0xFFFFFB00  }
0x1ab: {  	[spmem:s4] =	stream.indirect.scatter.add.f32 [tilespmem:s31], [sflag:$0x6], $0x10, s3, s1, $0xb8;
	[tilespmem:$0x181B0] =	vst v63  }
0x1ac: {  	_ =	swait.ge [sflag:s20], $0x500  }
0x1ad: {  	[sflag:s20] =	ssyncset.done $0x0  }
0x1ae: {  	s26 =	simm.s32 $0x4CE0;
	[sflag:s20] =	ssyncadd.s32 $0xFFFFFB00  }
0x1af: {  	[spmem:s4] =	stream.indirect.scatter.add.f32 [tilespmem:s0], [sflag:$0x7], $0x10, s26, s1, $0xb8;
	[tilespmem:$0x181B0] =	vst v63  }
0x1b0: {  	_ =	swait.ge [sflag:s6], $0x500  }
0x1b1: {  	[sflag:s6] =	ssyncset.done $0x0  }
0x1b2: {  	s10 =	simm.s32 $0x4D30;
	[sflag:s6] =	ssyncadd.s32 $0xFFFFFB00  }
0x1b3: {  	[spmem:s4] =	stream.indirect.scatter.add.f32 [tilespmem:s12], [sflag:$0x8], $0x10, s10, s1, $0xb8;
	[tilespmem:$0x181B0] =	vst v63  }
0x1b4: {  	_ =	swait.ge [sflag:s23], $0x500  }
0x1b5: {  	[sflag:s23] =	ssyncset.done $0x0  }
0x1b6: {  	s17 =	simm.s32 $0x4D80;
	[sflag:s23] =	ssyncadd.s32 $0xFFFFFB00  }
0x1b7: {  	[spmem:s4] =	stream.indirect.scatter.add.f32 [tilespmem:s8], [sflag:$0x9], $0x10, s17, s1, $0xb8;
	[tilespmem:$0x181B0] =	vst v63  }
0x1b8: {  	_ =	swait.ge [sflag:s24], $0x500  }
0x1b9: {  	[sflag:s24] =	ssyncset.done $0x0  }
0x1ba: {  	s26 =	simm.s32 $0x4DD0;
	[sflag:s24] =	ssyncadd.s32 $0xFFFFFB00  }
0x1bb: {  	[spmem:s4] =	stream.indirect.scatter.add.f32 [tilespmem:s30], [sflag:$0xA], $0x10, s26, s1, $0xb8;
	[tilespmem:$0x181B0] =	vst v63  }
0x1bc: {  	_ =	swait.ge [sflag:s21], $0x500  }
0x1bd: {  	[sflag:s21] =	ssyncset.done $0x0  }
0x1be: {  	[sflag:s21] =	ssyncadd.s32 $0xFFFFFB00  }
0x1bf: {  	_ =	swait.ge [sflag:s22], $0x500  }
0x1c0: {  	[sflag:s22] =	ssyncset.done $0x0  }
0x1c1: {  	[sflag:s22] =	ssyncadd.s32 $0xFFFFFB00  }
0x1c2: {  	_ =	swait.ge [sflag:s7], $0x500  }
0x1c3: {  	[sflag:s7] =	ssyncset.done $0x0  }
0x1c4: {  	[sflag:s7] =	ssyncadd.s32 $0xFFFFFB00  }
0x1c5: {  	_ =	swait.ge [sflag:s25], $0x500  }
0x1c6: {  	[sflag:s25] =	ssyncset.done $0x0  }
0x1c7: {  	[sflag:s25] =	ssyncadd.s32 $0xFFFFFB00  }
0x1c8: {  	_ =	swait.ge [sflag:s9], $0x500  }
0x1c9: {  	[sflag:s9] =	ssyncset.done $0x0  }
0x1ca: {  	[sflag:s9] =	ssyncadd.s32 $0xFFFFFB00  }
0x1cb: {  	s3 =	sshrl.u32 @p1 s18, $0x3;
	s10 =	simm.s32 @p1 $0x1FCB;
	[bflag:$0x0] =	sbarrier.arrive $0xFFFF  }
0x1cc: {  	[hbm:s14], [sflag:s10] =	dma.local @p1 [spmem:s3], $0x320  }
0x1cd: {  	s3 =	simm.s32 @p1 $0xB  }
0x1ce: {  	_ =	swait.ge @p1 [sflag:s3], $0x320  }
0x1cf: {  	s29 =	sadd.s32 $0x1, s29;
	s10 =	stileid.u32;
	s17 =	sld [smem:$0x7F4]  }
0x1d0: {  	p2 =	sne.s32 s29, s15;
	s10 =	sshll.u32 @!p1 s10, $0x6;
	[sflag:s3] =	ssyncset.done @p1 $0x0  }
0x1d1: {  	[sflag:s3] =	ssyncadd.s32 @p1 $0xFFFFFCE0;
	s3 =	sor.u32 @!p1 $0x1C0B, s10;
	s10 =	sshrl.u32 @!p1 s11, $0x3  }
0x1d2: {  	[hbm:s17], [sflag:s3] =	dma.local @!p1 [spmem:s10], $0x500  }
.Ltmp7:
0x1d3: {  	_ = 	snop;
	(pc) =	sbr.rel @p2 .LBB2_1-.Ltmp7, $4  }
0x1d4: {  	s3 =	simm.s32 @!p1 $0xB  }
0x1d5: {  	_ =	swait.ge @!p1 [sflag:s3], $0x500  }
0x1d6: {  	[sflag:s3] =	ssyncset.done @!p1 $0x0  }
0x1d7: {  	[sflag:s3] =	ssyncadd.s32 @!p1 $0xFFFFFB00  }
0x1d8: {  	_ =	sfence.sel $0x180000  }
0x1d9: {  	[bflag:$0x0] =	sbarrier.arrive $0xFFFF  }
0x1da: {  	_ =	strace $0x9000004D  }
0x1db: {  	s0 =	stileid.u32;
	[bflag:$0x2] =	sbarrier.arrive $0xFFFF  }
0x1dc: {  	p0 =	sne.s32 s0, $0x0;
	s0 =	rddreg [dreg:$0x5]  }
0x1dd: {  	s0 =	sadd.s32 @!p0 $0x100000, s0  }
0x1de: {  	[sflag:s0] =	ssyncadd.tile.s32 @!p0 $0x1;
	_ =	shalt  }
.Lfunc_end2:
_tile_overlayer_lowered:
.L_overlay_start_2:
0x1df: {  	(tag) =	ssettag $0x2  }
0x1e0: {  	s0 =	rddreg [dreg:$0x0];
	s2 =	stileid.u32  }
0x1e1: {  	s1 =	rddreg [dreg:$0x1];
	p0 =	sne.s32 s2, $0x0  }
0x1e2: {  	s3 =	rddreg [dreg:$0x2];
	[bflag:$0x3] =	sbarrier.arrive $0xFFFF;
	s2 =	simm.s32 @!p0 $0x1C0B  }
0x1e3: {  	[timem:s3], [sflag:s2] =	dma.local @!p0 [hbm:s0], s1  }
0x1e4: {  	s0 =	simm.s32 @!p0 $0xB  }
0x1e5: {  	_ =	swait.ge @!p0 [sflag:s0], s1  }
0x1e6: {  	s1 =	ssub.s32 @!p0 $0x0, s1;
	[sflag:s0] =	ssyncset.done @!p0 $0x0  }
0x1e7: {  	[sflag:s0] =	ssyncadd.s32 @!p0 s1  }
0x1e8: {  	[bflag:$0x3] =	sbarrier.arrive $0xFFFF  }
0x1e9: {  	_ =	shalt  }

// kernel: kernel.7.cloned.1.call-start
scs
__scs_entry_jumppad:
0x0: {  	(pc) =	sbr.rel $0x88, $3  }
0x1: {  	(tag) =	ssettag $0x0;
	lr =	simm.s32 $0x1  }
0x2: {  	[smem:$0x3F9B] =	sst lr;
	_ =	strace $0xD0000000  }
0x3: {  	_ = 	snop  }
0x4: {  	_ = 	snop  }
0x5: {  	_ = 	snop  }
0x6: {  	_ = 	snop  }
0x7: {  	_ = 	snop  }
__scs_overlays_trampoline_lowered:
0x8: {  	[smem:$0x3FAA] =	sst s0  }
0x9: {  	[smem:$0x3FAB] =	sst s1  }
0xa: {  	[smem:$0x3FAC] =	sst s2  }
0xb: {  	[smem:$0x3FAD] =	sst s3  }
0xc: {  	[smem:$0x3FAE] =	sst s4  }
0xd: {  	[smem:$0x3FAF] =	sst s5  }
0xe: {  	[smem:$0x3FB0] =	sst s6  }
0xf: {  	[smem:$0x3FB1] =	sst s7  }
0x10: {  	[smem:$0x3FB2] =	sst s8  }
0x11: {  	[smem:$0x3FB3] =	sst s9;
	s0 =	simm.s32 @!p0 $0x0  }
0x12: {  	s1 =	sld [smem:$0x3F99];
	s0 =	simm.s32 @p0 $0x1  }
0x13: {  	[smem:$0x3FB4] =	sst s0;
	s0 =	simm.s32 @!p1 $0x0  }
0x14: {  	s2 =	sld [smem:$0x3F98];
	s0 =	simm.s32 @p1 $0x1  }
0x15: {  	[smem:$0x3FB5] =	sst s0;
	s0 =	simm.s32 @!p2 $0x0  }
0x16: {  	s3 =	sld [smem:$0x3FDB];
	s0 =	simm.s32 @p2 $0x1  }
0x17: {  	s4 =	simm.s32 $0x1BF5;
	[smem:$0x3FB7] =	sst s0  }
0x18: {  	s0 =	sld [smem:$0x3F9A];
	_ =	swait.ge [sflag:s4], $0x0  }
0x19: {  	s7 =	sld [smem:$0x3F9B]  }
0x1a: {  	s8 =	sadd.s32 $0xFFFFE003, lr  }
0x1b: {  	s9 =	sadd.s32 $0xFFFFFEF7, lr;
	s5 =	simm.s32 $0xFFFFFFFF;
	p2 =	slt.u32 s8, $0xFFFFF086  }
0x1c: {  	p1 =	slt.u32 s9, $0xF7A;
	s5 =	simm.s32 @!p2 $0x0  }
0x1d: {  	s5 =	simm.s32 @p1 $0x1;
	p0 =	seq.s32 s7, s2  }
0x1e: {  	s7 =	smul.u32 @!p0 $0xF7A, s2;
	p2 =	seq.s32 @!p0 s5, $0x0  }
0x1f: {  	s9 =	smul.u32 $0xF7A, s1;
	s8 =	simm.s32 @!p0 $0x1BF5;
	p2 =	por !p2, p0  }
0x20: {  	[sflag:s8] =	ssyncset.s32 @!p0 $0xFFFFF086;
	s6 =	sadd.s32 @!p0 s3, s7;
	s7 =	simm.s32 @!p0 $0x108  }
0x21: {  	s3 =	sadd.s32 s3, s9;
	s6 =	sadd.s32 @!p0 $0x88, s6;
	s7 =	simm.s32 @p2 $0x1082  }
0x22: {  	[simem:s7], [sflag:s8] =	dma.local @!p0 [hbm:s6], $0xF7A  }
0x23: {  	s9 =	sor.u32 $0xD0000000, s2;
	s6 =	simm.s32 $0x108;
	_ =	swait.ge @!p0 [sflag:s8], $0x0  }
0x24: {  	s3 =	sadd.s32 $0x88, s3;
	s6 =	simm.s32 @!p1 $0x1082;
	[sflag:s4] =	ssyncset.s32 $0xFFFFF086  }
0x25: {  	[simem:s6], [sflag:s4] =	dma.local [hbm:s3], $0xF7A  }
0x26: {  	[smem:$0x3F9B] =	sst s1;
	(tag) =	ssettag s2;
	_ =	strace s9  }
0x27: {  	s1 =	sld [smem:$0x3FAB]  }
0x28: {  	s2 =	sld [smem:$0x3FAC]  }
0x29: {  	s4 =	sld [smem:$0x3FAE]  }
0x2a: {  	p0 =	seq.s32 s5, $0x0;
	s5 =	sld [smem:$0x3FAF]  }
0x2b: {  	s6 =	sld [smem:$0x3FB0]  }
0x2c: {  	s7 =	sld [smem:$0x3FB1]  }
0x2d: {  	s3 =	simm.s32 $0x108;
	s8 =	sld [smem:$0x3FB2]  }
0x2e: {  	s3 =	simm.s32 @!p0 $0x1082;
	s9 =	sld [smem:$0x3FB3]  }
0x2f: {  	lr =	sadd.s32 s0, s3;
	s0 =	sld [smem:$0x3FAA]  }
0x30: {  	s3 =	sld [smem:$0x3FAD]  }
0x31: {  	[smem:$0x3FB6] =	sst s10  }
0x32: {  	s10 =	sld [smem:$0x3FB4];
	_ =	sdelay $0x3  }
0x33: {  	p0 =	seq.s32 s10, $0x1;
	s10 =	sld [smem:$0x3FB6];
	_ =	sdelay $0x3  }
0x34: {  	[smem:$0x3FB6] =	sst s10  }
0x35: {  	s10 =	sld [smem:$0x3FB5];
	_ =	sdelay $0x3  }
0x36: {  	p1 =	seq.s32 s10, $0x1;
	s10 =	sld [smem:$0x3FB6];
	_ =	sdelay $0x3  }
0x37: {  	[smem:$0x3FB6] =	sst s10  }
0x38: {  	s10 =	sld [smem:$0x3FB7]  }
0x39: {  	_ = 	snop;
	(pc) =	sbr.ind lr, $3  }
0x3a: {  	_ = 	snop  }
0x3b: {  	_ = 	snop  }
0x3c: {  	p2 =	seq.s32 s10, $0x1;
	s10 =	sld [smem:$0x3FB6]  }
0x3d: {  	_ =	shalt  }
0x3e: {  	_ =	shalt  }
0x3f: {  	_ =	shalt  }
0x40: {  	_ =	shalt  }
0x41: {  	_ =	shalt  }
0x42: {  	_ =	shalt  }
0x43: {  	_ =	shalt  }
0x44: {  	_ =	shalt  }
0x45: {  	_ =	shalt  }
0x46: {  	_ =	shalt  }
0x47: {  	_ =	shalt  }
0x48: {  	_ =	shalt  }
0x49: {  	_ =	shalt  }
0x4a: {  	_ =	shalt  }
0x4b: {  	_ =	shalt  }
0x4c: {  	_ =	shalt  }
0x4d: {  	_ =	shalt  }
0x4e: {  	_ =	shalt  }
0x4f: {  	_ =	shalt  }
0x50: {  	_ =	shalt  }
0x51: {  	_ =	shalt  }
0x52: {  	_ =	shalt  }
0x53: {  	_ =	shalt  }
0x54: {  	_ =	shalt  }
0x55: {  	_ =	shalt  }
0x56: {  	_ =	shalt  }
0x57: {  	_ =	shalt  }
0x58: {  	_ =	shalt  }
0x59: {  	_ =	shalt  }
0x5a: {  	_ =	shalt  }
0x5b: {  	_ =	shalt  }
0x5c: {  	_ =	shalt  }
0x5d: {  	_ =	shalt  }
0x5e: {  	_ =	shalt  }
0x5f: {  	_ =	shalt  }
0x60: {  	_ =	shalt  }
0x61: {  	_ =	shalt  }
0x62: {  	_ =	shalt  }
0x63: {  	_ =	shalt  }
0x64: {  	_ =	shalt  }
0x65: {  	_ =	shalt  }
0x66: {  	_ =	shalt  }
0x67: {  	_ =	shalt  }
0x68: {  	_ =	shalt  }
0x69: {  	_ =	shalt  }
0x6a: {  	_ =	shalt  }
0x6b: {  	_ =	shalt  }
0x6c: {  	_ =	shalt  }
0x6d: {  	_ =	shalt  }
0x6e: {  	_ =	shalt  }
0x6f: {  	_ =	shalt  }
0x70: {  	_ =	shalt  }
0x71: {  	_ =	shalt  }
0x72: {  	_ =	shalt  }
0x73: {  	_ =	shalt  }
0x74: {  	_ =	shalt  }
0x75: {  	_ =	shalt  }
0x76: {  	_ =	shalt  }
0x77: {  	_ =	shalt  }
0x78: {  	_ =	shalt  }
0x79: {  	_ =	shalt  }
0x7a: {  	_ =	shalt  }
0x7b: {  	_ =	shalt  }
0x7c: {  	_ =	shalt  }
0x7d: {  	_ =	shalt  }
0x7e: {  	_ =	shalt  }
0x7f: {  	_ =	shalt  }
0x80: {  	_ =	shalt  }
0x81: {  	_ =	shalt  }
0x82: {  	_ =	shalt  }
0x83: {  	_ =	shalt  }
0x84: {  	_ =	shalt  }
0x85: {  	_ =	shalt  }
0x86: {  	_ =	shalt  }
0x87: {  	_ =	shalt  }
.Lfunc_end0:
.L_simem_size_0:
called_computation_lowered:
.L_overlay_start_0:
0x88: {  	s2 =	sld [smem:$0x3FD9]  }
0x89: {  	s3 =	sld [smem:$0x3FFE];
	_ =	sdelay $0x1  }
0x8a: {  	s1 =	srdreg.scid  }
0x8b: {  	s0 =	sand.u32 $0x1, s1  }
0x8c: {  	s17 =	sshll.u32 s0, $0xA;
	s2 =	sadd.s32 s3, s2  }
0x8d: {  	s2 =	sadd.s32 s2, s17  }
0x8e: {  	[smem:$0x3FC2] =	sst s2  }
0x8f: {  	_ = 	snop  }
0x90: {  	s2 =	sld [smem:$0x3FD0];
	(tm) =	ssettm $0x1  }
0x91: {  	s18 =	sld [smem:$0x3FFB];
	_ =	sdelay $0x3  }
0x92: {  	_ =	strace s18  }
0x93: {  	s3 =	sld [smem:$0x3FFC];
	_ =	sdelay $0x3  }
0x94: {  	_ =	strace s3  }
0x95: {  	s3 =	sld [smem:$0x3FFD];
	_ =	sdelay $0x3  }
0x96: {  	_ =	strace s3  }
0x97: {  	_ =	strace $0x8FFFFFFF  }
0x98: {  	s19 =	sld [smem:$0x3FDB];
	_ =	sdelay $0x1  }
0x99: {  	s4 =	simm.s32 $_scs_section_size  }
0x9a: {  	s5 =	simm.s32 $_size__tile_overlayer_lowered;
	s6 =	simm.s32 $_tile_overlayer_lowered  }
0x9b: {  	s22 =	simm.s32 $0x1BFF;
	s21 =	sshll.u32 s6, $0x1;
	s3 =	sadd.s32 s4, s19  }
0x9c: {  	s7 =	simm.s32 $0x0;
	s20 =	sshll.u32 s5, $0x1;
	s5 =	sadd.s32 s21, s3  }
0x9d: {  	[timem:s7], [sflag:s22] =	dma.local [hbm:s5], s20  }
0x9e: {  	_ =	swait.ge [sflag:s22], s20  }
0x9f: {  	s4 =	ssub.s32 $0x0, s20;
	[sflag:s22] =	ssyncset.done $0x0  }
0xa0: {  	[sflag:s22] =	ssyncadd.s32 s4;
	_ =	sdelay $0x1  }
0xa1: {  	s23 =	simm.s32 $0x1B8B  }
0xa2: {  	_ =	swait.ge [sflag:s23], $0x1  }
0xa3: {  	[sflag:s23] =	ssyncset.done $0x0  }
0xa4: {  	s25 =	simm.s32 $0x1B8E;
	s24 =	sld [smem:$0x3FFE];
	[sflag:s23] =	ssyncadd.s32 $0xFFFFFFFF  }
0xa5: {  	s26 =	simm.s32 $execute0_lowered;
	[smem:$0x3FD2] =	sst s25  }
0xa6: {  	s5 =	sshll.u32 s26, $0x1;
	_ =	strace $0x80000046;
	[dreg:$0x1] =	wrdreg $0xFFFFFFFF  }
0xa7: {  	s28 =	simm.s32 $_size_execute0_lowered;
	s3 =	sadd.s32 s3, s5;
	[dreg:$0x0] =	wrdreg $0x0  }
0xa8: {  	s5 =	sshll.u32 s28, $0x1;
	[dreg:$0x2] =	wrdreg s3  }
0xa9: {  	[dreg:$0x3] =	wrdreg s5  }
0xaa: {  	[dreg:$0x4] =	wrdreg $0xC0  }
0xab: {  	_ =	task [dreg:s7], $0x5FFFF  }
0xac: {  	[dreg:$0x1] =	wrdreg $0xFFFFFFFF  }
0xad: {  	[dreg:$0x0] =	wrdreg $0x60  }
0xae: {  	[dreg:$0x2] =	wrdreg s2  }
0xaf: {  	[dreg:$0x3] =	wrdreg s24  }
0xb0: {  	[dreg:$0x4] =	wrdreg $0x78000  }
0xb1: {  	[dreg:$0x5] =	wrdreg $0x9  }
0xb2: {  	_ =	task.clear_ibuf [dreg:s7], $0x6FFFF;
	_ =	strace $0x90000046  }
0xb3: {  	s29 =	simm.s32 $0x9;
	_ =	strace $0x80000048  }
0xb4: {  	_ =	swait.ge [sflag:s29], $0x1  }
0xb5: {  	[sflag:s29] =	ssyncadd.s32 $0xFFFFFFFF  }
0xb6: {  	_ =	strace $0x90000048  }
0xb7: {  	_ =	sfence  }
0xb8: {  	s30 =	sld [smem:$0x0];
	_ =	sdelay $0x2  }
0xb9: {  	s31 =	sshll.u32 s1, $0xD;
	s1 =	sshrl.u32 s1, $0x2  }
0xba: {  	s3 =	sand.u32 $0x4000, s31;
	s1 =	sadd.s32 s1, s30  }
0xbb: {  	s0 =	sor.u32 s3, s0;
	s1 =	sshll.u32 s1, $0x11  }
0xbc: {  	s0 =	sor.u32 s1, s0  }
0xbd: {  	s0 =	sadd.s32 $0x8F2B, s0  }
0xbe: {  	[sflag:s0] =	ssyncadd.remote.s32 $0x1  }
0xbf: {  	_ =	sfence.sel $0xFFFF  }
0xc0: {  	[dreg:$0x0] =	wrdreg $0xFFFFFFFF;
	(pc) =	sbr.abs _section_cstart, $3  }
0xc1: {  	[dreg:$0x1] =	wrdreg $0xFFFFFFFF  }
0xc2: {  	_ =	task.clear_ibuf [dreg:s7], $0x2FFFF;
	_ =	strace $0x9FFFFFFF  }
0xc3: {  	(tm) =	ssettm $0x7FFFFFFF  }
tec
execute0_lowered:
.L_overlay_start_1:
0x0: {  	(tag) =	ssettag $0x1  }
0x1: {  	s5 =	rddreg [dreg:$0x0]  }
0x2: {  	s0 =	srdreg.scid;
	s4 =	rddreg [dreg:$0x1]  }
0x3: {  	s2 =	rddreg [dreg:$0x2];
	s1 =	stileid.u32  }
0x4: {  	s3 =	simm.s32 $0x0;
	s15 =	simm.s32 $0x2710;
	s16 =	simm.s32 $0x50  }
0x5: {  	s17 =	simm.s32 $0x7530;
	s18 =	simm.s32 $0x4E20;
	s19 =	simm.s32 $0x1  }
0x6: {  	s21 =	simm.s32 $0x0;
	s7 =	sand.u32 $0x1, s0;
	s0 =	rddreg [dreg:$0x3]  }
0x7: {  	[smem:$0x7FF] =	sst s3;
	s9 =	sadd.s32 $0x1800, s4;
	s10 =	smul.u32 $0x280, s1  }
0x8: {  	s14 =	smul.u32 $0x36B, s1;
	s20 =	sadd.s32 $0x2580, s2;
	p0 =	seq.s32 s1, $0xF  }
0x9: {  	s6 =	sshll.u32 s7, $0x4;
	_ =	strace $0x80000047;
	s12 =	smul.u32 $0x2710, s7  }
0xa: {  	s8 =	ssub.s32 $0x2, s7;
	s31 =	smul.u32 $0x36B0, s7;
	s6 =	sor.u32 s1, s6  }
0xb: {  	s29 =	sshrl.u32 s8, $0x1;
	s6 =	smul.u32 $0x2710, s6;
	s30 =	sadd.s32 s10, s12  }
0xc: {  	s20 =	sshrl.u32 @p0 s20, $0x3;
	s13 =	ssub.s32 s8, s29;
	s8 =	sshrl.u32 s30, $0x3  }
0xd: {  	s12 =	sshrl.u32 s12, $0x3;
	s6 =	sshrl.u32 s6, $0x3;
	s8 =	sadd.s32 s9, s8  }
0xe: {  	s9 =	sadd.s32 s9, s12;
	s11 =	sadd.s32 s6, s4;
	s4 =	sadd.s32 s10, s2  }
0xf: {  	s5 =	sadd.s32 s5, s6;
	s9 =	sadd.s32 $0x4B0, s9;
	s10 =	sadd.s32 s14, s31  }
0x10: {  	s14 =	simm.s32 $0x2;
	s6 =	sadd.s32 $0x9C40, s5;
	s7 =	sadd.s32 $0x2200, s11  }
0x11: {  	v0 =	vimm.f32 $0.0e+00;
	v1 =	vimm.f32 $1.000000000e+00;
	s11 =	smax.u32 s13, $0x1;
	s12 =	sadd.s32 $0x2710, s10;
	s13 =	simm.s32 $0x7580  }
.LBB2_1:
0x12: {  	[tilespmem:$0x7580] =	vst v0  }
0x13: {  	[tilespmem:$0x7590] =	vst v0  }
0x14: {  	[tilespmem:$0x75A0] =	vst v0  }
0x15: {  	[tilespmem:$0x75B0] =	vst v0  }
0x16: {  	[tilespmem:$0x75C0] =	vst v0  }
0x17: {  	[tilespmem:$0x75D0] =	vst v0  }
0x18: {  	[tilespmem:$0x75E0] =	vst v0  }
0x19: {  	[tilespmem:$0x75F0] =	vst v0  }
0x1a: {  	[tilespmem:$0x7600] =	vst v0  }
0x1b: {  	[tilespmem:$0x7610] =	vst v0  }
0x1c: {  	[tilespmem:$0x7620] =	vst v0  }
0x1d: {  	[tilespmem:$0x7630] =	vst v0  }
0x1e: {  	[tilespmem:$0x7640] =	vst v0  }
0x1f: {  	[tilespmem:$0x7650] =	vst v0  }
0x20: {  	[tilespmem:$0x7660] =	vst v0  }
0x21: {  	[tilespmem:$0x7670] =	vst v0  }
0x22: {  	[tilespmem:$0x7680] =	vst v0  }
0x23: {  	[tilespmem:$0x7690] =	vst v0  }
0x24: {  	[tilespmem:$0x76A0] =	vst v0  }
0x25: {  	[tilespmem:$0x76B0] =	vst v0  }
0x26: {  	[tilespmem:$0x76C0] =	vst v0  }
0x27: {  	[tilespmem:$0x76D0] =	vst v0  }
0x28: {  	[tilespmem:$0x76E0] =	vst v0  }
0x29: {  	[tilespmem:$0x76F0] =	vst v0  }
0x2a: {  	[tilespmem:$0x7700] =	vst v0  }
0x2b: {  	[tilespmem:$0x7710] =	vst v0  }
0x2c: {  	[tilespmem:$0x7720] =	vst v0  }
0x2d: {  	[tilespmem:$0x7730] =	vst v0  }
0x2e: {  	[tilespmem:$0x7740] =	vst v0  }
0x2f: {  	[tilespmem:$0x7750] =	vst v0  }
0x30: {  	[tilespmem:$0x7760] =	vst v0  }
0x31: {  	[tilespmem:$0x7770] =	vst v0  }
0x32: {  	[tilespmem:$0x7780] =	vst v0  }
0x33: {  	[tilespmem:$0x7790] =	vst v0  }
0x34: {  	[tilespmem:$0x77A0] =	vst v0  }
0x35: {  	[tilespmem:$0x77B0] =	vst v0  }
0x36: {  	[tilespmem:$0x77C0] =	vst v0  }
0x37: {  	[tilespmem:$0x77D0] =	vst v0  }
0x38: {  	[tilespmem:$0x77E0] =	vst v0  }
0x39: {  	[tilespmem:$0x77F0] =	vst v0  }
0x3a: {  	[tilespmem:$0x7530] =	vst v1  }
0x3b: {  	[tilespmem:$0x7540] =	vst v1  }
0x3c: {  	[tilespmem:$0x7550] =	vst v1  }
0x3d: {  	[tilespmem:$0x7560] =	vst v1  }
0x3e: {  	[tilespmem:$0x7570] =	vst v1  }
0x3f: {  	[spmem:s4] =	stream.linear.scatter [tilespmem:s13], [sflag:$0x2], $0x280, $0x38;
	[tilespmem:$0x7A80] =	vst v63  }
0x40: {  	_ =	swait.ge [sflag:s14], $0x280  }
0x41: {  	[sflag:s14] =	ssyncset.done $0x0  }
0x42: {  	[sflag:s14] =	ssyncadd.s32 $0xFFFFFD80  }
0x43: {  	[tilespmem:s3], [sflag:$0x2] =	stream.linear.gather [hbm4b:s5+s3], $0x2710, $0x38;
	[tilespmem:$0x7A80] =	vst v63  }
0x44: {  	_ =	swait.ge [sflag:s14], $0x2710  }
0x45: {  	[sflag:s14] =	ssyncset.done $0x0  }
0x46: {  	[sflag:s14] =	ssyncadd.s32 $0xFFFFD8F0  }
0x47: {  	[tilespmem:s15], [sflag:$0x2] =	stream.linear.gather [hbm4b:s6+s3], $0x2710, $0x38;
	[tilespmem:$0x7A80] =	vst v63  }
0x48: {  	_ =	swait.ge [sflag:s14], $0x2710  }
0x49: {  	[sflag:s14] =	ssyncset.done $0x0  }
0x4a: {  	[sflag:s14] =	ssyncadd.s32 $0xFFFFD8F0  }
0x4b: {  	s23 =	simm.s32 $0x0;
	[bflag:$0x0] =	sbarrier.arrive $0xFFFF  }
0x4c: {  	v2 =	vld [tilespmem:s23+$0x2710]  }
0x4d: {  	v3 =	vld [tilespmem:s23+$0x0]  }
0x4e: {  	v4 =	vld [tilespmem:s23+$0x10]  }
0x4f: {  	v5 =	vld [tilespmem:s23+$0x2720]  }
0x50: {  	v6 =	vld [tilespmem:s23+$0x20]  }
0x51: {  	s22 =	smulhi.u32 $0x88888889, s10;
	v7 =	vld [tilespmem:s23+$0x2730]  }
0x52: {  	v8 =	vld [tilespmem:s23+$0x30]  }
0x53: {  	s22 =	sshrl.u32 s22, $0x7;
	v9 =	vld [tilespmem:s23+$0x2740]  }
0x54: {  	s22 =	smul.u32 $0xF0, s22;
	v10 =	vld [tilespmem:s23+$0x40]  }
0x55: {  	v11 =	vld [tilespmem:s23+$0x2750]  }
0x56: {  	s22 =	ssub.s32 s12, s22;
	vm0 =	veq.s32 v3, v2  }
0x57: {  	vm12 =	veq.s32 v4, v5;
	v2 =	vsel vm0, s22, v2  }
0x58: {  	vm13 =	veq.s32 v6, v7;
	[tilespmem:s23+$0x4E20] =	vst v2;
	v2 =	vsel vm12, s22, v5  }
0x59: {  	vm14 =	veq.s32 v8, v9;
	[tilespmem:s23+$0x4E30] =	vst v2;
	v2 =	vsel vm13, s22, v7  }
0x5a: {  	vm15 =	veq.s32 v10, v11;
	[tilespmem:s23+$0x4E40] =	vst v2;
	v2 =	vsel vm14, s22, v9  }
0x5b: {  	[tilespmem:s23+$0x4E50] =	vst v2;
	v2 =	vsel vm15, s22, v11  }
0x5c: {  	s24 =	simm.s32 $0x4E20;
	s22 =	simm.s32 $0x50;
	[tilespmem:s23+$0x4E60] =	vst v2  }
0x5d: {  	[spmem:s2] =	stream.indirect.scatter.add.f32 [tilespmem:s17], [sflag:$0x1], $0x1, s24, s16, $0xb8;
	[tilespmem:$0x7A80] =	vst v63  }
0x5e: {  	v2 =	vld [tilespmem:s22+$0x2710]  }
0x5f: {  	v7 =	vld [tilespmem:s22+$0x0]  }
0x60: {  	v5 =	vld [tilespmem:s22+$0x10]  }
0x61: {  	v3 =	vld [tilespmem:s22+$0x2720]  }
0x62: {  	s23 =	sadd.s32 $0x7, s10;
	v4 =	vld [tilespmem:s22+$0x20]  }
0x63: {  	s31 =	smulhi.u32 $0x88888889, s23;
	v6 =	vld [tilespmem:s22+$0x2730]  }
0x64: {  	v8 =	vld [tilespmem:s22+$0x30]  }
0x65: {  	v9 =	vld [tilespmem:s22+$0x2740];
	s24 =	sshrl.u32 s31, $0x7  }
0x66: {  	s25 =	simm.s32 $0x280;
	v10 =	vld [tilespmem:s22+$0x40];
	s26 =	smul.u32 $0xF0, s24;
	s24 =	smov.u32 s12  }
.LBB2_2:
0x67: {  	p1 =	sne.s32 s25, $0x9B00;
	v11 =	vld [tilespmem:s22+$0x2750];
	s24 =	sadd.s32 $0x7, s24  }
0x68: {  	vm0 =	veq.s32 v7, v2;
	s26 =	ssub.s32 s24, s26  }
0x69: {  	v2 =	vsel vm0, s26, v2;
	vm0 =	veq.s32 v5, v3  }
0x6a: {  	[tilespmem:s22+$0x4E20] =	vst v2;
	v2 =	vsel vm0, s26, v3;
	vm0 =	veq.s32 v4, v6  }
0x6b: {  	[tilespmem:s22+$0x4E30] =	vst v2;
	v2 =	vsel vm0, s26, v6;
	vm0 =	veq.s32 v8, v9  }
0x6c: {  	[tilespmem:s22+$0x4E40] =	vst v2;
	v2 =	vsel vm0, s26, v9;
	vm0 =	veq.s32 v10, v11  }
0x6d: {  	s28 =	sshra.s32 s25, $0x2;
	s29 =	sadd.s32 $0x4E20, s22;
	[tilespmem:s22+$0x4E50] =	vst v2;
	v2 =	vsel vm0, s26, v11  }
0x6e: {  	[tilespmem:s22+$0x4E60] =	vst v2;
	[spmem:s2] =	stream.indirect.scatter.add.f32 [tilespmem:s17], [sflag:$0x1], $0x1, s29, s16, $0xb8  }
0x6f: {  	s22 =	smov.u32 s28;
	v2 =	vld [tilespmem:s28+$0x2710]  }
0x70: {  	v7 =	vld [tilespmem:s22+$0x0]  }
0x71: {  	v5 =	vld [tilespmem:s22+$0x10]  }
0x72: {  	v3 =	vld [tilespmem:s22+$0x2720]  }
.Ltmp0:
0x73: {  	s23 =	sadd.s32 $0x7, s23;
	v4 =	vld [tilespmem:s22+$0x20];
	(pc) =	sbr.rel @p1 .LBB2_2-.Ltmp0, $4  }
0x74: {  	s26 =	smulhi.u32 $0x88888889, s23;
	v6 =	vld [tilespmem:s22+$0x2730]  }
0x75: {  	v8 =	vld [tilespmem:s22+$0x30]  }
0x76: {  	s26 =	sshrl.u32 s26, $0x7;
	v9 =	vld [tilespmem:s22+$0x2740]  }
0x77: {  	s25 =	sadd.s32 $0x140, s25;
	s26 =	smul.u32 $0xF0, s26;
	v10 =	vld [tilespmem:s22+$0x40]  }
0x78: {  	v11 =	vld [tilespmem:s22+$0x2750];
	s23 =	sadd.s32 $0x7, s24  }
0x79: {  	vm0 =	veq.s32 v7, v2;
	s23 =	ssub.s32 s23, s26  }
0x7a: {  	vm12 =	veq.s32 v5, v3;
	v2 =	vsel vm0, s23, v2  }
0x7b: {  	vm13 =	veq.s32 v4, v6;
	[tilespmem:s22+$0x4E20] =	vst v2;
	v2 =	vsel vm12, s23, v3  }
0x7c: {  	vm14 =	veq.s32 v8, v9;
	[tilespmem:s22+$0x4E30] =	vst v2;
	v2 =	vsel vm13, s23, v6  }
0x7d: {  	[tilespmem:s22+$0x4E40] =	vst v2;
	v2 =	vsel vm14, s23, v9;
	vm15 =	veq.s32 v10, v11  }
0x7e: {  	[tilespmem:s22+$0x4E50] =	vst v2;
	v2 =	vsel vm15, s23, v11  }
0x7f: {  	s31 =	sadd.s32 $0x4E20, s22;
	[tilespmem:s22+$0x4E60] =	vst v2  }
0x80: {  	[spmem:s2] =	stream.indirect.scatter.add.f32 [tilespmem:s17], [sflag:$0x1], $0x1, s31, s16, $0xb8;
	[tilespmem:$0x7A80] =	vst v63  }
0x81: {  	_ = 	snop  }
0x82: {  	[hbm4b:s7+s3] =	stream.linear.scatter [tilespmem:s18], [sflag:$0x2], $0x2710, $0x38;
	[tilespmem:$0x7A80] =	vst v63  }
0x83: {  	_ =	swait.ge [sflag:s14], $0x2710  }
0x84: {  	[sflag:s14] =	ssyncset.done $0x0  }
0x85: {  	[sflag:s14] =	ssyncadd.s32 $0xFFFFD8F0  }
0x86: {  	_ =	swait.ge [sflag:s19], $0x50  }
0x87: {  	s22 =	simm.s32 $0x7C;
	[sflag:s19] =	ssyncset.done $0x0  }
.LBB2_4:
0x88: {  	p1 =	sne.s32 s22, $0x1;
	s22 =	sadd.s32 $0xFFFFFFFF, s22;
	[sflag:s19] =	ssyncadd.s32 $0xFFFFFFB0  }
.Ltmp1:
0x89: {  	(pc) =	sbr.rel @p1 .LBB2_4-.Ltmp1, $3  }
0x8a: {  	_ =	sdelay $0x1  }
0x8b: {  	_ =	swait.ge [sflag:s19], $0x50  }
0x8c: {  	[sflag:s19] =	ssyncset.done $0x0  }
0x8d: {  	[sflag:s19] =	ssyncadd.s32 $0xFFFFFFB0  }
0x8e: {  	s22 =	simm.s32 @p0 $0x1FC2;
	[bflag:$0x0] =	sbarrier.arrive $0xFFFF  }
0x8f: {  	[hbm:s9], [sflag:s22] =	dma.local @p0 [spmem:s20], $0x32  }
0x90: {  	s22 =	simm.s32 @p0 $0x2  }
0x91: {  	s21 =	sadd.s32 $0x1, s21;
	_ =	swait.ge @p0 [sflag:s22], $0x32  }
0x92: {  	s23 =	sshll.u32 @!p0 s1, $0x6;
	p1 =	sne.s32 s21, s11;
	[sflag:s22] =	ssyncset.done @p0 $0x0  }
0x93: {  	[sflag:s22] =	ssyncadd.s32 @p0 $0xFFFFFFCE;
	s22 =	sor.u32 @!p0 $0x1C02, s23;
	s23 =	sshrl.u32 @!p0 s4, $0x3  }
0x94: {  	[hbm:s8], [sflag:s22] =	dma.local @!p0 [spmem:s23], $0x50  }
.Ltmp2:
0x95: {  	_ = 	snop;
	(pc) =	sbr.rel @p1 .LBB2_1-.Ltmp2, $4  }
0x96: {  	s22 =	simm.s32 @!p0 $0x2  }
0x97: {  	_ =	swait.ge @!p0 [sflag:s22], $0x50  }
0x98: {  	[sflag:s22] =	ssyncset.done @!p0 $0x0  }
0x99: {  	[sflag:s22] =	ssyncadd.s32 @!p0 $0xFFFFFFB0  }
0x9a: {  	_ =	sfence.sel $0x180000  }
0x9b: {  	[bflag:$0x0] =	sbarrier.arrive $0xFFFF  }
0x9c: {  	p0 =	sne.s32 s1, $0x0;
	_ =	strace $0x90000047  }
0x9d: {  	s0 =	sadd.s32 @!p0 $0x100000, s0;
	[bflag:$0x2] =	sbarrier.arrive $0xFFFF  }
0x9e: {  	[sflag:s0] =	ssyncadd.tile.s32 @!p0 $0x1;
	_ =	shalt  }
.Lfunc_end2:
_tile_overlayer_lowered:
.L_overlay_start_2:
0x9f: {  	(tag) =	ssettag $0x2  }
0xa0: {  	s0 =	rddreg [dreg:$0x0];
	s2 =	stileid.u32  }
0xa1: {  	s1 =	rddreg [dreg:$0x1];
	p0 =	sne.s32 s2, $0x0  }
0xa2: {  	s3 =	rddreg [dreg:$0x2];
	[bflag:$0x3] =	sbarrier.arrive $0xFFFF;
	s2 =	simm.s32 @!p0 $0x1C02  }
0xa3: {  	[timem:s3], [sflag:s2] =	dma.local @!p0 [hbm:s0], s1  }
0xa4: {  	s0 =	simm.s32 @!p0 $0x2  }
0xa5: {  	_ =	swait.ge @!p0 [sflag:s0], s1  }
0xa6: {  	s1 =	ssub.s32 @!p0 $0x0, s1;
	[sflag:s0] =	ssyncset.done @!p0 $0x0  }
0xa7: {  	[sflag:s0] =	ssyncadd.s32 @!p0 s1  }
0xa8: {  	[bflag:$0x3] =	sbarrier.arrive $0xFFFF  }
0xa9: {  	_ =	shalt  }

</sc_bundles>
